<compile_context>
chip_gen: v7x
topology: tpu7x:2x2x1
jax: 0.10.2.dev20260603
libtpu: 0.0.44.dev20260713+nightly
codegen_flags: <defaults>
</compile_context>

<pallas_src>
import functools

import jax
import jax.numpy as jnp
from jax import lax
from jax.experimental import pallas as pl
from jax.experimental.pallas import tpu as pltpu
from jax.experimental.pallas import tpu_sc as plsc

N = 10000
D = 128
H = 128
C = 2
G = 64
E = 320000

PADR = 112
NP = N + PADR
NS = 16
NSC = 2
NW = NS * NSC
CHW = 128
NCH = 80
TPW = CHW * NCH
EPAD = TPW * NW
ROWS2D = EPAD // CHW
RPT = NP // NS

def _copy_idx_row(src2d, c, dst1d):
    for j in range(CHW // 16):
        dst1d[pl.ds(j * 16, 16)] = src2d[c, pl.ds(j * 16, 16)]


@functools.lru_cache(maxsize=None)
def _sc_mesh():
    return plsc.VectorSubcoreMesh(
        core_axis_name="c", subcore_axis_name="s",
        num_cores=NSC, num_subcores=NS)


DW = 128


@functools.lru_cache(maxsize=None)
def _deg_kernel_fn():
    return pl.kernel(
        _deg_body,
        out_type=jax.ShapeDtypeStruct((NSC, NP, DW), jnp.float32),
        mesh=_sc_mesh(),
        scratch_types=[
            pltpu.VMEM((NCH, CHW), jnp.int32),
            pltpu.VMEM((CHW,), jnp.int32),
            pltpu.VMEM((CHW, DW), jnp.float32),
            pltpu.VMEM((CHW, DW), jnp.float32),
            pltpu.VMEM_SHARED((NP, DW), jnp.float32),
        ],
    )


def _deg_body(dsts_hbm, out_hbm, dst_v, didx, zb_v, ones_v, deg_sh):
    cid = lax.axis_index("c")
    sid = lax.axis_index("s")
    wid = cid * NS + sid
    base = sid * RPT

    pltpu.sync_copy(dsts_hbm.at[pl.ds(wid * NCH, NCH)], dst_v)

    @pl.loop(0, CHW)
    def _fill(i):
        for j in range(DW // 16):
            zb_v[i, pl.ds(j * 16, 16)] = jnp.zeros((16,), jnp.float32)
            ones_v[i, pl.ds(j * 16, 16)] = jnp.ones((16,), jnp.float32)

    for k in range(RPT // CHW):
        pltpu.sync_copy(zb_v, deg_sh.at[pl.ds(base + k * CHW, CHW)])
    rem = RPT % CHW
    pltpu.sync_copy(zb_v.at[pl.ds(0, rem)],
                    deg_sh.at[pl.ds(base + (RPT // CHW) * CHW, rem)])
    plsc.subcore_barrier()

    @pl.loop(0, NCH)
    def _scatter(c):
        _copy_idx_row(dst_v, c, didx)
        pltpu.sync_copy(ones_v, deg_sh.at[didx], add=True)

    plsc.subcore_barrier()
    pltpu.sync_copy(deg_sh.at[pl.ds(base, RPT)],
                    out_hbm.at[cid, pl.ds(base, RPT)])


@functools.lru_cache(maxsize=None)
def _agg_kernel_fn():
    return pl.kernel(
        _agg_body,
        out_type=jax.ShapeDtypeStruct((NSC, NP, H), jnp.float32),
        mesh=_sc_mesh(),
        scratch_types=[
            pltpu.VMEM((NCH // 2, CHW), jnp.int32),
            pltpu.VMEM((NCH // 2, CHW), jnp.int32),
            pltpu.VMEM((CHW,), jnp.int32),
            pltpu.VMEM((CHW,), jnp.int32),
            pltpu.VMEM((CHW,), jnp.int32),
            pltpu.VMEM((CHW,), jnp.int32),
            pltpu.VMEM((CHW, H), jnp.float32),
            pltpu.VMEM((CHW, H), jnp.float32),
            pltpu.VMEM_SHARED((NP, H), jnp.float32),
            pltpu.SemaphoreType.DMA,
            pltpu.SemaphoreType.DMA,
        ],
    )


def _agg_body(table_hbm, srcs_hbm, dsts_hbm, out_hbm,
              src_v, dst_v, sidx0, sidx1, didx0, didx1, rows0, rows1,
              agg_sh, sem0, sem1):
    cid = lax.axis_index("c")
    sid = lax.axis_index("s")
    wid = cid * NS + sid
    base = sid * RPT

    @pl.loop(0, CHW)
    def _fill(i):
        for j in range(H // 16):
            rows0[i, pl.ds(j * 16, 16)] = jnp.zeros((16,), jnp.float32)

    for k in range(RPT // CHW):
        pltpu.sync_copy(rows0, agg_sh.at[pl.ds(base + k * CHW, CHW)])
    rem = RPT % CHW
    pltpu.sync_copy(rows0.at[pl.ds(0, rem)],
                    agg_sh.at[pl.ds(base + (RPT // CHW) * CHW, rem)])
    plsc.subcore_barrier()

    HALF = NCH // 2
    for h in range(2):
        pltpu.sync_copy(srcs_hbm.at[pl.ds(wid * NCH + h * HALF, HALF)], src_v)
        pltpu.sync_copy(dsts_hbm.at[pl.ds(wid * NCH + h * HALF, HALF)], dst_v)

        @pl.loop(0, HALF // 2)
        def _run(k):
            cc = 2 * k
            _copy_idx_row(src_v, cc, sidx0)
            g0 = pltpu.make_async_copy(table_hbm.at[sidx0], rows0, sem0)
            g0.start()
            _copy_idx_row(src_v, cc + 1, sidx1)
            g1 = pltpu.make_async_copy(table_hbm.at[sidx1], rows1, sem1)
            g1.start()
            _copy_idx_row(dst_v, cc, didx0)
            g0.wait()
            pltpu.sync_copy(rows0, agg_sh.at[didx0], add=True)
            _copy_idx_row(dst_v, cc + 1, didx1)
            g1.wait()
            pltpu.sync_copy(rows1, agg_sh.at[didx1], add=True)

    plsc.subcore_barrier()
    pltpu.sync_copy(agg_sh.at[pl.ds(base, RPT)],
                    out_hbm.at[cid, pl.ds(base, RPT)])


def _tk1_body(nf_ref, w1_ref, degp_ref, xs_ref, dinv_ref):
    d = degp_ref[0][:, 0:1] + degp_ref[1][:, 0:1] + 1.0
    dinv = lax.rsqrt(d)
    dinv_ref[...] = dinv
    x = jnp.dot(nf_ref[...], w1_ref[...], preferred_element_type=jnp.float32)
    xs_ref[...] = x * dinv


_tk1 = pl.pallas_call(
    _tk1_body,
    out_shape=(jax.ShapeDtypeStruct((NP, H), jnp.float32),
               jax.ShapeDtypeStruct((NP, 1), jnp.float32)))


def _tk2_body(aggp_ref, xs1_ref, dinv_ref, b1_ref, w2_ref, xs2_ref):
    dinv = dinv_ref[...]
    h1 = jnp.maximum(
        (aggp_ref[0] + aggp_ref[1] + xs1_ref[...]) * dinv + b1_ref[...], 0.0)
    xs2 = jnp.dot(h1, w2_ref[...], preferred_element_type=jnp.float32) * dinv
    row = lax.broadcasted_iota(jnp.int32, (NP, 1), 0)
    xs2_ref[...] = jnp.where(row < N, xs2, 0.0)


_tk2 = pl.pallas_call(
    _tk2_body, out_shape=jax.ShapeDtypeStruct((NP, H), jnp.float32))


def _tk3_body(aggp_ref, xs2_ref, dinv_ref, b2_ref, batch_ref, wl_ref, bl_ref,
              out_ref):
    dinv = dinv_ref[...]
    h2 = jnp.maximum(
        (aggp_ref[0] + aggp_ref[1] + xs2_ref[...]) * dinv + b2_ref[...], 0.0)
    bv = batch_ref[0:1, :]
    gids = lax.broadcasted_iota(jnp.int32, (G, 1), 0).astype(jnp.float32)
    mask = (bv == gids).astype(jnp.float32)
    sums = jnp.dot(mask, h2, preferred_element_type=jnp.float32)
    cnt = jnp.sum(mask, axis=1, keepdims=True)
    pooled = sums / jnp.maximum(cnt, 1.0)
    out_ref[...] = (
        jnp.dot(pooled, wl_ref[...], preferred_element_type=jnp.float32)
        + bl_ref[...])


_tk3 = pl.pallas_call(
    _tk3_body, out_shape=jax.ShapeDtypeStruct((G, C), jnp.float32))


def kernel(node_features, edge_index, batch, W1, b1, W2, b2, Wl, bl):
    src = edge_index[0]
    dst = edge_index[1]
    pad_idx = N + (jnp.arange(EPAD - E, dtype=jnp.int32) % PADR)
    srcs2d = jnp.concatenate([src, pad_idx]).reshape(ROWS2D, CHW)
    dsts2d = jnp.concatenate([dst, pad_idx]).reshape(ROWS2D, CHW)
    nf_pad = jnp.pad(node_features, ((0, PADR), (0, 0)))
    batch_b = jnp.broadcast_to(
        jnp.pad(batch, (0, PADR), constant_values=G).astype(jnp.float32)[None],
        (8, NP))
    b1_2d = b1[None, :]
    b2_2d = b2[None, :]
    bl_2d = bl[None, :]

    degp = _deg_kernel_fn()(dsts2d)
    xs1, dinv = _tk1(nf_pad, W1, degp)
    aggp1 = _agg_kernel_fn()(xs1, srcs2d, dsts2d)
    xs2 = _tk2(aggp1, xs1, dinv, b1_2d, W2)
    aggp2 = _agg_kernel_fn()(xs2, srcs2d, dsts2d)
    return _tk3(aggp2, xs2, dinv, b2_2d, batch_b, Wl, bl_2d)

# --- scband reference (transcript-rebuilt; emitter-appended) ---
"""Pipeline reference for scband-gnn-21337397526641 (READ-ONLY COPY).

The authoritative reference and input builder live on the scoring server;
editing this copy changes nothing except your own understanding.
"""

import jax, jax.numpy as jnp
import numpy as np

N = 10000
E = 320000
D = 128
H = 128
C = 2
G = 64


def setup_inputs(seed: int = 0) -> dict:
    key = jax.random.key(seed)
    k1, k2, k3, k4, k5, k6 = jax.random.split(key, 6)
    node_features = jax.random.normal(k1, (N, D), dtype=jnp.float32)
    edge_index = jax.random.randint(k2, (2, E), 0, N, dtype=jnp.int32)
    batch = jnp.sort(jax.random.randint(k3, (N,), 0, G, dtype=jnp.int32))
    W1 = jax.random.normal(k4, (D, H), dtype=jnp.float32) * (1.0 / np.sqrt(D))
    b1 = jnp.zeros((H,), dtype=jnp.float32)
    W2 = jax.random.normal(k5, (H, H), dtype=jnp.float32) * (1.0 / np.sqrt(H))
    b2 = jnp.zeros((H,), dtype=jnp.float32)
    Wl = jax.random.normal(k6, (H, C), dtype=jnp.float32) * (1.0 / np.sqrt(H))
    bl = jnp.zeros((C,), dtype=jnp.float32)
    return {"node_features": node_features, "edge_index": edge_index, "batch": batch,
            "W1": W1, "b1": b1, "W2": W2, "b2": b2, "Wl": Wl, "bl": bl}


def _gcn_conv(x, src, dst, W, b, num_nodes):
    # GCNConv: linear transform, add self-loops, symmetric normalization, scatter-add
    x = x @ W
    loop = jnp.arange(num_nodes, dtype=src.dtype)
    src_a = jnp.concatenate([src, loop])
    dst_a = jnp.concatenate([dst, loop])
    deg = jnp.zeros((num_nodes,), dtype=x.dtype).at[dst_a].add(1.0)
    dinv = jnp.where(deg > 0, 1.0 / jnp.sqrt(deg), 0.0)
    norm = dinv[src_a] * dinv[dst_a]
    msg = x[src_a] * norm[:, None]
    out = jnp.zeros((num_nodes, W.shape[1]), dtype=x.dtype).at[dst_a].add(msg)
    return out + b


def reference(node_features, edge_index, batch, W1, b1, W2, b2, Wl, bl):
    src, dst = edge_index[0], edge_index[1]
    h = jax.nn.relu(_gcn_conv(node_features, src, dst, W1, b1, N))
    h = jax.nn.relu(_gcn_conv(h, src, dst, W2, b2, N))
    sums = jax.ops.segment_sum(h, batch, num_segments=G)
    cnt = jax.ops.segment_sum(jnp.ones((N,), dtype=h.dtype), batch, num_segments=G)
    pooled = sums / jnp.maximum(cnt, 1.0)[:, None]
    # dropout p=0.5 is identity in eval mode
    return pooled @ Wl + bl

if __name__ == "__main__":
    import jax
    _d = setup_inputs()
    print(jax.jit(kernel)(*tuple(_d.values())))

</pallas_src>

<mosaic_0001>
#map = affine_map<(d0, d1) -> (0, 0)>
#map1 = affine_map<(d0, d1) -> (0, 0, 0)>
module attributes {stable_mosaic.version = 14 : i64} {
  func.func @_agg_body(%arg0: i32, %arg1: i32, %arg2: memref<10112x128xf32, #tpu.memory_space<hbm>>, %arg3: memref<2560x128xi32, #tpu.memory_space<hbm>>, %arg4: memref<2560x128xi32, #tpu.memory_space<hbm>>, %arg5: memref<2x10112x128xf32, #tpu.memory_space<hbm>>, %arg6: memref<40x128xi32, #tpu.memory_space<vmem>>, %arg7: memref<40x128xi32, #tpu.memory_space<vmem>>, %arg8: memref<128xi32, #tpu.memory_space<vmem>>, %arg9: memref<128xi32, #tpu.memory_space<vmem>>, %arg10: memref<128xi32, #tpu.memory_space<vmem>>, %arg11: memref<128xi32, #tpu.memory_space<vmem>>, %arg12: memref<128x128xf32, #tpu.memory_space<vmem>>, %arg13: memref<128x128xf32, #tpu.memory_space<vmem>>, %arg14: memref<10112x128xf32, #tpu.memory_space<vmem_shared>>, %arg15: memref<!tpu.dma_semaphore, #tpu.memory_space<semaphore_mem>>, %arg16: memref<!tpu.dma_semaphore, #tpu.memory_space<semaphore_mem>>) attributes {dimension_semantics = [#tpu.dimension_semantics<core_parallel>, #tpu.dimension_semantics<subcore_parallel>], iteration_bounds = array<i64: 2, 16>, scalar_prefetch = 0 : i64, scratch_operands = 11 : i64, tpu.core_type = #tpu.core_type<sc_vector_subcore>, window_params = [{transform_indices = #map}, {transform_indices = #map}, {transform_indices = #map}, {transform_indices = #map1}]} {
    %mul3A = arith.constant 16 : i32
    %mul3A_0 = arith.muli %arg0, %mul3A : i32
    %add3A = arith.addi %mul3A_0, %arg1 : i32
    %mul3A_1 = arith.constant 632 : i32
    %mul3A_2 = arith.muli %arg1, %mul3A_1 : i32
    %scan3A = arith.constant 0 : i32
    %scan3A_3 = arith.constant 128 : i32
    %scan3A_4 = arith.addi %scan3A, %scan3A_3 : i32
    %scan3A_5 = arith.constant 1 : i32
    scf.for %scan3A_44 = %scan3A to %scan3A_4 step %scan3A_5  : i32 {
      %mul3A_45 = arith.constant 1 : i32
      %mul3A_46 = arith.muli %scan3A_44, %mul3A_45 : i32
      %add3A_47 = arith.constant 0 : i32
      %add3A_48 = arith.addi %add3A_47, %mul3A_46 : i32
      %broadcast_in_dim3A = arith.constant 0.000000e+00 : f32
      %broadcast_in_dim3A_49 = vector.broadcast %broadcast_in_dim3A : f32 to vector<16xf32>
      %swap3A = arith.index_cast %add3A_48 : i32 to index
      %swap3A_50 = arith.constant 0 : index
      %swap3A_51 = tpu.vector_load %arg12[%swap3A, %swap3A_50] {strides = array<i32>} : memref<128x128xf32, #tpu.memory_space<vmem>>, vector<1x16xf32>,
      %swap3A_52 = vector.shape_cast %swap3A_51 : vector<1x16xf32> to vector<16xf32>
      %swap3A_53 = vector.shape_cast %broadcast_in_dim3A_49 : vector<16xf32> to vector<1x16xf32>
      tpu.vector_store %arg12[%swap3A, %swap3A_50], %swap3A_53 {strides = array<i32>} : memref<128x128xf32, #tpu.memory_space<vmem>>, vector<1x16xf32>,
      %broadcast_in_dim3A_54 = arith.constant 0.000000e+00 : f32
      %broadcast_in_dim3A_55 = vector.broadcast %broadcast_in_dim3A_54 : f32 to vector<16xf32>
      %swap3A_56 = arith.index_cast %add3A_48 : i32 to index
      %swap3A_57 = arith.constant 16 : index
      %swap3A_58 = tpu.vector_load %arg12[%swap3A_56, %swap3A_57] {strides = array<i32>} : memref<128x128xf32, #tpu.memory_space<vmem>>, vector<1x16xf32>,
      %swap3A_59 = vector.shape_cast %swap3A_58 : vector<1x16xf32> to vector<16xf32>
      %swap3A_60 = vector.shape_cast %broadcast_in_dim3A_55 : vector<16xf32> to vector<1x16xf32>
      tpu.vector_store %arg12[%swap3A_56, %swap3A_57], %swap3A_60 {strides = array<i32>} : memref<128x128xf32, #tpu.memory_space<vmem>>, vector<1x16xf32>,
      %broadcast_in_dim3A_61 = arith.constant 0.000000e+00 : f32
      %broadcast_in_dim3A_62 = vector.broadcast %broadcast_in_dim3A_61 : f32 to vector<16xf32>
      %swap3A_63 = arith.index_cast %add3A_48 : i32 to index
      %swap3A_64 = arith.constant 32 : index
      %swap3A_65 = tpu.vector_load %arg12[%swap3A_63, %swap3A_64] {strides = array<i32>} : memref<128x128xf32, #tpu.memory_space<vmem>>, vector<1x16xf32>,
      %swap3A_66 = vector.shape_cast %swap3A_65 : vector<1x16xf32> to vector<16xf32>
      %swap3A_67 = vector.shape_cast %broadcast_in_dim3A_62 : vector<16xf32> to vector<1x16xf32>
      tpu.vector_store %arg12[%swap3A_63, %swap3A_64], %swap3A_67 {strides = array<i32>} : memref<128x128xf32, #tpu.memory_space<vmem>>, vector<1x16xf32>,
      %broadcast_in_dim3A_68 = arith.constant 0.000000e+00 : f32
      %broadcast_in_dim3A_69 = vector.broadcast %broadcast_in_dim3A_68 : f32 to vector<16xf32>
      %swap3A_70 = arith.index_cast %add3A_48 : i32 to index
      %swap3A_71 = arith.constant 48 : index
      %swap3A_72 = tpu.vector_load %arg12[%swap3A_70, %swap3A_71] {strides = array<i32>} : memref<128x128xf32, #tpu.memory_space<vmem>>, vector<1x16xf32>,
      %swap3A_73 = vector.shape_cast %swap3A_72 : vector<1x16xf32> to vector<16xf32>
      %swap3A_74 = vector.shape_cast %broadcast_in_dim3A_69 : vector<16xf32> to vector<1x16xf32>
      tpu.vector_store %arg12[%swap3A_70, %swap3A_71], %swap3A_74 {strides = array<i32>} : memref<128x128xf32, #tpu.memory_space<vmem>>, vector<1x16xf32>,
      %broadcast_in_dim3A_75 = arith.constant 0.000000e+00 : f32
      %broadcast_in_dim3A_76 = vector.broadcast %broadcast_in_dim3A_75 : f32 to vector<16xf32>
      %swap3A_77 = arith.index_cast %add3A_48 : i32 to index
      %swap3A_78 = arith.constant 64 : index
      %swap3A_79 = tpu.vector_load %arg12[%swap3A_77, %swap3A_78] {strides = array<i32>} : memref<128x128xf32, #tpu.memory_space<vmem>>, vector<1x16xf32>,
      %swap3A_80 = vector.shape_cast %swap3A_79 : vector<1x16xf32> to vector<16xf32>
      %swap3A_81 = vector.shape_cast %broadcast_in_dim3A_76 : vector<16xf32> to vector<1x16xf32>
      tpu.vector_store %arg12[%swap3A_77, %swap3A_78], %swap3A_81 {strides = array<i32>} : memref<128x128xf32, #tpu.memory_space<vmem>>, vector<1x16xf32>,
      %broadcast_in_dim3A_82 = arith.constant 0.000000e+00 : f32
      %broadcast_in_dim3A_83 = vector.broadcast %broadcast_in_dim3A_82 : f32 to vector<16xf32>
      %swap3A_84 = arith.index_cast %add3A_48 : i32 to index
      %swap3A_85 = arith.constant 80 : index
      %swap3A_86 = tpu.vector_load %arg12[%swap3A_84, %swap3A_85] {strides = array<i32>} : memref<128x128xf32, #tpu.memory_space<vmem>>, vector<1x16xf32>,
      %swap3A_87 = vector.shape_cast %swap3A_86 : vector<1x16xf32> to vector<16xf32>
      %swap3A_88 = vector.shape_cast %broadcast_in_dim3A_83 : vector<16xf32> to vector<1x16xf32>
      tpu.vector_store %arg12[%swap3A_84, %swap3A_85], %swap3A_88 {strides = array<i32>} : memref<128x128xf32, #tpu.memory_space<vmem>>, vector<1x16xf32>,
      %broadcast_in_dim3A_89 = arith.constant 0.000000e+00 : f32
      %broadcast_in_dim3A_90 = vector.broadcast %broadcast_in_dim3A_89 : f32 to vector<16xf32>
      %swap3A_91 = arith.index_cast %add3A_48 : i32 to index
      %swap3A_92 = arith.constant 96 : index
      %swap3A_93 = tpu.vector_load %arg12[%swap3A_91, %swap3A_92] {strides = array<i32>} : memref<128x128xf32, #tpu.memory_space<vmem>>, vector<1x16xf32>,
      %swap3A_94 = vector.shape_cast %swap3A_93 : vector<1x16xf32> to vector<16xf32>
      %swap3A_95 = vector.shape_cast %broadcast_in_dim3A_90 : vector<16xf32> to vector<1x16xf32>
      tpu.vector_store %arg12[%swap3A_91, %swap3A_92], %swap3A_95 {strides = array<i32>} : memref<128x128xf32, #tpu.memory_space<vmem>>, vector<1x16xf32>,
      %broadcast_in_dim3A_96 = arith.constant 0.000000e+00 : f32
      %broadcast_in_dim3A_97 = vector.broadcast %broadcast_in_dim3A_96 : f32 to vector<16xf32>
      %swap3A_98 = arith.index_cast %add3A_48 : i32 to index
      %swap3A_99 = arith.constant 112 : index
      %swap3A_100 = tpu.vector_load %arg12[%swap3A_98, %swap3A_99] {strides = array<i32>} : memref<128x128xf32, #tpu.memory_space<vmem>>, vector<1x16xf32>,
      %swap3A_101 = vector.shape_cast %swap3A_100 : vector<1x16xf32> to vector<16xf32>
      %swap3A_102 = vector.shape_cast %broadcast_in_dim3A_97 : vector<16xf32> to vector<1x16xf32>
      tpu.vector_store %arg12[%swap3A_98, %swap3A_99], %swap3A_102 {strides = array<i32>} : memref<128x128xf32, #tpu.memory_space<vmem>>, vector<1x16xf32>,
    }
    %scan3A_6 = arith.constant 128 : i32
    %add3A_7 = arith.constant 0 : i32
    %add3A_8 = arith.addi %mul3A_2, %add3A_7 : i32
    "tpu.region"() ({
      %run_scoped3A = tpu.sem_alloc : memref<!tpu.dma_semaphore, #tpu.memory_space<semaphore_mem>>
      %dma_start3A = arith.constant 0 : i32
      %dma_start3A_44 = tpu.memref_slice %arg14[%add3A_8, %dma_start3A] : memref<10112x128xf32, #tpu.memory_space<vmem_shared>> -> memref<128x128xf32, #tpu.memory_space<vmem_shared>>
      %dma_start3A_45 = arith.constant 0 : i32
      %dma_start3A_46 = tpu.memref_slice %arg14[%add3A_8, %dma_start3A_45] : memref<10112x128xf32, #tpu.memory_space<vmem_shared>> -> memref<128x128xf32, #tpu.memory_space<vmem_shared>>
      tpu.enqueue_dma source(%arg12 : memref<128x128xf32, #tpu.memory_space<vmem>>) target(%dma_start3A_46 : memref<128x128xf32, #tpu.memory_space<vmem_shared>>) target_semaphore(%run_scoped3A : memref<!tpu.dma_semaphore, #tpu.memory_space<semaphore_mem>>)
      %dma_wait3A = arith.constant 0 : i32
      %dma_wait3A_47 = tpu.memref_slice %arg14[%add3A_8, %dma_wait3A] : memref<10112x128xf32, #tpu.memory_space<vmem_shared>> -> memref<128x128xf32, #tpu.memory_space<vmem_shared>>
      %dma_wait3A_48 = arith.constant 0 : i32
      %dma_wait3A_49 = tpu.memref_slice %arg14[%add3A_8, %dma_wait3A_48] : memref<10112x128xf32, #tpu.memory_space<vmem_shared>> -> memref<128x128xf32, #tpu.memory_space<vmem_shared>>
      tpu.wait_dma2 semaphore(%run_scoped3A : memref<!tpu.dma_semaphore, #tpu.memory_space<semaphore_mem>>) src(%arg12 : memref<128x128xf32, #tpu.memory_space<vmem>>) dst(%dma_wait3A_49 : memref<128x128xf32, #tpu.memory_space<vmem_shared>>)
      tpu.yield
    }) : () -> ()
    %add3A_9 = arith.constant 128 : i32
    %add3A_10 = arith.addi %mul3A_2, %add3A_9 : i32
    "tpu.region"() ({
      %run_scoped3A = tpu.sem_alloc : memref<!tpu.dma_semaphore, #tpu.memory_space<semaphore_mem>>
      %dma_start3A = arith.constant 0 : i32
      %dma_start3A_44 = tpu.memref_slice %arg14[%add3A_10, %dma_start3A] : memref<10112x128xf32, #tpu.memory_space<vmem_shared>> -> memref<128x128xf32, #tpu.memory_space<vmem_shared>>
      %dma_start3A_45 = arith.constant 0 : i32
      %dma_start3A_46 = tpu.memref_slice %arg14[%add3A_10, %dma_start3A_45] : memref<10112x128xf32, #tpu.memory_space<vmem_shared>> -> memref<128x128xf32, #tpu.memory_space<vmem_shared>>
      tpu.enqueue_dma source(%arg12 : memref<128x128xf32, #tpu.memory_space<vmem>>) target(%dma_start3A_46 : memref<128x128xf32, #tpu.memory_space<vmem_shared>>) target_semaphore(%run_scoped3A : memref<!tpu.dma_semaphore, #tpu.memory_space<semaphore_mem>>)
      %dma_wait3A = arith.constant 0 : i32
      %dma_wait3A_47 = tpu.memref_slice %arg14[%add3A_10, %dma_wait3A] : memref<10112x128xf32, #tpu.memory_space<vmem_shared>> -> memref<128x128xf32, #tpu.memory_space<vmem_shared>>
      %dma_wait3A_48 = arith.constant 0 : i32
      %dma_wait3A_49 = tpu.memref_slice %arg14[%add3A_10, %dma_wait3A_48] : memref<10112x128xf32, #tpu.memory_space<vmem_shared>> -> memref<128x128xf32, #tpu.memory_space<vmem_shared>>
      tpu.wait_dma2 semaphore(%run_scoped3A : memref<!tpu.dma_semaphore, #tpu.memory_space<semaphore_mem>>) src(%arg12 : memref<128x128xf32, #tpu.memory_space<vmem>>) dst(%dma_wait3A_49 : memref<128x128xf32, #tpu.memory_space<vmem_shared>>)
      tpu.yield
    }) : () -> ()
    %add3A_11 = arith.constant 256 : i32
    %add3A_12 = arith.addi %mul3A_2, %add3A_11 : i32
    "tpu.region"() ({
      %run_scoped3A = tpu.sem_alloc : memref<!tpu.dma_semaphore, #tpu.memory_space<semaphore_mem>>
      %dma_start3A = arith.constant 0 : i32
      %dma_start3A_44 = tpu.memref_slice %arg14[%add3A_12, %dma_start3A] : memref<10112x128xf32, #tpu.memory_space<vmem_shared>> -> memref<128x128xf32, #tpu.memory_space<vmem_shared>>
      %dma_start3A_45 = arith.constant 0 : i32
      %dma_start3A_46 = tpu.memref_slice %arg14[%add3A_12, %dma_start3A_45] : memref<10112x128xf32, #tpu.memory_space<vmem_shared>> -> memref<128x128xf32, #tpu.memory_space<vmem_shared>>
      tpu.enqueue_dma source(%arg12 : memref<128x128xf32, #tpu.memory_space<vmem>>) target(%dma_start3A_46 : memref<128x128xf32, #tpu.memory_space<vmem_shared>>) target_semaphore(%run_scoped3A : memref<!tpu.dma_semaphore, #tpu.memory_space<semaphore_mem>>)
      %dma_wait3A = arith.constant 0 : i32
      %dma_wait3A_47 = tpu.memref_slice %arg14[%add3A_12, %dma_wait3A] : memref<10112x128xf32, #tpu.memory_space<vmem_shared>> -> memref<128x128xf32, #tpu.memory_space<vmem_shared>>
      %dma_wait3A_48 = arith.constant 0 : i32
      %dma_wait3A_49 = tpu.memref_slice %arg14[%add3A_12, %dma_wait3A_48] : memref<10112x128xf32, #tpu.memory_space<vmem_shared>> -> memref<128x128xf32, #tpu.memory_space<vmem_shared>>
      tpu.wait_dma2 semaphore(%run_scoped3A : memref<!tpu.dma_semaphore, #tpu.memory_space<semaphore_mem>>) src(%arg12 : memref<128x128xf32, #tpu.memory_space<vmem>>) dst(%dma_wait3A_49 : memref<128x128xf32, #tpu.memory_space<vmem_shared>>)
      tpu.yield
    }) : () -> ()
    %add3A_13 = arith.constant 384 : i32
    %add3A_14 = arith.addi %mul3A_2, %add3A_13 : i32
    "tpu.region"() ({
      %run_scoped3A = tpu.sem_alloc : memref<!tpu.dma_semaphore, #tpu.memory_space<semaphore_mem>>
      %dma_start3A = arith.constant 0 : i32
      %dma_start3A_44 = tpu.memref_slice %arg14[%add3A_14, %dma_start3A] : memref<10112x128xf32, #tpu.memory_space<vmem_shared>> -> memref<128x128xf32, #tpu.memory_space<vmem_shared>>
      %dma_start3A_45 = arith.constant 0 : i32
      %dma_start3A_46 = tpu.memref_slice %arg14[%add3A_14, %dma_start3A_45] : memref<10112x128xf32, #tpu.memory_space<vmem_shared>> -> memref<128x128xf32, #tpu.memory_space<vmem_shared>>
      tpu.enqueue_dma source(%arg12 : memref<128x128xf32, #tpu.memory_space<vmem>>) target(%dma_start3A_46 : memref<128x128xf32, #tpu.memory_space<vmem_shared>>) target_semaphore(%run_scoped3A : memref<!tpu.dma_semaphore, #tpu.memory_space<semaphore_mem>>)
      %dma_wait3A = arith.constant 0 : i32
      %dma_wait3A_47 = tpu.memref_slice %arg14[%add3A_14, %dma_wait3A] : memref<10112x128xf32, #tpu.memory_space<vmem_shared>> -> memref<128x128xf32, #tpu.memory_space<vmem_shared>>
      %dma_wait3A_48 = arith.constant 0 : i32
      %dma_wait3A_49 = tpu.memref_slice %arg14[%add3A_14, %dma_wait3A_48] : memref<10112x128xf32, #tpu.memory_space<vmem_shared>> -> memref<128x128xf32, #tpu.memory_space<vmem_shared>>
      tpu.wait_dma2 semaphore(%run_scoped3A : memref<!tpu.dma_semaphore, #tpu.memory_space<semaphore_mem>>) src(%arg12 : memref<128x128xf32, #tpu.memory_space<vmem>>) dst(%dma_wait3A_49 : memref<128x128xf32, #tpu.memory_space<vmem_shared>>)
      tpu.yield
    }) : () -> ()
    %add3A_15 = arith.constant 512 : i32
    %add3A_16 = arith.addi %mul3A_2, %add3A_15 : i32
    "tpu.region"() ({
      %run_scoped3A = tpu.sem_alloc : memref<!tpu.dma_semaphore, #tpu.memory_space<semaphore_mem>>
      %dma_start3A = arith.constant 0 : i32
      %dma_start3A_44 = arith.constant 0 : i32
      %dma_start3A_45 = tpu.memref_slice %arg12[%dma_start3A, %dma_start3A_44] : memref<128x128xf32, #tpu.memory_space<vmem>> -> memref<120x128xf32, #tpu.memory_space<vmem>>
      %dma_start3A_46 = arith.constant 0 : i32
      %dma_start3A_47 = tpu.memref_slice %arg14[%add3A_16, %dma_start3A_46] : memref<10112x128xf32, #tpu.memory_space<vmem_shared>> -> memref<120x128xf32, #tpu.memory_space<vmem_shared>>
      %dma_start3A_48 = arith.constant 0 : i32
      %dma_start3A_49 = tpu.memref_slice %arg14[%add3A_16, %dma_start3A_48] : memref<10112x128xf32, #tpu.memory_space<vmem_shared>> -> memref<120x128xf32, #tpu.memory_space<vmem_shared>>
      %dma_start3A_50 = arith.constant 0 : i32
      %dma_start3A_51 = arith.constant 0 : i32
      %dma_start3A_52 = tpu.memref_slice %arg12[%dma_start3A_50, %dma_start3A_51] : memref<128x128xf32, #tpu.memory_space<vmem>> -> memref<120x128xf32, #tpu.memory_space<vmem>>
      tpu.enqueue_dma source(%dma_start3A_52 : memref<120x128xf32, #tpu.memory_space<vmem>>) target(%dma_start3A_49 : memref<120x128xf32, #tpu.memory_space<vmem_shared>>) target_semaphore(%run_scoped3A : memref<!tpu.dma_semaphore, #tpu.memory_space<semaphore_mem>>)
      %dma_wait3A = arith.constant 0 : i32
      %dma_wait3A_53 = arith.constant 0 : i32
      %dma_wait3A_54 = tpu.memref_slice %arg12[%dma_wait3A, %dma_wait3A_53] : memref<128x128xf32, #tpu.memory_space<vmem>> -> memref<120x128xf32, #tpu.memory_space<vmem>>
      %dma_wait3A_55 = arith.constant 0 : i32
      %dma_wait3A_56 = tpu.memref_slice %arg14[%add3A_16, %dma_wait3A_55] : memref<10112x128xf32, #tpu.memory_space<vmem_shared>> -> memref<120x128xf32, #tpu.memory_space<vmem_shared>>
      %dma_wait3A_57 = arith.constant 0 : i32
      %dma_wait3A_58 = tpu.memref_slice %arg14[%add3A_16, %dma_wait3A_57] : memref<10112x128xf32, #tpu.memory_space<vmem_shared>> -> memref<120x128xf32, #tpu.memory_space<vmem_shared>>
      %dma_wait3A_59 = arith.constant 0 : i32
      %dma_wait3A_60 = arith.constant 0 : i32
      %dma_wait3A_61 = tpu.memref_slice %arg12[%dma_wait3A_59, %dma_wait3A_60] : memref<128x128xf32, #tpu.memory_space<vmem>> -> memref<120x128xf32, #tpu.memory_space<vmem>>
      tpu.wait_dma2 semaphore(%run_scoped3A : memref<!tpu.dma_semaphore, #tpu.memory_space<semaphore_mem>>) src(%dma_wait3A_61 : memref<120x128xf32, #tpu.memory_space<vmem>>) dst(%dma_wait3A_58 : memref<120x128xf32, #tpu.memory_space<vmem_shared>>)
      tpu.yield
    }) : () -> ()
    %barrier3A = arith.constant 0 : index
    tpu.barrier barrier_id(%barrier3A)
    %mul3A_17 = arith.constant 80 : i32
    %mul3A_18 = arith.muli %add3A, %mul3A_17 : i32
    %add3A_19 = arith.constant 0 : i32
    %add3A_20 = arith.addi %mul3A_18, %add3A_19 : i32
    "tpu.region"() ({
      %run_scoped3A = tpu.sem_alloc : memref<!tpu.dma_semaphore, #tpu.memory_space<semaphore_mem>>
      %dma_start3A = arith.constant 0 : i32
      %dma_start3A_44 = tpu.memref_slice %arg3[%add3A_20, %dma_start3A] : memref<2560x128xi32, #tpu.memory_space<hbm>> -> memref<40x128xi32, #tpu.memory_space<hbm>>
      %dma_start3A_45 = arith.constant 0 : i32
      %dma_start3A_46 = tpu.memref_slice %arg3[%add3A_20, %dma_start3A_45] : memref<2560x128xi32, #tpu.memory_space<hbm>> -> memref<40x128xi32, #tpu.memory_space<hbm>>
      tpu.enqueue_dma source(%dma_start3A_46 : memref<40x128xi32, #tpu.memory_space<hbm>>) target(%arg6 : memref<40x128xi32, #tpu.memory_space<vmem>>) target_semaphore(%run_scoped3A : memref<!tpu.dma_semaphore, #tpu.memory_space<semaphore_mem>>)
      %dma_wait3A = arith.constant 0 : i32
      %dma_wait3A_47 = tpu.memref_slice %arg3[%add3A_20, %dma_wait3A] : memref<2560x128xi32, #tpu.memory_space<hbm>> -> memref<40x128xi32, #tpu.memory_space<hbm>>
      %dma_wait3A_48 = arith.constant 0 : i32
      %dma_wait3A_49 = tpu.memref_slice %arg3[%add3A_20, %dma_wait3A_48] : memref<2560x128xi32, #tpu.memory_space<hbm>> -> memref<40x128xi32, #tpu.memory_space<hbm>>
      tpu.wait_dma2 semaphore(%run_scoped3A : memref<!tpu.dma_semaphore, #tpu.memory_space<semaphore_mem>>) src(%dma_wait3A_49 : memref<40x128xi32, #tpu.memory_space<hbm>>) dst(%arg6 : memref<40x128xi32, #tpu.memory_space<vmem>>)
      tpu.yield
    }) : () -> ()
    %mul3A_21 = arith.constant 80 : i32
    %mul3A_22 = arith.muli %add3A, %mul3A_21 : i32
    %add3A_23 = arith.constant 0 : i32
    %add3A_24 = arith.addi %mul3A_22, %add3A_23 : i32
    "tpu.region"() ({
      %run_scoped3A = tpu.sem_alloc : memref<!tpu.dma_semaphore, #tpu.memory_space<semaphore_mem>>
      %dma_start3A = arith.constant 0 : i32
      %dma_start3A_44 = tpu.memref_slice %arg4[%add3A_24, %dma_start3A] : memref<2560x128xi32, #tpu.memory_space<hbm>> -> memref<40x128xi32, #tpu.memory_space<hbm>>
      %dma_start3A_45 = arith.constant 0 : i32
      %dma_start3A_46 = tpu.memref_slice %arg4[%add3A_24, %dma_start3A_45] : memref<2560x128xi32, #tpu.memory_space<hbm>> -> memref<40x128xi32, #tpu.memory_space<hbm>>
      tpu.enqueue_dma source(%dma_start3A_46 : memref<40x128xi32, #tpu.memory_space<hbm>>) target(%arg7 : memref<40x128xi32, #tpu.memory_space<vmem>>) target_semaphore(%run_scoped3A : memref<!tpu.dma_semaphore, #tpu.memory_space<semaphore_mem>>)
      %dma_wait3A = arith.constant 0 : i32
      %dma_wait3A_47 = tpu.memref_slice %arg4[%add3A_24, %dma_wait3A] : memref<2560x128xi32, #tpu.memory_space<hbm>> -> memref<40x128xi32, #tpu.memory_space<hbm>>
      %dma_wait3A_48 = arith.constant 0 : i32
      %dma_wait3A_49 = tpu.memref_slice %arg4[%add3A_24, %dma_wait3A_48] : memref<2560x128xi32, #tpu.memory_space<hbm>> -> memref<40x128xi32, #tpu.memory_space<hbm>>
      tpu.wait_dma2 semaphore(%run_scoped3A : memref<!tpu.dma_semaphore, #tpu.memory_space<semaphore_mem>>) src(%dma_wait3A_49 : memref<40x128xi32, #tpu.memory_space<hbm>>) dst(%arg7 : memref<40x128xi32, #tpu.memory_space<vmem>>)
      tpu.yield
    }) : () -> ()
    %scan3A_25 = arith.constant 0 : i32
    %scan3A_26 = arith.constant 20 : i32
    %scan3A_27 = arith.addi %scan3A_25, %scan3A_26 : i32
    %scan3A_28 = arith.constant 1 : i32
    scf.for %scan3A_44 = %scan3A_25 to %scan3A_27 step %scan3A_28  : i32 {
      %mul3A_45 = arith.constant 1 : i32
      %mul3A_46 = arith.muli %scan3A_44, %mul3A_45 : i32
      %add3A_47 = arith.constant 0 : i32
      %add3A_48 = arith.addi %add3A_47, %mul3A_46 : i32
      %mul3A_49 = arith.constant 2 : i32
      %mul3A_50 = arith.muli %mul3A_49, %add3A_48 : i32
      %get3A = arith.index_cast %mul3A_50 : i32 to index
      %get3A_51 = arith.constant 0 : index
      %get3A_52 = tpu.vector_load %arg6[%get3A, %get3A_51] {strides = array<i32>} : memref<40x128xi32, #tpu.memory_space<vmem>>, vector<1x16xi32>,
      %get3A_53 = vector.shape_cast %get3A_52 : vector<1x16xi32> to vector<16xi32>
      %swap3A = arith.constant 0 : index
      %swap3A_54 = tpu.vector_load %arg8[%swap3A] {strides = array<i32>} : memref<128xi32, #tpu.memory_space<vmem>>, vector<16xi32>,
      %swap3A_55 = vector.shape_cast %swap3A_54 : vector<16xi32> to vector<16xi32>
      %swap3A_56 = vector.shape_cast %get3A_53 : vector<16xi32> to vector<16xi32>
      tpu.vector_store %arg8[%swap3A], %swap3A_56 {strides = array<i32>} : memref<128xi32, #tpu.memory_space<vmem>>, vector<16xi32>,
      %get3A_57 = arith.index_cast %mul3A_50 : i32 to index
      %get3A_58 = arith.constant 16 : index
      %get3A_59 = tpu.vector_load %arg6[%get3A_57, %get3A_58] {strides = array<i32>} : memref<40x128xi32, #tpu.memory_space<vmem>>, vector<1x16xi32>,
      %get3A_60 = vector.shape_cast %get3A_59 : vector<1x16xi32> to vector<16xi32>
      %swap3A_61 = arith.constant 16 : index
      %swap3A_62 = tpu.vector_load %arg8[%swap3A_61] {strides = array<i32>} : memref<128xi32, #tpu.memory_space<vmem>>, vector<16xi32>,
      %swap3A_63 = vector.shape_cast %swap3A_62 : vector<16xi32> to vector<16xi32>
      %swap3A_64 = vector.shape_cast %get3A_60 : vector<16xi32> to vector<16xi32>
      tpu.vector_store %arg8[%swap3A_61], %swap3A_64 {strides = array<i32>} : memref<128xi32, #tpu.memory_space<vmem>>, vector<16xi32>,
      %get3A_65 = arith.index_cast %mul3A_50 : i32 to index
      %get3A_66 = arith.constant 32 : index
      %get3A_67 = tpu.vector_load %arg6[%get3A_65, %get3A_66] {strides = array<i32>} : memref<40x128xi32, #tpu.memory_space<vmem>>, vector<1x16xi32>,
      %get3A_68 = vector.shape_cast %get3A_67 : vector<1x16xi32> to vector<16xi32>
      %swap3A_69 = arith.constant 32 : index
      %swap3A_70 = tpu.vector_load %arg8[%swap3A_69] {strides = array<i32>} : memref<128xi32, #tpu.memory_space<vmem>>, vector<16xi32>,
      %swap3A_71 = vector.shape_cast %swap3A_70 : vector<16xi32> to vector<16xi32>
      %swap3A_72 = vector.shape_cast %get3A_68 : vector<16xi32> to vector<16xi32>
      tpu.vector_store %arg8[%swap3A_69], %swap3A_72 {strides = array<i32>} : memref<128xi32, #tpu.memory_space<vmem>>, vector<16xi32>,
      %get3A_73 = arith.index_cast %mul3A_50 : i32 to index
      %get3A_74 = arith.constant 48 : index
      %get3A_75 = tpu.vector_load %arg6[%get3A_73, %get3A_74] {strides = array<i32>} : memref<40x128xi32, #tpu.memory_space<vmem>>, vector<1x16xi32>,
      %get3A_76 = vector.shape_cast %get3A_75 : vector<1x16xi32> to vector<16xi32>
      %swap3A_77 = arith.constant 48 : index
      %swap3A_78 = tpu.vector_load %arg8[%swap3A_77] {strides = array<i32>} : memref<128xi32, #tpu.memory_space<vmem>>, vector<16xi32>,
      %swap3A_79 = vector.shape_cast %swap3A_78 : vector<16xi32> to vector<16xi32>
      %swap3A_80 = vector.shape_cast %get3A_76 : vector<16xi32> to vector<16xi32>
      tpu.vector_store %arg8[%swap3A_77], %swap3A_80 {strides = array<i32>} : memref<128xi32, #tpu.memory_space<vmem>>, vector<16xi32>,
      %get3A_81 = arith.index_cast %mul3A_50 : i32 to index
      %get3A_82 = arith.constant 64 : index
      %get3A_83 = tpu.vector_load %arg6[%get3A_81, %get3A_82] {strides = array<i32>} : memref<40x128xi32, #tpu.memory_space<vmem>>, vector<1x16xi32>,
      %get3A_84 = vector.shape_cast %get3A_83 : vector<1x16xi32> to vector<16xi32>
      %swap3A_85 = arith.constant 64 : index
      %swap3A_86 = tpu.vector_load %arg8[%swap3A_85] {strides = array<i32>} : memref<128xi32, #tpu.memory_space<vmem>>, vector<16xi32>,
      %swap3A_87 = vector.shape_cast %swap3A_86 : vector<16xi32> to vector<16xi32>
      %swap3A_88 = vector.shape_cast %get3A_84 : vector<16xi32> to vector<16xi32>
      tpu.vector_store %arg8[%swap3A_85], %swap3A_88 {strides = array<i32>} : memref<128xi32, #tpu.memory_space<vmem>>, vector<16xi32>,
      %get3A_89 = arith.index_cast %mul3A_50 : i32 to index
      %get3A_90 = arith.constant 80 : index
      %get3A_91 = tpu.vector_load %arg6[%get3A_89, %get3A_90] {strides = array<i32>} : memref<40x128xi32, #tpu.memory_space<vmem>>, vector<1x16xi32>,
      %get3A_92 = vector.shape_cast %get3A_91 : vector<1x16xi32> to vector<16xi32>
      %swap3A_93 = arith.constant 80 : index
      %swap3A_94 = tpu.vector_load %arg8[%swap3A_93] {strides = array<i32>} : memref<128xi32, #tpu.memory_space<vmem>>, vector<16xi32>,
      %swap3A_95 = vector.shape_cast %swap3A_94 : vector<16xi32> to vector<16xi32>
      %swap3A_96 = vector.shape_cast %get3A_92 : vector<16xi32> to vector<16xi32>
      tpu.vector_store %arg8[%swap3A_93], %swap3A_96 {strides = array<i32>} : memref<128xi32, #tpu.memory_space<vmem>>, vector<16xi32>,
      %get3A_97 = arith.index_cast %mul3A_50 : i32 to index
      %get3A_98 = arith.constant 96 : index
      %get3A_99 = tpu.vector_load %arg6[%get3A_97, %get3A_98] {strides = array<i32>} : memref<40x128xi32, #tpu.memory_space<vmem>>, vector<1x16xi32>,
      %get3A_100 = vector.shape_cast %get3A_99 : vector<1x16xi32> to vector<16xi32>
      %swap3A_101 = arith.constant 96 : index
      %swap3A_102 = tpu.vector_load %arg8[%swap3A_101] {strides = array<i32>} : memref<128xi32, #tpu.memory_space<vmem>>, vector<16xi32>,
      %swap3A_103 = vector.shape_cast %swap3A_102 : vector<16xi32> to vector<16xi32>
      %swap3A_104 = vector.shape_cast %get3A_100 : vector<16xi32> to vector<16xi32>
      tpu.vector_store %arg8[%swap3A_101], %swap3A_104 {strides = array<i32>} : memref<128xi32, #tpu.memory_space<vmem>>, vector<16xi32>,
      %get3A_105 = arith.index_cast %mul3A_50 : i32 to index
      %get3A_106 = arith.constant 112 : index
      %get3A_107 = tpu.vector_load %arg6[%get3A_105, %get3A_106] {strides = array<i32>} : memref<40x128xi32, #tpu.memory_space<vmem>>, vector<1x16xi32>,
      %get3A_108 = vector.shape_cast %get3A_107 : vector<1x16xi32> to vector<16xi32>
      %swap3A_109 = arith.constant 112 : index
      %swap3A_110 = tpu.vector_load %arg8[%swap3A_109] {strides = array<i32>} : memref<128xi32, #tpu.memory_space<vmem>>, vector<16xi32>,
      %swap3A_111 = vector.shape_cast %swap3A_110 : vector<16xi32> to vector<16xi32>
      %swap3A_112 = vector.shape_cast %get3A_108 : vector<16xi32> to vector<16xi32>
      tpu.vector_store %arg8[%swap3A_109], %swap3A_112 {strides = array<i32>} : memref<128xi32, #tpu.memory_space<vmem>>, vector<16xi32>,
      %dma_start3A = arith.constant 0 : i32
      %dma_start3A_113 = arith.constant 0 : i32
      %dma_start3A_114 = tpu.memref_slice %arg2[%dma_start3A, %dma_start3A_113] : memref<10112x128xf32, #tpu.memory_space<hbm>> -> memref<10112x128xf32, #tpu.memory_space<hbm>>
      tpu.enqueue_indirect_dma source(%dma_start3A_114 : memref<10112x128xf32, #tpu.memory_space<hbm>>) target(%arg12 : memref<128x128xf32, #tpu.memory_space<vmem>>) offsets(%arg8 : memref<128xi32, #tpu.memory_space<vmem>>) semaphore(%arg15 : memref<!tpu.dma_semaphore, #tpu.memory_space<semaphore_mem>>)
      %add3A_115 = arith.constant 1 : i32
      %add3A_116 = arith.addi %mul3A_50, %add3A_115 : i32
      %get3A_117 = arith.index_cast %add3A_116 : i32 to index
      %get3A_118 = arith.constant 0 : index
      %get3A_119 = tpu.vector_load %arg6[%get3A_117, %get3A_118] {strides = array<i32>} : memref<40x128xi32, #tpu.memory_space<vmem>>, vector<1x16xi32>,
      %get3A_120 = vector.shape_cast %get3A_119 : vector<1x16xi32> to vector<16xi32>
      %swap3A_121 = arith.constant 0 : index
      %swap3A_122 = tpu.vector_load %arg9[%swap3A_121] {strides = array<i32>} : memref<128xi32, #tpu.memory_space<vmem>>, vector<16xi32>,
      %swap3A_123 = vector.shape_cast %swap3A_122 : vector<16xi32> to vector<16xi32>
      %swap3A_124 = vector.shape_cast %get3A_120 : vector<16xi32> to vector<16xi32>
      tpu.vector_store %arg9[%swap3A_121], %swap3A_124 {strides = array<i32>} : memref<128xi32, #tpu.memory_space<vmem>>, vector<16xi32>,
      %get3A_125 = arith.index_cast %add3A_116 : i32 to index
      %get3A_126 = arith.constant 16 : index
      %get3A_127 = tpu.vector_load %arg6[%get3A_125, %get3A_126] {strides = array<i32>} : memref<40x128xi32, #tpu.memory_space<vmem>>, vector<1x16xi32>,
      %get3A_128 = vector.shape_cast %get3A_127 : vector<1x16xi32> to vector<16xi32>
      %swap3A_129 = arith.constant 16 : index
      %swap3A_130 = tpu.vector_load %arg9[%swap3A_129] {strides = array<i32>} : memref<128xi32, #tpu.memory_space<vmem>>, vector<16xi32>,
      %swap3A_131 = vector.shape_cast %swap3A_130 : vector<16xi32> to vector<16xi32>
      %swap3A_132 = vector.shape_cast %get3A_128 : vector<16xi32> to vector<16xi32>
      tpu.vector_store %arg9[%swap3A_129], %swap3A_132 {strides = array<i32>} : memref<128xi32, #tpu.memory_space<vmem>>, vector<16xi32>,
      %get3A_133 = arith.index_cast %add3A_116 : i32 to index
      %get3A_134 = arith.constant 32 : index
      %get3A_135 = tpu.vector_load %arg6[%get3A_133, %get3A_134] {strides = array<i32>} : memref<40x128xi32, #tpu.memory_space<vmem>>, vector<1x16xi32>,
      %get3A_136 = vector.shape_cast %get3A_135 : vector<1x16xi32> to vector<16xi32>
      %swap3A_137 = arith.constant 32 : index
      %swap3A_138 = tpu.vector_load %arg9[%swap3A_137] {strides = array<i32>} : memref<128xi32, #tpu.memory_space<vmem>>, vector<16xi32>,
      %swap3A_139 = vector.shape_cast %swap3A_138 : vector<16xi32> to vector<16xi32>
      %swap3A_140 = vector.shape_cast %get3A_136 : vector<16xi32> to vector<16xi32>
      tpu.vector_store %arg9[%swap3A_137], %swap3A_140 {strides = array<i32>} : memref<128xi32, #tpu.memory_space<vmem>>, vector<16xi32>,
      %get3A_141 = arith.index_cast %add3A_116 : i32 to index
      %get3A_142 = arith.constant 48 : index
      %get3A_143 = tpu.vector_load %arg6[%get3A_141, %get3A_142] {strides = array<i32>} : memref<40x128xi32, #tpu.memory_space<vmem>>, vector<1x16xi32>,
      %get3A_144 = vector.shape_cast %get3A_143 : vector<1x16xi32> to vector<16xi32>
      %swap3A_145 = arith.constant 48 : index
      %swap3A_146 = tpu.vector_load %arg9[%swap3A_145] {strides = array<i32>} : memref<128xi32, #tpu.memory_space<vmem>>, vector<16xi32>,
      %swap3A_147 = vector.shape_cast %swap3A_146 : vector<16xi32> to vector<16xi32>
      %swap3A_148 = vector.shape_cast %get3A_144 : vector<16xi32> to vector<16xi32>
      tpu.vector_store %arg9[%swap3A_145], %swap3A_148 {strides = array<i32>} : memref<128xi32, #tpu.memory_space<vmem>>, vector<16xi32>,
      %get3A_149 = arith.index_cast %add3A_116 : i32 to index
      %get3A_150 = arith.constant 64 : index
      %get3A_151 = tpu.vector_load %arg6[%get3A_149, %get3A_150] {strides = array<i32>} : memref<40x128xi32, #tpu.memory_space<vmem>>, vector<1x16xi32>,
      %get3A_152 = vector.shape_cast %get3A_151 : vector<1x16xi32> to vector<16xi32>
      %swap3A_153 = arith.constant 64 : index
      %swap3A_154 = tpu.vector_load %arg9[%swap3A_153] {strides = array<i32>} : memref<128xi32, #tpu.memory_space<vmem>>, vector<16xi32>,
      %swap3A_155 = vector.shape_cast %swap3A_154 : vector<16xi32> to vector<16xi32>
      %swap3A_156 = vector.shape_cast %get3A_152 : vector<16xi32> to vector<16xi32>
      tpu.vector_store %arg9[%swap3A_153], %swap3A_156 {strides = array<i32>} : memref<128xi32, #tpu.memory_space<vmem>>, vector<16xi32>,
      %get3A_157 = arith.index_cast %add3A_116 : i32 to index
      %get3A_158 = arith.constant 80 : index
      %get3A_159 = tpu.vector_load %arg6[%get3A_157, %get3A_158] {strides = array<i32>} : memref<40x128xi32, #tpu.memory_space<vmem>>, vector<1x16xi32>,
      %get3A_160 = vector.shape_cast %get3A_159 : vector<1x16xi32> to vector<16xi32>
      %swap3A_161 = arith.constant 80 : index
      %swap3A_162 = tpu.vector_load %arg9[%swap3A_161] {strides = array<i32>} : memref<128xi32, #tpu.memory_space<vmem>>, vector<16xi32>,
      %swap3A_163 = vector.shape_cast %swap3A_162 : vector<16xi32> to vector<16xi32>
      %swap3A_164 = vector.shape_cast %get3A_160 : vector<16xi32> to vector<16xi32>
      tpu.vector_store %arg9[%swap3A_161], %swap3A_164 {strides = array<i32>} : memref<128xi32, #tpu.memory_space<vmem>>, vector<16xi32>,
      %get3A_165 = arith.index_cast %add3A_116 : i32 to index
      %get3A_166 = arith.constant 96 : index
      %get3A_167 = tpu.vector_load %arg6[%get3A_165, %get3A_166] {strides = array<i32>} : memref<40x128xi32, #tpu.memory_space<vmem>>, vector<1x16xi32>,
      %get3A_168 = vector.shape_cast %get3A_167 : vector<1x16xi32> to vector<16xi32>
      %swap3A_169 = arith.constant 96 : index
      %swap3A_170 = tpu.vector_load %arg9[%swap3A_169] {strides = array<i32>} : memref<128xi32, #tpu.memory_space<vmem>>, vector<16xi32>,
      %swap3A_171 = vector.shape_cast %swap3A_170 : vector<16xi32> to vector<16xi32>
      %swap3A_172 = vector.shape_cast %get3A_168 : vector<16xi32> to vector<16xi32>
      tpu.vector_store %arg9[%swap3A_169], %swap3A_172 {strides = array<i32>} : memref<128xi32, #tpu.memory_space<vmem>>, vector<16xi32>,
      %get3A_173 = arith.index_cast %add3A_116 : i32 to index
      %get3A_174 = arith.constant 112 : index
      %get3A_175 = tpu.vector_load %arg6[%get3A_173, %get3A_174] {strides = array<i32>} : memref<40x128xi32, #tpu.memory_space<vmem>>, vector<1x16xi32>,
      %get3A_176 = vector.shape_cast %get3A_175 : vector<1x16xi32> to vector<16xi32>
      %swap3A_177 = arith.constant 112 : index
      %swap3A_178 = tpu.vector_load %arg9[%swap3A_177] {strides = array<i32>} : memref<128xi32, #tpu.memory_space<vmem>>, vector<16xi32>,
      %swap3A_179 = vector.shape_cast %swap3A_178 : vector<16xi32> to vector<16xi32>
      %swap3A_180 = vector.shape_cast %get3A_176 : vector<16xi32> to vector<16xi32>
      tpu.vector_store %arg9[%swap3A_177], %swap3A_180 {strides = array<i32>} : memref<128xi32, #tpu.memory_space<vmem>>, vector<16xi32>,
      %dma_start3A_181 = arith.constant 0 : i32
      %dma_start3A_182 = arith.constant 0 : i32
      %dma_start3A_183 = tpu.memref_slice %arg2[%dma_start3A_181, %dma_start3A_182] : memref<10112x128xf32, #tpu.memory_space<hbm>> -> memref<10112x128xf32, #tpu.memory_space<hbm>>
      tpu.enqueue_indirect_dma source(%dma_start3A_183 : memref<10112x128xf32, #tpu.memory_space<hbm>>) target(%arg13 : memref<128x128xf32, #tpu.memory_space<vmem>>) offsets(%arg9 : memref<128xi32, #tpu.memory_space<vmem>>) semaphore(%arg16 : memref<!tpu.dma_semaphore, #tpu.memory_space<semaphore_mem>>)
      %get3A_184 = arith.index_cast %mul3A_50 : i32 to index
      %get3A_185 = arith.constant 0 : index
      %get3A_186 = tpu.vector_load %arg7[%get3A_184, %get3A_185] {strides = array<i32>} : memref<40x128xi32, #tpu.memory_space<vmem>>, vector<1x16xi32>,
      %get3A_187 = vector.shape_cast %get3A_186 : vector<1x16xi32> to vector<16xi32>
      %swap3A_188 = arith.constant 0 : index
      %swap3A_189 = tpu.vector_load %arg10[%swap3A_188] {strides = array<i32>} : memref<128xi32, #tpu.memory_space<vmem>>, vector<16xi32>,
      %swap3A_190 = vector.shape_cast %swap3A_189 : vector<16xi32> to vector<16xi32>
      %swap3A_191 = vector.shape_cast %get3A_187 : vector<16xi32> to vector<16xi32>
      tpu.vector_store %arg10[%swap3A_188], %swap3A_191 {strides = array<i32>} : memref<128xi32, #tpu.memory_space<vmem>>, vector<16xi32>,
      %get3A_192 = arith.index_cast %mul3A_50 : i32 to index
      %get3A_193 = arith.constant 16 : index
      %get3A_194 = tpu.vector_load %arg7[%get3A_192, %get3A_193] {strides = array<i32>} : memref<40x128xi32, #tpu.memory_space<vmem>>, vector<1x16xi32>,
      %get3A_195 = vector.shape_cast %get3A_194 : vector<1x16xi32> to vector<16xi32>
      %swap3A_196 = arith.constant 16 : index
      %swap3A_197 = tpu.vector_load %arg10[%swap3A_196] {strides = array<i32>} : memref<128xi32, #tpu.memory_space<vmem>>, vector<16xi32>,
      %swap3A_198 = vector.shape_cast %swap3A_197 : vector<16xi32> to vector<16xi32>
      %swap3A_199 = vector.shape_cast %get3A_195 : vector<16xi32> to vector<16xi32>
      tpu.vector_store %arg10[%swap3A_196], %swap3A_199 {strides = array<i32>} : memref<128xi32, #tpu.memory_space<vmem>>, vector<16xi32>,
      %get3A_200 = arith.index_cast %mul3A_50 : i32 to index
      %get3A_201 = arith.constant 32 : index
      %get3A_202 = tpu.vector_load %arg7[%get3A_200, %get3A_201] {strides = array<i32>} : memref<40x128xi32, #tpu.memory_space<vmem>>, vector<1x16xi32>,
      %get3A_203 = vector.shape_cast %get3A_202 : vector<1x16xi32> to vector<16xi32>
      %swap3A_204 = arith.constant 32 : index
      %swap3A_205 = tpu.vector_load %arg10[%swap3A_204] {strides = array<i32>} : memref<128xi32, #tpu.memory_space<vmem>>, vector<16xi32>,
      %swap3A_206 = vector.shape_cast %swap3A_205 : vector<16xi32> to vector<16xi32>
      %swap3A_207 = vector.shape_cast %get3A_203 : vector<16xi32> to vector<16xi32>
      tpu.vector_store %arg10[%swap3A_204], %swap3A_207 {strides = array<i32>} : memref<128xi32, #tpu.memory_space<vmem>>, vector<16xi32>,
      %get3A_208 = arith.index_cast %mul3A_50 : i32 to index
      %get3A_209 = arith.constant 48 : index
      %get3A_210 = tpu.vector_load %arg7[%get3A_208, %get3A_209] {strides = array<i32>} : memref<40x128xi32, #tpu.memory_space<vmem>>, vector<1x16xi32>,
      %get3A_211 = vector.shape_cast %get3A_210 : vector<1x16xi32> to vector<16xi32>
      %swap3A_212 = arith.constant 48 : index
      %swap3A_213 = tpu.vector_load %arg10[%swap3A_212] {strides = array<i32>} : memref<128xi32, #tpu.memory_space<vmem>>, vector<16xi32>,
      %swap3A_214 = vector.shape_cast %swap3A_213 : vector<16xi32> to vector<16xi32>
      %swap3A_215 = vector.shape_cast %get3A_211 : vector<16xi32> to vector<16xi32>
      tpu.vector_store %arg10[%swap3A_212], %swap3A_215 {strides = array<i32>} : memref<128xi32, #tpu.memory_space<vmem>>, vector<16xi32>,
      %get3A_216 = arith.index_cast %mul3A_50 : i32 to index
      %get3A_217 = arith.constant 64 : index
      %get3A_218 = tpu.vector_load %arg7[%get3A_216, %get3A_217] {strides = array<i32>} : memref<40x128xi32, #tpu.memory_space<vmem>>, vector<1x16xi32>,
      %get3A_219 = vector.shape_cast %get3A_218 : vector<1x16xi32> to vector<16xi32>
      %swap3A_220 = arith.constant 64 : index
      %swap3A_221 = tpu.vector_load %arg10[%swap3A_220] {strides = array<i32>} : memref<128xi32, #tpu.memory_space<vmem>>, vector<16xi32>,
      %swap3A_222 = vector.shape_cast %swap3A_221 : vector<16xi32> to vector<16xi32>
      %swap3A_223 = vector.shape_cast %get3A_219 : vector<16xi32> to vector<16xi32>
      tpu.vector_store %arg10[%swap3A_220], %swap3A_223 {strides = array<i32>} : memref<128xi32, #tpu.memory_space<vmem>>, vector<16xi32>,
      %get3A_224 = arith.index_cast %mul3A_50 : i32 to index
      %get3A_225 = arith.constant 80 : index
      %get3A_226 = tpu.vector_load %arg7[%get3A_224, %get3A_225] {strides = array<i32>} : memref<40x128xi32, #tpu.memory_space<vmem>>, vector<1x16xi32>,
      %get3A_227 = vector.shape_cast %get3A_226 : vector<1x16xi32> to vector<16xi32>
      %swap3A_228 = arith.constant 80 : index
      %swap3A_229 = tpu.vector_load %arg10[%swap3A_228] {strides = array<i32>} : memref<128xi32, #tpu.memory_space<vmem>>, vector<16xi32>,
      %swap3A_230 = vector.shape_cast %swap3A_229 : vector<16xi32> to vector<16xi32>
      %swap3A_231 = vector.shape_cast %get3A_227 : vector<16xi32> to vector<16xi32>
      tpu.vector_store %arg10[%swap3A_228], %swap3A_231 {strides = array<i32>} : memref<128xi32, #tpu.memory_space<vmem>>, vector<16xi32>,
      %get3A_232 = arith.index_cast %mul3A_50 : i32 to index
      %get3A_233 = arith.constant 96 : index
      %get3A_234 = tpu.vector_load %arg7[%get3A_232, %get3A_233] {strides = array<i32>} : memref<40x128xi32, #tpu.memory_space<vmem>>, vector<1x16xi32>,
      %get3A_235 = vector.shape_cast %get3A_234 : vector<1x16xi32> to vector<16xi32>
      %swap3A_236 = arith.constant 96 : index
      %swap3A_237 = tpu.vector_load %arg10[%swap3A_236] {strides = array<i32>} : memref<128xi32, #tpu.memory_space<vmem>>, vector<16xi32>,
      %swap3A_238 = vector.shape_cast %swap3A_237 : vector<16xi32> to vector<16xi32>
      %swap3A_239 = vector.shape_cast %get3A_235 : vector<16xi32> to vector<16xi32>
      tpu.vector_store %arg10[%swap3A_236], %swap3A_239 {strides = array<i32>} : memref<128xi32, #tpu.memory_space<vmem>>, vector<16xi32>,
      %get3A_240 = arith.index_cast %mul3A_50 : i32 to index
      %get3A_241 = arith.constant 112 : index
      %get3A_242 = tpu.vector_load %arg7[%get3A_240, %get3A_241] {strides = array<i32>} : memref<40x128xi32, #tpu.memory_space<vmem>>, vector<1x16xi32>,
      %get3A_243 = vector.shape_cast %get3A_242 : vector<1x16xi32> to vector<16xi32>
      %swap3A_244 = arith.constant 112 : index
      %swap3A_245 = tpu.vector_load %arg10[%swap3A_244] {strides = array<i32>} : memref<128xi32, #tpu.memory_space<vmem>>, vector<16xi32>,
      %swap3A_246 = vector.shape_cast %swap3A_245 : vector<16xi32> to vector<16xi32>
      %swap3A_247 = vector.shape_cast %get3A_243 : vector<16xi32> to vector<16xi32>
      tpu.vector_store %arg10[%swap3A_244], %swap3A_247 {strides = array<i32>} : memref<128xi32, #tpu.memory_space<vmem>>, vector<16xi32>,
      %dma_wait3A = arith.constant 0 : i32
      %dma_wait3A_248 = arith.constant 0 : i32
      %dma_wait3A_249 = tpu.memref_slice %arg2[%dma_wait3A, %dma_wait3A_248] : memref<10112x128xf32, #tpu.memory_space<hbm>> -> memref<10112x128xf32, #tpu.memory_space<hbm>>
      tpu.wait_indirect_dma semaphore(%arg15 : memref<!tpu.dma_semaphore, #tpu.memory_space<semaphore_mem>>) src(%dma_wait3A_249 : memref<10112x128xf32, #tpu.memory_space<hbm>>) dst(%arg12 : memref<128x128xf32, #tpu.memory_space<vmem>>)
      "tpu.region"() ({
        %run_scoped3A = tpu.sem_alloc : memref<!tpu.dma_semaphore, #tpu.memory_space<semaphore_mem>>
        %dma_start3A_319 = arith.constant 0 : i32
        %dma_start3A_320 = arith.constant 0 : i32
        %dma_start3A_321 = tpu.memref_slice %arg14[%dma_start3A_319, %dma_start3A_320] : memref<10112x128xf32, #tpu.memory_space<vmem_shared>> -> memref<10112x128xf32, #tpu.memory_space<vmem_shared>>
        tpu.enqueue_indirect_dma source(%arg12 : memref<128x128xf32, #tpu.memory_space<vmem>>) target(%dma_start3A_321 : memref<10112x128xf32, #tpu.memory_space<vmem_shared>>) offsets(%arg10 : memref<128xi32, #tpu.memory_space<vmem>>) semaphore(%run_scoped3A : memref<!tpu.dma_semaphore, #tpu.memory_space<semaphore_mem>>) {add = true}
        %dma_wait3A_322 = arith.constant 0 : i32
        %dma_wait3A_323 = arith.constant 0 : i32
        %dma_wait3A_324 = tpu.memref_slice %arg14[%dma_wait3A_322, %dma_wait3A_323] : memref<10112x128xf32, #tpu.memory_space<vmem_shared>> -> memref<10112x128xf32, #tpu.memory_space<vmem_shared>>
        tpu.wait_indirect_dma semaphore(%run_scoped3A : memref<!tpu.dma_semaphore, #tpu.memory_space<semaphore_mem>>) src(%arg12 : memref<128x128xf32, #tpu.memory_space<vmem>>) dst(%dma_wait3A_324 : memref<10112x128xf32, #tpu.memory_space<vmem_shared>>)
        tpu.yield
      }) : () -> ()
      %add3A_250 = arith.constant 1 : i32
      %add3A_251 = arith.addi %mul3A_50, %add3A_250 : i32
      %get3A_252 = arith.index_cast %add3A_251 : i32 to index
      %get3A_253 = arith.constant 0 : index
      %get3A_254 = tpu.vector_load %arg7[%get3A_252, %get3A_253] {strides = array<i32>} : memref<40x128xi32, #tpu.memory_space<vmem>>, vector<1x16xi32>,
      %get3A_255 = vector.shape_cast %get3A_254 : vector<1x16xi32> to vector<16xi32>
      %swap3A_256 = arith.constant 0 : index
      %swap3A_257 = tpu.vector_load %arg11[%swap3A_256] {strides = array<i32>} : memref<128xi32, #tpu.memory_space<vmem>>, vector<16xi32>,
      %swap3A_258 = vector.shape_cast %swap3A_257 : vector<16xi32> to vector<16xi32>
      %swap3A_259 = vector.shape_cast %get3A_255 : vector<16xi32> to vector<16xi32>
      tpu.vector_store %arg11[%swap3A_256], %swap3A_259 {strides = array<i32>} : memref<128xi32, #tpu.memory_space<vmem>>, vector<16xi32>,
      %get3A_260 = arith.index_cast %add3A_251 : i32 to index
      %get3A_261 = arith.constant 16 : index
      %get3A_262 = tpu.vector_load %arg7[%get3A_260, %get3A_261] {strides = array<i32>} : memref<40x128xi32, #tpu.memory_space<vmem>>, vector<1x16xi32>,
      %get3A_263 = vector.shape_cast %get3A_262 : vector<1x16xi32> to vector<16xi32>
      %swap3A_264 = arith.constant 16 : index
      %swap3A_265 = tpu.vector_load %arg11[%swap3A_264] {strides = array<i32>} : memref<128xi32, #tpu.memory_space<vmem>>, vector<16xi32>,
      %swap3A_266 = vector.shape_cast %swap3A_265 : vector<16xi32> to vector<16xi32>
      %swap3A_267 = vector.shape_cast %get3A_263 : vector<16xi32> to vector<16xi32>
      tpu.vector_store %arg11[%swap3A_264], %swap3A_267 {strides = array<i32>} : memref<128xi32, #tpu.memory_space<vmem>>, vector<16xi32>,
      %get3A_268 = arith.index_cast %add3A_251 : i32 to index
      %get3A_269 = arith.constant 32 : index
      %get3A_270 = tpu.vector_load %arg7[%get3A_268, %get3A_269] {strides = array<i32>} : memref<40x128xi32, #tpu.memory_space<vmem>>, vector<1x16xi32>,
      %get3A_271 = vector.shape_cast %get3A_270 : vector<1x16xi32> to vector<16xi32>
      %swap3A_272 = arith.constant 32 : index
      %swap3A_273 = tpu.vector_load %arg11[%swap3A_272] {strides = array<i32>} : memref<128xi32, #tpu.memory_space<vmem>>, vector<16xi32>,
      %swap3A_274 = vector.shape_cast %swap3A_273 : vector<16xi32> to vector<16xi32>
      %swap3A_275 = vector.shape_cast %get3A_271 : vector<16xi32> to vector<16xi32>
      tpu.vector_store %arg11[%swap3A_272], %swap3A_275 {strides = array<i32>} : memref<128xi32, #tpu.memory_space<vmem>>, vector<16xi32>,
      %get3A_276 = arith.index_cast %add3A_251 : i32 to index
      %get3A_277 = arith.constant 48 : index
      %get3A_278 = tpu.vector_load %arg7[%get3A_276, %get3A_277] {strides = array<i32>} : memref<40x128xi32, #tpu.memory_space<vmem>>, vector<1x16xi32>,
      %get3A_279 = vector.shape_cast %get3A_278 : vector<1x16xi32> to vector<16xi32>
      %swap3A_280 = arith.constant 48 : index
      %swap3A_281 = tpu.vector_load %arg11[%swap3A_280] {strides = array<i32>} : memref<128xi32, #tpu.memory_space<vmem>>, vector<16xi32>,
      %swap3A_282 = vector.shape_cast %swap3A_281 : vector<16xi32> to vector<16xi32>
      %swap3A_283 = vector.shape_cast %get3A_279 : vector<16xi32> to vector<16xi32>
      tpu.vector_store %arg11[%swap3A_280], %swap3A_283 {strides = array<i32>} : memref<128xi32, #tpu.memory_space<vmem>>, vector<16xi32>,
      %get3A_284 = arith.index_cast %add3A_251 : i32 to index
      %get3A_285 = arith.constant 64 : index
      %get3A_286 = tpu.vector_load %arg7[%get3A_284, %get3A_285] {strides = array<i32>} : memref<40x128xi32, #tpu.memory_space<vmem>>, vector<1x16xi32>,
      %get3A_287 = vector.shape_cast %get3A_286 : vector<1x16xi32> to vector<16xi32>
      %swap3A_288 = arith.constant 64 : index
      %swap3A_289 = tpu.vector_load %arg11[%swap3A_288] {strides = array<i32>} : memref<128xi32, #tpu.memory_space<vmem>>, vector<16xi32>,
      %swap3A_290 = vector.shape_cast %swap3A_289 : vector<16xi32> to vector<16xi32>
      %swap3A_291 = vector.shape_cast %get3A_287 : vector<16xi32> to vector<16xi32>
      tpu.vector_store %arg11[%swap3A_288], %swap3A_291 {strides = array<i32>} : memref<128xi32, #tpu.memory_space<vmem>>, vector<16xi32>,
      %get3A_292 = arith.index_cast %add3A_251 : i32 to index
      %get3A_293 = arith.constant 80 : index
      %get3A_294 = tpu.vector_load %arg7[%get3A_292, %get3A_293] {strides = array<i32>} : memref<40x128xi32, #tpu.memory_space<vmem>>, vector<1x16xi32>,
      %get3A_295 = vector.shape_cast %get3A_294 : vector<1x16xi32> to vector<16xi32>
      %swap3A_296 = arith.constant 80 : index
      %swap3A_297 = tpu.vector_load %arg11[%swap3A_296] {strides = array<i32>} : memref<128xi32, #tpu.memory_space<vmem>>, vector<16xi32>,
      %swap3A_298 = vector.shape_cast %swap3A_297 : vector<16xi32> to vector<16xi32>
      %swap3A_299 = vector.shape_cast %get3A_295 : vector<16xi32> to vector<16xi32>
      tpu.vector_store %arg11[%swap3A_296], %swap3A_299 {strides = array<i32>} : memref<128xi32, #tpu.memory_space<vmem>>, vector<16xi32>,
      %get3A_300 = arith.index_cast %add3A_251 : i32 to index
      %get3A_301 = arith.constant 96 : index
      %get3A_302 = tpu.vector_load %arg7[%get3A_300, %get3A_301] {strides = array<i32>} : memref<40x128xi32, #tpu.memory_space<vmem>>, vector<1x16xi32>,
      %get3A_303 = vector.shape_cast %get3A_302 : vector<1x16xi32> to vector<16xi32>
      %swap3A_304 = arith.constant 96 : index
      %swap3A_305 = tpu.vector_load %arg11[%swap3A_304] {strides = array<i32>} : memref<128xi32, #tpu.memory_space<vmem>>, vector<16xi32>,
      %swap3A_306 = vector.shape_cast %swap3A_305 : vector<16xi32> to vector<16xi32>
      %swap3A_307 = vector.shape_cast %get3A_303 : vector<16xi32> to vector<16xi32>
      tpu.vector_store %arg11[%swap3A_304], %swap3A_307 {strides = array<i32>} : memref<128xi32, #tpu.memory_space<vmem>>, vector<16xi32>,
      %get3A_308 = arith.index_cast %add3A_251 : i32 to index
      %get3A_309 = arith.constant 112 : index
      %get3A_310 = tpu.vector_load %arg7[%get3A_308, %get3A_309] {strides = array<i32>} : memref<40x128xi32, #tpu.memory_space<vmem>>, vector<1x16xi32>,
      %get3A_311 = vector.shape_cast %get3A_310 : vector<1x16xi32> to vector<16xi32>
      %swap3A_312 = arith.constant 112 : index
      %swap3A_313 = tpu.vector_load %arg11[%swap3A_312] {strides = array<i32>} : memref<128xi32, #tpu.memory_space<vmem>>, vector<16xi32>,
      %swap3A_314 = vector.shape_cast %swap3A_313 : vector<16xi32> to vector<16xi32>
      %swap3A_315 = vector.shape_cast %get3A_311 : vector<16xi32> to vector<16xi32>
      tpu.vector_store %arg11[%swap3A_312], %swap3A_315 {strides = array<i32>} : memref<128xi32, #tpu.memory_space<vmem>>, vector<16xi32>,
      %dma_wait3A_316 = arith.constant 0 : i32
      %dma_wait3A_317 = arith.constant 0 : i32
      %dma_wait3A_318 = tpu.memref_slice %arg2[%dma_wait3A_316, %dma_wait3A_317] : memref<10112x128xf32, #tpu.memory_space<hbm>> -> memref<10112x128xf32, #tpu.memory_space<hbm>>
      tpu.wait_indirect_dma semaphore(%arg16 : memref<!tpu.dma_semaphore, #tpu.memory_space<semaphore_mem>>) src(%dma_wait3A_318 : memref<10112x128xf32, #tpu.memory_space<hbm>>) dst(%arg13 : memref<128x128xf32, #tpu.memory_space<vmem>>)
      "tpu.region"() ({
        %run_scoped3A = tpu.sem_alloc : memref<!tpu.dma_semaphore, #tpu.memory_space<semaphore_mem>>
        %dma_start3A_319 = arith.constant 0 : i32
        %dma_start3A_320 = arith.constant 0 : i32
        %dma_start3A_321 = tpu.memref_slice %arg14[%dma_start3A_319, %dma_start3A_320] : memref<10112x128xf32, #tpu.memory_space<vmem_shared>> -> memref<10112x128xf32, #tpu.memory_space<vmem_shared>>
        tpu.enqueue_indirect_dma source(%arg13 : memref<128x128xf32, #tpu.memory_space<vmem>>) target(%dma_start3A_321 : memref<10112x128xf32, #tpu.memory_space<vmem_shared>>) offsets(%arg11 : memref<128xi32, #tpu.memory_space<vmem>>) semaphore(%run_scoped3A : memref<!tpu.dma_semaphore, #tpu.memory_space<semaphore_mem>>) {add = true}
        %dma_wait3A_322 = arith.constant 0 : i32
        %dma_wait3A_323 = arith.constant 0 : i32
        %dma_wait3A_324 = tpu.memref_slice %arg14[%dma_wait3A_322, %dma_wait3A_323] : memref<10112x128xf32, #tpu.memory_space<vmem_shared>> -> memref<10112x128xf32, #tpu.memory_space<vmem_shared>>
        tpu.wait_indirect_dma semaphore(%run_scoped3A : memref<!tpu.dma_semaphore, #tpu.memory_space<semaphore_mem>>) src(%arg13 : memref<128x128xf32, #tpu.memory_space<vmem>>) dst(%dma_wait3A_324 : memref<10112x128xf32, #tpu.memory_space<vmem_shared>>)
        tpu.yield
      }) : () -> ()
    }
    %scan3A_29 = arith.constant 20 : i32
    %mul3A_30 = arith.constant 80 : i32
    %mul3A_31 = arith.muli %add3A, %mul3A_30 : i32
    %add3A_32 = arith.constant 40 : i32
    %add3A_33 = arith.addi %mul3A_31, %add3A_32 : i32
    "tpu.region"() ({
      %run_scoped3A = tpu.sem_alloc : memref<!tpu.dma_semaphore, #tpu.memory_space<semaphore_mem>>
      %dma_start3A = arith.constant 0 : i32
      %dma_start3A_44 = tpu.memref_slice %arg3[%add3A_33, %dma_start3A] : memref<2560x128xi32, #tpu.memory_space<hbm>> -> memref<40x128xi32, #tpu.memory_space<hbm>>
      %dma_start3A_45 = arith.constant 0 : i32
      %dma_start3A_46 = tpu.memref_slice %arg3[%add3A_33, %dma_start3A_45] : memref<2560x128xi32, #tpu.memory_space<hbm>> -> memref<40x128xi32, #tpu.memory_space<hbm>>
      tpu.enqueue_dma source(%dma_start3A_46 : memref<40x128xi32, #tpu.memory_space<hbm>>) target(%arg6 : memref<40x128xi32, #tpu.memory_space<vmem>>) target_semaphore(%run_scoped3A : memref<!tpu.dma_semaphore, #tpu.memory_space<semaphore_mem>>)
      %dma_wait3A = arith.constant 0 : i32
      %dma_wait3A_47 = tpu.memref_slice %arg3[%add3A_33, %dma_wait3A] : memref<2560x128xi32, #tpu.memory_space<hbm>> -> memref<40x128xi32, #tpu.memory_space<hbm>>
      %dma_wait3A_48 = arith.constant 0 : i32
      %dma_wait3A_49 = tpu.memref_slice %arg3[%add3A_33, %dma_wait3A_48] : memref<2560x128xi32, #tpu.memory_space<hbm>> -> memref<40x128xi32, #tpu.memory_space<hbm>>
      tpu.wait_dma2 semaphore(%run_scoped3A : memref<!tpu.dma_semaphore, #tpu.memory_space<semaphore_mem>>) src(%dma_wait3A_49 : memref<40x128xi32, #tpu.memory_space<hbm>>) dst(%arg6 : memref<40x128xi32, #tpu.memory_space<vmem>>)
      tpu.yield
    }) : () -> ()
    %mul3A_34 = arith.constant 80 : i32
    %mul3A_35 = arith.muli %add3A, %mul3A_34 : i32
    %add3A_36 = arith.constant 40 : i32
    %add3A_37 = arith.addi %mul3A_35, %add3A_36 : i32
    "tpu.region"() ({
      %run_scoped3A = tpu.sem_alloc : memref<!tpu.dma_semaphore, #tpu.memory_space<semaphore_mem>>
      %dma_start3A = arith.constant 0 : i32
      %dma_start3A_44 = tpu.memref_slice %arg4[%add3A_37, %dma_start3A] : memref<2560x128xi32, #tpu.memory_space<hbm>> -> memref<40x128xi32, #tpu.memory_space<hbm>>
      %dma_start3A_45 = arith.constant 0 : i32
      %dma_start3A_46 = tpu.memref_slice %arg4[%add3A_37, %dma_start3A_45] : memref<2560x128xi32, #tpu.memory_space<hbm>> -> memref<40x128xi32, #tpu.memory_space<hbm>>
      tpu.enqueue_dma source(%dma_start3A_46 : memref<40x128xi32, #tpu.memory_space<hbm>>) target(%arg7 : memref<40x128xi32, #tpu.memory_space<vmem>>) target_semaphore(%run_scoped3A : memref<!tpu.dma_semaphore, #tpu.memory_space<semaphore_mem>>)
      %dma_wait3A = arith.constant 0 : i32
      %dma_wait3A_47 = tpu.memref_slice %arg4[%add3A_37, %dma_wait3A] : memref<2560x128xi32, #tpu.memory_space<hbm>> -> memref<40x128xi32, #tpu.memory_space<hbm>>
      %dma_wait3A_48 = arith.constant 0 : i32
      %dma_wait3A_49 = tpu.memref_slice %arg4[%add3A_37, %dma_wait3A_48] : memref<2560x128xi32, #tpu.memory_space<hbm>> -> memref<40x128xi32, #tpu.memory_space<hbm>>
      tpu.wait_dma2 semaphore(%run_scoped3A : memref<!tpu.dma_semaphore, #tpu.memory_space<semaphore_mem>>) src(%dma_wait3A_49 : memref<40x128xi32, #tpu.memory_space<hbm>>) dst(%arg7 : memref<40x128xi32, #tpu.memory_space<vmem>>)
      tpu.yield
    }) : () -> ()
    %scan3A_38 = arith.constant 0 : i32
    %scan3A_39 = arith.constant 20 : i32
    %scan3A_40 = arith.addi %scan3A_38, %scan3A_39 : i32
    %scan3A_41 = arith.constant 1 : i32
    scf.for %scan3A_44 = %scan3A_38 to %scan3A_40 step %scan3A_41  : i32 {
      %mul3A_45 = arith.constant 1 : i32
      %mul3A_46 = arith.muli %scan3A_44, %mul3A_45 : i32
      %add3A_47 = arith.constant 0 : i32
      %add3A_48 = arith.addi %add3A_47, %mul3A_46 : i32
      %mul3A_49 = arith.constant 2 : i32
      %mul3A_50 = arith.muli %mul3A_49, %add3A_48 : i32
      %get3A = arith.index_cast %mul3A_50 : i32 to index
      %get3A_51 = arith.constant 0 : index
      %get3A_52 = tpu.vector_load %arg6[%get3A, %get3A_51] {strides = array<i32>} : memref<40x128xi32, #tpu.memory_space<vmem>>, vector<1x16xi32>,
      %get3A_53 = vector.shape_cast %get3A_52 : vector<1x16xi32> to vector<16xi32>
      %swap3A = arith.constant 0 : index
      %swap3A_54 = tpu.vector_load %arg8[%swap3A] {strides = array<i32>} : memref<128xi32, #tpu.memory_space<vmem>>, vector<16xi32>,
      %swap3A_55 = vector.shape_cast %swap3A_54 : vector<16xi32> to vector<16xi32>
      %swap3A_56 = vector.shape_cast %get3A_53 : vector<16xi32> to vector<16xi32>
      tpu.vector_store %arg8[%swap3A], %swap3A_56 {strides = array<i32>} : memref<128xi32, #tpu.memory_space<vmem>>, vector<16xi32>,
      %get3A_57 = arith.index_cast %mul3A_50 : i32 to index
      %get3A_58 = arith.constant 16 : index
      %get3A_59 = tpu.vector_load %arg6[%get3A_57, %get3A_58] {strides = array<i32>} : memref<40x128xi32, #tpu.memory_space<vmem>>, vector<1x16xi32>,
      %get3A_60 = vector.shape_cast %get3A_59 : vector<1x16xi32> to vector<16xi32>
      %swap3A_61 = arith.constant 16 : index
      %swap3A_62 = tpu.vector_load %arg8[%swap3A_61] {strides = array<i32>} : memref<128xi32, #tpu.memory_space<vmem>>, vector<16xi32>,
      %swap3A_63 = vector.shape_cast %swap3A_62 : vector<16xi32> to vector<16xi32>
      %swap3A_64 = vector.shape_cast %get3A_60 : vector<16xi32> to vector<16xi32>
      tpu.vector_store %arg8[%swap3A_61], %swap3A_64 {strides = array<i32>} : memref<128xi32, #tpu.memory_space<vmem>>, vector<16xi32>,
      %get3A_65 = arith.index_cast %mul3A_50 : i32 to index
      %get3A_66 = arith.constant 32 : index
      %get3A_67 = tpu.vector_load %arg6[%get3A_65, %get3A_66] {strides = array<i32>} : memref<40x128xi32, #tpu.memory_space<vmem>>, vector<1x16xi32>,
      %get3A_68 = vector.shape_cast %get3A_67 : vector<1x16xi32> to vector<16xi32>
      %swap3A_69 = arith.constant 32 : index
      %swap3A_70 = tpu.vector_load %arg8[%swap3A_69] {strides = array<i32>} : memref<128xi32, #tpu.memory_space<vmem>>, vector<16xi32>,
      %swap3A_71 = vector.shape_cast %swap3A_70 : vector<16xi32> to vector<16xi32>
      %swap3A_72 = vector.shape_cast %get3A_68 : vector<16xi32> to vector<16xi32>
      tpu.vector_store %arg8[%swap3A_69], %swap3A_72 {strides = array<i32>} : memref<128xi32, #tpu.memory_space<vmem>>, vector<16xi32>,
      %get3A_73 = arith.index_cast %mul3A_50 : i32 to index
      %get3A_74 = arith.constant 48 : index
      %get3A_75 = tpu.vector_load %arg6[%get3A_73, %get3A_74] {strides = array<i32>} : memref<40x128xi32, #tpu.memory_space<vmem>>, vector<1x16xi32>,
      %get3A_76 = vector.shape_cast %get3A_75 : vector<1x16xi32> to vector<16xi32>
      %swap3A_77 = arith.constant 48 : index
      %swap3A_78 = tpu.vector_load %arg8[%swap3A_77] {strides = array<i32>} : memref<128xi32, #tpu.memory_space<vmem>>, vector<16xi32>,
      %swap3A_79 = vector.shape_cast %swap3A_78 : vector<16xi32> to vector<16xi32>
      %swap3A_80 = vector.shape_cast %get3A_76 : vector<16xi32> to vector<16xi32>
      tpu.vector_store %arg8[%swap3A_77], %swap3A_80 {strides = array<i32>} : memref<128xi32, #tpu.memory_space<vmem>>, vector<16xi32>,
      %get3A_81 = arith.index_cast %mul3A_50 : i32 to index
      %get3A_82 = arith.constant 64 : index
      %get3A_83 = tpu.vector_load %arg6[%get3A_81, %get3A_82] {strides = array<i32>} : memref<40x128xi32, #tpu.memory_space<vmem>>, vector<1x16xi32>,
      %get3A_84 = vector.shape_cast %get3A_83 : vector<1x16xi32> to vector<16xi32>
      %swap3A_85 = arith.constant 64 : index
      %swap3A_86 = tpu.vector_load %arg8[%swap3A_85] {strides = array<i32>} : memref<128xi32, #tpu.memory_space<vmem>>, vector<16xi32>,
      %swap3A_87 = vector.shape_cast %swap3A_86 : vector<16xi32> to vector<16xi32>
      %swap3A_88 = vector.shape_cast %get3A_84 : vector<16xi32> to vector<16xi32>
      tpu.vector_store %arg8[%swap3A_85], %swap3A_88 {strides = array<i32>} : memref<128xi32, #tpu.memory_space<vmem>>, vector<16xi32>,
      %get3A_89 = arith.index_cast %mul3A_50 : i32 to index
      %get3A_90 = arith.constant 80 : index
      %get3A_91 = tpu.vector_load %arg6[%get3A_89, %get3A_90] {strides = array<i32>} : memref<40x128xi32, #tpu.memory_space<vmem>>, vector<1x16xi32>,
      %get3A_92 = vector.shape_cast %get3A_91 : vector<1x16xi32> to vector<16xi32>
      %swap3A_93 = arith.constant 80 : index
      %swap3A_94 = tpu.vector_load %arg8[%swap3A_93] {strides = array<i32>} : memref<128xi32, #tpu.memory_space<vmem>>, vector<16xi32>,
      %swap3A_95 = vector.shape_cast %swap3A_94 : vector<16xi32> to vector<16xi32>
      %swap3A_96 = vector.shape_cast %get3A_92 : vector<16xi32> to vector<16xi32>
      tpu.vector_store %arg8[%swap3A_93], %swap3A_96 {strides = array<i32>} : memref<128xi32, #tpu.memory_space<vmem>>, vector<16xi32>,
      %get3A_97 = arith.index_cast %mul3A_50 : i32 to index
      %get3A_98 = arith.constant 96 : index
      %get3A_99 = tpu.vector_load %arg6[%get3A_97, %get3A_98] {strides = array<i32>} : memref<40x128xi32, #tpu.memory_space<vmem>>, vector<1x16xi32>,
      %get3A_100 = vector.shape_cast %get3A_99 : vector<1x16xi32> to vector<16xi32>
      %swap3A_101 = arith.constant 96 : index
      %swap3A_102 = tpu.vector_load %arg8[%swap3A_101] {strides = array<i32>} : memref<128xi32, #tpu.memory_space<vmem>>, vector<16xi32>,
      %swap3A_103 = vector.shape_cast %swap3A_102 : vector<16xi32> to vector<16xi32>
      %swap3A_104 = vector.shape_cast %get3A_100 : vector<16xi32> to vector<16xi32>
      tpu.vector_store %arg8[%swap3A_101], %swap3A_104 {strides = array<i32>} : memref<128xi32, #tpu.memory_space<vmem>>, vector<16xi32>,
      %get3A_105 = arith.index_cast %mul3A_50 : i32 to index
      %get3A_106 = arith.constant 112 : index
      %get3A_107 = tpu.vector_load %arg6[%get3A_105, %get3A_106] {strides = array<i32>} : memref<40x128xi32, #tpu.memory_space<vmem>>, vector<1x16xi32>,
      %get3A_108 = vector.shape_cast %get3A_107 : vector<1x16xi32> to vector<16xi32>
      %swap3A_109 = arith.constant 112 : index
      %swap3A_110 = tpu.vector_load %arg8[%swap3A_109] {strides = array<i32>} : memref<128xi32, #tpu.memory_space<vmem>>, vector<16xi32>,
      %swap3A_111 = vector.shape_cast %swap3A_110 : vector<16xi32> to vector<16xi32>
      %swap3A_112 = vector.shape_cast %get3A_108 : vector<16xi32> to vector<16xi32>
      tpu.vector_store %arg8[%swap3A_109], %swap3A_112 {strides = array<i32>} : memref<128xi32, #tpu.memory_space<vmem>>, vector<16xi32>,
      %dma_start3A = arith.constant 0 : i32
      %dma_start3A_113 = arith.constant 0 : i32
      %dma_start3A_114 = tpu.memref_slice %arg2[%dma_start3A, %dma_start3A_113] : memref<10112x128xf32, #tpu.memory_space<hbm>> -> memref<10112x128xf32, #tpu.memory_space<hbm>>
      tpu.enqueue_indirect_dma source(%dma_start3A_114 : memref<10112x128xf32, #tpu.memory_space<hbm>>) target(%arg12 : memref<128x128xf32, #tpu.memory_space<vmem>>) offsets(%arg8 : memref<128xi32, #tpu.memory_space<vmem>>) semaphore(%arg15 : memref<!tpu.dma_semaphore, #tpu.memory_space<semaphore_mem>>)
      %add3A_115 = arith.constant 1 : i32
      %add3A_116 = arith.addi %mul3A_50, %add3A_115 : i32
      %get3A_117 = arith.index_cast %add3A_116 : i32 to index
      %get3A_118 = arith.constant 0 : index
      %get3A_119 = tpu.vector_load %arg6[%get3A_117, %get3A_118] {strides = array<i32>} : memref<40x128xi32, #tpu.memory_space<vmem>>, vector<1x16xi32>,
      %get3A_120 = vector.shape_cast %get3A_119 : vector<1x16xi32> to vector<16xi32>
      %swap3A_121 = arith.constant 0 : index
      %swap3A_122 = tpu.vector_load %arg9[%swap3A_121] {strides = array<i32>} : memref<128xi32, #tpu.memory_space<vmem>>, vector<16xi32>,
      %swap3A_123 = vector.shape_cast %swap3A_122 : vector<16xi32> to vector<16xi32>
      %swap3A_124 = vector.shape_cast %get3A_120 : vector<16xi32> to vector<16xi32>
      tpu.vector_store %arg9[%swap3A_121], %swap3A_124 {strides = array<i32>} : memref<128xi32, #tpu.memory_space<vmem>>, vector<16xi32>,
      %get3A_125 = arith.index_cast %add3A_116 : i32 to index
      %get3A_126 = arith.constant 16 : index
      %get3A_127 = tpu.vector_load %arg6[%get3A_125, %get3A_126] {strides = array<i32>} : memref<40x128xi32, #tpu.memory_space<vmem>>, vector<1x16xi32>,
      %get3A_128 = vector.shape_cast %get3A_127 : vector<1x16xi32> to vector<16xi32>
      %swap3A_129 = arith.constant 16 : index
      %swap3A_130 = tpu.vector_load %arg9[%swap3A_129] {strides = array<i32>} : memref<128xi32, #tpu.memory_space<vmem>>, vector<16xi32>,
      %swap3A_131 = vector.shape_cast %swap3A_130 : vector<16xi32> to vector<16xi32>
      %swap3A_132 = vector.shape_cast %get3A_128 : vector<16xi32> to vector<16xi32>
      tpu.vector_store %arg9[%swap3A_129], %swap3A_132 {strides = array<i32>} : memref<128xi32, #tpu.memory_space<vmem>>, vector<16xi32>,
      %get3A_133 = arith.index_cast %add3A_116 : i32 to index
      %get3A_134 = arith.constant 32 : index
      %get3A_135 = tpu.vector_load %arg6[%get3A_133, %get3A_134] {strides = array<i32>} : memref<40x128xi32, #tpu.memory_space<vmem>>, vector<1x16xi32>,
      %get3A_136 = vector.shape_cast %get3A_135 : vector<1x16xi32> to vector<16xi32>
      %swap3A_137 = arith.constant 32 : index
      %swap3A_138 = tpu.vector_load %arg9[%swap3A_137] {strides = array<i32>} : memref<128xi32, #tpu.memory_space<vmem>>, vector<16xi32>,
      %swap3A_139 = vector.shape_cast %swap3A_138 : vector<16xi32> to vector<16xi32>
      %swap3A_140 = vector.shape_cast %get3A_136 : vector<16xi32> to vector<16xi32>
      tpu.vector_store %arg9[%swap3A_137], %swap3A_140 {strides = array<i32>} : memref<128xi32, #tpu.memory_space<vmem>>, vector<16xi32>,
      %get3A_141 = arith.index_cast %add3A_116 : i32 to index
      %get3A_142 = arith.constant 48 : index
      %get3A_143 = tpu.vector_load %arg6[%get3A_141, %get3A_142] {strides = array<i32>} : memref<40x128xi32, #tpu.memory_space<vmem>>, vector<1x16xi32>,
      %get3A_144 = vector.shape_cast %get3A_143 : vector<1x16xi32> to vector<16xi32>
      %swap3A_145 = arith.constant 48 : index
      %swap3A_146 = tpu.vector_load %arg9[%swap3A_145] {strides = array<i32>} : memref<128xi32, #tpu.memory_space<vmem>>, vector<16xi32>,
      %swap3A_147 = vector.shape_cast %swap3A_146 : vector<16xi32> to vector<16xi32>
      %swap3A_148 = vector.shape_cast %get3A_144 : vector<16xi32> to vector<16xi32>
      tpu.vector_store %arg9[%swap3A_145], %swap3A_148 {strides = array<i32>} : memref<128xi32, #tpu.memory_space<vmem>>, vector<16xi32>,
      %get3A_149 = arith.index_cast %add3A_116 : i32 to index
      %get3A_150 = arith.constant 64 : index
      %get3A_151 = tpu.vector_load %arg6[%get3A_149, %get3A_150] {strides = array<i32>} : memref<40x128xi32, #tpu.memory_space<vmem>>, vector<1x16xi32>,
      %get3A_152 = vector.shape_cast %get3A_151 : vector<1x16xi32> to vector<16xi32>
      %swap3A_153 = arith.constant 64 : index
      %swap3A_154 = tpu.vector_load %arg9[%swap3A_153] {strides = array<i32>} : memref<128xi32, #tpu.memory_space<vmem>>, vector<16xi32>,
      %swap3A_155 = vector.shape_cast %swap3A_154 : vector<16xi32> to vector<16xi32>
      %swap3A_156 = vector.shape_cast %get3A_152 : vector<16xi32> to vector<16xi32>
      tpu.vector_store %arg9[%swap3A_153], %swap3A_156 {strides = array<i32>} : memref<128xi32, #tpu.memory_space<vmem>>, vector<16xi32>,
      %get3A_157 = arith.index_cast %add3A_116 : i32 to index
      %get3A_158 = arith.constant 80 : index
      %get3A_159 = tpu.vector_load %arg6[%get3A_157, %get3A_158] {strides = array<i32>} : memref<40x128xi32, #tpu.memory_space<vmem>>, vector<1x16xi32>,
      %get3A_160 = vector.shape_cast %get3A_159 : vector<1x16xi32> to vector<16xi32>
      %swap3A_161 = arith.constant 80 : index
      %swap3A_162 = tpu.vector_load %arg9[%swap3A_161] {strides = array<i32>} : memref<128xi32, #tpu.memory_space<vmem>>, vector<16xi32>,
      %swap3A_163 = vector.shape_cast %swap3A_162 : vector<16xi32> to vector<16xi32>
      %swap3A_164 = vector.shape_cast %get3A_160 : vector<16xi32> to vector<16xi32>
      tpu.vector_store %arg9[%swap3A_161], %swap3A_164 {strides = array<i32>} : memref<128xi32, #tpu.memory_space<vmem>>, vector<16xi32>,
      %get3A_165 = arith.index_cast %add3A_116 : i32 to index
      %get3A_166 = arith.constant 96 : index
      %get3A_167 = tpu.vector_load %arg6[%get3A_165, %get3A_166] {strides = array<i32>} : memref<40x128xi32, #tpu.memory_space<vmem>>, vector<1x16xi32>,
      %get3A_168 = vector.shape_cast %get3A_167 : vector<1x16xi32> to vector<16xi32>
      %swap3A_169 = arith.constant 96 : index
      %swap3A_170 = tpu.vector_load %arg9[%swap3A_169] {strides = array<i32>} : memref<128xi32, #tpu.memory_space<vmem>>, vector<16xi32>,
      %swap3A_171 = vector.shape_cast %swap3A_170 : vector<16xi32> to vector<16xi32>
      %swap3A_172 = vector.shape_cast %get3A_168 : vector<16xi32> to vector<16xi32>
      tpu.vector_store %arg9[%swap3A_169], %swap3A_172 {strides = array<i32>} : memref<128xi32, #tpu.memory_space<vmem>>, vector<16xi32>,
      %get3A_173 = arith.index_cast %add3A_116 : i32 to index
      %get3A_174 = arith.constant 112 : index
      %get3A_175 = tpu.vector_load %arg6[%get3A_173, %get3A_174] {strides = array<i32>} : memref<40x128xi32, #tpu.memory_space<vmem>>, vector<1x16xi32>,
      %get3A_176 = vector.shape_cast %get3A_175 : vector<1x16xi32> to vector<16xi32>
      %swap3A_177 = arith.constant 112 : index
      %swap3A_178 = tpu.vector_load %arg9[%swap3A_177] {strides = array<i32>} : memref<128xi32, #tpu.memory_space<vmem>>, vector<16xi32>,
      %swap3A_179 = vector.shape_cast %swap3A_178 : vector<16xi32> to vector<16xi32>
      %swap3A_180 = vector.shape_cast %get3A_176 : vector<16xi32> to vector<16xi32>
      tpu.vector_store %arg9[%swap3A_177], %swap3A_180 {strides = array<i32>} : memref<128xi32, #tpu.memory_space<vmem>>, vector<16xi32>,
      %dma_start3A_181 = arith.constant 0 : i32
      %dma_start3A_182 = arith.constant 0 : i32
      %dma_start3A_183 = tpu.memref_slice %arg2[%dma_start3A_181, %dma_start3A_182] : memref<10112x128xf32, #tpu.memory_space<hbm>> -> memref<10112x128xf32, #tpu.memory_space<hbm>>
      tpu.enqueue_indirect_dma source(%dma_start3A_183 : memref<10112x128xf32, #tpu.memory_space<hbm>>) target(%arg13 : memref<128x128xf32, #tpu.memory_space<vmem>>) offsets(%arg9 : memref<128xi32, #tpu.memory_space<vmem>>) semaphore(%arg16 : memref<!tpu.dma_semaphore, #tpu.memory_space<semaphore_mem>>)
      %get3A_184 = arith.index_cast %mul3A_50 : i32 to index
      %get3A_185 = arith.constant 0 : index
      %get3A_186 = tpu.vector_load %arg7[%get3A_184, %get3A_185] {strides = array<i32>} : memref<40x128xi32, #tpu.memory_space<vmem>>, vector<1x16xi32>,
      %get3A_187 = vector.shape_cast %get3A_186 : vector<1x16xi32> to vector<16xi32>
      %swap3A_188 = arith.constant 0 : index
      %swap3A_189 = tpu.vector_load %arg10[%swap3A_188] {strides = array<i32>} : memref<128xi32, #tpu.memory_space<vmem>>, vector<16xi32>,
      %swap3A_190 = vector.shape_cast %swap3A_189 : vector<16xi32> to vector<16xi32>
      %swap3A_191 = vector.shape_cast %get3A_187 : vector<16xi32> to vector<16xi32>
      tpu.vector_store %arg10[%swap3A_188], %swap3A_191 {strides = array<i32>} : memref<128xi32, #tpu.memory_space<vmem>>, vector<16xi32>,
      %get3A_192 = arith.index_cast %mul3A_50 : i32 to index
      %get3A_193 = arith.constant 16 : index
      %get3A_194 = tpu.vector_load %arg7[%get3A_192, %get3A_193] {strides = array<i32>} : memref<40x128xi32, #tpu.memory_space<vmem>>, vector<1x16xi32>,
      %get3A_195 = vector.shape_cast %get3A_194 : vector<1x16xi32> to vector<16xi32>
      %swap3A_196 = arith.constant 16 : index
      %swap3A_197 = tpu.vector_load %arg10[%swap3A_196] {strides = array<i32>} : memref<128xi32, #tpu.memory_space<vmem>>, vector<16xi32>,
      %swap3A_198 = vector.shape_cast %swap3A_197 : vector<16xi32> to vector<16xi32>
      %swap3A_199 = vector.shape_cast %get3A_195 : vector<16xi32> to vector<16xi32>
      tpu.vector_store %arg10[%swap3A_196], %swap3A_199 {strides = array<i32>} : memref<128xi32, #tpu.memory_space<vmem>>, vector<16xi32>,
      %get3A_200 = arith.index_cast %mul3A_50 : i32 to index
      %get3A_201 = arith.constant 32 : index
      %get3A_202 = tpu.vector_load %arg7[%get3A_200, %get3A_201] {strides = array<i32>} : memref<40x128xi32, #tpu.memory_space<vmem>>, vector<1x16xi32>,
      %get3A_203 = vector.shape_cast %get3A_202 : vector<1x16xi32> to vector<16xi32>
      %swap3A_204 = arith.constant 32 : index
      %swap3A_205 = tpu.vector_load %arg10[%swap3A_204] {strides = array<i32>} : memref<128xi32, #tpu.memory_space<vmem>>, vector<16xi32>,
      %swap3A_206 = vector.shape_cast %swap3A_205 : vector<16xi32> to vector<16xi32>
      %swap3A_207 = vector.shape_cast %get3A_203 : vector<16xi32> to vector<16xi32>
      tpu.vector_store %arg10[%swap3A_204], %swap3A_207 {strides = array<i32>} : memref<128xi32, #tpu.memory_space<vmem>>, vector<16xi32>,
      %get3A_208 = arith.index_cast %mul3A_50 : i32 to index
      %get3A_209 = arith.constant 48 : index
      %get3A_210 = tpu.vector_load %arg7[%get3A_208, %get3A_209] {strides = array<i32>} : memref<40x128xi32, #tpu.memory_space<vmem>>, vector<1x16xi32>,
      %get3A_211 = vector.shape_cast %get3A_210 : vector<1x16xi32> to vector<16xi32>
      %swap3A_212 = arith.constant 48 : index
      %swap3A_213 = tpu.vector_load %arg10[%swap3A_212] {strides = array<i32>} : memref<128xi32, #tpu.memory_space<vmem>>, vector<16xi32>,
      %swap3A_214 = vector.shape_cast %swap3A_213 : vector<16xi32> to vector<16xi32>
      %swap3A_215 = vector.shape_cast %get3A_211 : vector<16xi32> to vector<16xi32>
      tpu.vector_store %arg10[%swap3A_212], %swap3A_215 {strides = array<i32>} : memref<128xi32, #tpu.memory_space<vmem>>, vector<16xi32>,
      %get3A_216 = arith.index_cast %mul3A_50 : i32 to index
      %get3A_217 = arith.constant 64 : index
      %get3A_218 = tpu.vector_load %arg7[%get3A_216, %get3A_217] {strides = array<i32>} : memref<40x128xi32, #tpu.memory_space<vmem>>, vector<1x16xi32>,
      %get3A_219 = vector.shape_cast %get3A_218 : vector<1x16xi32> to vector<16xi32>
      %swap3A_220 = arith.constant 64 : index
      %swap3A_221 = tpu.vector_load %arg10[%swap3A_220] {strides = array<i32>} : memref<128xi32, #tpu.memory_space<vmem>>, vector<16xi32>,
      %swap3A_222 = vector.shape_cast %swap3A_221 : vector<16xi32> to vector<16xi32>
      %swap3A_223 = vector.shape_cast %get3A_219 : vector<16xi32> to vector<16xi32>
      tpu.vector_store %arg10[%swap3A_220], %swap3A_223 {strides = array<i32>} : memref<128xi32, #tpu.memory_space<vmem>>, vector<16xi32>,
      %get3A_224 = arith.index_cast %mul3A_50 : i32 to index
      %get3A_225 = arith.constant 80 : index
      %get3A_226 = tpu.vector_load %arg7[%get3A_224, %get3A_225] {strides = array<i32>} : memref<40x128xi32, #tpu.memory_space<vmem>>, vector<1x16xi32>,
      %get3A_227 = vector.shape_cast %get3A_226 : vector<1x16xi32> to vector<16xi32>
      %swap3A_228 = arith.constant 80 : index
      %swap3A_229 = tpu.vector_load %arg10[%swap3A_228] {strides = array<i32>} : memref<128xi32, #tpu.memory_space<vmem>>, vector<16xi32>,
      %swap3A_230 = vector.shape_cast %swap3A_229 : vector<16xi32> to vector<16xi32>
      %swap3A_231 = vector.shape_cast %get3A_227 : vector<16xi32> to vector<16xi32>
      tpu.vector_store %arg10[%swap3A_228], %swap3A_231 {strides = array<i32>} : memref<128xi32, #tpu.memory_space<vmem>>, vector<16xi32>,
      %get3A_232 = arith.index_cast %mul3A_50 : i32 to index
      %get3A_233 = arith.constant 96 : index
      %get3A_234 = tpu.vector_load %arg7[%get3A_232, %get3A_233] {strides = array<i32>} : memref<40x128xi32, #tpu.memory_space<vmem>>, vector<1x16xi32>,
      %get3A_235 = vector.shape_cast %get3A_234 : vector<1x16xi32> to vector<16xi32>
      %swap3A_236 = arith.constant 96 : index
      %swap3A_237 = tpu.vector_load %arg10[%swap3A_236] {strides = array<i32>} : memref<128xi32, #tpu.memory_space<vmem>>, vector<16xi32>,
      %swap3A_238 = vector.shape_cast %swap3A_237 : vector<16xi32> to vector<16xi32>
      %swap3A_239 = vector.shape_cast %get3A_235 : vector<16xi32> to vector<16xi32>
      tpu.vector_store %arg10[%swap3A_236], %swap3A_239 {strides = array<i32>} : memref<128xi32, #tpu.memory_space<vmem>>, vector<16xi32>,
      %get3A_240 = arith.index_cast %mul3A_50 : i32 to index
      %get3A_241 = arith.constant 112 : index
      %get3A_242 = tpu.vector_load %arg7[%get3A_240, %get3A_241] {strides = array<i32>} : memref<40x128xi32, #tpu.memory_space<vmem>>, vector<1x16xi32>,
      %get3A_243 = vector.shape_cast %get3A_242 : vector<1x16xi32> to vector<16xi32>
      %swap3A_244 = arith.constant 112 : index
      %swap3A_245 = tpu.vector_load %arg10[%swap3A_244] {strides = array<i32>} : memref<128xi32, #tpu.memory_space<vmem>>, vector<16xi32>,
      %swap3A_246 = vector.shape_cast %swap3A_245 : vector<16xi32> to vector<16xi32>
      %swap3A_247 = vector.shape_cast %get3A_243 : vector<16xi32> to vector<16xi32>
      tpu.vector_store %arg10[%swap3A_244], %swap3A_247 {strides = array<i32>} : memref<128xi32, #tpu.memory_space<vmem>>, vector<16xi32>,
      %dma_wait3A = arith.constant 0 : i32
      %dma_wait3A_248 = arith.constant 0 : i32
      %dma_wait3A_249 = tpu.memref_slice %arg2[%dma_wait3A, %dma_wait3A_248] : memref<10112x128xf32, #tpu.memory_space<hbm>> -> memref<10112x128xf32, #tpu.memory_space<hbm>>
      tpu.wait_indirect_dma semaphore(%arg15 : memref<!tpu.dma_semaphore, #tpu.memory_space<semaphore_mem>>) src(%dma_wait3A_249 : memref<10112x128xf32, #tpu.memory_space<hbm>>) dst(%arg12 : memref<128x128xf32, #tpu.memory_space<vmem>>)
      "tpu.region"() ({
        %run_scoped3A = tpu.sem_alloc : memref<!tpu.dma_semaphore, #tpu.memory_space<semaphore_mem>>
        %dma_start3A_319 = arith.constant 0 : i32
        %dma_start3A_320 = arith.constant 0 : i32
        %dma_start3A_321 = tpu.memref_slice %arg14[%dma_start3A_319, %dma_start3A_320] : memref<10112x128xf32, #tpu.memory_space<vmem_shared>> -> memref<10112x128xf32, #tpu.memory_space<vmem_shared>>
        tpu.enqueue_indirect_dma source(%arg12 : memref<128x128xf32, #tpu.memory_space<vmem>>) target(%dma_start3A_321 : memref<10112x128xf32, #tpu.memory_space<vmem_shared>>) offsets(%arg10 : memref<128xi32, #tpu.memory_space<vmem>>) semaphore(%run_scoped3A : memref<!tpu.dma_semaphore, #tpu.memory_space<semaphore_mem>>) {add = true}
        %dma_wait3A_322 = arith.constant 0 : i32
        %dma_wait3A_323 = arith.constant 0 : i32
        %dma_wait3A_324 = tpu.memref_slice %arg14[%dma_wait3A_322, %dma_wait3A_323] : memref<10112x128xf32, #tpu.memory_space<vmem_shared>> -> memref<10112x128xf32, #tpu.memory_space<vmem_shared>>
        tpu.wait_indirect_dma semaphore(%run_scoped3A : memref<!tpu.dma_semaphore, #tpu.memory_space<semaphore_mem>>) src(%arg12 : memref<128x128xf32, #tpu.memory_space<vmem>>) dst(%dma_wait3A_324 : memref<10112x128xf32, #tpu.memory_space<vmem_shared>>)
        tpu.yield
      }) : () -> ()
      %add3A_250 = arith.constant 1 : i32
      %add3A_251 = arith.addi %mul3A_50, %add3A_250 : i32
      %get3A_252 = arith.index_cast %add3A_251 : i32 to index
      %get3A_253 = arith.constant 0 : index
      %get3A_254 = tpu.vector_load %arg7[%get3A_252, %get3A_253] {strides = array<i32>} : memref<40x128xi32, #tpu.memory_space<vmem>>, vector<1x16xi32>,
      %get3A_255 = vector.shape_cast %get3A_254 : vector<1x16xi32> to vector<16xi32>
      %swap3A_256 = arith.constant 0 : index
      %swap3A_257 = tpu.vector_load %arg11[%swap3A_256] {strides = array<i32>} : memref<128xi32, #tpu.memory_space<vmem>>, vector<16xi32>,
      %swap3A_258 = vector.shape_cast %swap3A_257 : vector<16xi32> to vector<16xi32>
      %swap3A_259 = vector.shape_cast %get3A_255 : vector<16xi32> to vector<16xi32>
      tpu.vector_store %arg11[%swap3A_256], %swap3A_259 {strides = array<i32>} : memref<128xi32, #tpu.memory_space<vmem>>, vector<16xi32>,
      %get3A_260 = arith.index_cast %add3A_251 : i32 to index
      %get3A_261 = arith.constant 16 : index
      %get3A_262 = tpu.vector_load %arg7[%get3A_260, %get3A_261] {strides = array<i32>} : memref<40x128xi32, #tpu.memory_space<vmem>>, vector<1x16xi32>,
      %get3A_263 = vector.shape_cast %get3A_262 : vector<1x16xi32> to vector<16xi32>
      %swap3A_264 = arith.constant 16 : index
      %swap3A_265 = tpu.vector_load %arg11[%swap3A_264] {strides = array<i32>} : memref<128xi32, #tpu.memory_space<vmem>>, vector<16xi32>,
      %swap3A_266 = vector.shape_cast %swap3A_265 : vector<16xi32> to vector<16xi32>
      %swap3A_267 = vector.shape_cast %get3A_263 : vector<16xi32> to vector<16xi32>
      tpu.vector_store %arg11[%swap3A_264], %swap3A_267 {strides = array<i32>} : memref<128xi32, #tpu.memory_space<vmem>>, vector<16xi32>,
      %get3A_268 = arith.index_cast %add3A_251 : i32 to index
      %get3A_269 = arith.constant 32 : index
      %get3A_270 = tpu.vector_load %arg7[%get3A_268, %get3A_269] {strides = array<i32>} : memref<40x128xi32, #tpu.memory_space<vmem>>, vector<1x16xi32>,
      %get3A_271 = vector.shape_cast %get3A_270 : vector<1x16xi32> to vector<16xi32>
      %swap3A_272 = arith.constant 32 : index
      %swap3A_273 = tpu.vector_load %arg11[%swap3A_272] {strides = array<i32>} : memref<128xi32, #tpu.memory_space<vmem>>, vector<16xi32>,
      %swap3A_274 = vector.shape_cast %swap3A_273 : vector<16xi32> to vector<16xi32>
      %swap3A_275 = vector.shape_cast %get3A_271 : vector<16xi32> to vector<16xi32>
      tpu.vector_store %arg11[%swap3A_272], %swap3A_275 {strides = array<i32>} : memref<128xi32, #tpu.memory_space<vmem>>, vector<16xi32>,
      %get3A_276 = arith.index_cast %add3A_251 : i32 to index
      %get3A_277 = arith.constant 48 : index
      %get3A_278 = tpu.vector_load %arg7[%get3A_276, %get3A_277] {strides = array<i32>} : memref<40x128xi32, #tpu.memory_space<vmem>>, vector<1x16xi32>,
      %get3A_279 = vector.shape_cast %get3A_278 : vector<1x16xi32> to vector<16xi32>
      %swap3A_280 = arith.constant 48 : index
      %swap3A_281 = tpu.vector_load %arg11[%swap3A_280] {strides = array<i32>} : memref<128xi32, #tpu.memory_space<vmem>>, vector<16xi32>,
      %swap3A_282 = vector.shape_cast %swap3A_281 : vector<16xi32> to vector<16xi32>
      %swap3A_283 = vector.shape_cast %get3A_279 : vector<16xi32> to vector<16xi32>
      tpu.vector_store %arg11[%swap3A_280], %swap3A_283 {strides = array<i32>} : memref<128xi32, #tpu.memory_space<vmem>>, vector<16xi32>,
      %get3A_284 = arith.index_cast %add3A_251 : i32 to index
      %get3A_285 = arith.constant 64 : index
      %get3A_286 = tpu.vector_load %arg7[%get3A_284, %get3A_285] {strides = array<i32>} : memref<40x128xi32, #tpu.memory_space<vmem>>, vector<1x16xi32>,
      %get3A_287 = vector.shape_cast %get3A_286 : vector<1x16xi32> to vector<16xi32>
      %swap3A_288 = arith.constant 64 : index
      %swap3A_289 = tpu.vector_load %arg11[%swap3A_288] {strides = array<i32>} : memref<128xi32, #tpu.memory_space<vmem>>, vector<16xi32>,
      %swap3A_290 = vector.shape_cast %swap3A_289 : vector<16xi32> to vector<16xi32>
      %swap3A_291 = vector.shape_cast %get3A_287 : vector<16xi32> to vector<16xi32>
      tpu.vector_store %arg11[%swap3A_288], %swap3A_291 {strides = array<i32>} : memref<128xi32, #tpu.memory_space<vmem>>, vector<16xi32>,
      %get3A_292 = arith.index_cast %add3A_251 : i32 to index
      %get3A_293 = arith.constant 80 : index
      %get3A_294 = tpu.vector_load %arg7[%get3A_292, %get3A_293] {strides = array<i32>} : memref<40x128xi32, #tpu.memory_space<vmem>>, vector<1x16xi32>,
      %get3A_295 = vector.shape_cast %get3A_294 : vector<1x16xi32> to vector<16xi32>
      %swap3A_296 = arith.constant 80 : index
      %swap3A_297 = tpu.vector_load %arg11[%swap3A_296] {strides = array<i32>} : memref<128xi32, #tpu.memory_space<vmem>>, vector<16xi32>,
      %swap3A_298 = vector.shape_cast %swap3A_297 : vector<16xi32> to vector<16xi32>
      %swap3A_299 = vector.shape_cast %get3A_295 : vector<16xi32> to vector<16xi32>
      tpu.vector_store %arg11[%swap3A_296], %swap3A_299 {strides = array<i32>} : memref<128xi32, #tpu.memory_space<vmem>>, vector<16xi32>,
      %get3A_300 = arith.index_cast %add3A_251 : i32 to index
      %get3A_301 = arith.constant 96 : index
      %get3A_302 = tpu.vector_load %arg7[%get3A_300, %get3A_301] {strides = array<i32>} : memref<40x128xi32, #tpu.memory_space<vmem>>, vector<1x16xi32>,
      %get3A_303 = vector.shape_cast %get3A_302 : vector<1x16xi32> to vector<16xi32>
      %swap3A_304 = arith.constant 96 : index
      %swap3A_305 = tpu.vector_load %arg11[%swap3A_304] {strides = array<i32>} : memref<128xi32, #tpu.memory_space<vmem>>, vector<16xi32>,
      %swap3A_306 = vector.shape_cast %swap3A_305 : vector<16xi32> to vector<16xi32>
      %swap3A_307 = vector.shape_cast %get3A_303 : vector<16xi32> to vector<16xi32>
      tpu.vector_store %arg11[%swap3A_304], %swap3A_307 {strides = array<i32>} : memref<128xi32, #tpu.memory_space<vmem>>, vector<16xi32>,
      %get3A_308 = arith.index_cast %add3A_251 : i32 to index
      %get3A_309 = arith.constant 112 : index
      %get3A_310 = tpu.vector_load %arg7[%get3A_308, %get3A_309] {strides = array<i32>} : memref<40x128xi32, #tpu.memory_space<vmem>>, vector<1x16xi32>,
      %get3A_311 = vector.shape_cast %get3A_310 : vector<1x16xi32> to vector<16xi32>
      %swap3A_312 = arith.constant 112 : index
      %swap3A_313 = tpu.vector_load %arg11[%swap3A_312] {strides = array<i32>} : memref<128xi32, #tpu.memory_space<vmem>>, vector<16xi32>,
      %swap3A_314 = vector.shape_cast %swap3A_313 : vector<16xi32> to vector<16xi32>
      %swap3A_315 = vector.shape_cast %get3A_311 : vector<16xi32> to vector<16xi32>
      tpu.vector_store %arg11[%swap3A_312], %swap3A_315 {strides = array<i32>} : memref<128xi32, #tpu.memory_space<vmem>>, vector<16xi32>,
      %dma_wait3A_316 = arith.constant 0 : i32
      %dma_wait3A_317 = arith.constant 0 : i32
      %dma_wait3A_318 = tpu.memref_slice %arg2[%dma_wait3A_316, %dma_wait3A_317] : memref<10112x128xf32, #tpu.memory_space<hbm>> -> memref<10112x128xf32, #tpu.memory_space<hbm>>
      tpu.wait_indirect_dma semaphore(%arg16 : memref<!tpu.dma_semaphore, #tpu.memory_space<semaphore_mem>>) src(%dma_wait3A_318 : memref<10112x128xf32, #tpu.memory_space<hbm>>) dst(%arg13 : memref<128x128xf32, #tpu.memory_space<vmem>>)
      "tpu.region"() ({
        %run_scoped3A = tpu.sem_alloc : memref<!tpu.dma_semaphore, #tpu.memory_space<semaphore_mem>>
        %dma_start3A_319 = arith.constant 0 : i32
        %dma_start3A_320 = arith.constant 0 : i32
        %dma_start3A_321 = tpu.memref_slice %arg14[%dma_start3A_319, %dma_start3A_320] : memref<10112x128xf32, #tpu.memory_space<vmem_shared>> -> memref<10112x128xf32, #tpu.memory_space<vmem_shared>>
        tpu.enqueue_indirect_dma source(%arg13 : memref<128x128xf32, #tpu.memory_space<vmem>>) target(%dma_start3A_321 : memref<10112x128xf32, #tpu.memory_space<vmem_shared>>) offsets(%arg11 : memref<128xi32, #tpu.memory_space<vmem>>) semaphore(%run_scoped3A : memref<!tpu.dma_semaphore, #tpu.memory_space<semaphore_mem>>) {add = true}
        %dma_wait3A_322 = arith.constant 0 : i32
        %dma_wait3A_323 = arith.constant 0 : i32
        %dma_wait3A_324 = tpu.memref_slice %arg14[%dma_wait3A_322, %dma_wait3A_323] : memref<10112x128xf32, #tpu.memory_space<vmem_shared>> -> memref<10112x128xf32, #tpu.memory_space<vmem_shared>>
        tpu.wait_indirect_dma semaphore(%run_scoped3A : memref<!tpu.dma_semaphore, #tpu.memory_space<semaphore_mem>>) src(%arg13 : memref<128x128xf32, #tpu.memory_space<vmem>>) dst(%dma_wait3A_324 : memref<10112x128xf32, #tpu.memory_space<vmem_shared>>)
        tpu.yield
      }) : () -> ()
    }
    %scan3A_42 = arith.constant 20 : i32
    %barrier3A_43 = arith.constant 0 : index
    tpu.barrier barrier_id(%barrier3A_43)
    "tpu.region"() ({
      %run_scoped3A = tpu.sem_alloc : memref<!tpu.dma_semaphore, #tpu.memory_space<semaphore_mem>>
      %dma_start3A = arith.constant 0 : i32
      %dma_start3A_44 = tpu.memref_slice %arg5[%arg0, %mul3A_2, %dma_start3A] : memref<2x10112x128xf32, #tpu.memory_space<hbm>> -> memref<1x632x128xf32, #tpu.memory_space<hbm>>
      %dma_start3A_45 = tpu.memref_squeeze %dma_start3A_44 : memref<1x632x128xf32, #tpu.memory_space<hbm>> -> memref<632x128xf32, #tpu.memory_space<hbm>>
      %dma_start3A_46 = arith.constant 0 : i32
      %dma_start3A_47 = tpu.memref_slice %arg14[%mul3A_2, %dma_start3A_46] : memref<10112x128xf32, #tpu.memory_space<vmem_shared>> -> memref<632x128xf32, #tpu.memory_space<vmem_shared>>
      tpu.enqueue_dma source(%dma_start3A_47 : memref<632x128xf32, #tpu.memory_space<vmem_shared>>) target(%dma_start3A_45 : memref<632x128xf32, #tpu.memory_space<hbm>>) target_semaphore(%run_scoped3A : memref<!tpu.dma_semaphore, #tpu.memory_space<semaphore_mem>>)
      %dma_wait3A = arith.constant 0 : i32
      %dma_wait3A_48 = tpu.memref_slice %arg5[%arg0, %mul3A_2, %dma_wait3A] : memref<2x10112x128xf32, #tpu.memory_space<hbm>> -> memref<1x632x128xf32, #tpu.memory_space<hbm>>
      %dma_wait3A_49 = tpu.memref_squeeze %dma_wait3A_48 : memref<1x632x128xf32, #tpu.memory_space<hbm>> -> memref<632x128xf32, #tpu.memory_space<hbm>>
      %dma_wait3A_50 = arith.constant 0 : i32
      %dma_wait3A_51 = tpu.memref_slice %arg14[%mul3A_2, %dma_wait3A_50] : memref<10112x128xf32, #tpu.memory_space<vmem_shared>> -> memref<632x128xf32, #tpu.memory_space<vmem_shared>>
      tpu.wait_dma2 semaphore(%run_scoped3A : memref<!tpu.dma_semaphore, #tpu.memory_space<semaphore_mem>>) src(%dma_wait3A_51 : memref<632x128xf32, #tpu.memory_space<vmem_shared>>) dst(%dma_wait3A_49 : memref<632x128xf32, #tpu.memory_space<hbm>>)
      tpu.yield
    }) : () -> ()
    return
  }
}

#map = affine_map<(d0, d1) -> (0, 0)>
#map1 = affine_map<(d0, d1) -> (0, 0, 0)>
module attributes {stable_mosaic.version = 14 : i64} {
  func.func @_deg_body(%arg0: i32, %arg1: i32, %arg2: memref<2560x128xi32, #tpu.memory_space<hbm>>, %arg3: memref<2x10112x128xf32, #tpu.memory_space<hbm>>, %arg4: memref<80x128xi32, #tpu.memory_space<vmem>>, %arg5: memref<128xi32, #tpu.memory_space<vmem>>, %arg6: memref<128x128xf32, #tpu.memory_space<vmem>>, %arg7: memref<128x128xf32, #tpu.memory_space<vmem>>, %arg8: memref<10112x128xf32, #tpu.memory_space<vmem_shared>>) attributes {dimension_semantics = [#tpu.dimension_semantics<core_parallel>, #tpu.dimension_semantics<subcore_parallel>], iteration_bounds = array<i64: 2, 16>, scalar_prefetch = 0 : i64, scratch_operands = 5 : i64, tpu.core_type = #tpu.core_type<sc_vector_subcore>, window_params = [{transform_indices = #map}, {transform_indices = #map1}]} {
    %mul3A = arith.constant 16 : i32
    %mul3A_0 = arith.muli %arg0, %mul3A : i32
    %add3A = arith.addi %mul3A_0, %arg1 : i32
    %mul3A_1 = arith.constant 632 : i32
    %mul3A_2 = arith.muli %arg1, %mul3A_1 : i32
    %mul3A_3 = arith.constant 80 : i32
    %mul3A_4 = arith.muli %add3A, %mul3A_3 : i32
    "tpu.region"() ({
      %run_scoped3A = tpu.sem_alloc : memref<!tpu.dma_semaphore, #tpu.memory_space<semaphore_mem>>
      %dma_start3A = arith.constant 0 : i32
      %dma_start3A_25 = tpu.memref_slice %arg2[%mul3A_4, %dma_start3A] : memref<2560x128xi32, #tpu.memory_space<hbm>> -> memref<80x128xi32, #tpu.memory_space<hbm>>
      %dma_start3A_26 = arith.constant 0 : i32
      %dma_start3A_27 = tpu.memref_slice %arg2[%mul3A_4, %dma_start3A_26] : memref<2560x128xi32, #tpu.memory_space<hbm>> -> memref<80x128xi32, #tpu.memory_space<hbm>>
      tpu.enqueue_dma source(%dma_start3A_27 : memref<80x128xi32, #tpu.memory_space<hbm>>) target(%arg4 : memref<80x128xi32, #tpu.memory_space<vmem>>) target_semaphore(%run_scoped3A : memref<!tpu.dma_semaphore, #tpu.memory_space<semaphore_mem>>)
      %dma_wait3A = arith.constant 0 : i32
      %dma_wait3A_28 = tpu.memref_slice %arg2[%mul3A_4, %dma_wait3A] : memref<2560x128xi32, #tpu.memory_space<hbm>> -> memref<80x128xi32, #tpu.memory_space<hbm>>
      %dma_wait3A_29 = arith.constant 0 : i32
      %dma_wait3A_30 = tpu.memref_slice %arg2[%mul3A_4, %dma_wait3A_29] : memref<2560x128xi32, #tpu.memory_space<hbm>> -> memref<80x128xi32, #tpu.memory_space<hbm>>
      tpu.wait_dma2 semaphore(%run_scoped3A : memref<!tpu.dma_semaphore, #tpu.memory_space<semaphore_mem>>) src(%dma_wait3A_30 : memref<80x128xi32, #tpu.memory_space<hbm>>) dst(%arg4 : memref<80x128xi32, #tpu.memory_space<vmem>>)
      tpu.yield
    }) : () -> ()
    %scan3A = arith.constant 0 : i32
    %scan3A_5 = arith.constant 128 : i32
    %scan3A_6 = arith.addi %scan3A, %scan3A_5 : i32
    %scan3A_7 = arith.constant 1 : i32
    scf.for %scan3A_25 = %scan3A to %scan3A_6 step %scan3A_7  : i32 {
      %mul3A_26 = arith.constant 1 : i32
      %mul3A_27 = arith.muli %scan3A_25, %mul3A_26 : i32
      %add3A_28 = arith.constant 0 : i32
      %add3A_29 = arith.addi %add3A_28, %mul3A_27 : i32
      %broadcast_in_dim3A = arith.constant 0.000000e+00 : f32
      %broadcast_in_dim3A_30 = vector.broadcast %broadcast_in_dim3A : f32 to vector<16xf32>
      %swap3A = arith.index_cast %add3A_29 : i32 to index
      %swap3A_31 = arith.constant 0 : index
      %swap3A_32 = tpu.vector_load %arg6[%swap3A, %swap3A_31] {strides = array<i32>} : memref<128x128xf32, #tpu.memory_space<vmem>>, vector<1x16xf32>,
      %swap3A_33 = vector.shape_cast %swap3A_32 : vector<1x16xf32> to vector<16xf32>
      %swap3A_34 = vector.shape_cast %broadcast_in_dim3A_30 : vector<16xf32> to vector<1x16xf32>
      tpu.vector_store %arg6[%swap3A, %swap3A_31], %swap3A_34 {strides = array<i32>} : memref<128x128xf32, #tpu.memory_space<vmem>>, vector<1x16xf32>,
      %broadcast_in_dim3A_35 = arith.constant 1.000000e+00 : f32
      %broadcast_in_dim3A_36 = vector.broadcast %broadcast_in_dim3A_35 : f32 to vector<16xf32>
      %swap3A_37 = arith.index_cast %add3A_29 : i32 to index
      %swap3A_38 = arith.constant 0 : index
      %swap3A_39 = tpu.vector_load %arg7[%swap3A_37, %swap3A_38] {strides = array<i32>} : memref<128x128xf32, #tpu.memory_space<vmem>>, vector<1x16xf32>,
      %swap3A_40 = vector.shape_cast %swap3A_39 : vector<1x16xf32> to vector<16xf32>
      %swap3A_41 = vector.shape_cast %broadcast_in_dim3A_36 : vector<16xf32> to vector<1x16xf32>
      tpu.vector_store %arg7[%swap3A_37, %swap3A_38], %swap3A_41 {strides = array<i32>} : memref<128x128xf32, #tpu.memory_space<vmem>>, vector<1x16xf32>,
      %broadcast_in_dim3A_42 = arith.constant 0.000000e+00 : f32
      %broadcast_in_dim3A_43 = vector.broadcast %broadcast_in_dim3A_42 : f32 to vector<16xf32>
      %swap3A_44 = arith.index_cast %add3A_29 : i32 to index
      %swap3A_45 = arith.constant 16 : index
      %swap3A_46 = tpu.vector_load %arg6[%swap3A_44, %swap3A_45] {strides = array<i32>} : memref<128x128xf32, #tpu.memory_space<vmem>>, vector<1x16xf32>,
      %swap3A_47 = vector.shape_cast %swap3A_46 : vector<1x16xf32> to vector<16xf32>
      %swap3A_48 = vector.shape_cast %broadcast_in_dim3A_43 : vector<16xf32> to vector<1x16xf32>
      tpu.vector_store %arg6[%swap3A_44, %swap3A_45], %swap3A_48 {strides = array<i32>} : memref<128x128xf32, #tpu.memory_space<vmem>>, vector<1x16xf32>,
      %broadcast_in_dim3A_49 = arith.constant 1.000000e+00 : f32
      %broadcast_in_dim3A_50 = vector.broadcast %broadcast_in_dim3A_49 : f32 to vector<16xf32>
      %swap3A_51 = arith.index_cast %add3A_29 : i32 to index
      %swap3A_52 = arith.constant 16 : index
      %swap3A_53 = tpu.vector_load %arg7[%swap3A_51, %swap3A_52] {strides = array<i32>} : memref<128x128xf32, #tpu.memory_space<vmem>>, vector<1x16xf32>,
      %swap3A_54 = vector.shape_cast %swap3A_53 : vector<1x16xf32> to vector<16xf32>
      %swap3A_55 = vector.shape_cast %broadcast_in_dim3A_50 : vector<16xf32> to vector<1x16xf32>
      tpu.vector_store %arg7[%swap3A_51, %swap3A_52], %swap3A_55 {strides = array<i32>} : memref<128x128xf32, #tpu.memory_space<vmem>>, vector<1x16xf32>,
      %broadcast_in_dim3A_56 = arith.constant 0.000000e+00 : f32
      %broadcast_in_dim3A_57 = vector.broadcast %broadcast_in_dim3A_56 : f32 to vector<16xf32>
      %swap3A_58 = arith.index_cast %add3A_29 : i32 to index
      %swap3A_59 = arith.constant 32 : index
      %swap3A_60 = tpu.vector_load %arg6[%swap3A_58, %swap3A_59] {strides = array<i32>} : memref<128x128xf32, #tpu.memory_space<vmem>>, vector<1x16xf32>,
      %swap3A_61 = vector.shape_cast %swap3A_60 : vector<1x16xf32> to vector<16xf32>
      %swap3A_62 = vector.shape_cast %broadcast_in_dim3A_57 : vector<16xf32> to vector<1x16xf32>
      tpu.vector_store %arg6[%swap3A_58, %swap3A_59], %swap3A_62 {strides = array<i32>} : memref<128x128xf32, #tpu.memory_space<vmem>>, vector<1x16xf32>,
      %broadcast_in_dim3A_63 = arith.constant 1.000000e+00 : f32
      %broadcast_in_dim3A_64 = vector.broadcast %broadcast_in_dim3A_63 : f32 to vector<16xf32>
      %swap3A_65 = arith.index_cast %add3A_29 : i32 to index
      %swap3A_66 = arith.constant 32 : index
      %swap3A_67 = tpu.vector_load %arg7[%swap3A_65, %swap3A_66] {strides = array<i32>} : memref<128x128xf32, #tpu.memory_space<vmem>>, vector<1x16xf32>,
      %swap3A_68 = vector.shape_cast %swap3A_67 : vector<1x16xf32> to vector<16xf32>
      %swap3A_69 = vector.shape_cast %broadcast_in_dim3A_64 : vector<16xf32> to vector<1x16xf32>
      tpu.vector_store %arg7[%swap3A_65, %swap3A_66], %swap3A_69 {strides = array<i32>} : memref<128x128xf32, #tpu.memory_space<vmem>>, vector<1x16xf32>,
      %broadcast_in_dim3A_70 = arith.constant 0.000000e+00 : f32
      %broadcast_in_dim3A_71 = vector.broadcast %broadcast_in_dim3A_70 : f32 to vector<16xf32>
      %swap3A_72 = arith.index_cast %add3A_29 : i32 to index
      %swap3A_73 = arith.constant 48 : index
      %swap3A_74 = tpu.vector_load %arg6[%swap3A_72, %swap3A_73] {strides = array<i32>} : memref<128x128xf32, #tpu.memory_space<vmem>>, vector<1x16xf32>,
      %swap3A_75 = vector.shape_cast %swap3A_74 : vector<1x16xf32> to vector<16xf32>
      %swap3A_76 = vector.shape_cast %broadcast_in_dim3A_71 : vector<16xf32> to vector<1x16xf32>
      tpu.vector_store %arg6[%swap3A_72, %swap3A_73], %swap3A_76 {strides = array<i32>} : memref<128x128xf32, #tpu.memory_space<vmem>>, vector<1x16xf32>,
      %broadcast_in_dim3A_77 = arith.constant 1.000000e+00 : f32
      %broadcast_in_dim3A_78 = vector.broadcast %broadcast_in_dim3A_77 : f32 to vector<16xf32>
      %swap3A_79 = arith.index_cast %add3A_29 : i32 to index
      %swap3A_80 = arith.constant 48 : index
      %swap3A_81 = tpu.vector_load %arg7[%swap3A_79, %swap3A_80] {strides = array<i32>} : memref<128x128xf32, #tpu.memory_space<vmem>>, vector<1x16xf32>,
      %swap3A_82 = vector.shape_cast %swap3A_81 : vector<1x16xf32> to vector<16xf32>
      %swap3A_83 = vector.shape_cast %broadcast_in_dim3A_78 : vector<16xf32> to vector<1x16xf32>
      tpu.vector_store %arg7[%swap3A_79, %swap3A_80], %swap3A_83 {strides = array<i32>} : memref<128x128xf32, #tpu.memory_space<vmem>>, vector<1x16xf32>,
      %broadcast_in_dim3A_84 = arith.constant 0.000000e+00 : f32
      %broadcast_in_dim3A_85 = vector.broadcast %broadcast_in_dim3A_84 : f32 to vector<16xf32>
      %swap3A_86 = arith.index_cast %add3A_29 : i32 to index
      %swap3A_87 = arith.constant 64 : index
      %swap3A_88 = tpu.vector_load %arg6[%swap3A_86, %swap3A_87] {strides = array<i32>} : memref<128x128xf32, #tpu.memory_space<vmem>>, vector<1x16xf32>,
      %swap3A_89 = vector.shape_cast %swap3A_88 : vector<1x16xf32> to vector<16xf32>
      %swap3A_90 = vector.shape_cast %broadcast_in_dim3A_85 : vector<16xf32> to vector<1x16xf32>
      tpu.vector_store %arg6[%swap3A_86, %swap3A_87], %swap3A_90 {strides = array<i32>} : memref<128x128xf32, #tpu.memory_space<vmem>>, vector<1x16xf32>,
      %broadcast_in_dim3A_91 = arith.constant 1.000000e+00 : f32
      %broadcast_in_dim3A_92 = vector.broadcast %broadcast_in_dim3A_91 : f32 to vector<16xf32>
      %swap3A_93 = arith.index_cast %add3A_29 : i32 to index
      %swap3A_94 = arith.constant 64 : index
      %swap3A_95 = tpu.vector_load %arg7[%swap3A_93, %swap3A_94] {strides = array<i32>} : memref<128x128xf32, #tpu.memory_space<vmem>>, vector<1x16xf32>,
      %swap3A_96 = vector.shape_cast %swap3A_95 : vector<1x16xf32> to vector<16xf32>
      %swap3A_97 = vector.shape_cast %broadcast_in_dim3A_92 : vector<16xf32> to vector<1x16xf32>
      tpu.vector_store %arg7[%swap3A_93, %swap3A_94], %swap3A_97 {strides = array<i32>} : memref<128x128xf32, #tpu.memory_space<vmem>>, vector<1x16xf32>,
      %broadcast_in_dim3A_98 = arith.constant 0.000000e+00 : f32
      %broadcast_in_dim3A_99 = vector.broadcast %broadcast_in_dim3A_98 : f32 to vector<16xf32>
      %swap3A_100 = arith.index_cast %add3A_29 : i32 to index
      %swap3A_101 = arith.constant 80 : index
      %swap3A_102 = tpu.vector_load %arg6[%swap3A_100, %swap3A_101] {strides = array<i32>} : memref<128x128xf32, #tpu.memory_space<vmem>>, vector<1x16xf32>,
      %swap3A_103 = vector.shape_cast %swap3A_102 : vector<1x16xf32> to vector<16xf32>
      %swap3A_104 = vector.shape_cast %broadcast_in_dim3A_99 : vector<16xf32> to vector<1x16xf32>
      tpu.vector_store %arg6[%swap3A_100, %swap3A_101], %swap3A_104 {strides = array<i32>} : memref<128x128xf32, #tpu.memory_space<vmem>>, vector<1x16xf32>,
      %broadcast_in_dim3A_105 = arith.constant 1.000000e+00 : f32
      %broadcast_in_dim3A_106 = vector.broadcast %broadcast_in_dim3A_105 : f32 to vector<16xf32>
      %swap3A_107 = arith.index_cast %add3A_29 : i32 to index
      %swap3A_108 = arith.constant 80 : index
      %swap3A_109 = tpu.vector_load %arg7[%swap3A_107, %swap3A_108] {strides = array<i32>} : memref<128x128xf32, #tpu.memory_space<vmem>>, vector<1x16xf32>,
      %swap3A_110 = vector.shape_cast %swap3A_109 : vector<1x16xf32> to vector<16xf32>
      %swap3A_111 = vector.shape_cast %broadcast_in_dim3A_106 : vector<16xf32> to vector<1x16xf32>
      tpu.vector_store %arg7[%swap3A_107, %swap3A_108], %swap3A_111 {strides = array<i32>} : memref<128x128xf32, #tpu.memory_space<vmem>>, vector<1x16xf32>,
      %broadcast_in_dim3A_112 = arith.constant 0.000000e+00 : f32
      %broadcast_in_dim3A_113 = vector.broadcast %broadcast_in_dim3A_112 : f32 to vector<16xf32>
      %swap3A_114 = arith.index_cast %add3A_29 : i32 to index
      %swap3A_115 = arith.constant 96 : index
      %swap3A_116 = tpu.vector_load %arg6[%swap3A_114, %swap3A_115] {strides = array<i32>} : memref<128x128xf32, #tpu.memory_space<vmem>>, vector<1x16xf32>,
      %swap3A_117 = vector.shape_cast %swap3A_116 : vector<1x16xf32> to vector<16xf32>
      %swap3A_118 = vector.shape_cast %broadcast_in_dim3A_113 : vector<16xf32> to vector<1x16xf32>
      tpu.vector_store %arg6[%swap3A_114, %swap3A_115], %swap3A_118 {strides = array<i32>} : memref<128x128xf32, #tpu.memory_space<vmem>>, vector<1x16xf32>,
      %broadcast_in_dim3A_119 = arith.constant 1.000000e+00 : f32
      %broadcast_in_dim3A_120 = vector.broadcast %broadcast_in_dim3A_119 : f32 to vector<16xf32>
      %swap3A_121 = arith.index_cast %add3A_29 : i32 to index
      %swap3A_122 = arith.constant 96 : index
      %swap3A_123 = tpu.vector_load %arg7[%swap3A_121, %swap3A_122] {strides = array<i32>} : memref<128x128xf32, #tpu.memory_space<vmem>>, vector<1x16xf32>,
      %swap3A_124 = vector.shape_cast %swap3A_123 : vector<1x16xf32> to vector<16xf32>
      %swap3A_125 = vector.shape_cast %broadcast_in_dim3A_120 : vector<16xf32> to vector<1x16xf32>
      tpu.vector_store %arg7[%swap3A_121, %swap3A_122], %swap3A_125 {strides = array<i32>} : memref<128x128xf32, #tpu.memory_space<vmem>>, vector<1x16xf32>,
      %broadcast_in_dim3A_126 = arith.constant 0.000000e+00 : f32
      %broadcast_in_dim3A_127 = vector.broadcast %broadcast_in_dim3A_126 : f32 to vector<16xf32>
      %swap3A_128 = arith.index_cast %add3A_29 : i32 to index
      %swap3A_129 = arith.constant 112 : index
      %swap3A_130 = tpu.vector_load %arg6[%swap3A_128, %swap3A_129] {strides = array<i32>} : memref<128x128xf32, #tpu.memory_space<vmem>>, vector<1x16xf32>,
      %swap3A_131 = vector.shape_cast %swap3A_130 : vector<1x16xf32> to vector<16xf32>
      %swap3A_132 = vector.shape_cast %broadcast_in_dim3A_127 : vector<16xf32> to vector<1x16xf32>
      tpu.vector_store %arg6[%swap3A_128, %swap3A_129], %swap3A_132 {strides = array<i32>} : memref<128x128xf32, #tpu.memory_space<vmem>>, vector<1x16xf32>,
      %broadcast_in_dim3A_133 = arith.constant 1.000000e+00 : f32
      %broadcast_in_dim3A_134 = vector.broadcast %broadcast_in_dim3A_133 : f32 to vector<16xf32>
      %swap3A_135 = arith.index_cast %add3A_29 : i32 to index
      %swap3A_136 = arith.constant 112 : index
      %swap3A_137 = tpu.vector_load %arg7[%swap3A_135, %swap3A_136] {strides = array<i32>} : memref<128x128xf32, #tpu.memory_space<vmem>>, vector<1x16xf32>,
      %swap3A_138 = vector.shape_cast %swap3A_137 : vector<1x16xf32> to vector<16xf32>
      %swap3A_139 = vector.shape_cast %broadcast_in_dim3A_134 : vector<16xf32> to vector<1x16xf32>
      tpu.vector_store %arg7[%swap3A_135, %swap3A_136], %swap3A_139 {strides = array<i32>} : memref<128x128xf32, #tpu.memory_space<vmem>>, vector<1x16xf32>,
    }
    %scan3A_8 = arith.constant 128 : i32
    %add3A_9 = arith.constant 0 : i32
    %add3A_10 = arith.addi %mul3A_2, %add3A_9 : i32
    "tpu.region"() ({
      %run_scoped3A = tpu.sem_alloc : memref<!tpu.dma_semaphore, #tpu.memory_space<semaphore_mem>>
      %dma_start3A = arith.constant 0 : i32
      %dma_start3A_25 = tpu.memref_slice %arg8[%add3A_10, %dma_start3A] : memref<10112x128xf32, #tpu.memory_space<vmem_shared>> -> memref<128x128xf32, #tpu.memory_space<vmem_shared>>
      %dma_start3A_26 = arith.constant 0 : i32
      %dma_start3A_27 = tpu.memref_slice %arg8[%add3A_10, %dma_start3A_26] : memref<10112x128xf32, #tpu.memory_space<vmem_shared>> -> memref<128x128xf32, #tpu.memory_space<vmem_shared>>
      tpu.enqueue_dma source(%arg6 : memref<128x128xf32, #tpu.memory_space<vmem>>) target(%dma_start3A_27 : memref<128x128xf32, #tpu.memory_space<vmem_shared>>) target_semaphore(%run_scoped3A : memref<!tpu.dma_semaphore, #tpu.memory_space<semaphore_mem>>)
      %dma_wait3A = arith.constant 0 : i32
      %dma_wait3A_28 = tpu.memref_slice %arg8[%add3A_10, %dma_wait3A] : memref<10112x128xf32, #tpu.memory_space<vmem_shared>> -> memref<128x128xf32, #tpu.memory_space<vmem_shared>>
      %dma_wait3A_29 = arith.constant 0 : i32
      %dma_wait3A_30 = tpu.memref_slice %arg8[%add3A_10, %dma_wait3A_29] : memref<10112x128xf32, #tpu.memory_space<vmem_shared>> -> memref<128x128xf32, #tpu.memory_space<vmem_shared>>
      tpu.wait_dma2 semaphore(%run_scoped3A : memref<!tpu.dma_semaphore, #tpu.memory_space<semaphore_mem>>) src(%arg6 : memref<128x128xf32, #tpu.memory_space<vmem>>) dst(%dma_wait3A_30 : memref<128x128xf32, #tpu.memory_space<vmem_shared>>)
      tpu.yield
    }) : () -> ()
    %add3A_11 = arith.constant 128 : i32
    %add3A_12 = arith.addi %mul3A_2, %add3A_11 : i32
    "tpu.region"() ({
      %run_scoped3A = tpu.sem_alloc : memref<!tpu.dma_semaphore, #tpu.memory_space<semaphore_mem>>
      %dma_start3A = arith.constant 0 : i32
      %dma_start3A_25 = tpu.memref_slice %arg8[%add3A_12, %dma_start3A] : memref<10112x128xf32, #tpu.memory_space<vmem_shared>> -> memref<128x128xf32, #tpu.memory_space<vmem_shared>>
      %dma_start3A_26 = arith.constant 0 : i32
      %dma_start3A_27 = tpu.memref_slice %arg8[%add3A_12, %dma_start3A_26] : memref<10112x128xf32, #tpu.memory_space<vmem_shared>> -> memref<128x128xf32, #tpu.memory_space<vmem_shared>>
      tpu.enqueue_dma source(%arg6 : memref<128x128xf32, #tpu.memory_space<vmem>>) target(%dma_start3A_27 : memref<128x128xf32, #tpu.memory_space<vmem_shared>>) target_semaphore(%run_scoped3A : memref<!tpu.dma_semaphore, #tpu.memory_space<semaphore_mem>>)
      %dma_wait3A = arith.constant 0 : i32
      %dma_wait3A_28 = tpu.memref_slice %arg8[%add3A_12, %dma_wait3A] : memref<10112x128xf32, #tpu.memory_space<vmem_shared>> -> memref<128x128xf32, #tpu.memory_space<vmem_shared>>
      %dma_wait3A_29 = arith.constant 0 : i32
      %dma_wait3A_30 = tpu.memref_slice %arg8[%add3A_12, %dma_wait3A_29] : memref<10112x128xf32, #tpu.memory_space<vmem_shared>> -> memref<128x128xf32, #tpu.memory_space<vmem_shared>>
      tpu.wait_dma2 semaphore(%run_scoped3A : memref<!tpu.dma_semaphore, #tpu.memory_space<semaphore_mem>>) src(%arg6 : memref<128x128xf32, #tpu.memory_space<vmem>>) dst(%dma_wait3A_30 : memref<128x128xf32, #tpu.memory_space<vmem_shared>>)
      tpu.yield
    }) : () -> ()
    %add3A_13 = arith.constant 256 : i32
    %add3A_14 = arith.addi %mul3A_2, %add3A_13 : i32
    "tpu.region"() ({
      %run_scoped3A = tpu.sem_alloc : memref<!tpu.dma_semaphore, #tpu.memory_space<semaphore_mem>>
      %dma_start3A = arith.constant 0 : i32
      %dma_start3A_25 = tpu.memref_slice %arg8[%add3A_14, %dma_start3A] : memref<10112x128xf32, #tpu.memory_space<vmem_shared>> -> memref<128x128xf32, #tpu.memory_space<vmem_shared>>
      %dma_start3A_26 = arith.constant 0 : i32
      %dma_start3A_27 = tpu.memref_slice %arg8[%add3A_14, %dma_start3A_26] : memref<10112x128xf32, #tpu.memory_space<vmem_shared>> -> memref<128x128xf32, #tpu.memory_space<vmem_shared>>
      tpu.enqueue_dma source(%arg6 : memref<128x128xf32, #tpu.memory_space<vmem>>) target(%dma_start3A_27 : memref<128x128xf32, #tpu.memory_space<vmem_shared>>) target_semaphore(%run_scoped3A : memref<!tpu.dma_semaphore, #tpu.memory_space<semaphore_mem>>)
      %dma_wait3A = arith.constant 0 : i32
      %dma_wait3A_28 = tpu.memref_slice %arg8[%add3A_14, %dma_wait3A] : memref<10112x128xf32, #tpu.memory_space<vmem_shared>> -> memref<128x128xf32, #tpu.memory_space<vmem_shared>>
      %dma_wait3A_29 = arith.constant 0 : i32
      %dma_wait3A_30 = tpu.memref_slice %arg8[%add3A_14, %dma_wait3A_29] : memref<10112x128xf32, #tpu.memory_space<vmem_shared>> -> memref<128x128xf32, #tpu.memory_space<vmem_shared>>
      tpu.wait_dma2 semaphore(%run_scoped3A : memref<!tpu.dma_semaphore, #tpu.memory_space<semaphore_mem>>) src(%arg6 : memref<128x128xf32, #tpu.memory_space<vmem>>) dst(%dma_wait3A_30 : memref<128x128xf32, #tpu.memory_space<vmem_shared>>)
      tpu.yield
    }) : () -> ()
    %add3A_15 = arith.constant 384 : i32
    %add3A_16 = arith.addi %mul3A_2, %add3A_15 : i32
    "tpu.region"() ({
      %run_scoped3A = tpu.sem_alloc : memref<!tpu.dma_semaphore, #tpu.memory_space<semaphore_mem>>
      %dma_start3A = arith.constant 0 : i32
      %dma_start3A_25 = tpu.memref_slice %arg8[%add3A_16, %dma_start3A] : memref<10112x128xf32, #tpu.memory_space<vmem_shared>> -> memref<128x128xf32, #tpu.memory_space<vmem_shared>>
      %dma_start3A_26 = arith.constant 0 : i32
      %dma_start3A_27 = tpu.memref_slice %arg8[%add3A_16, %dma_start3A_26] : memref<10112x128xf32, #tpu.memory_space<vmem_shared>> -> memref<128x128xf32, #tpu.memory_space<vmem_shared>>
      tpu.enqueue_dma source(%arg6 : memref<128x128xf32, #tpu.memory_space<vmem>>) target(%dma_start3A_27 : memref<128x128xf32, #tpu.memory_space<vmem_shared>>) target_semaphore(%run_scoped3A : memref<!tpu.dma_semaphore, #tpu.memory_space<semaphore_mem>>)
      %dma_wait3A = arith.constant 0 : i32
      %dma_wait3A_28 = tpu.memref_slice %arg8[%add3A_16, %dma_wait3A] : memref<10112x128xf32, #tpu.memory_space<vmem_shared>> -> memref<128x128xf32, #tpu.memory_space<vmem_shared>>
      %dma_wait3A_29 = arith.constant 0 : i32
      %dma_wait3A_30 = tpu.memref_slice %arg8[%add3A_16, %dma_wait3A_29] : memref<10112x128xf32, #tpu.memory_space<vmem_shared>> -> memref<128x128xf32, #tpu.memory_space<vmem_shared>>
      tpu.wait_dma2 semaphore(%run_scoped3A : memref<!tpu.dma_semaphore, #tpu.memory_space<semaphore_mem>>) src(%arg6 : memref<128x128xf32, #tpu.memory_space<vmem>>) dst(%dma_wait3A_30 : memref<128x128xf32, #tpu.memory_space<vmem_shared>>)
      tpu.yield
    }) : () -> ()
    %add3A_17 = arith.constant 512 : i32
    %add3A_18 = arith.addi %mul3A_2, %add3A_17 : i32
    "tpu.region"() ({
      %run_scoped3A = tpu.sem_alloc : memref<!tpu.dma_semaphore, #tpu.memory_space<semaphore_mem>>
      %dma_start3A = arith.constant 0 : i32
      %dma_start3A_25 = arith.constant 0 : i32
      %dma_start3A_26 = tpu.memref_slice %arg6[%dma_start3A, %dma_start3A_25] : memref<128x128xf32, #tpu.memory_space<vmem>> -> memref<120x128xf32, #tpu.memory_space<vmem>>
      %dma_start3A_27 = arith.constant 0 : i32
      %dma_start3A_28 = tpu.memref_slice %arg8[%add3A_18, %dma_start3A_27] : memref<10112x128xf32, #tpu.memory_space<vmem_shared>> -> memref<120x128xf32, #tpu.memory_space<vmem_shared>>
      %dma_start3A_29 = arith.constant 0 : i32
      %dma_start3A_30 = tpu.memref_slice %arg8[%add3A_18, %dma_start3A_29] : memref<10112x128xf32, #tpu.memory_space<vmem_shared>> -> memref<120x128xf32, #tpu.memory_space<vmem_shared>>
      %dma_start3A_31 = arith.constant 0 : i32
      %dma_start3A_32 = arith.constant 0 : i32
      %dma_start3A_33 = tpu.memref_slice %arg6[%dma_start3A_31, %dma_start3A_32] : memref<128x128xf32, #tpu.memory_space<vmem>> -> memref<120x128xf32, #tpu.memory_space<vmem>>
      tpu.enqueue_dma source(%dma_start3A_33 : memref<120x128xf32, #tpu.memory_space<vmem>>) target(%dma_start3A_30 : memref<120x128xf32, #tpu.memory_space<vmem_shared>>) target_semaphore(%run_scoped3A : memref<!tpu.dma_semaphore, #tpu.memory_space<semaphore_mem>>)
      %dma_wait3A = arith.constant 0 : i32
      %dma_wait3A_34 = arith.constant 0 : i32
      %dma_wait3A_35 = tpu.memref_slice %arg6[%dma_wait3A, %dma_wait3A_34] : memref<128x128xf32, #tpu.memory_space<vmem>> -> memref<120x128xf32, #tpu.memory_space<vmem>>
      %dma_wait3A_36 = arith.constant 0 : i32
      %dma_wait3A_37 = tpu.memref_slice %arg8[%add3A_18, %dma_wait3A_36] : memref<10112x128xf32, #tpu.memory_space<vmem_shared>> -> memref<120x128xf32, #tpu.memory_space<vmem_shared>>
      %dma_wait3A_38 = arith.constant 0 : i32
      %dma_wait3A_39 = tpu.memref_slice %arg8[%add3A_18, %dma_wait3A_38] : memref<10112x128xf32, #tpu.memory_space<vmem_shared>> -> memref<120x128xf32, #tpu.memory_space<vmem_shared>>
      %dma_wait3A_40 = arith.constant 0 : i32
      %dma_wait3A_41 = arith.constant 0 : i32
      %dma_wait3A_42 = tpu.memref_slice %arg6[%dma_wait3A_40, %dma_wait3A_41] : memref<128x128xf32, #tpu.memory_space<vmem>> -> memref<120x128xf32, #tpu.memory_space<vmem>>
      tpu.wait_dma2 semaphore(%run_scoped3A : memref<!tpu.dma_semaphore, #tpu.memory_space<semaphore_mem>>) src(%dma_wait3A_42 : memref<120x128xf32, #tpu.memory_space<vmem>>) dst(%dma_wait3A_39 : memref<120x128xf32, #tpu.memory_space<vmem_shared>>)
      tpu.yield
    }) : () -> ()
    %barrier3A = arith.constant 0 : index
    tpu.barrier barrier_id(%barrier3A)
    %scan3A_19 = arith.constant 0 : i32
    %scan3A_20 = arith.constant 80 : i32
    %scan3A_21 = arith.addi %scan3A_19, %scan3A_20 : i32
    %scan3A_22 = arith.constant 1 : i32
    scf.for %scan3A_25 = %scan3A_19 to %scan3A_21 step %scan3A_22  : i32 {
      %mul3A_26 = arith.constant 1 : i32
      %mul3A_27 = arith.muli %scan3A_25, %mul3A_26 : i32
      %add3A_28 = arith.constant 0 : i32
      %add3A_29 = arith.addi %add3A_28, %mul3A_27 : i32
      %get3A = arith.index_cast %add3A_29 : i32 to index
      %get3A_30 = arith.constant 0 : index
      %get3A_31 = tpu.vector_load %arg4[%get3A, %get3A_30] {strides = array<i32>} : memref<80x128xi32, #tpu.memory_space<vmem>>, vector<1x16xi32>,
      %get3A_32 = vector.shape_cast %get3A_31 : vector<1x16xi32> to vector<16xi32>
      %swap3A = arith.constant 0 : index
      %swap3A_33 = tpu.vector_load %arg5[%swap3A] {strides = array<i32>} : memref<128xi32, #tpu.memory_space<vmem>>, vector<16xi32>,
      %swap3A_34 = vector.shape_cast %swap3A_33 : vector<16xi32> to vector<16xi32>
      %swap3A_35 = vector.shape_cast %get3A_32 : vector<16xi32> to vector<16xi32>
      tpu.vector_store %arg5[%swap3A], %swap3A_35 {strides = array<i32>} : memref<128xi32, #tpu.memory_space<vmem>>, vector<16xi32>,
      %get3A_36 = arith.index_cast %add3A_29 : i32 to index
      %get3A_37 = arith.constant 16 : index
      %get3A_38 = tpu.vector_load %arg4[%get3A_36, %get3A_37] {strides = array<i32>} : memref<80x128xi32, #tpu.memory_space<vmem>>, vector<1x16xi32>,
      %get3A_39 = vector.shape_cast %get3A_38 : vector<1x16xi32> to vector<16xi32>
      %swap3A_40 = arith.constant 16 : index
      %swap3A_41 = tpu.vector_load %arg5[%swap3A_40] {strides = array<i32>} : memref<128xi32, #tpu.memory_space<vmem>>, vector<16xi32>,
      %swap3A_42 = vector.shape_cast %swap3A_41 : vector<16xi32> to vector<16xi32>
      %swap3A_43 = vector.shape_cast %get3A_39 : vector<16xi32> to vector<16xi32>
      tpu.vector_store %arg5[%swap3A_40], %swap3A_43 {strides = array<i32>} : memref<128xi32, #tpu.memory_space<vmem>>, vector<16xi32>,
      %get3A_44 = arith.index_cast %add3A_29 : i32 to index
      %get3A_45 = arith.constant 32 : index
      %get3A_46 = tpu.vector_load %arg4[%get3A_44, %get3A_45] {strides = array<i32>} : memref<80x128xi32, #tpu.memory_space<vmem>>, vector<1x16xi32>,
      %get3A_47 = vector.shape_cast %get3A_46 : vector<1x16xi32> to vector<16xi32>
      %swap3A_48 = arith.constant 32 : index
      %swap3A_49 = tpu.vector_load %arg5[%swap3A_48] {strides = array<i32>} : memref<128xi32, #tpu.memory_space<vmem>>, vector<16xi32>,
      %swap3A_50 = vector.shape_cast %swap3A_49 : vector<16xi32> to vector<16xi32>
      %swap3A_51 = vector.shape_cast %get3A_47 : vector<16xi32> to vector<16xi32>
      tpu.vector_store %arg5[%swap3A_48], %swap3A_51 {strides = array<i32>} : memref<128xi32, #tpu.memory_space<vmem>>, vector<16xi32>,
      %get3A_52 = arith.index_cast %add3A_29 : i32 to index
      %get3A_53 = arith.constant 48 : index
      %get3A_54 = tpu.vector_load %arg4[%get3A_52, %get3A_53] {strides = array<i32>} : memref<80x128xi32, #tpu.memory_space<vmem>>, vector<1x16xi32>,
      %get3A_55 = vector.shape_cast %get3A_54 : vector<1x16xi32> to vector<16xi32>
      %swap3A_56 = arith.constant 48 : index
      %swap3A_57 = tpu.vector_load %arg5[%swap3A_56] {strides = array<i32>} : memref<128xi32, #tpu.memory_space<vmem>>, vector<16xi32>,
      %swap3A_58 = vector.shape_cast %swap3A_57 : vector<16xi32> to vector<16xi32>
      %swap3A_59 = vector.shape_cast %get3A_55 : vector<16xi32> to vector<16xi32>
      tpu.vector_store %arg5[%swap3A_56], %swap3A_59 {strides = array<i32>} : memref<128xi32, #tpu.memory_space<vmem>>, vector<16xi32>,
      %get3A_60 = arith.index_cast %add3A_29 : i32 to index
      %get3A_61 = arith.constant 64 : index
      %get3A_62 = tpu.vector_load %arg4[%get3A_60, %get3A_61] {strides = array<i32>} : memref<80x128xi32, #tpu.memory_space<vmem>>, vector<1x16xi32>,
      %get3A_63 = vector.shape_cast %get3A_62 : vector<1x16xi32> to vector<16xi32>
      %swap3A_64 = arith.constant 64 : index
      %swap3A_65 = tpu.vector_load %arg5[%swap3A_64] {strides = array<i32>} : memref<128xi32, #tpu.memory_space<vmem>>, vector<16xi32>,
      %swap3A_66 = vector.shape_cast %swap3A_65 : vector<16xi32> to vector<16xi32>
      %swap3A_67 = vector.shape_cast %get3A_63 : vector<16xi32> to vector<16xi32>
      tpu.vector_store %arg5[%swap3A_64], %swap3A_67 {strides = array<i32>} : memref<128xi32, #tpu.memory_space<vmem>>, vector<16xi32>,
      %get3A_68 = arith.index_cast %add3A_29 : i32 to index
      %get3A_69 = arith.constant 80 : index
      %get3A_70 = tpu.vector_load %arg4[%get3A_68, %get3A_69] {strides = array<i32>} : memref<80x128xi32, #tpu.memory_space<vmem>>, vector<1x16xi32>,
      %get3A_71 = vector.shape_cast %get3A_70 : vector<1x16xi32> to vector<16xi32>
      %swap3A_72 = arith.constant 80 : index
      %swap3A_73 = tpu.vector_load %arg5[%swap3A_72] {strides = array<i32>} : memref<128xi32, #tpu.memory_space<vmem>>, vector<16xi32>,
      %swap3A_74 = vector.shape_cast %swap3A_73 : vector<16xi32> to vector<16xi32>
      %swap3A_75 = vector.shape_cast %get3A_71 : vector<16xi32> to vector<16xi32>
      tpu.vector_store %arg5[%swap3A_72], %swap3A_75 {strides = array<i32>} : memref<128xi32, #tpu.memory_space<vmem>>, vector<16xi32>,
      %get3A_76 = arith.index_cast %add3A_29 : i32 to index
      %get3A_77 = arith.constant 96 : index
      %get3A_78 = tpu.vector_load %arg4[%get3A_76, %get3A_77] {strides = array<i32>} : memref<80x128xi32, #tpu.memory_space<vmem>>, vector<1x16xi32>,
      %get3A_79 = vector.shape_cast %get3A_78 : vector<1x16xi32> to vector<16xi32>
      %swap3A_80 = arith.constant 96 : index
      %swap3A_81 = tpu.vector_load %arg5[%swap3A_80] {strides = array<i32>} : memref<128xi32, #tpu.memory_space<vmem>>, vector<16xi32>,
      %swap3A_82 = vector.shape_cast %swap3A_81 : vector<16xi32> to vector<16xi32>
      %swap3A_83 = vector.shape_cast %get3A_79 : vector<16xi32> to vector<16xi32>
      tpu.vector_store %arg5[%swap3A_80], %swap3A_83 {strides = array<i32>} : memref<128xi32, #tpu.memory_space<vmem>>, vector<16xi32>,
      %get3A_84 = arith.index_cast %add3A_29 : i32 to index
      %get3A_85 = arith.constant 112 : index
      %get3A_86 = tpu.vector_load %arg4[%get3A_84, %get3A_85] {strides = array<i32>} : memref<80x128xi32, #tpu.memory_space<vmem>>, vector<1x16xi32>,
      %get3A_87 = vector.shape_cast %get3A_86 : vector<1x16xi32> to vector<16xi32>
      %swap3A_88 = arith.constant 112 : index
      %swap3A_89 = tpu.vector_load %arg5[%swap3A_88] {strides = array<i32>} : memref<128xi32, #tpu.memory_space<vmem>>, vector<16xi32>,
      %swap3A_90 = vector.shape_cast %swap3A_89 : vector<16xi32> to vector<16xi32>
      %swap3A_91 = vector.shape_cast %get3A_87 : vector<16xi32> to vector<16xi32>
      tpu.vector_store %arg5[%swap3A_88], %swap3A_91 {strides = array<i32>} : memref<128xi32, #tpu.memory_space<vmem>>, vector<16xi32>,
      "tpu.region"() ({
        %run_scoped3A = tpu.sem_alloc : memref<!tpu.dma_semaphore, #tpu.memory_space<semaphore_mem>>
        %dma_start3A = arith.constant 0 : i32
        %dma_start3A_92 = arith.constant 0 : i32
        %dma_start3A_93 = tpu.memref_slice %arg8[%dma_start3A, %dma_start3A_92] : memref<10112x128xf32, #tpu.memory_space<vmem_shared>> -> memref<10112x128xf32, #tpu.memory_space<vmem_shared>>
        tpu.enqueue_indirect_dma source(%arg7 : memref<128x128xf32, #tpu.memory_space<vmem>>) target(%dma_start3A_93 : memref<10112x128xf32, #tpu.memory_space<vmem_shared>>) offsets(%arg5 : memref<128xi32, #tpu.memory_space<vmem>>) semaphore(%run_scoped3A : memref<!tpu.dma_semaphore, #tpu.memory_space<semaphore_mem>>) {add = true}
        %dma_wait3A = arith.constant 0 : i32
        %dma_wait3A_94 = arith.constant 0 : i32
        %dma_wait3A_95 = tpu.memref_slice %arg8[%dma_wait3A, %dma_wait3A_94] : memref<10112x128xf32, #tpu.memory_space<vmem_shared>> -> memref<10112x128xf32, #tpu.memory_space<vmem_shared>>
        tpu.wait_indirect_dma semaphore(%run_scoped3A : memref<!tpu.dma_semaphore, #tpu.memory_space<semaphore_mem>>) src(%arg7 : memref<128x128xf32, #tpu.memory_space<vmem>>) dst(%dma_wait3A_95 : memref<10112x128xf32, #tpu.memory_space<vmem_shared>>)
        tpu.yield
      }) : () -> ()
    }
    %scan3A_23 = arith.constant 80 : i32
    %barrier3A_24 = arith.constant 0 : index
    tpu.barrier barrier_id(%barrier3A_24)
    "tpu.region"() ({
      %run_scoped3A = tpu.sem_alloc : memref<!tpu.dma_semaphore, #tpu.memory_space<semaphore_mem>>
      %dma_start3A = arith.constant 0 : i32
      %dma_start3A_25 = tpu.memref_slice %arg3[%arg0, %mul3A_2, %dma_start3A] : memref<2x10112x128xf32, #tpu.memory_space<hbm>> -> memref<1x632x128xf32, #tpu.memory_space<hbm>>
      %dma_start3A_26 = tpu.memref_squeeze %dma_start3A_25 : memref<1x632x128xf32, #tpu.memory_space<hbm>> -> memref<632x128xf32, #tpu.memory_space<hbm>>
      %dma_start3A_27 = arith.constant 0 : i32
      %dma_start3A_28 = tpu.memref_slice %arg8[%mul3A_2, %dma_start3A_27] : memref<10112x128xf32, #tpu.memory_space<vmem_shared>> -> memref<632x128xf32, #tpu.memory_space<vmem_shared>>
      tpu.enqueue_dma source(%dma_start3A_28 : memref<632x128xf32, #tpu.memory_space<vmem_shared>>) target(%dma_start3A_26 : memref<632x128xf32, #tpu.memory_space<hbm>>) target_semaphore(%run_scoped3A : memref<!tpu.dma_semaphore, #tpu.memory_space<semaphore_mem>>)
      %dma_wait3A = arith.constant 0 : i32
      %dma_wait3A_29 = tpu.memref_slice %arg3[%arg0, %mul3A_2, %dma_wait3A] : memref<2x10112x128xf32, #tpu.memory_space<hbm>> -> memref<1x632x128xf32, #tpu.memory_space<hbm>>
      %dma_wait3A_30 = tpu.memref_squeeze %dma_wait3A_29 : memref<1x632x128xf32, #tpu.memory_space<hbm>> -> memref<632x128xf32, #tpu.memory_space<hbm>>
      %dma_wait3A_31 = arith.constant 0 : i32
      %dma_wait3A_32 = tpu.memref_slice %arg8[%mul3A_2, %dma_wait3A_31] : memref<10112x128xf32, #tpu.memory_space<vmem_shared>> -> memref<632x128xf32, #tpu.memory_space<vmem_shared>>
      tpu.wait_dma2 semaphore(%run_scoped3A : memref<!tpu.dma_semaphore, #tpu.memory_space<semaphore_mem>>) src(%dma_wait3A_32 : memref<632x128xf32, #tpu.memory_space<vmem_shared>>) dst(%dma_wait3A_30 : memref<632x128xf32, #tpu.memory_space<hbm>>)
      tpu.yield
    }) : () -> ()
    return
  }
}

#map = affine_map<(d0, d1) -> (0, 0)>
#map1 = affine_map<(d0, d1) -> (0, 0, 0)>
module attributes {stable_mosaic.version = 14 : i64} {
  func.func @_agg_body(%arg0: i32, %arg1: i32, %arg2: memref<10112x128xf32, #tpu.memory_space<hbm>>, %arg3: memref<2560x128xi32, #tpu.memory_space<hbm>>, %arg4: memref<2560x128xi32, #tpu.memory_space<hbm>>, %arg5: memref<2x10112x128xf32, #tpu.memory_space<hbm>>, %arg6: memref<40x128xi32, #tpu.memory_space<vmem>>, %arg7: memref<40x128xi32, #tpu.memory_space<vmem>>, %arg8: memref<128xi32, #tpu.memory_space<vmem>>, %arg9: memref<128xi32, #tpu.memory_space<vmem>>, %arg10: memref<128xi32, #tpu.memory_space<vmem>>, %arg11: memref<128xi32, #tpu.memory_space<vmem>>, %arg12: memref<128x128xf32, #tpu.memory_space<vmem>>, %arg13: memref<128x128xf32, #tpu.memory_space<vmem>>, %arg14: memref<10112x128xf32, #tpu.memory_space<vmem_shared>>, %arg15: memref<!tpu.dma_semaphore, #tpu.memory_space<semaphore_mem>>, %arg16: memref<!tpu.dma_semaphore, #tpu.memory_space<semaphore_mem>>) attributes {dimension_semantics = [#tpu.dimension_semantics<core_parallel>, #tpu.dimension_semantics<subcore_parallel>], iteration_bounds = array<i64: 2, 16>, scalar_prefetch = 0 : i64, scratch_operands = 11 : i64, tpu.core_type = #tpu.core_type<sc_vector_subcore>, window_params = [{transform_indices = #map}, {transform_indices = #map}, {transform_indices = #map}, {transform_indices = #map1}]} {
    %mul3A = arith.constant 16 : i32
    %mul3A_0 = arith.muli %arg0, %mul3A : i32
    %add3A = arith.addi %mul3A_0, %arg1 : i32
    %mul3A_1 = arith.constant 632 : i32
    %mul3A_2 = arith.muli %arg1, %mul3A_1 : i32
    %scan3A = arith.constant 0 : i32
    %scan3A_3 = arith.constant 128 : i32
    %scan3A_4 = arith.addi %scan3A, %scan3A_3 : i32
    %scan3A_5 = arith.constant 1 : i32
    scf.for %scan3A_44 = %scan3A to %scan3A_4 step %scan3A_5  : i32 {
      %mul3A_45 = arith.constant 1 : i32
      %mul3A_46 = arith.muli %scan3A_44, %mul3A_45 : i32
      %add3A_47 = arith.constant 0 : i32
      %add3A_48 = arith.addi %add3A_47, %mul3A_46 : i32
      %broadcast_in_dim3A = arith.constant 0.000000e+00 : f32
      %broadcast_in_dim3A_49 = vector.broadcast %broadcast_in_dim3A : f32 to vector<16xf32>
      %swap3A = arith.index_cast %add3A_48 : i32 to index
      %swap3A_50 = arith.constant 0 : index
      %swap3A_51 = tpu.vector_load %arg12[%swap3A, %swap3A_50] {strides = array<i32>} : memref<128x128xf32, #tpu.memory_space<vmem>>, vector<1x16xf32>,
      %swap3A_52 = vector.shape_cast %swap3A_51 : vector<1x16xf32> to vector<16xf32>
      %swap3A_53 = vector.shape_cast %broadcast_in_dim3A_49 : vector<16xf32> to vector<1x16xf32>
      tpu.vector_store %arg12[%swap3A, %swap3A_50], %swap3A_53 {strides = array<i32>} : memref<128x128xf32, #tpu.memory_space<vmem>>, vector<1x16xf32>,
      %broadcast_in_dim3A_54 = arith.constant 0.000000e+00 : f32
      %broadcast_in_dim3A_55 = vector.broadcast %broadcast_in_dim3A_54 : f32 to vector<16xf32>
      %swap3A_56 = arith.index_cast %add3A_48 : i32 to index
      %swap3A_57 = arith.constant 16 : index
      %swap3A_58 = tpu.vector_load %arg12[%swap3A_56, %swap3A_57] {strides = array<i32>} : memref<128x128xf32, #tpu.memory_space<vmem>>, vector<1x16xf32>,
      %swap3A_59 = vector.shape_cast %swap3A_58 : vector<1x16xf32> to vector<16xf32>
      %swap3A_60 = vector.shape_cast %broadcast_in_dim3A_55 : vector<16xf32> to vector<1x16xf32>
      tpu.vector_store %arg12[%swap3A_56, %swap3A_57], %swap3A_60 {strides = array<i32>} : memref<128x128xf32, #tpu.memory_space<vmem>>, vector<1x16xf32>,
      %broadcast_in_dim3A_61 = arith.constant 0.000000e+00 : f32
      %broadcast_in_dim3A_62 = vector.broadcast %broadcast_in_dim3A_61 : f32 to vector<16xf32>
      %swap3A_63 = arith.index_cast %add3A_48 : i32 to index
      %swap3A_64 = arith.constant 32 : index
      %swap3A_65 = tpu.vector_load %arg12[%swap3A_63, %swap3A_64] {strides = array<i32>} : memref<128x128xf32, #tpu.memory_space<vmem>>, vector<1x16xf32>,
      %swap3A_66 = vector.shape_cast %swap3A_65 : vector<1x16xf32> to vector<16xf32>
      %swap3A_67 = vector.shape_cast %broadcast_in_dim3A_62 : vector<16xf32> to vector<1x16xf32>
      tpu.vector_store %arg12[%swap3A_63, %swap3A_64], %swap3A_67 {strides = array<i32>} : memref<128x128xf32, #tpu.memory_space<vmem>>, vector<1x16xf32>,
      %broadcast_in_dim3A_68 = arith.constant 0.000000e+00 : f32
      %broadcast_in_dim3A_69 = vector.broadcast %broadcast_in_dim3A_68 : f32 to vector<16xf32>
      %swap3A_70 = arith.index_cast %add3A_48 : i32 to index
      %swap3A_71 = arith.constant 48 : index
      %swap3A_72 = tpu.vector_load %arg12[%swap3A_70, %swap3A_71] {strides = array<i32>} : memref<128x128xf32, #tpu.memory_space<vmem>>, vector<1x16xf32>,
      %swap3A_73 = vector.shape_cast %swap3A_72 : vector<1x16xf32> to vector<16xf32>
      %swap3A_74 = vector.shape_cast %broadcast_in_dim3A_69 : vector<16xf32> to vector<1x16xf32>
      tpu.vector_store %arg12[%swap3A_70, %swap3A_71], %swap3A_74 {strides = array<i32>} : memref<128x128xf32, #tpu.memory_space<vmem>>, vector<1x16xf32>,
      %broadcast_in_dim3A_75 = arith.constant 0.000000e+00 : f32
      %broadcast_in_dim3A_76 = vector.broadcast %broadcast_in_dim3A_75 : f32 to vector<16xf32>
      %swap3A_77 = arith.index_cast %add3A_48 : i32 to index
      %swap3A_78 = arith.constant 64 : index
      %swap3A_79 = tpu.vector_load %arg12[%swap3A_77, %swap3A_78] {strides = array<i32>} : memref<128x128xf32, #tpu.memory_space<vmem>>, vector<1x16xf32>,
      %swap3A_80 = vector.shape_cast %swap3A_79 : vector<1x16xf32> to vector<16xf32>
      %swap3A_81 = vector.shape_cast %broadcast_in_dim3A_76 : vector<16xf32> to vector<1x16xf32>
      tpu.vector_store %arg12[%swap3A_77, %swap3A_78], %swap3A_81 {strides = array<i32>} : memref<128x128xf32, #tpu.memory_space<vmem>>, vector<1x16xf32>,
      %broadcast_in_dim3A_82 = arith.constant 0.000000e+00 : f32
      %broadcast_in_dim3A_83 = vector.broadcast %broadcast_in_dim3A_82 : f32 to vector<16xf32>
      %swap3A_84 = arith.index_cast %add3A_48 : i32 to index
      %swap3A_85 = arith.constant 80 : index
      %swap3A_86 = tpu.vector_load %arg12[%swap3A_84, %swap3A_85] {strides = array<i32>} : memref<128x128xf32, #tpu.memory_space<vmem>>, vector<1x16xf32>,
      %swap3A_87 = vector.shape_cast %swap3A_86 : vector<1x16xf32> to vector<16xf32>
      %swap3A_88 = vector.shape_cast %broadcast_in_dim3A_83 : vector<16xf32> to vector<1x16xf32>
      tpu.vector_store %arg12[%swap3A_84, %swap3A_85], %swap3A_88 {strides = array<i32>} : memref<128x128xf32, #tpu.memory_space<vmem>>, vector<1x16xf32>,
      %broadcast_in_dim3A_89 = arith.constant 0.000000e+00 : f32
      %broadcast_in_dim3A_90 = vector.broadcast %broadcast_in_dim3A_89 : f32 to vector<16xf32>
      %swap3A_91 = arith.index_cast %add3A_48 : i32 to index
      %swap3A_92 = arith.constant 96 : index
      %swap3A_93 = tpu.vector_load %arg12[%swap3A_91, %swap3A_92] {strides = array<i32>} : memref<128x128xf32, #tpu.memory_space<vmem>>, vector<1x16xf32>,
      %swap3A_94 = vector.shape_cast %swap3A_93 : vector<1x16xf32> to vector<16xf32>
      %swap3A_95 = vector.shape_cast %broadcast_in_dim3A_90 : vector<16xf32> to vector<1x16xf32>
      tpu.vector_store %arg12[%swap3A_91, %swap3A_92], %swap3A_95 {strides = array<i32>} : memref<128x128xf32, #tpu.memory_space<vmem>>, vector<1x16xf32>,
      %broadcast_in_dim3A_96 = arith.constant 0.000000e+00 : f32
      %broadcast_in_dim3A_97 = vector.broadcast %broadcast_in_dim3A_96 : f32 to vector<16xf32>
      %swap3A_98 = arith.index_cast %add3A_48 : i32 to index
      %swap3A_99 = arith.constant 112 : index
      %swap3A_100 = tpu.vector_load %arg12[%swap3A_98, %swap3A_99] {strides = array<i32>} : memref<128x128xf32, #tpu.memory_space<vmem>>, vector<1x16xf32>,
      %swap3A_101 = vector.shape_cast %swap3A_100 : vector<1x16xf32> to vector<16xf32>
      %swap3A_102 = vector.shape_cast %broadcast_in_dim3A_97 : vector<16xf32> to vector<1x16xf32>
      tpu.vector_store %arg12[%swap3A_98, %swap3A_99], %swap3A_102 {strides = array<i32>} : memref<128x128xf32, #tpu.memory_space<vmem>>, vector<1x16xf32>,
    }
    %scan3A_6 = arith.constant 128 : i32
    %add3A_7 = arith.constant 0 : i32
    %add3A_8 = arith.addi %mul3A_2, %add3A_7 : i32
    "tpu.region"() ({
      %run_scoped3A = tpu.sem_alloc : memref<!tpu.dma_semaphore, #tpu.memory_space<semaphore_mem>>
      %dma_start3A = arith.constant 0 : i32
      %dma_start3A_44 = tpu.memref_slice %arg14[%add3A_8, %dma_start3A] : memref<10112x128xf32, #tpu.memory_space<vmem_shared>> -> memref<128x128xf32, #tpu.memory_space<vmem_shared>>
      %dma_start3A_45 = arith.constant 0 : i32
      %dma_start3A_46 = tpu.memref_slice %arg14[%add3A_8, %dma_start3A_45] : memref<10112x128xf32, #tpu.memory_space<vmem_shared>> -> memref<128x128xf32, #tpu.memory_space<vmem_shared>>
      tpu.enqueue_dma source(%arg12 : memref<128x128xf32, #tpu.memory_space<vmem>>) target(%dma_start3A_46 : memref<128x128xf32, #tpu.memory_space<vmem_shared>>) target_semaphore(%run_scoped3A : memref<!tpu.dma_semaphore, #tpu.memory_space<semaphore_mem>>)
      %dma_wait3A = arith.constant 0 : i32
      %dma_wait3A_47 = tpu.memref_slice %arg14[%add3A_8, %dma_wait3A] : memref<10112x128xf32, #tpu.memory_space<vmem_shared>> -> memref<128x128xf32, #tpu.memory_space<vmem_shared>>
      %dma_wait3A_48 = arith.constant 0 : i32
      %dma_wait3A_49 = tpu.memref_slice %arg14[%add3A_8, %dma_wait3A_48] : memref<10112x128xf32, #tpu.memory_space<vmem_shared>> -> memref<128x128xf32, #tpu.memory_space<vmem_shared>>
      tpu.wait_dma2 semaphore(%run_scoped3A : memref<!tpu.dma_semaphore, #tpu.memory_space<semaphore_mem>>) src(%arg12 : memref<128x128xf32, #tpu.memory_space<vmem>>) dst(%dma_wait3A_49 : memref<128x128xf32, #tpu.memory_space<vmem_shared>>)
      tpu.yield
    }) : () -> ()
    %add3A_9 = arith.constant 128 : i32
    %add3A_10 = arith.addi %mul3A_2, %add3A_9 : i32
    "tpu.region"() ({
      %run_scoped3A = tpu.sem_alloc : memref<!tpu.dma_semaphore, #tpu.memory_space<semaphore_mem>>
      %dma_start3A = arith.constant 0 : i32
      %dma_start3A_44 = tpu.memref_slice %arg14[%add3A_10, %dma_start3A] : memref<10112x128xf32, #tpu.memory_space<vmem_shared>> -> memref<128x128xf32, #tpu.memory_space<vmem_shared>>
      %dma_start3A_45 = arith.constant 0 : i32
      %dma_start3A_46 = tpu.memref_slice %arg14[%add3A_10, %dma_start3A_45] : memref<10112x128xf32, #tpu.memory_space<vmem_shared>> -> memref<128x128xf32, #tpu.memory_space<vmem_shared>>
      tpu.enqueue_dma source(%arg12 : memref<128x128xf32, #tpu.memory_space<vmem>>) target(%dma_start3A_46 : memref<128x128xf32, #tpu.memory_space<vmem_shared>>) target_semaphore(%run_scoped3A : memref<!tpu.dma_semaphore, #tpu.memory_space<semaphore_mem>>)
      %dma_wait3A = arith.constant 0 : i32
      %dma_wait3A_47 = tpu.memref_slice %arg14[%add3A_10, %dma_wait3A] : memref<10112x128xf32, #tpu.memory_space<vmem_shared>> -> memref<128x128xf32, #tpu.memory_space<vmem_shared>>
      %dma_wait3A_48 = arith.constant 0 : i32
      %dma_wait3A_49 = tpu.memref_slice %arg14[%add3A_10, %dma_wait3A_48] : memref<10112x128xf32, #tpu.memory_space<vmem_shared>> -> memref<128x128xf32, #tpu.memory_space<vmem_shared>>
      tpu.wait_dma2 semaphore(%run_scoped3A : memref<!tpu.dma_semaphore, #tpu.memory_space<semaphore_mem>>) src(%arg12 : memref<128x128xf32, #tpu.memory_space<vmem>>) dst(%dma_wait3A_49 : memref<128x128xf32, #tpu.memory_space<vmem_shared>>)
      tpu.yield
    }) : () -> ()
    %add3A_11 = arith.constant 256 : i32
    %add3A_12 = arith.addi %mul3A_2, %add3A_11 : i32
    "tpu.region"() ({
      %run_scoped3A = tpu.sem_alloc : memref<!tpu.dma_semaphore, #tpu.memory_space<semaphore_mem>>
      %dma_start3A = arith.constant 0 : i32
      %dma_start3A_44 = tpu.memref_slice %arg14[%add3A_12, %dma_start3A] : memref<10112x128xf32, #tpu.memory_space<vmem_shared>> -> memref<128x128xf32, #tpu.memory_space<vmem_shared>>
      %dma_start3A_45 = arith.constant 0 : i32
      %dma_start3A_46 = tpu.memref_slice %arg14[%add3A_12, %dma_start3A_45] : memref<10112x128xf32, #tpu.memory_space<vmem_shared>> -> memref<128x128xf32, #tpu.memory_space<vmem_shared>>
      tpu.enqueue_dma source(%arg12 : memref<128x128xf32, #tpu.memory_space<vmem>>) target(%dma_start3A_46 : memref<128x128xf32, #tpu.memory_space<vmem_shared>>) target_semaphore(%run_scoped3A : memref<!tpu.dma_semaphore, #tpu.memory_space<semaphore_mem>>)
      %dma_wait3A = arith.constant 0 : i32
      %dma_wait3A_47 = tpu.memref_slice %arg14[%add3A_12, %dma_wait3A] : memref<10112x128xf32, #tpu.memory_space<vmem_shared>> -> memref<128x128xf32, #tpu.memory_space<vmem_shared>>
      %dma_wait3A_48 = arith.constant 0 : i32
      %dma_wait3A_49 = tpu.memref_slice %arg14[%add3A_12, %dma_wait3A_48] : memref<10112x128xf32, #tpu.memory_space<vmem_shared>> -> memref<128x128xf32, #tpu.memory_space<vmem_shared>>
      tpu.wait_dma2 semaphore(%run_scoped3A : memref<!tpu.dma_semaphore, #tpu.memory_space<semaphore_mem>>) src(%arg12 : memref<128x128xf32, #tpu.memory_space<vmem>>) dst(%dma_wait3A_49 : memref<128x128xf32, #tpu.memory_space<vmem_shared>>)
      tpu.yield
    }) : () -> ()
    %add3A_13 = arith.constant 384 : i32
    %add3A_14 = arith.addi %mul3A_2, %add3A_13 : i32
    "tpu.region"() ({
      %run_scoped3A = tpu.sem_alloc : memref<!tpu.dma_semaphore, #tpu.memory_space<semaphore_mem>>
      %dma_start3A = arith.constant 0 : i32
      %dma_start3A_44 = tpu.memref_slice %arg14[%add3A_14, %dma_start3A] : memref<10112x128xf32, #tpu.memory_space<vmem_shared>> -> memref<128x128xf32, #tpu.memory_space<vmem_shared>>
      %dma_start3A_45 = arith.constant 0 : i32
      %dma_start3A_46 = tpu.memref_slice %arg14[%add3A_14, %dma_start3A_45] : memref<10112x128xf32, #tpu.memory_space<vmem_shared>> -> memref<128x128xf32, #tpu.memory_space<vmem_shared>>
      tpu.enqueue_dma source(%arg12 : memref<128x128xf32, #tpu.memory_space<vmem>>) target(%dma_start3A_46 : memref<128x128xf32, #tpu.memory_space<vmem_shared>>) target_semaphore(%run_scoped3A : memref<!tpu.dma_semaphore, #tpu.memory_space<semaphore_mem>>)
      %dma_wait3A = arith.constant 0 : i32
      %dma_wait3A_47 = tpu.memref_slice %arg14[%add3A_14, %dma_wait3A] : memref<10112x128xf32, #tpu.memory_space<vmem_shared>> -> memref<128x128xf32, #tpu.memory_space<vmem_shared>>
      %dma_wait3A_48 = arith.constant 0 : i32
      %dma_wait3A_49 = tpu.memref_slice %arg14[%add3A_14, %dma_wait3A_48] : memref<10112x128xf32, #tpu.memory_space<vmem_shared>> -> memref<128x128xf32, #tpu.memory_space<vmem_shared>>
      tpu.wait_dma2 semaphore(%run_scoped3A : memref<!tpu.dma_semaphore, #tpu.memory_space<semaphore_mem>>) src(%arg12 : memref<128x128xf32, #tpu.memory_space<vmem>>) dst(%dma_wait3A_49 : memref<128x128xf32, #tpu.memory_space<vmem_shared>>)
      tpu.yield
    }) : () -> ()
    %add3A_15 = arith.constant 512 : i32
    %add3A_16 = arith.addi %mul3A_2, %add3A_15 : i32
    "tpu.region"() ({
      %run_scoped3A = tpu.sem_alloc : memref<!tpu.dma_semaphore, #tpu.memory_space<semaphore_mem>>
      %dma_start3A = arith.constant 0 : i32
      %dma_start3A_44 = arith.constant 0 : i32
      %dma_start3A_45 = tpu.memref_slice %arg12[%dma_start3A, %dma_start3A_44] : memref<128x128xf32, #tpu.memory_space<vmem>> -> memref<120x128xf32, #tpu.memory_space<vmem>>
      %dma_start3A_46 = arith.constant 0 : i32
      %dma_start3A_47 = tpu.memref_slice %arg14[%add3A_16, %dma_start3A_46] : memref<10112x128xf32, #tpu.memory_space<vmem_shared>> -> memref<120x128xf32, #tpu.memory_space<vmem_shared>>
      %dma_start3A_48 = arith.constant 0 : i32
      %dma_start3A_49 = tpu.memref_slice %arg14[%add3A_16, %dma_start3A_48] : memref<10112x128xf32, #tpu.memory_space<vmem_shared>> -> memref<120x128xf32, #tpu.memory_space<vmem_shared>>
      %dma_start3A_50 = arith.constant 0 : i32
      %dma_start3A_51 = arith.constant 0 : i32
      %dma_start3A_52 = tpu.memref_slice %arg12[%dma_start3A_50, %dma_start3A_51] : memref<128x128xf32, #tpu.memory_space<vmem>> -> memref<120x128xf32, #tpu.memory_space<vmem>>
      tpu.enqueue_dma source(%dma_start3A_52 : memref<120x128xf32, #tpu.memory_space<vmem>>) target(%dma_start3A_49 : memref<120x128xf32, #tpu.memory_space<vmem_shared>>) target_semaphore(%run_scoped3A : memref<!tpu.dma_semaphore, #tpu.memory_space<semaphore_mem>>)
      %dma_wait3A = arith.constant 0 : i32
      %dma_wait3A_53 = arith.constant 0 : i32
      %dma_wait3A_54 = tpu.memref_slice %arg12[%dma_wait3A, %dma_wait3A_53] : memref<128x128xf32, #tpu.memory_space<vmem>> -> memref<120x128xf32, #tpu.memory_space<vmem>>
      %dma_wait3A_55 = arith.constant 0 : i32
      %dma_wait3A_56 = tpu.memref_slice %arg14[%add3A_16, %dma_wait3A_55] : memref<10112x128xf32, #tpu.memory_space<vmem_shared>> -> memref<120x128xf32, #tpu.memory_space<vmem_shared>>
      %dma_wait3A_57 = arith.constant 0 : i32
      %dma_wait3A_58 = tpu.memref_slice %arg14[%add3A_16, %dma_wait3A_57] : memref<10112x128xf32, #tpu.memory_space<vmem_shared>> -> memref<120x128xf32, #tpu.memory_space<vmem_shared>>
      %dma_wait3A_59 = arith.constant 0 : i32
      %dma_wait3A_60 = arith.constant 0 : i32
      %dma_wait3A_61 = tpu.memref_slice %arg12[%dma_wait3A_59, %dma_wait3A_60] : memref<128x128xf32, #tpu.memory_space<vmem>> -> memref<120x128xf32, #tpu.memory_space<vmem>>
      tpu.wait_dma2 semaphore(%run_scoped3A : memref<!tpu.dma_semaphore, #tpu.memory_space<semaphore_mem>>) src(%dma_wait3A_61 : memref<120x128xf32, #tpu.memory_space<vmem>>) dst(%dma_wait3A_58 : memref<120x128xf32, #tpu.memory_space<vmem_shared>>)
      tpu.yield
    }) : () -> ()
    %barrier3A = arith.constant 0 : index
    tpu.barrier barrier_id(%barrier3A)
    %mul3A_17 = arith.constant 80 : i32
    %mul3A_18 = arith.muli %add3A, %mul3A_17 : i32
    %add3A_19 = arith.constant 0 : i32
    %add3A_20 = arith.addi %mul3A_18, %add3A_19 : i32
    "tpu.region"() ({
      %run_scoped3A = tpu.sem_alloc : memref<!tpu.dma_semaphore, #tpu.memory_space<semaphore_mem>>
      %dma_start3A = arith.constant 0 : i32
      %dma_start3A_44 = tpu.memref_slice %arg3[%add3A_20, %dma_start3A] : memref<2560x128xi32, #tpu.memory_space<hbm>> -> memref<40x128xi32, #tpu.memory_space<hbm>>
      %dma_start3A_45 = arith.constant 0 : i32
      %dma_start3A_46 = tpu.memref_slice %arg3[%add3A_20, %dma_start3A_45] : memref<2560x128xi32, #tpu.memory_space<hbm>> -> memref<40x128xi32, #tpu.memory_space<hbm>>
      tpu.enqueue_dma source(%dma_start3A_46 : memref<40x128xi32, #tpu.memory_space<hbm>>) target(%arg6 : memref<40x128xi32, #tpu.memory_space<vmem>>) target_semaphore(%run_scoped3A : memref<!tpu.dma_semaphore, #tpu.memory_space<semaphore_mem>>)
      %dma_wait3A = arith.constant 0 : i32
      %dma_wait3A_47 = tpu.memref_slice %arg3[%add3A_20, %dma_wait3A] : memref<2560x128xi32, #tpu.memory_space<hbm>> -> memref<40x128xi32, #tpu.memory_space<hbm>>
      %dma_wait3A_48 = arith.constant 0 : i32
      %dma_wait3A_49 = tpu.memref_slice %arg3[%add3A_20, %dma_wait3A_48] : memref<2560x128xi32, #tpu.memory_space<hbm>> -> memref<40x128xi32, #tpu.memory_space<hbm>>
      tpu.wait_dma2 semaphore(%run_scoped3A : memref<!tpu.dma_semaphore, #tpu.memory_space<semaphore_mem>>) src(%dma_wait3A_49 : memref<40x128xi32, #tpu.memory_space<hbm>>) dst(%arg6 : memref<40x128xi32, #tpu.memory_space<vmem>>)
      tpu.yield
    }) : () -> ()
    %mul3A_21 = arith.constant 80 : i32
    %mul3A_22 = arith.muli %add3A, %mul3A_21 : i32
    %add3A_23 = arith.constant 0 : i32
    %add3A_24 = arith.addi %mul3A_22, %add3A_23 : i32
    "tpu.region"() ({
      %run_scoped3A = tpu.sem_alloc : memref<!tpu.dma_semaphore, #tpu.memory_space<semaphore_mem>>
      %dma_start3A = arith.constant 0 : i32
      %dma_start3A_44 = tpu.memref_slice %arg4[%add3A_24, %dma_start3A] : memref<2560x128xi32, #tpu.memory_space<hbm>> -> memref<40x128xi32, #tpu.memory_space<hbm>>
      %dma_start3A_45 = arith.constant 0 : i32
      %dma_start3A_46 = tpu.memref_slice %arg4[%add3A_24, %dma_start3A_45] : memref<2560x128xi32, #tpu.memory_space<hbm>> -> memref<40x128xi32, #tpu.memory_space<hbm>>
      tpu.enqueue_dma source(%dma_start3A_46 : memref<40x128xi32, #tpu.memory_space<hbm>>) target(%arg7 : memref<40x128xi32, #tpu.memory_space<vmem>>) target_semaphore(%run_scoped3A : memref<!tpu.dma_semaphore, #tpu.memory_space<semaphore_mem>>)
      %dma_wait3A = arith.constant 0 : i32
      %dma_wait3A_47 = tpu.memref_slice %arg4[%add3A_24, %dma_wait3A] : memref<2560x128xi32, #tpu.memory_space<hbm>> -> memref<40x128xi32, #tpu.memory_space<hbm>>
      %dma_wait3A_48 = arith.constant 0 : i32
      %dma_wait3A_49 = tpu.memref_slice %arg4[%add3A_24, %dma_wait3A_48] : memref<2560x128xi32, #tpu.memory_space<hbm>> -> memref<40x128xi32, #tpu.memory_space<hbm>>
      tpu.wait_dma2 semaphore(%run_scoped3A : memref<!tpu.dma_semaphore, #tpu.memory_space<semaphore_mem>>) src(%dma_wait3A_49 : memref<40x128xi32, #tpu.memory_space<hbm>>) dst(%arg7 : memref<40x128xi32, #tpu.memory_space<vmem>>)
      tpu.yield
    }) : () -> ()
    %scan3A_25 = arith.constant 0 : i32
    %scan3A_26 = arith.constant 20 : i32
    %scan3A_27 = arith.addi %scan3A_25, %scan3A_26 : i32
    %scan3A_28 = arith.constant 1 : i32
    scf.for %scan3A_44 = %scan3A_25 to %scan3A_27 step %scan3A_28  : i32 {
      %mul3A_45 = arith.constant 1 : i32
      %mul3A_46 = arith.muli %scan3A_44, %mul3A_45 : i32
      %add3A_47 = arith.constant 0 : i32
      %add3A_48 = arith.addi %add3A_47, %mul3A_46 : i32
      %mul3A_49 = arith.constant 2 : i32
      %mul3A_50 = arith.muli %mul3A_49, %add3A_48 : i32
      %get3A = arith.index_cast %mul3A_50 : i32 to index
      %get3A_51 = arith.constant 0 : index
      %get3A_52 = tpu.vector_load %arg6[%get3A, %get3A_51] {strides = array<i32>} : memref<40x128xi32, #tpu.memory_space<vmem>>, vector<1x16xi32>,
      %get3A_53 = vector.shape_cast %get3A_52 : vector<1x16xi32> to vector<16xi32>
      %swap3A = arith.constant 0 : index
      %swap3A_54 = tpu.vector_load %arg8[%swap3A] {strides = array<i32>} : memref<128xi32, #tpu.memory_space<vmem>>, vector<16xi32>,
      %swap3A_55 = vector.shape_cast %swap3A_54 : vector<16xi32> to vector<16xi32>
      %swap3A_56 = vector.shape_cast %get3A_53 : vector<16xi32> to vector<16xi32>
      tpu.vector_store %arg8[%swap3A], %swap3A_56 {strides = array<i32>} : memref<128xi32, #tpu.memory_space<vmem>>, vector<16xi32>,
      %get3A_57 = arith.index_cast %mul3A_50 : i32 to index
      %get3A_58 = arith.constant 16 : index
      %get3A_59 = tpu.vector_load %arg6[%get3A_57, %get3A_58] {strides = array<i32>} : memref<40x128xi32, #tpu.memory_space<vmem>>, vector<1x16xi32>,
      %get3A_60 = vector.shape_cast %get3A_59 : vector<1x16xi32> to vector<16xi32>
      %swap3A_61 = arith.constant 16 : index
      %swap3A_62 = tpu.vector_load %arg8[%swap3A_61] {strides = array<i32>} : memref<128xi32, #tpu.memory_space<vmem>>, vector<16xi32>,
      %swap3A_63 = vector.shape_cast %swap3A_62 : vector<16xi32> to vector<16xi32>
      %swap3A_64 = vector.shape_cast %get3A_60 : vector<16xi32> to vector<16xi32>
      tpu.vector_store %arg8[%swap3A_61], %swap3A_64 {strides = array<i32>} : memref<128xi32, #tpu.memory_space<vmem>>, vector<16xi32>,
      %get3A_65 = arith.index_cast %mul3A_50 : i32 to index
      %get3A_66 = arith.constant 32 : index
      %get3A_67 = tpu.vector_load %arg6[%get3A_65, %get3A_66] {strides = array<i32>} : memref<40x128xi32, #tpu.memory_space<vmem>>, vector<1x16xi32>,
      %get3A_68 = vector.shape_cast %get3A_67 : vector<1x16xi32> to vector<16xi32>
      %swap3A_69 = arith.constant 32 : index
      %swap3A_70 = tpu.vector_load %arg8[%swap3A_69] {strides = array<i32>} : memref<128xi32, #tpu.memory_space<vmem>>, vector<16xi32>,
      %swap3A_71 = vector.shape_cast %swap3A_70 : vector<16xi32> to vector<16xi32>
      %swap3A_72 = vector.shape_cast %get3A_68 : vector<16xi32> to vector<16xi32>
      tpu.vector_store %arg8[%swap3A_69], %swap3A_72 {strides = array<i32>} : memref<128xi32, #tpu.memory_space<vmem>>, vector<16xi32>,
      %get3A_73 = arith.index_cast %mul3A_50 : i32 to index
      %get3A_74 = arith.constant 48 : index
      %get3A_75 = tpu.vector_load %arg6[%get3A_73, %get3A_74] {strides = array<i32>} : memref<40x128xi32, #tpu.memory_space<vmem>>, vector<1x16xi32>,
      %get3A_76 = vector.shape_cast %get3A_75 : vector<1x16xi32> to vector<16xi32>
      %swap3A_77 = arith.constant 48 : index
      %swap3A_78 = tpu.vector_load %arg8[%swap3A_77] {strides = array<i32>} : memref<128xi32, #tpu.memory_space<vmem>>, vector<16xi32>,
      %swap3A_79 = vector.shape_cast %swap3A_78 : vector<16xi32> to vector<16xi32>
      %swap3A_80 = vector.shape_cast %get3A_76 : vector<16xi32> to vector<16xi32>
      tpu.vector_store %arg8[%swap3A_77], %swap3A_80 {strides = array<i32>} : memref<128xi32, #tpu.memory_space<vmem>>, vector<16xi32>,
      %get3A_81 = arith.index_cast %mul3A_50 : i32 to index
      %get3A_82 = arith.constant 64 : index
      %get3A_83 = tpu.vector_load %arg6[%get3A_81, %get3A_82] {strides = array<i32>} : memref<40x128xi32, #tpu.memory_space<vmem>>, vector<1x16xi32>,
      %get3A_84 = vector.shape_cast %get3A_83 : vector<1x16xi32> to vector<16xi32>
      %swap3A_85 = arith.constant 64 : index
      %swap3A_86 = tpu.vector_load %arg8[%swap3A_85] {strides = array<i32>} : memref<128xi32, #tpu.memory_space<vmem>>, vector<16xi32>,
      %swap3A_87 = vector.shape_cast %swap3A_86 : vector<16xi32> to vector<16xi32>
      %swap3A_88 = vector.shape_cast %get3A_84 : vector<16xi32> to vector<16xi32>
      tpu.vector_store %arg8[%swap3A_85], %swap3A_88 {strides = array<i32>} : memref<128xi32, #tpu.memory_space<vmem>>, vector<16xi32>,
      %get3A_89 = arith.index_cast %mul3A_50 : i32 to index
      %get3A_90 = arith.constant 80 : index
      %get3A_91 = tpu.vector_load %arg6[%get3A_89, %get3A_90] {strides = array<i32>} : memref<40x128xi32, #tpu.memory_space<vmem>>, vector<1x16xi32>,
      %get3A_92 = vector.shape_cast %get3A_91 : vector<1x16xi32> to vector<16xi32>
      %swap3A_93 = arith.constant 80 : index
      %swap3A_94 = tpu.vector_load %arg8[%swap3A_93] {strides = array<i32>} : memref<128xi32, #tpu.memory_space<vmem>>, vector<16xi32>,
      %swap3A_95 = vector.shape_cast %swap3A_94 : vector<16xi32> to vector<16xi32>
      %swap3A_96 = vector.shape_cast %get3A_92 : vector<16xi32> to vector<16xi32>
      tpu.vector_store %arg8[%swap3A_93], %swap3A_96 {strides = array<i32>} : memref<128xi32, #tpu.memory_space<vmem>>, vector<16xi32>,
      %get3A_97 = arith.index_cast %mul3A_50 : i32 to index
      %get3A_98 = arith.constant 96 : index
      %get3A_99 = tpu.vector_load %arg6[%get3A_97, %get3A_98] {strides = array<i32>} : memref<40x128xi32, #tpu.memory_space<vmem>>, vector<1x16xi32>,
      %get3A_100 = vector.shape_cast %get3A_99 : vector<1x16xi32> to vector<16xi32>
      %swap3A_101 = arith.constant 96 : index
      %swap3A_102 = tpu.vector_load %arg8[%swap3A_101] {strides = array<i32>} : memref<128xi32, #tpu.memory_space<vmem>>, vector<16xi32>,
      %swap3A_103 = vector.shape_cast %swap3A_102 : vector<16xi32> to vector<16xi32>
      %swap3A_104 = vector.shape_cast %get3A_100 : vector<16xi32> to vector<16xi32>
      tpu.vector_store %arg8[%swap3A_101], %swap3A_104 {strides = array<i32>} : memref<128xi32, #tpu.memory_space<vmem>>, vector<16xi32>,
      %get3A_105 = arith.index_cast %mul3A_50 : i32 to index
      %get3A_106 = arith.constant 112 : index
      %get3A_107 = tpu.vector_load %arg6[%get3A_105, %get3A_106] {strides = array<i32>} : memref<40x128xi32, #tpu.memory_space<vmem>>, vector<1x16xi32>,
      %get3A_108 = vector.shape_cast %get3A_107 : vector<1x16xi32> to vector<16xi32>
      %swap3A_109 = arith.constant 112 : index
      %swap3A_110 = tpu.vector_load %arg8[%swap3A_109] {strides = array<i32>} : memref<128xi32, #tpu.memory_space<vmem>>, vector<16xi32>,
      %swap3A_111 = vector.shape_cast %swap3A_110 : vector<16xi32> to vector<16xi32>
      %swap3A_112 = vector.shape_cast %get3A_108 : vector<16xi32> to vector<16xi32>
      tpu.vector_store %arg8[%swap3A_109], %swap3A_112 {strides = array<i32>} : memref<128xi32, #tpu.memory_space<vmem>>, vector<16xi32>,
      %dma_start3A = arith.constant 0 : i32
      %dma_start3A_113 = arith.constant 0 : i32
      %dma_start3A_114 = tpu.memref_slice %arg2[%dma_start3A, %dma_start3A_113] : memref<10112x128xf32, #tpu.memory_space<hbm>> -> memref<10112x128xf32, #tpu.memory_space<hbm>>
      tpu.enqueue_indirect_dma source(%dma_start3A_114 : memref<10112x128xf32, #tpu.memory_space<hbm>>) target(%arg12 : memref<128x128xf32, #tpu.memory_space<vmem>>) offsets(%arg8 : memref<128xi32, #tpu.memory_space<vmem>>) semaphore(%arg15 : memref<!tpu.dma_semaphore, #tpu.memory_space<semaphore_mem>>)
      %add3A_115 = arith.constant 1 : i32
      %add3A_116 = arith.addi %mul3A_50, %add3A_115 : i32
      %get3A_117 = arith.index_cast %add3A_116 : i32 to index
      %get3A_118 = arith.constant 0 : index
      %get3A_119 = tpu.vector_load %arg6[%get3A_117, %get3A_118] {strides = array<i32>} : memref<40x128xi32, #tpu.memory_space<vmem>>, vector<1x16xi32>,
      %get3A_120 = vector.shape_cast %get3A_119 : vector<1x16xi32> to vector<16xi32>
      %swap3A_121 = arith.constant 0 : index
      %swap3A_122 = tpu.vector_load %arg9[%swap3A_121] {strides = array<i32>} : memref<128xi32, #tpu.memory_space<vmem>>, vector<16xi32>,
      %swap3A_123 = vector.shape_cast %swap3A_122 : vector<16xi32> to vector<16xi32>
      %swap3A_124 = vector.shape_cast %get3A_120 : vector<16xi32> to vector<16xi32>
      tpu.vector_store %arg9[%swap3A_121], %swap3A_124 {strides = array<i32>} : memref<128xi32, #tpu.memory_space<vmem>>, vector<16xi32>,
      %get3A_125 = arith.index_cast %add3A_116 : i32 to index
      %get3A_126 = arith.constant 16 : index
      %get3A_127 = tpu.vector_load %arg6[%get3A_125, %get3A_126] {strides = array<i32>} : memref<40x128xi32, #tpu.memory_space<vmem>>, vector<1x16xi32>,
      %get3A_128 = vector.shape_cast %get3A_127 : vector<1x16xi32> to vector<16xi32>
      %swap3A_129 = arith.constant 16 : index
      %swap3A_130 = tpu.vector_load %arg9[%swap3A_129] {strides = array<i32>} : memref<128xi32, #tpu.memory_space<vmem>>, vector<16xi32>,
      %swap3A_131 = vector.shape_cast %swap3A_130 : vector<16xi32> to vector<16xi32>
      %swap3A_132 = vector.shape_cast %get3A_128 : vector<16xi32> to vector<16xi32>
      tpu.vector_store %arg9[%swap3A_129], %swap3A_132 {strides = array<i32>} : memref<128xi32, #tpu.memory_space<vmem>>, vector<16xi32>,
      %get3A_133 = arith.index_cast %add3A_116 : i32 to index
      %get3A_134 = arith.constant 32 : index
      %get3A_135 = tpu.vector_load %arg6[%get3A_133, %get3A_134] {strides = array<i32>} : memref<40x128xi32, #tpu.memory_space<vmem>>, vector<1x16xi32>,
      %get3A_136 = vector.shape_cast %get3A_135 : vector<1x16xi32> to vector<16xi32>
      %swap3A_137 = arith.constant 32 : index
      %swap3A_138 = tpu.vector_load %arg9[%swap3A_137] {strides = array<i32>} : memref<128xi32, #tpu.memory_space<vmem>>, vector<16xi32>,
      %swap3A_139 = vector.shape_cast %swap3A_138 : vector<16xi32> to vector<16xi32>
      %swap3A_140 = vector.shape_cast %get3A_136 : vector<16xi32> to vector<16xi32>
      tpu.vector_store %arg9[%swap3A_137], %swap3A_140 {strides = array<i32>} : memref<128xi32, #tpu.memory_space<vmem>>, vector<16xi32>,
      %get3A_141 = arith.index_cast %add3A_116 : i32 to index
      %get3A_142 = arith.constant 48 : index
      %get3A_143 = tpu.vector_load %arg6[%get3A_141, %get3A_142] {strides = array<i32>} : memref<40x128xi32, #tpu.memory_space<vmem>>, vector<1x16xi32>,
      %get3A_144 = vector.shape_cast %get3A_143 : vector<1x16xi32> to vector<16xi32>
      %swap3A_145 = arith.constant 48 : index
      %swap3A_146 = tpu.vector_load %arg9[%swap3A_145] {strides = array<i32>} : memref<128xi32, #tpu.memory_space<vmem>>, vector<16xi32>,
      %swap3A_147 = vector.shape_cast %swap3A_146 : vector<16xi32> to vector<16xi32>
      %swap3A_148 = vector.shape_cast %get3A_144 : vector<16xi32> to vector<16xi32>
      tpu.vector_store %arg9[%swap3A_145], %swap3A_148 {strides = array<i32>} : memref<128xi32, #tpu.memory_space<vmem>>, vector<16xi32>,
      %get3A_149 = arith.index_cast %add3A_116 : i32 to index
      %get3A_150 = arith.constant 64 : index
      %get3A_151 = tpu.vector_load %arg6[%get3A_149, %get3A_150] {strides = array<i32>} : memref<40x128xi32, #tpu.memory_space<vmem>>, vector<1x16xi32>,
      %get3A_152 = vector.shape_cast %get3A_151 : vector<1x16xi32> to vector<16xi32>
      %swap3A_153 = arith.constant 64 : index
      %swap3A_154 = tpu.vector_load %arg9[%swap3A_153] {strides = array<i32>} : memref<128xi32, #tpu.memory_space<vmem>>, vector<16xi32>,
      %swap3A_155 = vector.shape_cast %swap3A_154 : vector<16xi32> to vector<16xi32>
      %swap3A_156 = vector.shape_cast %get3A_152 : vector<16xi32> to vector<16xi32>
      tpu.vector_store %arg9[%swap3A_153], %swap3A_156 {strides = array<i32>} : memref<128xi32, #tpu.memory_space<vmem>>, vector<16xi32>,
      %get3A_157 = arith.index_cast %add3A_116 : i32 to index
      %get3A_158 = arith.constant 80 : index
      %get3A_159 = tpu.vector_load %arg6[%get3A_157, %get3A_158] {strides = array<i32>} : memref<40x128xi32, #tpu.memory_space<vmem>>, vector<1x16xi32>,
      %get3A_160 = vector.shape_cast %get3A_159 : vector<1x16xi32> to vector<16xi32>
      %swap3A_161 = arith.constant 80 : index
      %swap3A_162 = tpu.vector_load %arg9[%swap3A_161] {strides = array<i32>} : memref<128xi32, #tpu.memory_space<vmem>>, vector<16xi32>,
      %swap3A_163 = vector.shape_cast %swap3A_162 : vector<16xi32> to vector<16xi32>
      %swap3A_164 = vector.shape_cast %get3A_160 : vector<16xi32> to vector<16xi32>
      tpu.vector_store %arg9[%swap3A_161], %swap3A_164 {strides = array<i32>} : memref<128xi32, #tpu.memory_space<vmem>>, vector<16xi32>,
      %get3A_165 = arith.index_cast %add3A_116 : i32 to index
      %get3A_166 = arith.constant 96 : index
      %get3A_167 = tpu.vector_load %arg6[%get3A_165, %get3A_166] {strides = array<i32>} : memref<40x128xi32, #tpu.memory_space<vmem>>, vector<1x16xi32>,
      %get3A_168 = vector.shape_cast %get3A_167 : vector<1x16xi32> to vector<16xi32>
      %swap3A_169 = arith.constant 96 : index
      %swap3A_170 = tpu.vector_load %arg9[%swap3A_169] {strides = array<i32>} : memref<128xi32, #tpu.memory_space<vmem>>, vector<16xi32>,
      %swap3A_171 = vector.shape_cast %swap3A_170 : vector<16xi32> to vector<16xi32>
      %swap3A_172 = vector.shape_cast %get3A_168 : vector<16xi32> to vector<16xi32>
      tpu.vector_store %arg9[%swap3A_169], %swap3A_172 {strides = array<i32>} : memref<128xi32, #tpu.memory_space<vmem>>, vector<16xi32>,
      %get3A_173 = arith.index_cast %add3A_116 : i32 to index
      %get3A_174 = arith.constant 112 : index
      %get3A_175 = tpu.vector_load %arg6[%get3A_173, %get3A_174] {strides = array<i32>} : memref<40x128xi32, #tpu.memory_space<vmem>>, vector<1x16xi32>,
      %get3A_176 = vector.shape_cast %get3A_175 : vector<1x16xi32> to vector<16xi32>
      %swap3A_177 = arith.constant 112 : index
      %swap3A_178 = tpu.vector_load %arg9[%swap3A_177] {strides = array<i32>} : memref<128xi32, #tpu.memory_space<vmem>>, vector<16xi32>,
      %swap3A_179 = vector.shape_cast %swap3A_178 : vector<16xi32> to vector<16xi32>
      %swap3A_180 = vector.shape_cast %get3A_176 : vector<16xi32> to vector<16xi32>
      tpu.vector_store %arg9[%swap3A_177], %swap3A_180 {strides = array<i32>} : memref<128xi32, #tpu.memory_space<vmem>>, vector<16xi32>,
      %dma_start3A_181 = arith.constant 0 : i32
      %dma_start3A_182 = arith.constant 0 : i32
      %dma_start3A_183 = tpu.memref_slice %arg2[%dma_start3A_181, %dma_start3A_182] : memref<10112x128xf32, #tpu.memory_space<hbm>> -> memref<10112x128xf32, #tpu.memory_space<hbm>>
      tpu.enqueue_indirect_dma source(%dma_start3A_183 : memref<10112x128xf32, #tpu.memory_space<hbm>>) target(%arg13 : memref<128x128xf32, #tpu.memory_space<vmem>>) offsets(%arg9 : memref<128xi32, #tpu.memory_space<vmem>>) semaphore(%arg16 : memref<!tpu.dma_semaphore, #tpu.memory_space<semaphore_mem>>)
      %get3A_184 = arith.index_cast %mul3A_50 : i32 to index
      %get3A_185 = arith.constant 0 : index
      %get3A_186 = tpu.vector_load %arg7[%get3A_184, %get3A_185] {strides = array<i32>} : memref<40x128xi32, #tpu.memory_space<vmem>>, vector<1x16xi32>,
      %get3A_187 = vector.shape_cast %get3A_186 : vector<1x16xi32> to vector<16xi32>
      %swap3A_188 = arith.constant 0 : index
      %swap3A_189 = tpu.vector_load %arg10[%swap3A_188] {strides = array<i32>} : memref<128xi32, #tpu.memory_space<vmem>>, vector<16xi32>,
      %swap3A_190 = vector.shape_cast %swap3A_189 : vector<16xi32> to vector<16xi32>
      %swap3A_191 = vector.shape_cast %get3A_187 : vector<16xi32> to vector<16xi32>
      tpu.vector_store %arg10[%swap3A_188], %swap3A_191 {strides = array<i32>} : memref<128xi32, #tpu.memory_space<vmem>>, vector<16xi32>,
      %get3A_192 = arith.index_cast %mul3A_50 : i32 to index
      %get3A_193 = arith.constant 16 : index
      %get3A_194 = tpu.vector_load %arg7[%get3A_192, %get3A_193] {strides = array<i32>} : memref<40x128xi32, #tpu.memory_space<vmem>>, vector<1x16xi32>,
      %get3A_195 = vector.shape_cast %get3A_194 : vector<1x16xi32> to vector<16xi32>
      %swap3A_196 = arith.constant 16 : index
      %swap3A_197 = tpu.vector_load %arg10[%swap3A_196] {strides = array<i32>} : memref<128xi32, #tpu.memory_space<vmem>>, vector<16xi32>,
      %swap3A_198 = vector.shape_cast %swap3A_197 : vector<16xi32> to vector<16xi32>
      %swap3A_199 = vector.shape_cast %get3A_195 : vector<16xi32> to vector<16xi32>
      tpu.vector_store %arg10[%swap3A_196], %swap3A_199 {strides = array<i32>} : memref<128xi32, #tpu.memory_space<vmem>>, vector<16xi32>,
      %get3A_200 = arith.index_cast %mul3A_50 : i32 to index
      %get3A_201 = arith.constant 32 : index
      %get3A_202 = tpu.vector_load %arg7[%get3A_200, %get3A_201] {strides = array<i32>} : memref<40x128xi32, #tpu.memory_space<vmem>>, vector<1x16xi32>,
      %get3A_203 = vector.shape_cast %get3A_202 : vector<1x16xi32> to vector<16xi32>
      %swap3A_204 = arith.constant 32 : index
      %swap3A_205 = tpu.vector_load %arg10[%swap3A_204] {strides = array<i32>} : memref<128xi32, #tpu.memory_space<vmem>>, vector<16xi32>,
      %swap3A_206 = vector.shape_cast %swap3A_205 : vector<16xi32> to vector<16xi32>
      %swap3A_207 = vector.shape_cast %get3A_203 : vector<16xi32> to vector<16xi32>
      tpu.vector_store %arg10[%swap3A_204], %swap3A_207 {strides = array<i32>} : memref<128xi32, #tpu.memory_space<vmem>>, vector<16xi32>,
      %get3A_208 = arith.index_cast %mul3A_50 : i32 to index
      %get3A_209 = arith.constant 48 : index
      %get3A_210 = tpu.vector_load %arg7[%get3A_208, %get3A_209] {strides = array<i32>} : memref<40x128xi32, #tpu.memory_space<vmem>>, vector<1x16xi32>,
      %get3A_211 = vector.shape_cast %get3A_210 : vector<1x16xi32> to vector<16xi32>
      %swap3A_212 = arith.constant 48 : index
      %swap3A_213 = tpu.vector_load %arg10[%swap3A_212] {strides = array<i32>} : memref<128xi32, #tpu.memory_space<vmem>>, vector<16xi32>,
      %swap3A_214 = vector.shape_cast %swap3A_213 : vector<16xi32> to vector<16xi32>
      %swap3A_215 = vector.shape_cast %get3A_211 : vector<16xi32> to vector<16xi32>
      tpu.vector_store %arg10[%swap3A_212], %swap3A_215 {strides = array<i32>} : memref<128xi32, #tpu.memory_space<vmem>>, vector<16xi32>,
      %get3A_216 = arith.index_cast %mul3A_50 : i32 to index
      %get3A_217 = arith.constant 64 : index
      %get3A_218 = tpu.vector_load %arg7[%get3A_216, %get3A_217] {strides = array<i32>} : memref<40x128xi32, #tpu.memory_space<vmem>>, vector<1x16xi32>,
      %get3A_219 = vector.shape_cast %get3A_218 : vector<1x16xi32> to vector<16xi32>
      %swap3A_220 = arith.constant 64 : index
      %swap3A_221 = tpu.vector_load %arg10[%swap3A_220] {strides = array<i32>} : memref<128xi32, #tpu.memory_space<vmem>>, vector<16xi32>,
      %swap3A_222 = vector.shape_cast %swap3A_221 : vector<16xi32> to vector<16xi32>
      %swap3A_223 = vector.shape_cast %get3A_219 : vector<16xi32> to vector<16xi32>
      tpu.vector_store %arg10[%swap3A_220], %swap3A_223 {strides = array<i32>} : memref<128xi32, #tpu.memory_space<vmem>>, vector<16xi32>,
      %get3A_224 = arith.index_cast %mul3A_50 : i32 to index
      %get3A_225 = arith.constant 80 : index
      %get3A_226 = tpu.vector_load %arg7[%get3A_224, %get3A_225] {strides = array<i32>} : memref<40x128xi32, #tpu.memory_space<vmem>>, vector<1x16xi32>,
      %get3A_227 = vector.shape_cast %get3A_226 : vector<1x16xi32> to vector<16xi32>
      %swap3A_228 = arith.constant 80 : index
      %swap3A_229 = tpu.vector_load %arg10[%swap3A_228] {strides = array<i32>} : memref<128xi32, #tpu.memory_space<vmem>>, vector<16xi32>,
      %swap3A_230 = vector.shape_cast %swap3A_229 : vector<16xi32> to vector<16xi32>
      %swap3A_231 = vector.shape_cast %get3A_227 : vector<16xi32> to vector<16xi32>
      tpu.vector_store %arg10[%swap3A_228], %swap3A_231 {strides = array<i32>} : memref<128xi32, #tpu.memory_space<vmem>>, vector<16xi32>,
      %get3A_232 = arith.index_cast %mul3A_50 : i32 to index
      %get3A_233 = arith.constant 96 : index
      %get3A_234 = tpu.vector_load %arg7[%get3A_232, %get3A_233] {strides = array<i32>} : memref<40x128xi32, #tpu.memory_space<vmem>>, vector<1x16xi32>,
      %get3A_235 = vector.shape_cast %get3A_234 : vector<1x16xi32> to vector<16xi32>
      %swap3A_236 = arith.constant 96 : index
      %swap3A_237 = tpu.vector_load %arg10[%swap3A_236] {strides = array<i32>} : memref<128xi32, #tpu.memory_space<vmem>>, vector<16xi32>,
      %swap3A_238 = vector.shape_cast %swap3A_237 : vector<16xi32> to vector<16xi32>
      %swap3A_239 = vector.shape_cast %get3A_235 : vector<16xi32> to vector<16xi32>
      tpu.vector_store %arg10[%swap3A_236], %swap3A_239 {strides = array<i32>} : memref<128xi32, #tpu.memory_space<vmem>>, vector<16xi32>,
      %get3A_240 = arith.index_cast %mul3A_50 : i32 to index
      %get3A_241 = arith.constant 112 : index
      %get3A_242 = tpu.vector_load %arg7[%get3A_240, %get3A_241] {strides = array<i32>} : memref<40x128xi32, #tpu.memory_space<vmem>>, vector<1x16xi32>,
      %get3A_243 = vector.shape_cast %get3A_242 : vector<1x16xi32> to vector<16xi32>
      %swap3A_244 = arith.constant 112 : index
      %swap3A_245 = tpu.vector_load %arg10[%swap3A_244] {strides = array<i32>} : memref<128xi32, #tpu.memory_space<vmem>>, vector<16xi32>,
      %swap3A_246 = vector.shape_cast %swap3A_245 : vector<16xi32> to vector<16xi32>
      %swap3A_247 = vector.shape_cast %get3A_243 : vector<16xi32> to vector<16xi32>
      tpu.vector_store %arg10[%swap3A_244], %swap3A_247 {strides = array<i32>} : memref<128xi32, #tpu.memory_space<vmem>>, vector<16xi32>,
      %dma_wait3A = arith.constant 0 : i32
      %dma_wait3A_248 = arith.constant 0 : i32
      %dma_wait3A_249 = tpu.memref_slice %arg2[%dma_wait3A, %dma_wait3A_248] : memref<10112x128xf32, #tpu.memory_space<hbm>> -> memref<10112x128xf32, #tpu.memory_space<hbm>>
      tpu.wait_indirect_dma semaphore(%arg15 : memref<!tpu.dma_semaphore, #tpu.memory_space<semaphore_mem>>) src(%dma_wait3A_249 : memref<10112x128xf32, #tpu.memory_space<hbm>>) dst(%arg12 : memref<128x128xf32, #tpu.memory_space<vmem>>)
      "tpu.region"() ({
        %run_scoped3A = tpu.sem_alloc : memref<!tpu.dma_semaphore, #tpu.memory_space<semaphore_mem>>
        %dma_start3A_319 = arith.constant 0 : i32
        %dma_start3A_320 = arith.constant 0 : i32
        %dma_start3A_321 = tpu.memref_slice %arg14[%dma_start3A_319, %dma_start3A_320] : memref<10112x128xf32, #tpu.memory_space<vmem_shared>> -> memref<10112x128xf32, #tpu.memory_space<vmem_shared>>
        tpu.enqueue_indirect_dma source(%arg12 : memref<128x128xf32, #tpu.memory_space<vmem>>) target(%dma_start3A_321 : memref<10112x128xf32, #tpu.memory_space<vmem_shared>>) offsets(%arg10 : memref<128xi32, #tpu.memory_space<vmem>>) semaphore(%run_scoped3A : memref<!tpu.dma_semaphore, #tpu.memory_space<semaphore_mem>>) {add = true}
        %dma_wait3A_322 = arith.constant 0 : i32
        %dma_wait3A_323 = arith.constant 0 : i32
        %dma_wait3A_324 = tpu.memref_slice %arg14[%dma_wait3A_322, %dma_wait3A_323] : memref<10112x128xf32, #tpu.memory_space<vmem_shared>> -> memref<10112x128xf32, #tpu.memory_space<vmem_shared>>
        tpu.wait_indirect_dma semaphore(%run_scoped3A : memref<!tpu.dma_semaphore, #tpu.memory_space<semaphore_mem>>) src(%arg12 : memref<128x128xf32, #tpu.memory_space<vmem>>) dst(%dma_wait3A_324 : memref<10112x128xf32, #tpu.memory_space<vmem_shared>>)
        tpu.yield
      }) : () -> ()
      %add3A_250 = arith.constant 1 : i32
      %add3A_251 = arith.addi %mul3A_50, %add3A_250 : i32
      %get3A_252 = arith.index_cast %add3A_251 : i32 to index
      %get3A_253 = arith.constant 0 : index
      %get3A_254 = tpu.vector_load %arg7[%get3A_252, %get3A_253] {strides = array<i32>} : memref<40x128xi32, #tpu.memory_space<vmem>>, vector<1x16xi32>,
      %get3A_255 = vector.shape_cast %get3A_254 : vector<1x16xi32> to vector<16xi32>
      %swap3A_256 = arith.constant 0 : index
      %swap3A_257 = tpu.vector_load %arg11[%swap3A_256] {strides = array<i32>} : memref<128xi32, #tpu.memory_space<vmem>>, vector<16xi32>,
      %swap3A_258 = vector.shape_cast %swap3A_257 : vector<16xi32> to vector<16xi32>
      %swap3A_259 = vector.shape_cast %get3A_255 : vector<16xi32> to vector<16xi32>
      tpu.vector_store %arg11[%swap3A_256], %swap3A_259 {strides = array<i32>} : memref<128xi32, #tpu.memory_space<vmem>>, vector<16xi32>,
      %get3A_260 = arith.index_cast %add3A_251 : i32 to index
      %get3A_261 = arith.constant 16 : index
      %get3A_262 = tpu.vector_load %arg7[%get3A_260, %get3A_261] {strides = array<i32>} : memref<40x128xi32, #tpu.memory_space<vmem>>, vector<1x16xi32>,
      %get3A_263 = vector.shape_cast %get3A_262 : vector<1x16xi32> to vector<16xi32>
      %swap3A_264 = arith.constant 16 : index
      %swap3A_265 = tpu.vector_load %arg11[%swap3A_264] {strides = array<i32>} : memref<128xi32, #tpu.memory_space<vmem>>, vector<16xi32>,
      %swap3A_266 = vector.shape_cast %swap3A_265 : vector<16xi32> to vector<16xi32>
      %swap3A_267 = vector.shape_cast %get3A_263 : vector<16xi32> to vector<16xi32>
      tpu.vector_store %arg11[%swap3A_264], %swap3A_267 {strides = array<i32>} : memref<128xi32, #tpu.memory_space<vmem>>, vector<16xi32>,
      %get3A_268 = arith.index_cast %add3A_251 : i32 to index
      %get3A_269 = arith.constant 32 : index
      %get3A_270 = tpu.vector_load %arg7[%get3A_268, %get3A_269] {strides = array<i32>} : memref<40x128xi32, #tpu.memory_space<vmem>>, vector<1x16xi32>,
      %get3A_271 = vector.shape_cast %get3A_270 : vector<1x16xi32> to vector<16xi32>
      %swap3A_272 = arith.constant 32 : index
      %swap3A_273 = tpu.vector_load %arg11[%swap3A_272] {strides = array<i32>} : memref<128xi32, #tpu.memory_space<vmem>>, vector<16xi32>,
      %swap3A_274 = vector.shape_cast %swap3A_273 : vector<16xi32> to vector<16xi32>
      %swap3A_275 = vector.shape_cast %get3A_271 : vector<16xi32> to vector<16xi32>
      tpu.vector_store %arg11[%swap3A_272], %swap3A_275 {strides = array<i32>} : memref<128xi32, #tpu.memory_space<vmem>>, vector<16xi32>,
      %get3A_276 = arith.index_cast %add3A_251 : i32 to index
      %get3A_277 = arith.constant 48 : index
      %get3A_278 = tpu.vector_load %arg7[%get3A_276, %get3A_277] {strides = array<i32>} : memref<40x128xi32, #tpu.memory_space<vmem>>, vector<1x16xi32>,
      %get3A_279 = vector.shape_cast %get3A_278 : vector<1x16xi32> to vector<16xi32>
      %swap3A_280 = arith.constant 48 : index
      %swap3A_281 = tpu.vector_load %arg11[%swap3A_280] {strides = array<i32>} : memref<128xi32, #tpu.memory_space<vmem>>, vector<16xi32>,
      %swap3A_282 = vector.shape_cast %swap3A_281 : vector<16xi32> to vector<16xi32>
      %swap3A_283 = vector.shape_cast %get3A_279 : vector<16xi32> to vector<16xi32>
      tpu.vector_store %arg11[%swap3A_280], %swap3A_283 {strides = array<i32>} : memref<128xi32, #tpu.memory_space<vmem>>, vector<16xi32>,
      %get3A_284 = arith.index_cast %add3A_251 : i32 to index
      %get3A_285 = arith.constant 64 : index
      %get3A_286 = tpu.vector_load %arg7[%get3A_284, %get3A_285] {strides = array<i32>} : memref<40x128xi32, #tpu.memory_space<vmem>>, vector<1x16xi32>,
      %get3A_287 = vector.shape_cast %get3A_286 : vector<1x16xi32> to vector<16xi32>
      %swap3A_288 = arith.constant 64 : index
      %swap3A_289 = tpu.vector_load %arg11[%swap3A_288] {strides = array<i32>} : memref<128xi32, #tpu.memory_space<vmem>>, vector<16xi32>,
      %swap3A_290 = vector.shape_cast %swap3A_289 : vector<16xi32> to vector<16xi32>
      %swap3A_291 = vector.shape_cast %get3A_287 : vector<16xi32> to vector<16xi32>
      tpu.vector_store %arg11[%swap3A_288], %swap3A_291 {strides = array<i32>} : memref<128xi32, #tpu.memory_space<vmem>>, vector<16xi32>,
      %get3A_292 = arith.index_cast %add3A_251 : i32 to index
      %get3A_293 = arith.constant 80 : index
      %get3A_294 = tpu.vector_load %arg7[%get3A_292, %get3A_293] {strides = array<i32>} : memref<40x128xi32, #tpu.memory_space<vmem>>, vector<1x16xi32>,
      %get3A_295 = vector.shape_cast %get3A_294 : vector<1x16xi32> to vector<16xi32>
      %swap3A_296 = arith.constant 80 : index
      %swap3A_297 = tpu.vector_load %arg11[%swap3A_296] {strides = array<i32>} : memref<128xi32, #tpu.memory_space<vmem>>, vector<16xi32>,
      %swap3A_298 = vector.shape_cast %swap3A_297 : vector<16xi32> to vector<16xi32>
      %swap3A_299 = vector.shape_cast %get3A_295 : vector<16xi32> to vector<16xi32>
      tpu.vector_store %arg11[%swap3A_296], %swap3A_299 {strides = array<i32>} : memref<128xi32, #tpu.memory_space<vmem>>, vector<16xi32>,
      %get3A_300 = arith.index_cast %add3A_251 : i32 to index
      %get3A_301 = arith.constant 96 : index
      %get3A_302 = tpu.vector_load %arg7[%get3A_300, %get3A_301] {strides = array<i32>} : memref<40x128xi32, #tpu.memory_space<vmem>>, vector<1x16xi32>,
      %get3A_303 = vector.shape_cast %get3A_302 : vector<1x16xi32> to vector<16xi32>
      %swap3A_304 = arith.constant 96 : index
      %swap3A_305 = tpu.vector_load %arg11[%swap3A_304] {strides = array<i32>} : memref<128xi32, #tpu.memory_space<vmem>>, vector<16xi32>,
      %swap3A_306 = vector.shape_cast %swap3A_305 : vector<16xi32> to vector<16xi32>
      %swap3A_307 = vector.shape_cast %get3A_303 : vector<16xi32> to vector<16xi32>
      tpu.vector_store %arg11[%swap3A_304], %swap3A_307 {strides = array<i32>} : memref<128xi32, #tpu.memory_space<vmem>>, vector<16xi32>,
      %get3A_308 = arith.index_cast %add3A_251 : i32 to index
      %get3A_309 = arith.constant 112 : index
      %get3A_310 = tpu.vector_load %arg7[%get3A_308, %get3A_309] {strides = array<i32>} : memref<40x128xi32, #tpu.memory_space<vmem>>, vector<1x16xi32>,
      %get3A_311 = vector.shape_cast %get3A_310 : vector<1x16xi32> to vector<16xi32>
      %swap3A_312 = arith.constant 112 : index
      %swap3A_313 = tpu.vector_load %arg11[%swap3A_312] {strides = array<i32>} : memref<128xi32, #tpu.memory_space<vmem>>, vector<16xi32>,
      %swap3A_314 = vector.shape_cast %swap3A_313 : vector<16xi32> to vector<16xi32>
      %swap3A_315 = vector.shape_cast %get3A_311 : vector<16xi32> to vector<16xi32>
      tpu.vector_store %arg11[%swap3A_312], %swap3A_315 {strides = array<i32>} : memref<128xi32, #tpu.memory_space<vmem>>, vector<16xi32>,
      %dma_wait3A_316 = arith.constant 0 : i32
      %dma_wait3A_317 = arith.constant 0 : i32
      %dma_wait3A_318 = tpu.memref_slice %arg2[%dma_wait3A_316, %dma_wait3A_317] : memref<10112x128xf32, #tpu.memory_space<hbm>> -> memref<10112x128xf32, #tpu.memory_space<hbm>>
      tpu.wait_indirect_dma semaphore(%arg16 : memref<!tpu.dma_semaphore, #tpu.memory_space<semaphore_mem>>) src(%dma_wait3A_318 : memref<10112x128xf32, #tpu.memory_space<hbm>>) dst(%arg13 : memref<128x128xf32, #tpu.memory_space<vmem>>)
      "tpu.region"() ({
        %run_scoped3A = tpu.sem_alloc : memref<!tpu.dma_semaphore, #tpu.memory_space<semaphore_mem>>
        %dma_start3A_319 = arith.constant 0 : i32
        %dma_start3A_320 = arith.constant 0 : i32
        %dma_start3A_321 = tpu.memref_slice %arg14[%dma_start3A_319, %dma_start3A_320] : memref<10112x128xf32, #tpu.memory_space<vmem_shared>> -> memref<10112x128xf32, #tpu.memory_space<vmem_shared>>
        tpu.enqueue_indirect_dma source(%arg13 : memref<128x128xf32, #tpu.memory_space<vmem>>) target(%dma_start3A_321 : memref<10112x128xf32, #tpu.memory_space<vmem_shared>>) offsets(%arg11 : memref<128xi32, #tpu.memory_space<vmem>>) semaphore(%run_scoped3A : memref<!tpu.dma_semaphore, #tpu.memory_space<semaphore_mem>>) {add = true}
        %dma_wait3A_322 = arith.constant 0 : i32
        %dma_wait3A_323 = arith.constant 0 : i32
        %dma_wait3A_324 = tpu.memref_slice %arg14[%dma_wait3A_322, %dma_wait3A_323] : memref<10112x128xf32, #tpu.memory_space<vmem_shared>> -> memref<10112x128xf32, #tpu.memory_space<vmem_shared>>
        tpu.wait_indirect_dma semaphore(%run_scoped3A : memref<!tpu.dma_semaphore, #tpu.memory_space<semaphore_mem>>) src(%arg13 : memref<128x128xf32, #tpu.memory_space<vmem>>) dst(%dma_wait3A_324 : memref<10112x128xf32, #tpu.memory_space<vmem_shared>>)
        tpu.yield
      }) : () -> ()
    }
    %scan3A_29 = arith.constant 20 : i32
    %mul3A_30 = arith.constant 80 : i32
    %mul3A_31 = arith.muli %add3A, %mul3A_30 : i32
    %add3A_32 = arith.constant 40 : i32
    %add3A_33 = arith.addi %mul3A_31, %add3A_32 : i32
    "tpu.region"() ({
      %run_scoped3A = tpu.sem_alloc : memref<!tpu.dma_semaphore, #tpu.memory_space<semaphore_mem>>
      %dma_start3A = arith.constant 0 : i32
      %dma_start3A_44 = tpu.memref_slice %arg3[%add3A_33, %dma_start3A] : memref<2560x128xi32, #tpu.memory_space<hbm>> -> memref<40x128xi32, #tpu.memory_space<hbm>>
      %dma_start3A_45 = arith.constant 0 : i32
      %dma_start3A_46 = tpu.memref_slice %arg3[%add3A_33, %dma_start3A_45] : memref<2560x128xi32, #tpu.memory_space<hbm>> -> memref<40x128xi32, #tpu.memory_space<hbm>>
      tpu.enqueue_dma source(%dma_start3A_46 : memref<40x128xi32, #tpu.memory_space<hbm>>) target(%arg6 : memref<40x128xi32, #tpu.memory_space<vmem>>) target_semaphore(%run_scoped3A : memref<!tpu.dma_semaphore, #tpu.memory_space<semaphore_mem>>)
      %dma_wait3A = arith.constant 0 : i32
      %dma_wait3A_47 = tpu.memref_slice %arg3[%add3A_33, %dma_wait3A] : memref<2560x128xi32, #tpu.memory_space<hbm>> -> memref<40x128xi32, #tpu.memory_space<hbm>>
      %dma_wait3A_48 = arith.constant 0 : i32
      %dma_wait3A_49 = tpu.memref_slice %arg3[%add3A_33, %dma_wait3A_48] : memref<2560x128xi32, #tpu.memory_space<hbm>> -> memref<40x128xi32, #tpu.memory_space<hbm>>
      tpu.wait_dma2 semaphore(%run_scoped3A : memref<!tpu.dma_semaphore, #tpu.memory_space<semaphore_mem>>) src(%dma_wait3A_49 : memref<40x128xi32, #tpu.memory_space<hbm>>) dst(%arg6 : memref<40x128xi32, #tpu.memory_space<vmem>>)
      tpu.yield
    }) : () -> ()
    %mul3A_34 = arith.constant 80 : i32
    %mul3A_35 = arith.muli %add3A, %mul3A_34 : i32
    %add3A_36 = arith.constant 40 : i32
    %add3A_37 = arith.addi %mul3A_35, %add3A_36 : i32
    "tpu.region"() ({
      %run_scoped3A = tpu.sem_alloc : memref<!tpu.dma_semaphore, #tpu.memory_space<semaphore_mem>>
      %dma_start3A = arith.constant 0 : i32
      %dma_start3A_44 = tpu.memref_slice %arg4[%add3A_37, %dma_start3A] : memref<2560x128xi32, #tpu.memory_space<hbm>> -> memref<40x128xi32, #tpu.memory_space<hbm>>
      %dma_start3A_45 = arith.constant 0 : i32
      %dma_start3A_46 = tpu.memref_slice %arg4[%add3A_37, %dma_start3A_45] : memref<2560x128xi32, #tpu.memory_space<hbm>> -> memref<40x128xi32, #tpu.memory_space<hbm>>
      tpu.enqueue_dma source(%dma_start3A_46 : memref<40x128xi32, #tpu.memory_space<hbm>>) target(%arg7 : memref<40x128xi32, #tpu.memory_space<vmem>>) target_semaphore(%run_scoped3A : memref<!tpu.dma_semaphore, #tpu.memory_space<semaphore_mem>>)
      %dma_wait3A = arith.constant 0 : i32
      %dma_wait3A_47 = tpu.memref_slice %arg4[%add3A_37, %dma_wait3A] : memref<2560x128xi32, #tpu.memory_space<hbm>> -> memref<40x128xi32, #tpu.memory_space<hbm>>
      %dma_wait3A_48 = arith.constant 0 : i32
      %dma_wait3A_49 = tpu.memref_slice %arg4[%add3A_37, %dma_wait3A_48] : memref<2560x128xi32, #tpu.memory_space<hbm>> -> memref<40x128xi32, #tpu.memory_space<hbm>>
      tpu.wait_dma2 semaphore(%run_scoped3A : memref<!tpu.dma_semaphore, #tpu.memory_space<semaphore_mem>>) src(%dma_wait3A_49 : memref<40x128xi32, #tpu.memory_space<hbm>>) dst(%arg7 : memref<40x128xi32, #tpu.memory_space<vmem>>)
      tpu.yield
    }) : () -> ()
    %scan3A_38 = arith.constant 0 : i32
    %scan3A_39 = arith.constant 20 : i32
    %scan3A_40 = arith.addi %scan3A_38, %scan3A_39 : i32
    %scan3A_41 = arith.constant 1 : i32
    scf.for %scan3A_44 = %scan3A_38 to %scan3A_40 step %scan3A_41  : i32 {
      %mul3A_45 = arith.constant 1 : i32
      %mul3A_46 = arith.muli %scan3A_44, %mul3A_45 : i32
      %add3A_47 = arith.constant 0 : i32
      %add3A_48 = arith.addi %add3A_47, %mul3A_46 : i32
      %mul3A_49 = arith.constant 2 : i32
      %mul3A_50 = arith.muli %mul3A_49, %add3A_48 : i32
      %get3A = arith.index_cast %mul3A_50 : i32 to index
      %get3A_51 = arith.constant 0 : index
      %get3A_52 = tpu.vector_load %arg6[%get3A, %get3A_51] {strides = array<i32>} : memref<40x128xi32, #tpu.memory_space<vmem>>, vector<1x16xi32>,
      %get3A_53 = vector.shape_cast %get3A_52 : vector<1x16xi32> to vector<16xi32>
      %swap3A = arith.constant 0 : index
      %swap3A_54 = tpu.vector_load %arg8[%swap3A] {strides = array<i32>} : memref<128xi32, #tpu.memory_space<vmem>>, vector<16xi32>,
      %swap3A_55 = vector.shape_cast %swap3A_54 : vector<16xi32> to vector<16xi32>
      %swap3A_56 = vector.shape_cast %get3A_53 : vector<16xi32> to vector<16xi32>
      tpu.vector_store %arg8[%swap3A], %swap3A_56 {strides = array<i32>} : memref<128xi32, #tpu.memory_space<vmem>>, vector<16xi32>,
      %get3A_57 = arith.index_cast %mul3A_50 : i32 to index
      %get3A_58 = arith.constant 16 : index
      %get3A_59 = tpu.vector_load %arg6[%get3A_57, %get3A_58] {strides = array<i32>} : memref<40x128xi32, #tpu.memory_space<vmem>>, vector<1x16xi32>,
      %get3A_60 = vector.shape_cast %get3A_59 : vector<1x16xi32> to vector<16xi32>
      %swap3A_61 = arith.constant 16 : index
      %swap3A_62 = tpu.vector_load %arg8[%swap3A_61] {strides = array<i32>} : memref<128xi32, #tpu.memory_space<vmem>>, vector<16xi32>,
      %swap3A_63 = vector.shape_cast %swap3A_62 : vector<16xi32> to vector<16xi32>
      %swap3A_64 = vector.shape_cast %get3A_60 : vector<16xi32> to vector<16xi32>
      tpu.vector_store %arg8[%swap3A_61], %swap3A_64 {strides = array<i32>} : memref<128xi32, #tpu.memory_space<vmem>>, vector<16xi32>,
      %get3A_65 = arith.index_cast %mul3A_50 : i32 to index
      %get3A_66 = arith.constant 32 : index
      %get3A_67 = tpu.vector_load %arg6[%get3A_65, %get3A_66] {strides = array<i32>} : memref<40x128xi32, #tpu.memory_space<vmem>>, vector<1x16xi32>,
      %get3A_68 = vector.shape_cast %get3A_67 : vector<1x16xi32> to vector<16xi32>
      %swap3A_69 = arith.constant 32 : index
      %swap3A_70 = tpu.vector_load %arg8[%swap3A_69] {strides = array<i32>} : memref<128xi32, #tpu.memory_space<vmem>>, vector<16xi32>,
      %swap3A_71 = vector.shape_cast %swap3A_70 : vector<16xi32> to vector<16xi32>
      %swap3A_72 = vector.shape_cast %get3A_68 : vector<16xi32> to vector<16xi32>
      tpu.vector_store %arg8[%swap3A_69], %swap3A_72 {strides = array<i32>} : memref<128xi32, #tpu.memory_space<vmem>>, vector<16xi32>,
      %get3A_73 = arith.index_cast %mul3A_50 : i32 to index
      %get3A_74 = arith.constant 48 : index
      %get3A_75 = tpu.vector_load %arg6[%get3A_73, %get3A_74] {strides = array<i32>} : memref<40x128xi32, #tpu.memory_space<vmem>>, vector<1x16xi32>,
      %get3A_76 = vector.shape_cast %get3A_75 : vector<1x16xi32> to vector<16xi32>
      %swap3A_77 = arith.constant 48 : index
      %swap3A_78 = tpu.vector_load %arg8[%swap3A_77] {strides = array<i32>} : memref<128xi32, #tpu.memory_space<vmem>>, vector<16xi32>,
      %swap3A_79 = vector.shape_cast %swap3A_78 : vector<16xi32> to vector<16xi32>
      %swap3A_80 = vector.shape_cast %get3A_76 : vector<16xi32> to vector<16xi32>
      tpu.vector_store %arg8[%swap3A_77], %swap3A_80 {strides = array<i32>} : memref<128xi32, #tpu.memory_space<vmem>>, vector<16xi32>,
      %get3A_81 = arith.index_cast %mul3A_50 : i32 to index
      %get3A_82 = arith.constant 64 : index
      %get3A_83 = tpu.vector_load %arg6[%get3A_81, %get3A_82] {strides = array<i32>} : memref<40x128xi32, #tpu.memory_space<vmem>>, vector<1x16xi32>,
      %get3A_84 = vector.shape_cast %get3A_83 : vector<1x16xi32> to vector<16xi32>
      %swap3A_85 = arith.constant 64 : index
      %swap3A_86 = tpu.vector_load %arg8[%swap3A_85] {strides = array<i32>} : memref<128xi32, #tpu.memory_space<vmem>>, vector<16xi32>,
      %swap3A_87 = vector.shape_cast %swap3A_86 : vector<16xi32> to vector<16xi32>
      %swap3A_88 = vector.shape_cast %get3A_84 : vector<16xi32> to vector<16xi32>
      tpu.vector_store %arg8[%swap3A_85], %swap3A_88 {strides = array<i32>} : memref<128xi32, #tpu.memory_space<vmem>>, vector<16xi32>,
      %get3A_89 = arith.index_cast %mul3A_50 : i32 to index
      %get3A_90 = arith.constant 80 : index
      %get3A_91 = tpu.vector_load %arg6[%get3A_89, %get3A_90] {strides = array<i32>} : memref<40x128xi32, #tpu.memory_space<vmem>>, vector<1x16xi32>,
      %get3A_92 = vector.shape_cast %get3A_91 : vector<1x16xi32> to vector<16xi32>
      %swap3A_93 = arith.constant 80 : index
      %swap3A_94 = tpu.vector_load %arg8[%swap3A_93] {strides = array<i32>} : memref<128xi32, #tpu.memory_space<vmem>>, vector<16xi32>,
      %swap3A_95 = vector.shape_cast %swap3A_94 : vector<16xi32> to vector<16xi32>
      %swap3A_96 = vector.shape_cast %get3A_92 : vector<16xi32> to vector<16xi32>
      tpu.vector_store %arg8[%swap3A_93], %swap3A_96 {strides = array<i32>} : memref<128xi32, #tpu.memory_space<vmem>>, vector<16xi32>,
      %get3A_97 = arith.index_cast %mul3A_50 : i32 to index
      %get3A_98 = arith.constant 96 : index
      %get3A_99 = tpu.vector_load %arg6[%get3A_97, %get3A_98] {strides = array<i32>} : memref<40x128xi32, #tpu.memory_space<vmem>>, vector<1x16xi32>,
      %get3A_100 = vector.shape_cast %get3A_99 : vector<1x16xi32> to vector<16xi32>
      %swap3A_101 = arith.constant 96 : index
      %swap3A_102 = tpu.vector_load %arg8[%swap3A_101] {strides = array<i32>} : memref<128xi32, #tpu.memory_space<vmem>>, vector<16xi32>,
      %swap3A_103 = vector.shape_cast %swap3A_102 : vector<16xi32> to vector<16xi32>
      %swap3A_104 = vector.shape_cast %get3A_100 : vector<16xi32> to vector<16xi32>
      tpu.vector_store %arg8[%swap3A_101], %swap3A_104 {strides = array<i32>} : memref<128xi32, #tpu.memory_space<vmem>>, vector<16xi32>,
      %get3A_105 = arith.index_cast %mul3A_50 : i32 to index
      %get3A_106 = arith.constant 112 : index
      %get3A_107 = tpu.vector_load %arg6[%get3A_105, %get3A_106] {strides = array<i32>} : memref<40x128xi32, #tpu.memory_space<vmem>>, vector<1x16xi32>,
      %get3A_108 = vector.shape_cast %get3A_107 : vector<1x16xi32> to vector<16xi32>
      %swap3A_109 = arith.constant 112 : index
      %swap3A_110 = tpu.vector_load %arg8[%swap3A_109] {strides = array<i32>} : memref<128xi32, #tpu.memory_space<vmem>>, vector<16xi32>,
      %swap3A_111 = vector.shape_cast %swap3A_110 : vector<16xi32> to vector<16xi32>
      %swap3A_112 = vector.shape_cast %get3A_108 : vector<16xi32> to vector<16xi32>
      tpu.vector_store %arg8[%swap3A_109], %swap3A_112 {strides = array<i32>} : memref<128xi32, #tpu.memory_space<vmem>>, vector<16xi32>,
      %dma_start3A = arith.constant 0 : i32
      %dma_start3A_113 = arith.constant 0 : i32
      %dma_start3A_114 = tpu.memref_slice %arg2[%dma_start3A, %dma_start3A_113] : memref<10112x128xf32, #tpu.memory_space<hbm>> -> memref<10112x128xf32, #tpu.memory_space<hbm>>
      tpu.enqueue_indirect_dma source(%dma_start3A_114 : memref<10112x128xf32, #tpu.memory_space<hbm>>) target(%arg12 : memref<128x128xf32, #tpu.memory_space<vmem>>) offsets(%arg8 : memref<128xi32, #tpu.memory_space<vmem>>) semaphore(%arg15 : memref<!tpu.dma_semaphore, #tpu.memory_space<semaphore_mem>>)
      %add3A_115 = arith.constant 1 : i32
      %add3A_116 = arith.addi %mul3A_50, %add3A_115 : i32
      %get3A_117 = arith.index_cast %add3A_116 : i32 to index
      %get3A_118 = arith.constant 0 : index
      %get3A_119 = tpu.vector_load %arg6[%get3A_117, %get3A_118] {strides = array<i32>} : memref<40x128xi32, #tpu.memory_space<vmem>>, vector<1x16xi32>,
      %get3A_120 = vector.shape_cast %get3A_119 : vector<1x16xi32> to vector<16xi32>
      %swap3A_121 = arith.constant 0 : index
      %swap3A_122 = tpu.vector_load %arg9[%swap3A_121] {strides = array<i32>} : memref<128xi32, #tpu.memory_space<vmem>>, vector<16xi32>,
      %swap3A_123 = vector.shape_cast %swap3A_122 : vector<16xi32> to vector<16xi32>
      %swap3A_124 = vector.shape_cast %get3A_120 : vector<16xi32> to vector<16xi32>
      tpu.vector_store %arg9[%swap3A_121], %swap3A_124 {strides = array<i32>} : memref<128xi32, #tpu.memory_space<vmem>>, vector<16xi32>,
      %get3A_125 = arith.index_cast %add3A_116 : i32 to index
      %get3A_126 = arith.constant 16 : index
      %get3A_127 = tpu.vector_load %arg6[%get3A_125, %get3A_126] {strides = array<i32>} : memref<40x128xi32, #tpu.memory_space<vmem>>, vector<1x16xi32>,
      %get3A_128 = vector.shape_cast %get3A_127 : vector<1x16xi32> to vector<16xi32>
      %swap3A_129 = arith.constant 16 : index
      %swap3A_130 = tpu.vector_load %arg9[%swap3A_129] {strides = array<i32>} : memref<128xi32, #tpu.memory_space<vmem>>, vector<16xi32>,
      %swap3A_131 = vector.shape_cast %swap3A_130 : vector<16xi32> to vector<16xi32>
      %swap3A_132 = vector.shape_cast %get3A_128 : vector<16xi32> to vector<16xi32>
      tpu.vector_store %arg9[%swap3A_129], %swap3A_132 {strides = array<i32>} : memref<128xi32, #tpu.memory_space<vmem>>, vector<16xi32>,
      %get3A_133 = arith.index_cast %add3A_116 : i32 to index
      %get3A_134 = arith.constant 32 : index
      %get3A_135 = tpu.vector_load %arg6[%get3A_133, %get3A_134] {strides = array<i32>} : memref<40x128xi32, #tpu.memory_space<vmem>>, vector<1x16xi32>,
      %get3A_136 = vector.shape_cast %get3A_135 : vector<1x16xi32> to vector<16xi32>
      %swap3A_137 = arith.constant 32 : index
      %swap3A_138 = tpu.vector_load %arg9[%swap3A_137] {strides = array<i32>} : memref<128xi32, #tpu.memory_space<vmem>>, vector<16xi32>,
      %swap3A_139 = vector.shape_cast %swap3A_138 : vector<16xi32> to vector<16xi32>
      %swap3A_140 = vector.shape_cast %get3A_136 : vector<16xi32> to vector<16xi32>
      tpu.vector_store %arg9[%swap3A_137], %swap3A_140 {strides = array<i32>} : memref<128xi32, #tpu.memory_space<vmem>>, vector<16xi32>,
      %get3A_141 = arith.index_cast %add3A_116 : i32 to index
      %get3A_142 = arith.constant 48 : index
      %get3A_143 = tpu.vector_load %arg6[%get3A_141, %get3A_142] {strides = array<i32>} : memref<40x128xi32, #tpu.memory_space<vmem>>, vector<1x16xi32>,
      %get3A_144 = vector.shape_cast %get3A_143 : vector<1x16xi32> to vector<16xi32>
      %swap3A_145 = arith.constant 48 : index
      %swap3A_146 = tpu.vector_load %arg9[%swap3A_145] {strides = array<i32>} : memref<128xi32, #tpu.memory_space<vmem>>, vector<16xi32>,
      %swap3A_147 = vector.shape_cast %swap3A_146 : vector<16xi32> to vector<16xi32>
      %swap3A_148 = vector.shape_cast %get3A_144 : vector<16xi32> to vector<16xi32>
      tpu.vector_store %arg9[%swap3A_145], %swap3A_148 {strides = array<i32>} : memref<128xi32, #tpu.memory_space<vmem>>, vector<16xi32>,
      %get3A_149 = arith.index_cast %add3A_116 : i32 to index
      %get3A_150 = arith.constant 64 : index
      %get3A_151 = tpu.vector_load %arg6[%get3A_149, %get3A_150] {strides = array<i32>} : memref<40x128xi32, #tpu.memory_space<vmem>>, vector<1x16xi32>,
      %get3A_152 = vector.shape_cast %get3A_151 : vector<1x16xi32> to vector<16xi32>
      %swap3A_153 = arith.constant 64 : index
      %swap3A_154 = tpu.vector_load %arg9[%swap3A_153] {strides = array<i32>} : memref<128xi32, #tpu.memory_space<vmem>>, vector<16xi32>,
      %swap3A_155 = vector.shape_cast %swap3A_154 : vector<16xi32> to vector<16xi32>
      %swap3A_156 = vector.shape_cast %get3A_152 : vector<16xi32> to vector<16xi32>
      tpu.vector_store %arg9[%swap3A_153], %swap3A_156 {strides = array<i32>} : memref<128xi32, #tpu.memory_space<vmem>>, vector<16xi32>,
      %get3A_157 = arith.index_cast %add3A_116 : i32 to index
      %get3A_158 = arith.constant 80 : index
      %get3A_159 = tpu.vector_load %arg6[%get3A_157, %get3A_158] {strides = array<i32>} : memref<40x128xi32, #tpu.memory_space<vmem>>, vector<1x16xi32>,
      %get3A_160 = vector.shape_cast %get3A_159 : vector<1x16xi32> to vector<16xi32>
      %swap3A_161 = arith.constant 80 : index
      %swap3A_162 = tpu.vector_load %arg9[%swap3A_161] {strides = array<i32>} : memref<128xi32, #tpu.memory_space<vmem>>, vector<16xi32>,
      %swap3A_163 = vector.shape_cast %swap3A_162 : vector<16xi32> to vector<16xi32>
      %swap3A_164 = vector.shape_cast %get3A_160 : vector<16xi32> to vector<16xi32>
      tpu.vector_store %arg9[%swap3A_161], %swap3A_164 {strides = array<i32>} : memref<128xi32, #tpu.memory_space<vmem>>, vector<16xi32>,
      %get3A_165 = arith.index_cast %add3A_116 : i32 to index
      %get3A_166 = arith.constant 96 : index
      %get3A_167 = tpu.vector_load %arg6[%get3A_165, %get3A_166] {strides = array<i32>} : memref<40x128xi32, #tpu.memory_space<vmem>>, vector<1x16xi32>,
      %get3A_168 = vector.shape_cast %get3A_167 : vector<1x16xi32> to vector<16xi32>
      %swap3A_169 = arith.constant 96 : index
      %swap3A_170 = tpu.vector_load %arg9[%swap3A_169] {strides = array<i32>} : memref<128xi32, #tpu.memory_space<vmem>>, vector<16xi32>,
      %swap3A_171 = vector.shape_cast %swap3A_170 : vector<16xi32> to vector<16xi32>
      %swap3A_172 = vector.shape_cast %get3A_168 : vector<16xi32> to vector<16xi32>
      tpu.vector_store %arg9[%swap3A_169], %swap3A_172 {strides = array<i32>} : memref<128xi32, #tpu.memory_space<vmem>>, vector<16xi32>,
      %get3A_173 = arith.index_cast %add3A_116 : i32 to index
      %get3A_174 = arith.constant 112 : index
      %get3A_175 = tpu.vector_load %arg6[%get3A_173, %get3A_174] {strides = array<i32>} : memref<40x128xi32, #tpu.memory_space<vmem>>, vector<1x16xi32>,
      %get3A_176 = vector.shape_cast %get3A_175 : vector<1x16xi32> to vector<16xi32>
      %swap3A_177 = arith.constant 112 : index
      %swap3A_178 = tpu.vector_load %arg9[%swap3A_177] {strides = array<i32>} : memref<128xi32, #tpu.memory_space<vmem>>, vector<16xi32>,
      %swap3A_179 = vector.shape_cast %swap3A_178 : vector<16xi32> to vector<16xi32>
      %swap3A_180 = vector.shape_cast %get3A_176 : vector<16xi32> to vector<16xi32>
      tpu.vector_store %arg9[%swap3A_177], %swap3A_180 {strides = array<i32>} : memref<128xi32, #tpu.memory_space<vmem>>, vector<16xi32>,
      %dma_start3A_181 = arith.constant 0 : i32
      %dma_start3A_182 = arith.constant 0 : i32
      %dma_start3A_183 = tpu.memref_slice %arg2[%dma_start3A_181, %dma_start3A_182] : memref<10112x128xf32, #tpu.memory_space<hbm>> -> memref<10112x128xf32, #tpu.memory_space<hbm>>
      tpu.enqueue_indirect_dma source(%dma_start3A_183 : memref<10112x128xf32, #tpu.memory_space<hbm>>) target(%arg13 : memref<128x128xf32, #tpu.memory_space<vmem>>) offsets(%arg9 : memref<128xi32, #tpu.memory_space<vmem>>) semaphore(%arg16 : memref<!tpu.dma_semaphore, #tpu.memory_space<semaphore_mem>>)
      %get3A_184 = arith.index_cast %mul3A_50 : i32 to index
      %get3A_185 = arith.constant 0 : index
      %get3A_186 = tpu.vector_load %arg7[%get3A_184, %get3A_185] {strides = array<i32>} : memref<40x128xi32, #tpu.memory_space<vmem>>, vector<1x16xi32>,
      %get3A_187 = vector.shape_cast %get3A_186 : vector<1x16xi32> to vector<16xi32>
      %swap3A_188 = arith.constant 0 : index
      %swap3A_189 = tpu.vector_load %arg10[%swap3A_188] {strides = array<i32>} : memref<128xi32, #tpu.memory_space<vmem>>, vector<16xi32>,
      %swap3A_190 = vector.shape_cast %swap3A_189 : vector<16xi32> to vector<16xi32>
      %swap3A_191 = vector.shape_cast %get3A_187 : vector<16xi32> to vector<16xi32>
      tpu.vector_store %arg10[%swap3A_188], %swap3A_191 {strides = array<i32>} : memref<128xi32, #tpu.memory_space<vmem>>, vector<16xi32>,
      %get3A_192 = arith.index_cast %mul3A_50 : i32 to index
      %get3A_193 = arith.constant 16 : index
      %get3A_194 = tpu.vector_load %arg7[%get3A_192, %get3A_193] {strides = array<i32>} : memref<40x128xi32, #tpu.memory_space<vmem>>, vector<1x16xi32>,
      %get3A_195 = vector.shape_cast %get3A_194 : vector<1x16xi32> to vector<16xi32>
      %swap3A_196 = arith.constant 16 : index
      %swap3A_197 = tpu.vector_load %arg10[%swap3A_196] {strides = array<i32>} : memref<128xi32, #tpu.memory_space<vmem>>, vector<16xi32>,
      %swap3A_198 = vector.shape_cast %swap3A_197 : vector<16xi32> to vector<16xi32>
      %swap3A_199 = vector.shape_cast %get3A_195 : vector<16xi32> to vector<16xi32>
      tpu.vector_store %arg10[%swap3A_196], %swap3A_199 {strides = array<i32>} : memref<128xi32, #tpu.memory_space<vmem>>, vector<16xi32>,
      %get3A_200 = arith.index_cast %mul3A_50 : i32 to index
      %get3A_201 = arith.constant 32 : index
      %get3A_202 = tpu.vector_load %arg7[%get3A_200, %get3A_201] {strides = array<i32>} : memref<40x128xi32, #tpu.memory_space<vmem>>, vector<1x16xi32>,
      %get3A_203 = vector.shape_cast %get3A_202 : vector<1x16xi32> to vector<16xi32>
      %swap3A_204 = arith.constant 32 : index
      %swap3A_205 = tpu.vector_load %arg10[%swap3A_204] {strides = array<i32>} : memref<128xi32, #tpu.memory_space<vmem>>, vector<16xi32>,
      %swap3A_206 = vector.shape_cast %swap3A_205 : vector<16xi32> to vector<16xi32>
      %swap3A_207 = vector.shape_cast %get3A_203 : vector<16xi32> to vector<16xi32>
      tpu.vector_store %arg10[%swap3A_204], %swap3A_207 {strides = array<i32>} : memref<128xi32, #tpu.memory_space<vmem>>, vector<16xi32>,
      %get3A_208 = arith.index_cast %mul3A_50 : i32 to index
      %get3A_209 = arith.constant 48 : index
      %get3A_210 = tpu.vector_load %arg7[%get3A_208, %get3A_209] {strides = array<i32>} : memref<40x128xi32, #tpu.memory_space<vmem>>, vector<1x16xi32>,
      %get3A_211 = vector.shape_cast %get3A_210 : vector<1x16xi32> to vector<16xi32>
      %swap3A_212 = arith.constant 48 : index
      %swap3A_213 = tpu.vector_load %arg10[%swap3A_212] {strides = array<i32>} : memref<128xi32, #tpu.memory_space<vmem>>, vector<16xi32>,
      %swap3A_214 = vector.shape_cast %swap3A_213 : vector<16xi32> to vector<16xi32>
      %swap3A_215 = vector.shape_cast %get3A_211 : vector<16xi32> to vector<16xi32>
      tpu.vector_store %arg10[%swap3A_212], %swap3A_215 {strides = array<i32>} : memref<128xi32, #tpu.memory_space<vmem>>, vector<16xi32>,
      %get3A_216 = arith.index_cast %mul3A_50 : i32 to index
      %get3A_217 = arith.constant 64 : index
      %get3A_218 = tpu.vector_load %arg7[%get3A_216, %get3A_217] {strides = array<i32>} : memref<40x128xi32, #tpu.memory_space<vmem>>, vector<1x16xi32>,
      %get3A_219 = vector.shape_cast %get3A_218 : vector<1x16xi32> to vector<16xi32>
      %swap3A_220 = arith.constant 64 : index
      %swap3A_221 = tpu.vector_load %arg10[%swap3A_220] {strides = array<i32>} : memref<128xi32, #tpu.memory_space<vmem>>, vector<16xi32>,
      %swap3A_222 = vector.shape_cast %swap3A_221 : vector<16xi32> to vector<16xi32>
      %swap3A_223 = vector.shape_cast %get3A_219 : vector<16xi32> to vector<16xi32>
      tpu.vector_store %arg10[%swap3A_220], %swap3A_223 {strides = array<i32>} : memref<128xi32, #tpu.memory_space<vmem>>, vector<16xi32>,
      %get3A_224 = arith.index_cast %mul3A_50 : i32 to index
      %get3A_225 = arith.constant 80 : index
      %get3A_226 = tpu.vector_load %arg7[%get3A_224, %get3A_225] {strides = array<i32>} : memref<40x128xi32, #tpu.memory_space<vmem>>, vector<1x16xi32>,
      %get3A_227 = vector.shape_cast %get3A_226 : vector<1x16xi32> to vector<16xi32>
      %swap3A_228 = arith.constant 80 : index
      %swap3A_229 = tpu.vector_load %arg10[%swap3A_228] {strides = array<i32>} : memref<128xi32, #tpu.memory_space<vmem>>, vector<16xi32>,
      %swap3A_230 = vector.shape_cast %swap3A_229 : vector<16xi32> to vector<16xi32>
      %swap3A_231 = vector.shape_cast %get3A_227 : vector<16xi32> to vector<16xi32>
      tpu.vector_store %arg10[%swap3A_228], %swap3A_231 {strides = array<i32>} : memref<128xi32, #tpu.memory_space<vmem>>, vector<16xi32>,
      %get3A_232 = arith.index_cast %mul3A_50 : i32 to index
      %get3A_233 = arith.constant 96 : index
      %get3A_234 = tpu.vector_load %arg7[%get3A_232, %get3A_233] {strides = array<i32>} : memref<40x128xi32, #tpu.memory_space<vmem>>, vector<1x16xi32>,
      %get3A_235 = vector.shape_cast %get3A_234 : vector<1x16xi32> to vector<16xi32>
      %swap3A_236 = arith.constant 96 : index
      %swap3A_237 = tpu.vector_load %arg10[%swap3A_236] {strides = array<i32>} : memref<128xi32, #tpu.memory_space<vmem>>, vector<16xi32>,
      %swap3A_238 = vector.shape_cast %swap3A_237 : vector<16xi32> to vector<16xi32>
      %swap3A_239 = vector.shape_cast %get3A_235 : vector<16xi32> to vector<16xi32>
      tpu.vector_store %arg10[%swap3A_236], %swap3A_239 {strides = array<i32>} : memref<128xi32, #tpu.memory_space<vmem>>, vector<16xi32>,
      %get3A_240 = arith.index_cast %mul3A_50 : i32 to index
      %get3A_241 = arith.constant 112 : index
      %get3A_242 = tpu.vector_load %arg7[%get3A_240, %get3A_241] {strides = array<i32>} : memref<40x128xi32, #tpu.memory_space<vmem>>, vector<1x16xi32>,
      %get3A_243 = vector.shape_cast %get3A_242 : vector<1x16xi32> to vector<16xi32>
      %swap3A_244 = arith.constant 112 : index
      %swap3A_245 = tpu.vector_load %arg10[%swap3A_244] {strides = array<i32>} : memref<128xi32, #tpu.memory_space<vmem>>, vector<16xi32>,
      %swap3A_246 = vector.shape_cast %swap3A_245 : vector<16xi32> to vector<16xi32>
      %swap3A_247 = vector.shape_cast %get3A_243 : vector<16xi32> to vector<16xi32>
      tpu.vector_store %arg10[%swap3A_244], %swap3A_247 {strides = array<i32>} : memref<128xi32, #tpu.memory_space<vmem>>, vector<16xi32>,
      %dma_wait3A = arith.constant 0 : i32
      %dma_wait3A_248 = arith.constant 0 : i32
      %dma_wait3A_249 = tpu.memref_slice %arg2[%dma_wait3A, %dma_wait3A_248] : memref<10112x128xf32, #tpu.memory_space<hbm>> -> memref<10112x128xf32, #tpu.memory_space<hbm>>
      tpu.wait_indirect_dma semaphore(%arg15 : memref<!tpu.dma_semaphore, #tpu.memory_space<semaphore_mem>>) src(%dma_wait3A_249 : memref<10112x128xf32, #tpu.memory_space<hbm>>) dst(%arg12 : memref<128x128xf32, #tpu.memory_space<vmem>>)
      "tpu.region"() ({
        %run_scoped3A = tpu.sem_alloc : memref<!tpu.dma_semaphore, #tpu.memory_space<semaphore_mem>>
        %dma_start3A_319 = arith.constant 0 : i32
        %dma_start3A_320 = arith.constant 0 : i32
        %dma_start3A_321 = tpu.memref_slice %arg14[%dma_start3A_319, %dma_start3A_320] : memref<10112x128xf32, #tpu.memory_space<vmem_shared>> -> memref<10112x128xf32, #tpu.memory_space<vmem_shared>>
        tpu.enqueue_indirect_dma source(%arg12 : memref<128x128xf32, #tpu.memory_space<vmem>>) target(%dma_start3A_321 : memref<10112x128xf32, #tpu.memory_space<vmem_shared>>) offsets(%arg10 : memref<128xi32, #tpu.memory_space<vmem>>) semaphore(%run_scoped3A : memref<!tpu.dma_semaphore, #tpu.memory_space<semaphore_mem>>) {add = true}
        %dma_wait3A_322 = arith.constant 0 : i32
        %dma_wait3A_323 = arith.constant 0 : i32
        %dma_wait3A_324 = tpu.memref_slice %arg14[%dma_wait3A_322, %dma_wait3A_323] : memref<10112x128xf32, #tpu.memory_space<vmem_shared>> -> memref<10112x128xf32, #tpu.memory_space<vmem_shared>>
        tpu.wait_indirect_dma semaphore(%run_scoped3A : memref<!tpu.dma_semaphore, #tpu.memory_space<semaphore_mem>>) src(%arg12 : memref<128x128xf32, #tpu.memory_space<vmem>>) dst(%dma_wait3A_324 : memref<10112x128xf32, #tpu.memory_space<vmem_shared>>)
        tpu.yield
      }) : () -> ()
      %add3A_250 = arith.constant 1 : i32
      %add3A_251 = arith.addi %mul3A_50, %add3A_250 : i32
      %get3A_252 = arith.index_cast %add3A_251 : i32 to index
      %get3A_253 = arith.constant 0 : index
      %get3A_254 = tpu.vector_load %arg7[%get3A_252, %get3A_253] {strides = array<i32>} : memref<40x128xi32, #tpu.memory_space<vmem>>, vector<1x16xi32>,
      %get3A_255 = vector.shape_cast %get3A_254 : vector<1x16xi32> to vector<16xi32>
      %swap3A_256 = arith.constant 0 : index
      %swap3A_257 = tpu.vector_load %arg11[%swap3A_256] {strides = array<i32>} : memref<128xi32, #tpu.memory_space<vmem>>, vector<16xi32>,
      %swap3A_258 = vector.shape_cast %swap3A_257 : vector<16xi32> to vector<16xi32>
      %swap3A_259 = vector.shape_cast %get3A_255 : vector<16xi32> to vector<16xi32>
      tpu.vector_store %arg11[%swap3A_256], %swap3A_259 {strides = array<i32>} : memref<128xi32, #tpu.memory_space<vmem>>, vector<16xi32>,
      %get3A_260 = arith.index_cast %add3A_251 : i32 to index
      %get3A_261 = arith.constant 16 : index
      %get3A_262 = tpu.vector_load %arg7[%get3A_260, %get3A_261] {strides = array<i32>} : memref<40x128xi32, #tpu.memory_space<vmem>>, vector<1x16xi32>,
      %get3A_263 = vector.shape_cast %get3A_262 : vector<1x16xi32> to vector<16xi32>
      %swap3A_264 = arith.constant 16 : index
      %swap3A_265 = tpu.vector_load %arg11[%swap3A_264] {strides = array<i32>} : memref<128xi32, #tpu.memory_space<vmem>>, vector<16xi32>,
      %swap3A_266 = vector.shape_cast %swap3A_265 : vector<16xi32> to vector<16xi32>
      %swap3A_267 = vector.shape_cast %get3A_263 : vector<16xi32> to vector<16xi32>
      tpu.vector_store %arg11[%swap3A_264], %swap3A_267 {strides = array<i32>} : memref<128xi32, #tpu.memory_space<vmem>>, vector<16xi32>,
      %get3A_268 = arith.index_cast %add3A_251 : i32 to index
      %get3A_269 = arith.constant 32 : index
      %get3A_270 = tpu.vector_load %arg7[%get3A_268, %get3A_269] {strides = array<i32>} : memref<40x128xi32, #tpu.memory_space<vmem>>, vector<1x16xi32>,
      %get3A_271 = vector.shape_cast %get3A_270 : vector<1x16xi32> to vector<16xi32>
      %swap3A_272 = arith.constant 32 : index
      %swap3A_273 = tpu.vector_load %arg11[%swap3A_272] {strides = array<i32>} : memref<128xi32, #tpu.memory_space<vmem>>, vector<16xi32>,
      %swap3A_274 = vector.shape_cast %swap3A_273 : vector<16xi32> to vector<16xi32>
      %swap3A_275 = vector.shape_cast %get3A_271 : vector<16xi32> to vector<16xi32>
      tpu.vector_store %arg11[%swap3A_272], %swap3A_275 {strides = array<i32>} : memref<128xi32, #tpu.memory_space<vmem>>, vector<16xi32>,
      %get3A_276 = arith.index_cast %add3A_251 : i32 to index
      %get3A_277 = arith.constant 48 : index
      %get3A_278 = tpu.vector_load %arg7[%get3A_276, %get3A_277] {strides = array<i32>} : memref<40x128xi32, #tpu.memory_space<vmem>>, vector<1x16xi32>,
      %get3A_279 = vector.shape_cast %get3A_278 : vector<1x16xi32> to vector<16xi32>
      %swap3A_280 = arith.constant 48 : index
      %swap3A_281 = tpu.vector_load %arg11[%swap3A_280] {strides = array<i32>} : memref<128xi32, #tpu.memory_space<vmem>>, vector<16xi32>,
      %swap3A_282 = vector.shape_cast %swap3A_281 : vector<16xi32> to vector<16xi32>
      %swap3A_283 = vector.shape_cast %get3A_279 : vector<16xi32> to vector<16xi32>
      tpu.vector_store %arg11[%swap3A_280], %swap3A_283 {strides = array<i32>} : memref<128xi32, #tpu.memory_space<vmem>>, vector<16xi32>,
      %get3A_284 = arith.index_cast %add3A_251 : i32 to index
      %get3A_285 = arith.constant 64 : index
      %get3A_286 = tpu.vector_load %arg7[%get3A_284, %get3A_285] {strides = array<i32>} : memref<40x128xi32, #tpu.memory_space<vmem>>, vector<1x16xi32>,
      %get3A_287 = vector.shape_cast %get3A_286 : vector<1x16xi32> to vector<16xi32>
      %swap3A_288 = arith.constant 64 : index
      %swap3A_289 = tpu.vector_load %arg11[%swap3A_288] {strides = array<i32>} : memref<128xi32, #tpu.memory_space<vmem>>, vector<16xi32>,
      %swap3A_290 = vector.shape_cast %swap3A_289 : vector<16xi32> to vector<16xi32>
      %swap3A_291 = vector.shape_cast %get3A_287 : vector<16xi32> to vector<16xi32>
      tpu.vector_store %arg11[%swap3A_288], %swap3A_291 {strides = array<i32>} : memref<128xi32, #tpu.memory_space<vmem>>, vector<16xi32>,
      %get3A_292 = arith.index_cast %add3A_251 : i32 to index
      %get3A_293 = arith.constant 80 : index
      %get3A_294 = tpu.vector_load %arg7[%get3A_292, %get3A_293] {strides = array<i32>} : memref<40x128xi32, #tpu.memory_space<vmem>>, vector<1x16xi32>,
      %get3A_295 = vector.shape_cast %get3A_294 : vector<1x16xi32> to vector<16xi32>
      %swap3A_296 = arith.constant 80 : index
      %swap3A_297 = tpu.vector_load %arg11[%swap3A_296] {strides = array<i32>} : memref<128xi32, #tpu.memory_space<vmem>>, vector<16xi32>,
      %swap3A_298 = vector.shape_cast %swap3A_297 : vector<16xi32> to vector<16xi32>
      %swap3A_299 = vector.shape_cast %get3A_295 : vector<16xi32> to vector<16xi32>
      tpu.vector_store %arg11[%swap3A_296], %swap3A_299 {strides = array<i32>} : memref<128xi32, #tpu.memory_space<vmem>>, vector<16xi32>,
      %get3A_300 = arith.index_cast %add3A_251 : i32 to index
      %get3A_301 = arith.constant 96 : index
      %get3A_302 = tpu.vector_load %arg7[%get3A_300, %get3A_301] {strides = array<i32>} : memref<40x128xi32, #tpu.memory_space<vmem>>, vector<1x16xi32>,
      %get3A_303 = vector.shape_cast %get3A_302 : vector<1x16xi32> to vector<16xi32>
      %swap3A_304 = arith.constant 96 : index
      %swap3A_305 = tpu.vector_load %arg11[%swap3A_304] {strides = array<i32>} : memref<128xi32, #tpu.memory_space<vmem>>, vector<16xi32>,
      %swap3A_306 = vector.shape_cast %swap3A_305 : vector<16xi32> to vector<16xi32>
      %swap3A_307 = vector.shape_cast %get3A_303 : vector<16xi32> to vector<16xi32>
      tpu.vector_store %arg11[%swap3A_304], %swap3A_307 {strides = array<i32>} : memref<128xi32, #tpu.memory_space<vmem>>, vector<16xi32>,
      %get3A_308 = arith.index_cast %add3A_251 : i32 to index
      %get3A_309 = arith.constant 112 : index
      %get3A_310 = tpu.vector_load %arg7[%get3A_308, %get3A_309] {strides = array<i32>} : memref<40x128xi32, #tpu.memory_space<vmem>>, vector<1x16xi32>,
      %get3A_311 = vector.shape_cast %get3A_310 : vector<1x16xi32> to vector<16xi32>
      %swap3A_312 = arith.constant 112 : index
      %swap3A_313 = tpu.vector_load %arg11[%swap3A_312] {strides = array<i32>} : memref<128xi32, #tpu.memory_space<vmem>>, vector<16xi32>,
      %swap3A_314 = vector.shape_cast %swap3A_313 : vector<16xi32> to vector<16xi32>
      %swap3A_315 = vector.shape_cast %get3A_311 : vector<16xi32> to vector<16xi32>
      tpu.vector_store %arg11[%swap3A_312], %swap3A_315 {strides = array<i32>} : memref<128xi32, #tpu.memory_space<vmem>>, vector<16xi32>,
      %dma_wait3A_316 = arith.constant 0 : i32
      %dma_wait3A_317 = arith.constant 0 : i32
      %dma_wait3A_318 = tpu.memref_slice %arg2[%dma_wait3A_316, %dma_wait3A_317] : memref<10112x128xf32, #tpu.memory_space<hbm>> -> memref<10112x128xf32, #tpu.memory_space<hbm>>
      tpu.wait_indirect_dma semaphore(%arg16 : memref<!tpu.dma_semaphore, #tpu.memory_space<semaphore_mem>>) src(%dma_wait3A_318 : memref<10112x128xf32, #tpu.memory_space<hbm>>) dst(%arg13 : memref<128x128xf32, #tpu.memory_space<vmem>>)
      "tpu.region"() ({
        %run_scoped3A = tpu.sem_alloc : memref<!tpu.dma_semaphore, #tpu.memory_space<semaphore_mem>>
        %dma_start3A_319 = arith.constant 0 : i32
        %dma_start3A_320 = arith.constant 0 : i32
        %dma_start3A_321 = tpu.memref_slice %arg14[%dma_start3A_319, %dma_start3A_320] : memref<10112x128xf32, #tpu.memory_space<vmem_shared>> -> memref<10112x128xf32, #tpu.memory_space<vmem_shared>>
        tpu.enqueue_indirect_dma source(%arg13 : memref<128x128xf32, #tpu.memory_space<vmem>>) target(%dma_start3A_321 : memref<10112x128xf32, #tpu.memory_space<vmem_shared>>) offsets(%arg11 : memref<128xi32, #tpu.memory_space<vmem>>) semaphore(%run_scoped3A : memref<!tpu.dma_semaphore, #tpu.memory_space<semaphore_mem>>) {add = true}
        %dma_wait3A_322 = arith.constant 0 : i32
        %dma_wait3A_323 = arith.constant 0 : i32
        %dma_wait3A_324 = tpu.memref_slice %arg14[%dma_wait3A_322, %dma_wait3A_323] : memref<10112x128xf32, #tpu.memory_space<vmem_shared>> -> memref<10112x128xf32, #tpu.memory_space<vmem_shared>>
        tpu.wait_indirect_dma semaphore(%run_scoped3A : memref<!tpu.dma_semaphore, #tpu.memory_space<semaphore_mem>>) src(%arg13 : memref<128x128xf32, #tpu.memory_space<vmem>>) dst(%dma_wait3A_324 : memref<10112x128xf32, #tpu.memory_space<vmem_shared>>)
        tpu.yield
      }) : () -> ()
    }
    %scan3A_42 = arith.constant 20 : i32
    %barrier3A_43 = arith.constant 0 : index
    tpu.barrier barrier_id(%barrier3A_43)
    "tpu.region"() ({
      %run_scoped3A = tpu.sem_alloc : memref<!tpu.dma_semaphore, #tpu.memory_space<semaphore_mem>>
      %dma_start3A = arith.constant 0 : i32
      %dma_start3A_44 = tpu.memref_slice %arg5[%arg0, %mul3A_2, %dma_start3A] : memref<2x10112x128xf32, #tpu.memory_space<hbm>> -> memref<1x632x128xf32, #tpu.memory_space<hbm>>
      %dma_start3A_45 = tpu.memref_squeeze %dma_start3A_44 : memref<1x632x128xf32, #tpu.memory_space<hbm>> -> memref<632x128xf32, #tpu.memory_space<hbm>>
      %dma_start3A_46 = arith.constant 0 : i32
      %dma_start3A_47 = tpu.memref_slice %arg14[%mul3A_2, %dma_start3A_46] : memref<10112x128xf32, #tpu.memory_space<vmem_shared>> -> memref<632x128xf32, #tpu.memory_space<vmem_shared>>
      tpu.enqueue_dma source(%dma_start3A_47 : memref<632x128xf32, #tpu.memory_space<vmem_shared>>) target(%dma_start3A_45 : memref<632x128xf32, #tpu.memory_space<hbm>>) target_semaphore(%run_scoped3A : memref<!tpu.dma_semaphore, #tpu.memory_space<semaphore_mem>>)
      %dma_wait3A = arith.constant 0 : i32
      %dma_wait3A_48 = tpu.memref_slice %arg5[%arg0, %mul3A_2, %dma_wait3A] : memref<2x10112x128xf32, #tpu.memory_space<hbm>> -> memref<1x632x128xf32, #tpu.memory_space<hbm>>
      %dma_wait3A_49 = tpu.memref_squeeze %dma_wait3A_48 : memref<1x632x128xf32, #tpu.memory_space<hbm>> -> memref<632x128xf32, #tpu.memory_space<hbm>>
      %dma_wait3A_50 = arith.constant 0 : i32
      %dma_wait3A_51 = tpu.memref_slice %arg14[%mul3A_2, %dma_wait3A_50] : memref<10112x128xf32, #tpu.memory_space<vmem_shared>> -> memref<632x128xf32, #tpu.memory_space<vmem_shared>>
      tpu.wait_dma2 semaphore(%run_scoped3A : memref<!tpu.dma_semaphore, #tpu.memory_space<semaphore_mem>>) src(%dma_wait3A_51 : memref<632x128xf32, #tpu.memory_space<vmem_shared>>) dst(%dma_wait3A_49 : memref<632x128xf32, #tpu.memory_space<hbm>>)
      tpu.yield
    }) : () -> ()
    return
  }
}

module attributes {stable_mosaic.version = 14 : i64} {
  func.func @_tk1_body(%arg0: memref<10112x128xf32, #tpu.memory_space<vmem>>, %arg1: memref<128x128xf32, #tpu.memory_space<vmem>>, %arg2: memref<2x10112x128xf32, #tpu.memory_space<vmem>>, %arg3: memref<10112x128xf32, #tpu.memory_space<vmem>>, %arg4: memref<10112x1xf32, #tpu.memory_space<vmem>>) attributes {dimension_semantics = [], scalar_prefetch = 0 : i64, scratch_operands = 0 : i64, tpu.core_type = #tpu.core_type<tc>} {
    %get3A = arith.constant 0 : index
    %get3A_0 = arith.constant 0 : index
    %get3A_1 = arith.constant 0 : index
    %get3A_2 = vector.load %arg2[%get3A, %get3A_0, %get3A_1] : memref<2x10112x128xf32, #tpu.memory_space<vmem>>, vector<1x10112x128xf32>
    %get3A_3 = vector.shape_cast %get3A_2 : vector<1x10112x128xf32> to vector<10112x128xf32>
    %slice3A = vector.extract_strided_slice %get3A_3 {offsets = [0, 0], sizes = [10112, 1], strides = [1, 1]} : vector<10112x128xf32> to vector<10112x1xf32>
    %get3A_4 = arith.constant 1 : index
    %get3A_5 = arith.constant 0 : index
    %get3A_6 = arith.constant 0 : index
    %get3A_7 = vector.load %arg2[%get3A_4, %get3A_5, %get3A_6] : memref<2x10112x128xf32, #tpu.memory_space<vmem>>, vector<1x10112x128xf32>
    %get3A_8 = vector.shape_cast %get3A_7 : vector<1x10112x128xf32> to vector<10112x128xf32>
    %slice3A_9 = vector.extract_strided_slice %get3A_8 {offsets = [0, 0], sizes = [10112, 1], strides = [1, 1]} : vector<10112x128xf32> to vector<10112x1xf32>
    %add3A = arith.addf %slice3A, %slice3A_9 : vector<10112x1xf32>
    %add3A_10 = arith.constant 1.000000e+00 : f32
    %add3A_11 = vector.broadcast %add3A_10 : f32 to vector<10112x1xf32>
    %add3A_12 = arith.addf %add3A, %add3A_11 : vector<10112x1xf32>
    %rsqrt3A = math.rsqrt %add3A_12 : vector<10112x1xf32>
    %swap3A = arith.constant 0 : index
    %swap3A_13 = arith.constant 0 : index
    %swap3A_14 = vector.load %arg4[%swap3A, %swap3A_13] : memref<10112x1xf32, #tpu.memory_space<vmem>>, vector<10112x1xf32>
    tpu.vector_store %arg4[%swap3A, %swap3A_13], %rsqrt3A {strides = array<i32>} : memref<10112x1xf32, #tpu.memory_space<vmem>>, vector<10112x1xf32>,
    %get3A_15 = arith.constant 0 : index
    %get3A_16 = arith.constant 0 : index
    %get3A_17 = vector.load %arg0[%get3A_15, %get3A_16] : memref<10112x128xf32, #tpu.memory_space<vmem>>, vector<10112x128xf32>
    %get3A_18 = arith.constant 0 : index
    %get3A_19 = arith.constant 0 : index
    %get3A_20 = vector.load %arg1[%get3A_18, %get3A_19] : memref<128x128xf32, #tpu.memory_space<vmem>>, vector<128x128xf32>
    %dot_general3A = arith.constant dense<0.000000e+00> : vector<10112x128xf32>
    %dot_general3A_21 = tpu.matmul %get3A_17, %get3A_20, %dot_general3A {dimension_numbers = #tpu.dot_dimension_numbers<[1], [0], [0], [1], [0, 0, 1, 1], [], []>, transpose_lhs_hint = false} : vector<10112x128xf32>, vector<128x128xf32>, vector<10112x128xf32> -> vector<10112x128xf32>
    %mul3A = vector.broadcast %rsqrt3A : vector<10112x1xf32> to vector<10112x128xf32>
    %mul3A_22 = arith.mulf %dot_general3A_21, %mul3A : vector<10112x128xf32>
    %swap3A_23 = arith.constant 0 : index
    %swap3A_24 = arith.constant 0 : index
    %swap3A_25 = vector.load %arg3[%swap3A_23, %swap3A_24] : memref<10112x128xf32, #tpu.memory_space<vmem>>, vector<10112x128xf32>
    tpu.vector_store %arg3[%swap3A_23, %swap3A_24], %mul3A_22 {strides = array<i32>} : memref<10112x128xf32, #tpu.memory_space<vmem>>, vector<10112x128xf32>,
    return
  }
}

module attributes {stable_mosaic.version = 14 : i64} {
  func.func @_tk2_body(%arg0: memref<2x10112x128xf32, #tpu.memory_space<vmem>>, %arg1: memref<10112x128xf32, #tpu.memory_space<vmem>>, %arg2: memref<10112x1xf32, #tpu.memory_space<vmem>>, %arg3: memref<1x128xf32, #tpu.memory_space<vmem>>, %arg4: memref<128x128xf32, #tpu.memory_space<vmem>>, %arg5: memref<10112x128xf32, #tpu.memory_space<vmem>>) attributes {dimension_semantics = [], scalar_prefetch = 0 : i64, scratch_operands = 0 : i64, tpu.core_type = #tpu.core_type<tc>} {
    %get3A = arith.constant 0 : index
    %get3A_0 = arith.constant 0 : index
    %get3A_1 = vector.load %arg2[%get3A, %get3A_0] : memref<10112x1xf32, #tpu.memory_space<vmem>>, vector<10112x1xf32>
    %get3A_2 = arith.constant 0 : index
    %get3A_3 = arith.constant 0 : index
    %get3A_4 = arith.constant 0 : index
    %get3A_5 = vector.load %arg0[%get3A_2, %get3A_3, %get3A_4] : memref<2x10112x128xf32, #tpu.memory_space<vmem>>, vector<1x10112x128xf32>
    %get3A_6 = vector.shape_cast %get3A_5 : vector<1x10112x128xf32> to vector<10112x128xf32>
    %get3A_7 = arith.constant 1 : index
    %get3A_8 = arith.constant 0 : index
    %get3A_9 = arith.constant 0 : index
    %get3A_10 = vector.load %arg0[%get3A_7, %get3A_8, %get3A_9] : memref<2x10112x128xf32, #tpu.memory_space<vmem>>, vector<1x10112x128xf32>
    %get3A_11 = vector.shape_cast %get3A_10 : vector<1x10112x128xf32> to vector<10112x128xf32>
    %add3A = arith.addf %get3A_6, %get3A_11 : vector<10112x128xf32>
    %get3A_12 = arith.constant 0 : index
    %get3A_13 = arith.constant 0 : index
    %get3A_14 = vector.load %arg1[%get3A_12, %get3A_13] : memref<10112x128xf32, #tpu.memory_space<vmem>>, vector<10112x128xf32>
    %add3A_15 = arith.addf %add3A, %get3A_14 : vector<10112x128xf32>
    %mul3A = vector.broadcast %get3A_1 : vector<10112x1xf32> to vector<10112x128xf32>
    %mul3A_16 = arith.mulf %add3A_15, %mul3A : vector<10112x128xf32>
    %get3A_17 = arith.constant 0 : index
    %get3A_18 = arith.constant 0 : index
    %get3A_19 = vector.load %arg3[%get3A_17, %get3A_18] : memref<1x128xf32, #tpu.memory_space<vmem>>, vector<1x128xf32>
    %add3A_20 = vector.broadcast %get3A_19 : vector<1x128xf32> to vector<10112x128xf32>
    %add3A_21 = arith.addf %mul3A_16, %add3A_20 : vector<10112x128xf32>
    %max3A = arith.constant 0.000000e+00 : f32
    %max3A_22 = vector.broadcast %max3A : f32 to vector<10112x128xf32>
    %max3A_23 = arith.maximumf %add3A_21, %max3A_22 : vector<10112x128xf32>
    %get3A_24 = arith.constant 0 : index
    %get3A_25 = arith.constant 0 : index
    %get3A_26 = vector.load %arg4[%get3A_24, %get3A_25] : memref<128x128xf32, #tpu.memory_space<vmem>>, vector<128x128xf32>
    %dot_general3A = arith.constant dense<0.000000e+00> : vector<10112x128xf32>
    %dot_general3A_27 = tpu.matmul %max3A_23, %get3A_26, %dot_general3A {dimension_numbers = #tpu.dot_dimension_numbers<[1], [0], [0], [1], [0, 0, 1, 1], [], []>, transpose_lhs_hint = false} : vector<10112x128xf32>, vector<128x128xf32>, vector<10112x128xf32> -> vector<10112x128xf32>
    %mul3A_28 = vector.broadcast %get3A_1 : vector<10112x1xf32> to vector<10112x128xf32>
    %mul3A_29 = arith.mulf %dot_general3A_27, %mul3A_28 : vector<10112x128xf32>
    %iota3A = tpu.iota {dimensions = array<i32: 0>} : vector<10112x1xi32>
    %lt3A = arith.constant 10000 : i32
    %lt3A_30 = vector.broadcast %lt3A : i32 to vector<10112x1xi32>
    %lt3A_31 = arith.cmpi slt, %iota3A, %lt3A_30 : vector<10112x1xi32>
    %jit3A = arith.constant 0.000000e+00 : f32
    %broadcast_in_dim3A = vector.shape_cast %lt3A_31 : vector<10112x1xi1> to vector<10112x1xi1>
    %broadcast_in_dim3A_32 = vector.broadcast %broadcast_in_dim3A : vector<10112x1xi1> to vector<10112x128xi1>
    %broadcast_in_dim3A_33 = vector.broadcast %jit3A : f32 to vector<10112x128xf32>
    %select_n3A = arith.select %broadcast_in_dim3A_32, %mul3A_29, %broadcast_in_dim3A_33 : vector<10112x128xi1>, vector<10112x128xf32>
    %swap3A = arith.constant 0 : index
    %swap3A_34 = arith.constant 0 : index
    %swap3A_35 = vector.load %arg5[%swap3A, %swap3A_34] : memref<10112x128xf32, #tpu.memory_space<vmem>>, vector<10112x128xf32>
    tpu.vector_store %arg5[%swap3A, %swap3A_34], %select_n3A {strides = array<i32>} : memref<10112x128xf32, #tpu.memory_space<vmem>>, vector<10112x128xf32>,
    return
  }
}

module attributes {stable_mosaic.version = 14 : i64} {
  func.func @_tk3_body(%arg0: memref<2x10112x128xf32, #tpu.memory_space<vmem>>, %arg1: memref<10112x128xf32, #tpu.memory_space<vmem>>, %arg2: memref<10112x1xf32, #tpu.memory_space<vmem>>, %arg3: memref<1x128xf32, #tpu.memory_space<vmem>>, %arg4: memref<8x10112xf32, #tpu.memory_space<vmem>>, %arg5: memref<128x2xf32, #tpu.memory_space<vmem>>, %arg6: memref<1x2xf32, #tpu.memory_space<vmem>>, %arg7: memref<64x2xf32, #tpu.memory_space<vmem>>) attributes {dimension_semantics = [], scalar_prefetch = 0 : i64, scratch_operands = 0 : i64, tpu.core_type = #tpu.core_type<tc>} {
    %get3A = arith.constant 0 : index
    %get3A_0 = arith.constant 0 : index
    %get3A_1 = vector.load %arg2[%get3A, %get3A_0] : memref<10112x1xf32, #tpu.memory_space<vmem>>, vector<10112x1xf32>
    %get3A_2 = arith.constant 0 : index
    %get3A_3 = arith.constant 0 : index
    %get3A_4 = arith.constant 0 : index
    %get3A_5 = vector.load %arg0[%get3A_2, %get3A_3, %get3A_4] : memref<2x10112x128xf32, #tpu.memory_space<vmem>>, vector<1x10112x128xf32>
    %get3A_6 = vector.shape_cast %get3A_5 : vector<1x10112x128xf32> to vector<10112x128xf32>
    %get3A_7 = arith.constant 1 : index
    %get3A_8 = arith.constant 0 : index
    %get3A_9 = arith.constant 0 : index
    %get3A_10 = vector.load %arg0[%get3A_7, %get3A_8, %get3A_9] : memref<2x10112x128xf32, #tpu.memory_space<vmem>>, vector<1x10112x128xf32>
    %get3A_11 = vector.shape_cast %get3A_10 : vector<1x10112x128xf32> to vector<10112x128xf32>
    %add3A = arith.addf %get3A_6, %get3A_11 : vector<10112x128xf32>
    %get3A_12 = arith.constant 0 : index
    %get3A_13 = arith.constant 0 : index
    %get3A_14 = vector.load %arg1[%get3A_12, %get3A_13] : memref<10112x128xf32, #tpu.memory_space<vmem>>, vector<10112x128xf32>
    %add3A_15 = arith.addf %add3A, %get3A_14 : vector<10112x128xf32>
    %mul3A = vector.broadcast %get3A_1 : vector<10112x1xf32> to vector<10112x128xf32>
    %mul3A_16 = arith.mulf %add3A_15, %mul3A : vector<10112x128xf32>
    %get3A_17 = arith.constant 0 : index
    %get3A_18 = arith.constant 0 : index
    %get3A_19 = vector.load %arg3[%get3A_17, %get3A_18] : memref<1x128xf32, #tpu.memory_space<vmem>>, vector<1x128xf32>
    %add3A_20 = vector.broadcast %get3A_19 : vector<1x128xf32> to vector<10112x128xf32>
    %add3A_21 = arith.addf %mul3A_16, %add3A_20 : vector<10112x128xf32>
    %max3A = arith.constant 0.000000e+00 : f32
    %max3A_22 = vector.broadcast %max3A : f32 to vector<10112x128xf32>
    %max3A_23 = arith.maximumf %add3A_21, %max3A_22 : vector<10112x128xf32>
    %get3A_24 = arith.constant 0 : index
    %get3A_25 = arith.constant 0 : index
    %get3A_26 = vector.load %arg4[%get3A_24, %get3A_25] : memref<8x10112xf32, #tpu.memory_space<vmem>>, vector<1x10112xf32>
    %iota3A = tpu.iota {dimensions = array<i32: 0>} : vector<64x1xi32>
    %convert_element_type3A = arith.sitofp %iota3A : vector<64x1xi32> to vector<64x1xf32>
    %eq3A = vector.broadcast %get3A_26 : vector<1x10112xf32> to vector<64x10112xf32>
    %eq3A_27 = vector.broadcast %convert_element_type3A : vector<64x1xf32> to vector<64x10112xf32>
    %eq3A_28 = arith.cmpf oeq, %eq3A, %eq3A_27 : vector<64x10112xf32>
    %convert_element_type3A_29 = arith.extui %eq3A_28 : vector<64x10112xi1> to vector<64x10112xi32>
    %convert_element_type3A_30 = arith.sitofp %convert_element_type3A_29 : vector<64x10112xi32> to vector<64x10112xf32>
    %dot_general3A = arith.constant dense<0.000000e+00> : vector<64x128xf32>
    %dot_general3A_31 = tpu.matmul %convert_element_type3A_30, %max3A_23, %dot_general3A {dimension_numbers = #tpu.dot_dimension_numbers<[1], [0], [0], [1], [0, 0, 1, 1], [], []>, transpose_lhs_hint = false} : vector<64x10112xf32>, vector<10112x128xf32>, vector<64x128xf32> -> vector<64x128xf32>
    %reduce_sum3A = arith.constant dense<0.000000e+00> : vector<64xf32>
    %reduce_sum3A_32 = vector.multi_reduction <add>, %convert_element_type3A_30, %reduce_sum3A [1] : vector<64x10112xf32> to vector<64xf32>
    %broadcast_in_dim3A = vector.shape_cast %reduce_sum3A_32 : vector<64xf32> to vector<64x1xf32>
    %max3A_33 = arith.constant 1.000000e+00 : f32
    %max3A_34 = vector.broadcast %max3A_33 : f32 to vector<64x1xf32>
    %max3A_35 = arith.maximumf %broadcast_in_dim3A, %max3A_34 : vector<64x1xf32>
    %div3A = vector.broadcast %max3A_35 : vector<64x1xf32> to vector<64x128xf32>
    %div3A_36 = arith.divf %dot_general3A_31, %div3A : vector<64x128xf32>
    %get3A_37 = arith.constant 0 : index
    %get3A_38 = arith.constant 0 : index
    %get3A_39 = vector.load %arg5[%get3A_37, %get3A_38] : memref<128x2xf32, #tpu.memory_space<vmem>>, vector<128x2xf32>
    %dot_general3A_40 = arith.constant dense<0.000000e+00> : vector<64x2xf32>
    %dot_general3A_41 = tpu.matmul %div3A_36, %get3A_39, %dot_general3A_40 {dimension_numbers = #tpu.dot_dimension_numbers<[1], [0], [0], [1], [0, 0, 1, 1], [], []>, transpose_lhs_hint = false} : vector<64x128xf32>, vector<128x2xf32>, vector<64x2xf32> -> vector<64x2xf32>
    %get3A_42 = arith.constant 0 : index
    %get3A_43 = arith.constant 0 : index
    %get3A_44 = vector.load %arg6[%get3A_42, %get3A_43] : memref<1x2xf32, #tpu.memory_space<vmem>>, vector<1x2xf32>
    %add3A_45 = vector.broadcast %get3A_44 : vector<1x2xf32> to vector<64x2xf32>
    %add3A_46 = arith.addf %dot_general3A_41, %add3A_45 : vector<64x2xf32>
    %swap3A = arith.constant 0 : index
    %swap3A_47 = arith.constant 0 : index
    %swap3A_48 = vector.load %arg7[%swap3A, %swap3A_47] : memref<64x2xf32, #tpu.memory_space<vmem>>, vector<64x2xf32>
    tpu.vector_store %arg7[%swap3A, %swap3A_47], %add3A_46 {strides = array<i32>} : memref<64x2xf32, #tpu.memory_space<vmem>>, vector<64x2xf32>,
    return
  }
}

</mosaic_0001>

<sc_bundles>
// kernel: kernel.11.cloned.1.call-start
scs
__scs_entry_jumppad:
0x0: {  	(pc) =	sbr.rel $0x88, $3  }
0x1: {  	(tag) =	ssettag $0x0;
	lr =	simm.s32 $0x1  }
0x2: {  	[smem:$0x3F98] =	sst lr;
	_ =	strace $0xD0000000  }
0x3: {  	_ = 	snop  }
0x4: {  	_ = 	snop  }
0x5: {  	_ = 	snop  }
0x6: {  	_ = 	snop  }
0x7: {  	_ = 	snop  }
__scs_overlays_trampoline_lowered:
0x8: {  	[smem:$0x3FA7] =	sst s0  }
0x9: {  	[smem:$0x3FA8] =	sst s1  }
0xa: {  	[smem:$0x3FA9] =	sst s2  }
0xb: {  	[smem:$0x3FAA] =	sst s3  }
0xc: {  	[smem:$0x3FAB] =	sst s4  }
0xd: {  	[smem:$0x3FAC] =	sst s5  }
0xe: {  	[smem:$0x3FAD] =	sst s6  }
0xf: {  	[smem:$0x3FAE] =	sst s7  }
0x10: {  	[smem:$0x3FAF] =	sst s8  }
0x11: {  	[smem:$0x3FB0] =	sst s9;
	s0 =	simm.s32 @!p0 $0x0  }
0x12: {  	s1 =	sld [smem:$0x3F96];
	s0 =	simm.s32 @p0 $0x1  }
0x13: {  	[smem:$0x3FB1] =	sst s0;
	s0 =	simm.s32 @!p1 $0x0  }
0x14: {  	s2 =	sld [smem:$0x3F95];
	s0 =	simm.s32 @p1 $0x1  }
0x15: {  	[smem:$0x3FB2] =	sst s0;
	s0 =	simm.s32 @!p2 $0x0  }
0x16: {  	s3 =	sld [smem:$0x3FDB];
	s0 =	simm.s32 @p2 $0x1  }
0x17: {  	s4 =	simm.s32 $0x1BF5;
	[smem:$0x3FB4] =	sst s0  }
0x18: {  	s0 =	sld [smem:$0x3F97];
	_ =	swait.ge [sflag:s4], $0x0  }
0x19: {  	s7 =	sld [smem:$0x3F98]  }
0x1a: {  	s8 =	sadd.s32 $0xFFFFE003, lr  }
0x1b: {  	s9 =	sadd.s32 $0xFFFFFEF7, lr;
	s5 =	simm.s32 $0xFFFFFFFF;
	p2 =	slt.u32 s8, $0xFFFFF086  }
0x1c: {  	p1 =	slt.u32 s9, $0xF7A;
	s5 =	simm.s32 @!p2 $0x0  }
0x1d: {  	s5 =	simm.s32 @p1 $0x1;
	p0 =	seq.s32 s7, s2  }
0x1e: {  	s7 =	smul.u32 @!p0 $0xF7A, s2;
	p2 =	seq.s32 @!p0 s5, $0x0  }
0x1f: {  	s9 =	smul.u32 $0xF7A, s1;
	s8 =	simm.s32 @!p0 $0x1BF5;
	p2 =	por !p2, p0  }
0x20: {  	[sflag:s8] =	ssyncset.s32 @!p0 $0xFFFFF086;
	s6 =	sadd.s32 @!p0 s3, s7;
	s7 =	simm.s32 @!p0 $0x108  }
0x21: {  	s3 =	sadd.s32 s3, s9;
	s6 =	sadd.s32 @!p0 $0x88, s6;
	s7 =	simm.s32 @p2 $0x1082  }
0x22: {  	[simem:s7], [sflag:s8] =	dma.local @!p0 [hbm:s6], $0xF7A  }
0x23: {  	s9 =	sor.u32 $0xD0000000, s2;
	s6 =	simm.s32 $0x108;
	_ =	swait.ge @!p0 [sflag:s8], $0x0  }
0x24: {  	s3 =	sadd.s32 $0x88, s3;
	s6 =	simm.s32 @!p1 $0x1082;
	[sflag:s4] =	ssyncset.s32 $0xFFFFF086  }
0x25: {  	[simem:s6], [sflag:s4] =	dma.local [hbm:s3], $0xF7A  }
0x26: {  	[smem:$0x3F98] =	sst s1;
	(tag) =	ssettag s2;
	_ =	strace s9  }
0x27: {  	s1 =	sld [smem:$0x3FA8]  }
0x28: {  	s2 =	sld [smem:$0x3FA9]  }
0x29: {  	s4 =	sld [smem:$0x3FAB]  }
0x2a: {  	p0 =	seq.s32 s5, $0x0;
	s5 =	sld [smem:$0x3FAC]  }
0x2b: {  	s6 =	sld [smem:$0x3FAD]  }
0x2c: {  	s7 =	sld [smem:$0x3FAE]  }
0x2d: {  	s3 =	simm.s32 $0x108;
	s8 =	sld [smem:$0x3FAF]  }
0x2e: {  	s3 =	simm.s32 @!p0 $0x1082;
	s9 =	sld [smem:$0x3FB0]  }
0x2f: {  	lr =	sadd.s32 s0, s3;
	s0 =	sld [smem:$0x3FA7]  }
0x30: {  	s3 =	sld [smem:$0x3FAA]  }
0x31: {  	[smem:$0x3FB3] =	sst s10  }
0x32: {  	s10 =	sld [smem:$0x3FB1];
	_ =	sdelay $0x3  }
0x33: {  	p0 =	seq.s32 s10, $0x1;
	s10 =	sld [smem:$0x3FB3];
	_ =	sdelay $0x3  }
0x34: {  	[smem:$0x3FB3] =	sst s10  }
0x35: {  	s10 =	sld [smem:$0x3FB2];
	_ =	sdelay $0x3  }
0x36: {  	p1 =	seq.s32 s10, $0x1;
	s10 =	sld [smem:$0x3FB3];
	_ =	sdelay $0x3  }
0x37: {  	[smem:$0x3FB3] =	sst s10  }
0x38: {  	s10 =	sld [smem:$0x3FB4]  }
0x39: {  	_ = 	snop;
	(pc) =	sbr.ind lr, $3  }
0x3a: {  	_ = 	snop  }
0x3b: {  	_ = 	snop  }
0x3c: {  	p2 =	seq.s32 s10, $0x1;
	s10 =	sld [smem:$0x3FB3]  }
0x3d: {  	_ =	shalt  }
0x3e: {  	_ =	shalt  }
0x3f: {  	_ =	shalt  }
0x40: {  	_ =	shalt  }
0x41: {  	_ =	shalt  }
0x42: {  	_ =	shalt  }
0x43: {  	_ =	shalt  }
0x44: {  	_ =	shalt  }
0x45: {  	_ =	shalt  }
0x46: {  	_ =	shalt  }
0x47: {  	_ =	shalt  }
0x48: {  	_ =	shalt  }
0x49: {  	_ =	shalt  }
0x4a: {  	_ =	shalt  }
0x4b: {  	_ =	shalt  }
0x4c: {  	_ =	shalt  }
0x4d: {  	_ =	shalt  }
0x4e: {  	_ =	shalt  }
0x4f: {  	_ =	shalt  }
0x50: {  	_ =	shalt  }
0x51: {  	_ =	shalt  }
0x52: {  	_ =	shalt  }
0x53: {  	_ =	shalt  }
0x54: {  	_ =	shalt  }
0x55: {  	_ =	shalt  }
0x56: {  	_ =	shalt  }
0x57: {  	_ =	shalt  }
0x58: {  	_ =	shalt  }
0x59: {  	_ =	shalt  }
0x5a: {  	_ =	shalt  }
0x5b: {  	_ =	shalt  }
0x5c: {  	_ =	shalt  }
0x5d: {  	_ =	shalt  }
0x5e: {  	_ =	shalt  }
0x5f: {  	_ =	shalt  }
0x60: {  	_ =	shalt  }
0x61: {  	_ =	shalt  }
0x62: {  	_ =	shalt  }
0x63: {  	_ =	shalt  }
0x64: {  	_ =	shalt  }
0x65: {  	_ =	shalt  }
0x66: {  	_ =	shalt  }
0x67: {  	_ =	shalt  }
0x68: {  	_ =	shalt  }
0x69: {  	_ =	shalt  }
0x6a: {  	_ =	shalt  }
0x6b: {  	_ =	shalt  }
0x6c: {  	_ =	shalt  }
0x6d: {  	_ =	shalt  }
0x6e: {  	_ =	shalt  }
0x6f: {  	_ =	shalt  }
0x70: {  	_ =	shalt  }
0x71: {  	_ =	shalt  }
0x72: {  	_ =	shalt  }
0x73: {  	_ =	shalt  }
0x74: {  	_ =	shalt  }
0x75: {  	_ =	shalt  }
0x76: {  	_ =	shalt  }
0x77: {  	_ =	shalt  }
0x78: {  	_ =	shalt  }
0x79: {  	_ =	shalt  }
0x7a: {  	_ =	shalt  }
0x7b: {  	_ =	shalt  }
0x7c: {  	_ =	shalt  }
0x7d: {  	_ =	shalt  }
0x7e: {  	_ =	shalt  }
0x7f: {  	_ =	shalt  }
0x80: {  	_ =	shalt  }
0x81: {  	_ =	shalt  }
0x82: {  	_ =	shalt  }
0x83: {  	_ =	shalt  }
0x84: {  	_ =	shalt  }
0x85: {  	_ =	shalt  }
0x86: {  	_ =	shalt  }
0x87: {  	_ =	shalt  }
.Lfunc_end0:
.L_simem_size_0:
called_computation.1_lowered:
.L_overlay_start_0:
0x88: {  	s2 =	sld [smem:$0x3FD9]  }
0x89: {  	s3 =	sld [smem:$0x3FFE];
	_ =	sdelay $0x1  }
0x8a: {  	s1 =	srdreg.scid  }
0x8b: {  	s0 =	sand.u32 $0x1, s1  }
0x8c: {  	s16 =	sshll.u32 s0, $0xA;
	s2 =	sadd.s32 s3, s2  }
0x8d: {  	s2 =	sadd.s32 s2, s16  }
0x8e: {  	[smem:$0x3FBF] =	sst s2  }
0x8f: {  	_ = 	snop  }
0x90: {  	(tm) =	ssettm $0x1  }
0x91: {  	s17 =	sld [smem:$0x3FFB];
	_ =	sdelay $0x3  }
0x92: {  	_ =	strace s17  }
0x93: {  	s2 =	sld [smem:$0x3FFC];
	_ =	sdelay $0x3  }
0x94: {  	_ =	strace s2  }
0x95: {  	s2 =	sld [smem:$0x3FFD];
	_ =	sdelay $0x3  }
0x96: {  	_ =	strace s2  }
0x97: {  	_ =	strace $0x8FFFFFFF  }
0x98: {  	s18 =	sld [smem:$0x3FDB];
	_ =	sdelay $0x1  }
0x99: {  	s19 =	simm.s32 $_scs_section_size  }
0x9a: {  	s4 =	simm.s32 $_size__tile_overlayer_lowered;
	s5 =	simm.s32 $_tile_overlayer_lowered  }
0x9b: {  	s22 =	simm.s32 $0x1BFF;
	s21 =	sshll.u32 s5, $0x1;
	s2 =	sadd.s32 s19, s18  }
0x9c: {  	s6 =	simm.s32 $0x0;
	s20 =	sshll.u32 s4, $0x1;
	s4 =	sadd.s32 s21, s2  }
0x9d: {  	[timem:s6], [sflag:s22] =	dma.local [hbm:s4], s20  }
0x9e: {  	_ =	swait.ge [sflag:s22], s20  }
0x9f: {  	s3 =	ssub.s32 $0x0, s20;
	[sflag:s22] =	ssyncset.done $0x0  }
0xa0: {  	[sflag:s22] =	ssyncadd.s32 s3;
	_ =	sdelay $0x1  }
0xa1: {  	s23 =	simm.s32 $0x1B8B  }
0xa2: {  	_ =	swait.ge [sflag:s23], $0x1  }
0xa3: {  	[sflag:s23] =	ssyncset.done $0x0  }
0xa4: {  	s25 =	simm.s32 $0x1B8E;
	s24 =	sld [smem:$0x3FFE];
	[sflag:s23] =	ssyncadd.s32 $0xFFFFFFFF  }
0xa5: {  	s26 =	simm.s32 $execute0_lowered;
	[smem:$0x3FD2] =	sst s25  }
0xa6: {  	s4 =	sshll.u32 s26, $0x1;
	_ =	strace $0x80000049;
	[dreg:$0x1] =	wrdreg $0xFFFFFFFF  }
0xa7: {  	s28 =	simm.s32 $_size_execute0_lowered;
	s2 =	sadd.s32 s2, s4;
	[dreg:$0x0] =	wrdreg $0x0  }
0xa8: {  	s4 =	sshll.u32 s28, $0x1;
	[dreg:$0x2] =	wrdreg s2  }
0xa9: {  	[dreg:$0x3] =	wrdreg s4  }
0xaa: {  	[dreg:$0x4] =	wrdreg $0xC0  }
0xab: {  	_ =	task [dreg:s6], $0x5FFFF  }
0xac: {  	[dreg:$0x1] =	wrdreg $0xFFFFFFFF  }
0xad: {  	[dreg:$0x0] =	wrdreg $0x60  }
0xae: {  	[dreg:$0x2] =	wrdreg s24  }
0xaf: {  	[dreg:$0x3] =	wrdreg $0xAA000  }
0xb0: {  	[dreg:$0x4] =	wrdreg $0x9  }
0xb1: {  	_ =	task.clear_ibuf [dreg:s6], $0x5FFFF;
	_ =	strace $0x90000049  }
0xb2: {  	s29 =	simm.s32 $0x9;
	_ =	strace $0x8000004B  }
0xb3: {  	_ =	swait.ge [sflag:s29], $0x1  }
0xb4: {  	[sflag:s29] =	ssyncadd.s32 $0xFFFFFFFF  }
0xb5: {  	_ =	strace $0x9000004B  }
0xb6: {  	_ =	sfence  }
0xb7: {  	s30 =	sld [smem:$0x0];
	_ =	sdelay $0x2  }
0xb8: {  	s31 =	sshll.u32 s1, $0xD;
	s1 =	sshrl.u32 s1, $0x2  }
0xb9: {  	s3 =	sand.u32 $0x4000, s31;
	s1 =	sadd.s32 s1, s30  }
0xba: {  	s0 =	sor.u32 s3, s0;
	s1 =	sshll.u32 s1, $0x11  }
0xbb: {  	s0 =	sor.u32 s1, s0  }
0xbc: {  	s0 =	sadd.s32 $0x8F2B, s0  }
0xbd: {  	[sflag:s0] =	ssyncadd.remote.s32 $0x1  }
0xbe: {  	_ =	sfence.sel $0xFFFF  }
0xbf: {  	[dreg:$0x0] =	wrdreg $0xFFFFFFFF;
	(pc) =	sbr.abs _section_cstart, $3  }
0xc0: {  	[dreg:$0x1] =	wrdreg $0xFFFFFFFF  }
0xc1: {  	_ =	task.clear_ibuf [dreg:s6], $0x2FFFF;
	_ =	strace $0x9FFFFFFF  }
0xc2: {  	(tm) =	ssettm $0x7FFFFFFF  }
0xc3: {  	_ =	shalt  }
tec
execute0_lowered:
.L_overlay_start_1:
0x0: {  	(tag) =	ssettag $0x1  }
0x1: {  	s0 =	rddreg [dreg:$0x0]  }
0x2: {  	s1 =	rddreg [dreg:$0x1]  }
0x3: {  	s2 =	srdreg.scid;
	s3 =	simm.s32 $0x0;
	s16 =	simm.s32 $0x2A00  }
0x4: {  	s17 =	simm.s32 $0x3;
	s18 =	simm.s32 $0x1400;
	s19 =	simm.s32 $0x80  }
0x5: {  	s20 =	simm.s32 $0x2800;
	s21 =	simm.s32 $0x2880;
	s22 =	simm.s32 $0x6A00  }
0x6: {  	s23 =	simm.s32 $0x1;
	s24 =	simm.s32 $0x2900;
	s25 =	simm.s32 $0x2  }
0x7: {  	s26 =	simm.s32 $0x2980;
	s28 =	simm.s32 $0x0;
	s5 =	sand.u32 $0x1, s2  }
0x8: {  	s2 =	stileid.u32;
	[smem:$0x7FF] =	sst s3;
	s4 =	sadd.s32 $0x16E00, s0  }
0x9: {  	s12 =	sadd.s32 $0x2E00, s0;
	s13 =	sadd.s32 $0xCE00, s0;
	s6 =	smul.u32 $0x13C000, s5  }
0xa: {  	s7 =	smul.u32 $0x13C00, s2;
	_ =	strace $0x8000004A;
	s8 =	sshll.u32 s5, $0x4  }
0xb: {  	s29 =	smul.u32 $0x4F000, s2;
	s9 =	ssub.s32 $0x2, s5;
	s8 =	sor.u32 s2, s8  }
0xc: {  	s31 =	sshrl.u32 s9, $0x1;
	s6 =	sadd.s32 s7, s6;
	s10 =	smul.u32 $0x2800, s8  }
0xd: {  	s30 =	sshrl.u32 s29, $0x2;
	s15 =	ssub.s32 s9, s31;
	s11 =	smul.u32 $0x500, s8  }
0xe: {  	s6 =	sshrl.u32 s6, $0x3;
	s5 =	sadd.s32 s30, s1;
	s15 =	smax.u32 s15, $0x1  }
0xf: {  	s0 =	sadd.s32 s6, s0;
	s6 =	sadd.s32 $0x4000, s5;
	s7 =	sadd.s32 $0x8000, s5  }
0x10: {  	s10 =	sshrl.u32 s10, $0x3;
	s8 =	sadd.s32 $0xC000, s5;
	s9 =	sadd.s32 $0x10000, s5  }
0x11: {  	s14 =	sadd.s32 $0x280, s10;
	s10 =	sadd.s32 s12, s11;
	s11 =	sadd.s32 s13, s11  }
0x12: {  	v0 =	vimm.f32 $0.0e+00;
	s12 =	sadd.s32 s12, s14;
	s13 =	sadd.s32 s13, s14;
	s14 =	sadd.s32 $0x3E600, s0  }
.LBB2_1:
0x13: {  	s29 =	simm.s32 $0x0;
	s30 =	simm.s32 $0x200  }
.LBB2_2:
0x14: {  	p0 =	sne.s32 s30, $0xFE00;
	[tilespmem:s29+$0x2A70] =	vst v0  }
0x15: {  	[tilespmem:s29+$0x2A00] =	vst v0  }
0x16: {  	[tilespmem:s29+$0x2A10] =	vst v0  }
.Ltmp0:
0x17: {  	[tilespmem:s29+$0x2A20] =	vst v0;
	(pc) =	sbr.rel @p0 .LBB2_2-.Ltmp0, $4  }
0x18: {  	[tilespmem:s29+$0x2A30] =	vst v0  }
0x19: {  	[tilespmem:s29+$0x2A40] =	vst v0  }
0x1a: {  	[tilespmem:s29+$0x2A50] =	vst v0  }
0x1b: {  	[tilespmem:s29+$0x2A60] =	vst v0;
	s29 =	sshra.s32 s30, $0x2;
	s30 =	sadd.s32 $0x200, s30  }
0x1c: {  	[tilespmem:s29+$0x2A70] =	vst v0  }
0x1d: {  	[tilespmem:s29+$0x2A00] =	vst v0  }
0x1e: {  	[tilespmem:s29+$0x2A10] =	vst v0  }
0x1f: {  	[tilespmem:s29+$0x2A20] =	vst v0  }
0x20: {  	[tilespmem:s29+$0x2A30] =	vst v0  }
0x21: {  	[tilespmem:s29+$0x2A40] =	vst v0  }
0x22: {  	[tilespmem:s29+$0x2A50] =	vst v0  }
0x23: {  	[tilespmem:s29+$0x2A60] =	vst v0  }
0x24: {  	[spmem:s5] =	stream.linear.scatter [tilespmem:s16], [sflag:$0x3], $0x4000, $0x38;
	[tilespmem:$0x1E600] =	vst v63  }
0x25: {  	_ =	swait.ge [sflag:s17], $0x4000  }
0x26: {  	[sflag:s17] =	ssyncset.done $0x0  }
0x27: {  	[sflag:s17] =	ssyncadd.s32 $0xFFFFC000  }
0x28: {  	[spmem:s6] =	stream.linear.scatter [tilespmem:s16], [sflag:$0x3], $0x4000, $0x38;
	[tilespmem:$0x1E600] =	vst v63  }
0x29: {  	_ =	swait.ge [sflag:s17], $0x4000  }
0x2a: {  	[sflag:s17] =	ssyncset.done $0x0  }
0x2b: {  	[sflag:s17] =	ssyncadd.s32 $0xFFFFC000  }
0x2c: {  	[spmem:s7] =	stream.linear.scatter [tilespmem:s16], [sflag:$0x3], $0x4000, $0x38;
	[tilespmem:$0x1E600] =	vst v63  }
0x2d: {  	_ =	swait.ge [sflag:s17], $0x4000  }
0x2e: {  	[sflag:s17] =	ssyncset.done $0x0  }
0x2f: {  	[sflag:s17] =	ssyncadd.s32 $0xFFFFC000  }
0x30: {  	[spmem:s8] =	stream.linear.scatter [tilespmem:s16], [sflag:$0x3], $0x4000, $0x38;
	[tilespmem:$0x1E600] =	vst v63  }
0x31: {  	_ =	swait.ge [sflag:s17], $0x4000  }
0x32: {  	[sflag:s17] =	ssyncset.done $0x0  }
0x33: {  	[sflag:s17] =	ssyncadd.s32 $0xFFFFC000  }
0x34: {  	[spmem:s9] =	stream.linear.scatter [tilespmem:s16], [sflag:$0x3], $0x3C00, $0x38;
	[tilespmem:$0x1E600] =	vst v63  }
0x35: {  	_ =	swait.ge [sflag:s17], $0x3C00  }
0x36: {  	[sflag:s17] =	ssyncset.done $0x0  }
0x37: {  	[sflag:s17] =	ssyncadd.s32 $0xFFFFC400  }
0x38: {  	[bflag:$0x0] =	sbarrier.arrive $0xFFFF  }
0x39: {  	[tilespmem:s3], [sflag:$0x3] =	stream.linear.gather [hbm4b:s10+s3], $0x1400, $0x38;
	[tilespmem:$0x1E600] =	vst v63  }
0x3a: {  	_ =	swait.ge [sflag:s17], $0x1400  }
0x3b: {  	[sflag:s17] =	ssyncset.done $0x0  }
0x3c: {  	[sflag:s17] =	ssyncadd.s32 $0xFFFFEC00  }
0x3d: {  	[tilespmem:s18], [sflag:$0x3] =	stream.linear.gather [hbm4b:s11+s3], $0x1400, $0x38;
	[tilespmem:$0x1E600] =	vst v63  }
0x3e: {  	_ =	swait.ge [sflag:s17], $0x1400  }
0x3f: {  	[sflag:s17] =	ssyncset.done $0x0  }
0x40: {  	s29 =	simm.s32 $0xF0;
	[sflag:s17] =	ssyncadd.s32 $0xFFFFEC00  }
0x41: {  	v1 =	vld [tilespmem:s29+$0xFFFFFF10];
	_ =	sdelay $0x4  }
0x42: {  	[tilespmem:$0x2800] =	vst v1  }
0x43: {  	v1 =	vld [tilespmem:s29+$0xFFFFFF20];
	_ =	sdelay $0x4  }
0x44: {  	[tilespmem:$0x2810] =	vst v1  }
0x45: {  	v1 =	vld [tilespmem:s29+$0xFFFFFF30];
	_ =	sdelay $0x4  }
0x46: {  	[tilespmem:$0x2820] =	vst v1  }
0x47: {  	v1 =	vld [tilespmem:s29+$0xFFFFFF40];
	_ =	sdelay $0x4  }
0x48: {  	[tilespmem:$0x2830] =	vst v1  }
0x49: {  	v1 =	vld [tilespmem:s29+$0xFFFFFF50];
	_ =	sdelay $0x4  }
0x4a: {  	[tilespmem:$0x2840] =	vst v1  }
0x4b: {  	v1 =	vld [tilespmem:s29+$0xFFFFFF60];
	_ =	sdelay $0x4  }
0x4c: {  	[tilespmem:$0x2850] =	vst v1  }
0x4d: {  	v1 =	vld [tilespmem:s29+$0xFFFFFF70];
	_ =	sdelay $0x4  }
0x4e: {  	[tilespmem:$0x2860] =	vst v1  }
0x4f: {  	v1 =	vld [tilespmem:s29+$0xFFFFFF80];
	_ =	sdelay $0x4  }
0x50: {  	[tilespmem:$0x2870] =	vst v1  }
0x51: {  	[tilespmem:s16], [sflag:$0x1] =	stream.indirect.gather [hbm4b:s4+s19], $0x80, s20, s19, $0xb8;
	[tilespmem:$0x1E600] =	vst v63  }
0x52: {  	v1 =	vld [tilespmem:s29+$0xFFFFFF90];
	_ =	sdelay $0x4  }
0x53: {  	[tilespmem:$0x2880] =	vst v1  }
0x54: {  	v1 =	vld [tilespmem:s29+$0xFFFFFFA0];
	_ =	sdelay $0x4  }
0x55: {  	[tilespmem:$0x2890] =	vst v1  }
0x56: {  	v1 =	vld [tilespmem:s29+$0xFFFFFFB0];
	_ =	sdelay $0x4  }
0x57: {  	[tilespmem:$0x28A0] =	vst v1  }
0x58: {  	v1 =	vld [tilespmem:s29+$0xFFFFFFC0];
	_ =	sdelay $0x4  }
0x59: {  	[tilespmem:$0x28B0] =	vst v1  }
0x5a: {  	v1 =	vld [tilespmem:s29+$0xFFFFFFD0];
	_ =	sdelay $0x4  }
0x5b: {  	[tilespmem:$0x28C0] =	vst v1  }
0x5c: {  	v1 =	vld [tilespmem:s29+$0xFFFFFFE0];
	_ =	sdelay $0x4  }
0x5d: {  	[tilespmem:$0x28D0] =	vst v1  }
0x5e: {  	v1 =	vld [tilespmem:s29+$0xFFFFFFF0];
	_ =	sdelay $0x4  }
0x5f: {  	[tilespmem:$0x28E0] =	vst v1  }
0x60: {  	v1 =	vld [tilespmem:s29+$0x0];
	_ =	sdelay $0x4  }
0x61: {  	[tilespmem:$0x28F0] =	vst v1  }
0x62: {  	[tilespmem:s22], [sflag:$0x2] =	stream.indirect.gather [hbm4b:s4+s19], $0x80, s21, s19, $0xb8;
	[tilespmem:$0x1E600] =	vst v63  }
0x63: {  	v1 =	vld [tilespmem:s29+$0x1310];
	_ =	sdelay $0x4  }
0x64: {  	[tilespmem:$0x2900] =	vst v1  }
0x65: {  	v1 =	vld [tilespmem:s29+$0x1320];
	_ =	sdelay $0x4  }
0x66: {  	[tilespmem:$0x2910] =	vst v1  }
0x67: {  	v1 =	vld [tilespmem:s29+$0x1330];
	_ =	sdelay $0x4  }
0x68: {  	[tilespmem:$0x2920] =	vst v1  }
0x69: {  	v1 =	vld [tilespmem:s29+$0x1340];
	_ =	sdelay $0x4  }
0x6a: {  	[tilespmem:$0x2930] =	vst v1  }
0x6b: {  	v1 =	vld [tilespmem:s29+$0x1350];
	_ =	sdelay $0x4  }
0x6c: {  	[tilespmem:$0x2940] =	vst v1  }
0x6d: {  	v1 =	vld [tilespmem:s29+$0x1360];
	_ =	sdelay $0x4  }
0x6e: {  	[tilespmem:$0x2950] =	vst v1  }
0x6f: {  	v1 =	vld [tilespmem:s29+$0x1370];
	_ =	sdelay $0x4  }
0x70: {  	[tilespmem:$0x2960] =	vst v1  }
0x71: {  	v1 =	vld [tilespmem:s29+$0x1380];
	_ =	sdelay $0x4  }
0x72: {  	[tilespmem:$0x2970] =	vst v1  }
0x73: {  	_ =	swait.ge [sflag:s23], $0x4000  }
0x74: {  	[sflag:s23] =	ssyncset.done $0x0  }
0x75: {  	[sflag:s23] =	ssyncadd.s32 $0xFFFFC000  }
0x76: {  	[spmem:s1] =	stream.indirect.scatter.add.f32 [tilespmem:s16], [sflag:$0x3], $0x80, s24, s19, $0xb8;
	[tilespmem:$0x1E600] =	vst v63  }
0x77: {  	_ =	swait.ge [sflag:s17], $0x4000  }
0x78: {  	[sflag:s17] =	ssyncset.done $0x0  }
0x79: {  	[sflag:s17] =	ssyncadd.s32 $0xFFFFC000  }
0x7a: {  	v1 =	vld [tilespmem:s29+$0x1390];
	_ =	sdelay $0x4  }
0x7b: {  	[tilespmem:$0x2980] =	vst v1  }
0x7c: {  	v1 =	vld [tilespmem:s29+$0x13A0];
	_ =	sdelay $0x4  }
0x7d: {  	[tilespmem:$0x2990] =	vst v1  }
0x7e: {  	v1 =	vld [tilespmem:s29+$0x13B0];
	_ =	sdelay $0x4  }
0x7f: {  	[tilespmem:$0x29A0] =	vst v1  }
0x80: {  	v1 =	vld [tilespmem:s29+$0x13C0];
	_ =	sdelay $0x4  }
0x81: {  	[tilespmem:$0x29B0] =	vst v1  }
0x82: {  	v1 =	vld [tilespmem:s29+$0x13D0];
	_ =	sdelay $0x4  }
0x83: {  	[tilespmem:$0x29C0] =	vst v1  }
0x84: {  	v1 =	vld [tilespmem:s29+$0x13E0];
	_ =	sdelay $0x4  }
0x85: {  	[tilespmem:$0x29D0] =	vst v1  }
0x86: {  	v1 =	vld [tilespmem:s29+$0x13F0];
	_ =	sdelay $0x4  }
0x87: {  	[tilespmem:$0x29E0] =	vst v1  }
0x88: {  	v1 =	vld [tilespmem:s29+$0x1400];
	_ =	sdelay $0x4  }
0x89: {  	[tilespmem:$0x29F0] =	vst v1  }
0x8a: {  	_ =	swait.ge [sflag:s25], $0x4000  }
0x8b: {  	[sflag:s25] =	ssyncset.done $0x0  }
0x8c: {  	[sflag:s25] =	ssyncadd.s32 $0xFFFFC000  }
0x8d: {  	[spmem:s1] =	stream.indirect.scatter.add.f32 [tilespmem:s22], [sflag:$0x3], $0x80, s26, s19, $0xb8;
	[tilespmem:$0x1E600] =	vst v63  }
0x8e: {  	_ =	swait.ge [sflag:s17], $0x4000  }
0x8f: {  	s30 =	simm.s32 $0xBC0;
	s29 =	simm.s32 $0x7C0;
	[sflag:s17] =	ssyncset.done $0x0  }
.LBB2_4:
0x90: {  	s31 =	sshra.s32 s29, $0x2  }
0x91: {  	[sflag:s17] =	ssyncadd.s32 $0xFFFFC000;
	s29 =	smov.u32 s30;
	s0 =	sadd.s32 $0x400, s30  }
0x92: {  	p0 =	sne.s32 s30, $0x4FC0;
	v1 =	vld [tilespmem:s31+$0xFFFFFF10];
	_ =	sdelay $0x4  }
0x93: {  	[tilespmem:$0x2800] =	vst v1  }
0x94: {  	v1 =	vld [tilespmem:s31+$0xFFFFFF20];
	_ =	sdelay $0x4  }
0x95: {  	[tilespmem:$0x2810] =	vst v1  }
0x96: {  	v1 =	vld [tilespmem:s31+$0xFFFFFF30];
	_ =	sdelay $0x4  }
0x97: {  	[tilespmem:$0x2820] =	vst v1  }
0x98: {  	v1 =	vld [tilespmem:s31+$0xFFFFFF40];
	_ =	sdelay $0x4  }
0x99: {  	[tilespmem:$0x2830] =	vst v1  }
0x9a: {  	v1 =	vld [tilespmem:s31+$0xFFFFFF50];
	_ =	sdelay $0x4  }
0x9b: {  	[tilespmem:$0x2840] =	vst v1  }
0x9c: {  	v1 =	vld [tilespmem:s31+$0xFFFFFF60];
	_ =	sdelay $0x4  }
0x9d: {  	[tilespmem:$0x2850] =	vst v1  }
0x9e: {  	v1 =	vld [tilespmem:s31+$0xFFFFFF70];
	_ =	sdelay $0x4  }
0x9f: {  	[tilespmem:$0x2860] =	vst v1  }
0xa0: {  	v1 =	vld [tilespmem:s31+$0xFFFFFF80];
	_ =	sdelay $0x4  }
0xa1: {  	[tilespmem:$0x2870] =	vst v1  }
0xa2: {  	[tilespmem:s16], [sflag:$0x1] =	stream.indirect.gather [hbm4b:s4+s19], $0x80, s20, s19, $0xb8;
	[tilespmem:$0x1E600] =	vst v63  }
0xa3: {  	v1 =	vld [tilespmem:s31+$0xFFFFFF90];
	_ =	sdelay $0x4  }
0xa4: {  	[tilespmem:$0x2880] =	vst v1  }
0xa5: {  	v1 =	vld [tilespmem:s31+$0xFFFFFFA0];
	_ =	sdelay $0x4  }
0xa6: {  	[tilespmem:$0x2890] =	vst v1  }
0xa7: {  	v1 =	vld [tilespmem:s31+$0xFFFFFFB0];
	_ =	sdelay $0x4  }
0xa8: {  	[tilespmem:$0x28A0] =	vst v1  }
0xa9: {  	v1 =	vld [tilespmem:s31+$0xFFFFFFC0];
	_ =	sdelay $0x4  }
0xaa: {  	[tilespmem:$0x28B0] =	vst v1  }
0xab: {  	v1 =	vld [tilespmem:s31+$0xFFFFFFD0];
	_ =	sdelay $0x4  }
0xac: {  	[tilespmem:$0x28C0] =	vst v1  }
0xad: {  	v1 =	vld [tilespmem:s31+$0xFFFFFFE0];
	_ =	sdelay $0x4  }
0xae: {  	[tilespmem:$0x28D0] =	vst v1  }
0xaf: {  	v1 =	vld [tilespmem:s31+$0xFFFFFFF0];
	_ =	sdelay $0x4  }
0xb0: {  	[tilespmem:$0x28E0] =	vst v1  }
0xb1: {  	v1 =	vld [tilespmem:s31+$0x0];
	_ =	sdelay $0x4  }
0xb2: {  	[tilespmem:$0x28F0] =	vst v1  }
0xb3: {  	[tilespmem:s22], [sflag:$0x2] =	stream.indirect.gather [hbm4b:s4+s19], $0x80, s21, s19, $0xb8;
	[tilespmem:$0x1E600] =	vst v63  }
0xb4: {  	v1 =	vld [tilespmem:s31+$0x1310];
	_ =	sdelay $0x4  }
0xb5: {  	[tilespmem:$0x2900] =	vst v1  }
0xb6: {  	v1 =	vld [tilespmem:s31+$0x1320];
	_ =	sdelay $0x4  }
0xb7: {  	[tilespmem:$0x2910] =	vst v1  }
0xb8: {  	v1 =	vld [tilespmem:s31+$0x1330];
	_ =	sdelay $0x4  }
0xb9: {  	[tilespmem:$0x2920] =	vst v1  }
0xba: {  	v1 =	vld [tilespmem:s31+$0x1340];
	_ =	sdelay $0x4  }
0xbb: {  	[tilespmem:$0x2930] =	vst v1  }
0xbc: {  	v1 =	vld [tilespmem:s31+$0x1350];
	_ =	sdelay $0x4  }
0xbd: {  	[tilespmem:$0x2940] =	vst v1  }
0xbe: {  	v1 =	vld [tilespmem:s31+$0x1360];
	_ =	sdelay $0x4  }
0xbf: {  	[tilespmem:$0x2950] =	vst v1  }
0xc0: {  	v1 =	vld [tilespmem:s31+$0x1370];
	_ =	sdelay $0x4  }
0xc1: {  	[tilespmem:$0x2960] =	vst v1  }
0xc2: {  	v1 =	vld [tilespmem:s31+$0x1380];
	_ =	sdelay $0x4  }
0xc3: {  	[tilespmem:$0x2970] =	vst v1  }
0xc4: {  	_ =	swait.ge [sflag:s23], $0x4000  }
0xc5: {  	[sflag:s23] =	ssyncset.done $0x0  }
0xc6: {  	[sflag:s23] =	ssyncadd.s32 $0xFFFFC000  }
0xc7: {  	[spmem:s1] =	stream.indirect.scatter.add.f32 [tilespmem:s16], [sflag:$0x3], $0x80, s24, s19, $0xb8;
	[tilespmem:$0x1E600] =	vst v63  }
0xc8: {  	_ =	swait.ge [sflag:s17], $0x4000  }
0xc9: {  	[sflag:s17] =	ssyncset.done $0x0  }
0xca: {  	[sflag:s17] =	ssyncadd.s32 $0xFFFFC000  }
0xcb: {  	v1 =	vld [tilespmem:s31+$0x1390];
	_ =	sdelay $0x4  }
0xcc: {  	[tilespmem:$0x2980] =	vst v1  }
0xcd: {  	v1 =	vld [tilespmem:s31+$0x13A0];
	_ =	sdelay $0x4  }
0xce: {  	[tilespmem:$0x2990] =	vst v1  }
0xcf: {  	v1 =	vld [tilespmem:s31+$0x13B0];
	_ =	sdelay $0x4  }
0xd0: {  	[tilespmem:$0x29A0] =	vst v1  }
0xd1: {  	v1 =	vld [tilespmem:s31+$0x13C0];
	_ =	sdelay $0x4  }
0xd2: {  	[tilespmem:$0x29B0] =	vst v1  }
0xd3: {  	v1 =	vld [tilespmem:s31+$0x13D0];
	_ =	sdelay $0x4  }
0xd4: {  	[tilespmem:$0x29C0] =	vst v1  }
0xd5: {  	v1 =	vld [tilespmem:s31+$0x13E0];
	_ =	sdelay $0x4  }
0xd6: {  	[tilespmem:$0x29D0] =	vst v1  }
0xd7: {  	v1 =	vld [tilespmem:s31+$0x13F0];
	_ =	sdelay $0x4  }
0xd8: {  	[tilespmem:$0x29E0] =	vst v1  }
0xd9: {  	v1 =	vld [tilespmem:s31+$0x1400];
	_ =	sdelay $0x4  }
0xda: {  	[tilespmem:$0x29F0] =	vst v1  }
0xdb: {  	_ =	swait.ge [sflag:s25], $0x4000  }
.Ltmp1:
0xdc: {  	[sflag:s25] =	ssyncset.done $0x0;
	(pc) =	sbr.rel @p0 .LBB2_4-.Ltmp1, $4  }
0xdd: {  	[sflag:s25] =	ssyncadd.s32 $0xFFFFC000  }
0xde: {  	[spmem:s1] =	stream.indirect.scatter.add.f32 [tilespmem:s22], [sflag:$0x3], $0x80, s26, s19, $0xb8;
	[tilespmem:$0x1E600] =	vst v63  }
0xdf: {  	_ =	swait.ge [sflag:s17], $0x4000  }
0xe0: {  	s30 =	smov.u32 s0;
	[sflag:s17] =	ssyncset.done $0x0  }
0xe1: {  	s29 =	sshra.s32 s29, $0x2;
	[sflag:s17] =	ssyncadd.s32 $0xFFFFC000  }
0xe2: {  	v1 =	vld [tilespmem:s29+$0xFFFFFF10];
	_ =	sdelay $0x4  }
0xe3: {  	[tilespmem:$0x2800] =	vst v1  }
0xe4: {  	v1 =	vld [tilespmem:s29+$0xFFFFFF20];
	_ =	sdelay $0x4  }
0xe5: {  	[tilespmem:$0x2810] =	vst v1  }
0xe6: {  	v1 =	vld [tilespmem:s29+$0xFFFFFF30];
	_ =	sdelay $0x4  }
0xe7: {  	[tilespmem:$0x2820] =	vst v1  }
0xe8: {  	v1 =	vld [tilespmem:s29+$0xFFFFFF40];
	_ =	sdelay $0x4  }
0xe9: {  	[tilespmem:$0x2830] =	vst v1  }
0xea: {  	v1 =	vld [tilespmem:s29+$0xFFFFFF50];
	_ =	sdelay $0x4  }
0xeb: {  	[tilespmem:$0x2840] =	vst v1  }
0xec: {  	v1 =	vld [tilespmem:s29+$0xFFFFFF60];
	_ =	sdelay $0x4  }
0xed: {  	[tilespmem:$0x2850] =	vst v1  }
0xee: {  	v1 =	vld [tilespmem:s29+$0xFFFFFF70];
	_ =	sdelay $0x4  }
0xef: {  	[tilespmem:$0x2860] =	vst v1  }
0xf0: {  	v1 =	vld [tilespmem:s29+$0xFFFFFF80];
	_ =	sdelay $0x4  }
0xf1: {  	[tilespmem:$0x2870] =	vst v1  }
0xf2: {  	[tilespmem:s16], [sflag:$0x1] =	stream.indirect.gather [hbm4b:s4+s19], $0x80, s20, s19, $0xb8;
	[tilespmem:$0x1E600] =	vst v63  }
0xf3: {  	v1 =	vld [tilespmem:s29+$0xFFFFFF90];
	_ =	sdelay $0x4  }
0xf4: {  	[tilespmem:$0x2880] =	vst v1  }
0xf5: {  	v1 =	vld [tilespmem:s29+$0xFFFFFFA0];
	_ =	sdelay $0x4  }
0xf6: {  	[tilespmem:$0x2890] =	vst v1  }
0xf7: {  	v1 =	vld [tilespmem:s29+$0xFFFFFFB0];
	_ =	sdelay $0x4  }
0xf8: {  	[tilespmem:$0x28A0] =	vst v1  }
0xf9: {  	v1 =	vld [tilespmem:s29+$0xFFFFFFC0];
	_ =	sdelay $0x4  }
0xfa: {  	[tilespmem:$0x28B0] =	vst v1  }
0xfb: {  	v1 =	vld [tilespmem:s29+$0xFFFFFFD0];
	_ =	sdelay $0x4  }
0xfc: {  	[tilespmem:$0x28C0] =	vst v1  }
0xfd: {  	v1 =	vld [tilespmem:s29+$0xFFFFFFE0];
	_ =	sdelay $0x4  }
0xfe: {  	[tilespmem:$0x28D0] =	vst v1  }
0xff: {  	v1 =	vld [tilespmem:s29+$0xFFFFFFF0];
	_ =	sdelay $0x4  }
0x100: {  	[tilespmem:$0x28E0] =	vst v1  }
0x101: {  	v1 =	vld [tilespmem:s29+$0x0];
	_ =	sdelay $0x4  }
0x102: {  	[tilespmem:$0x28F0] =	vst v1  }
0x103: {  	[tilespmem:s22], [sflag:$0x2] =	stream.indirect.gather [hbm4b:s4+s19], $0x80, s21, s19, $0xb8;
	[tilespmem:$0x1E600] =	vst v63  }
0x104: {  	v1 =	vld [tilespmem:s29+$0x1310];
	_ =	sdelay $0x4  }
0x105: {  	[tilespmem:$0x2900] =	vst v1  }
0x106: {  	v1 =	vld [tilespmem:s29+$0x1320];
	_ =	sdelay $0x4  }
0x107: {  	[tilespmem:$0x2910] =	vst v1  }
0x108: {  	v1 =	vld [tilespmem:s29+$0x1330];
	_ =	sdelay $0x4  }
0x109: {  	[tilespmem:$0x2920] =	vst v1  }
0x10a: {  	v1 =	vld [tilespmem:s29+$0x1340];
	_ =	sdelay $0x4  }
0x10b: {  	[tilespmem:$0x2930] =	vst v1  }
0x10c: {  	v1 =	vld [tilespmem:s29+$0x1350];
	_ =	sdelay $0x4  }
0x10d: {  	[tilespmem:$0x2940] =	vst v1  }
0x10e: {  	v1 =	vld [tilespmem:s29+$0x1360];
	_ =	sdelay $0x4  }
0x10f: {  	[tilespmem:$0x2950] =	vst v1  }
0x110: {  	v1 =	vld [tilespmem:s29+$0x1370];
	_ =	sdelay $0x4  }
0x111: {  	[tilespmem:$0x2960] =	vst v1  }
0x112: {  	v1 =	vld [tilespmem:s29+$0x1380];
	_ =	sdelay $0x4  }
0x113: {  	[tilespmem:$0x2970] =	vst v1  }
0x114: {  	_ =	swait.ge [sflag:s23], $0x4000  }
0x115: {  	[sflag:s23] =	ssyncset.done $0x0  }
0x116: {  	[sflag:s23] =	ssyncadd.s32 $0xFFFFC000  }
0x117: {  	[spmem:s1] =	stream.indirect.scatter.add.f32 [tilespmem:s16], [sflag:$0x3], $0x80, s24, s19, $0xb8;
	[tilespmem:$0x1E600] =	vst v63  }
0x118: {  	_ =	swait.ge [sflag:s17], $0x4000  }
0x119: {  	[sflag:s17] =	ssyncset.done $0x0  }
0x11a: {  	[sflag:s17] =	ssyncadd.s32 $0xFFFFC000  }
0x11b: {  	v1 =	vld [tilespmem:s29+$0x1390];
	_ =	sdelay $0x4  }
0x11c: {  	[tilespmem:$0x2980] =	vst v1  }
0x11d: {  	v1 =	vld [tilespmem:s29+$0x13A0];
	_ =	sdelay $0x4  }
0x11e: {  	[tilespmem:$0x2990] =	vst v1  }
0x11f: {  	v1 =	vld [tilespmem:s29+$0x13B0];
	_ =	sdelay $0x4  }
0x120: {  	[tilespmem:$0x29A0] =	vst v1  }
0x121: {  	v1 =	vld [tilespmem:s29+$0x13C0];
	_ =	sdelay $0x4  }
0x122: {  	[tilespmem:$0x29B0] =	vst v1  }
0x123: {  	v1 =	vld [tilespmem:s29+$0x13D0];
	_ =	sdelay $0x4  }
0x124: {  	[tilespmem:$0x29C0] =	vst v1  }
0x125: {  	v1 =	vld [tilespmem:s29+$0x13E0];
	_ =	sdelay $0x4  }
0x126: {  	[tilespmem:$0x29D0] =	vst v1  }
0x127: {  	v1 =	vld [tilespmem:s29+$0x13F0];
	_ =	sdelay $0x4  }
0x128: {  	[tilespmem:$0x29E0] =	vst v1  }
0x129: {  	v1 =	vld [tilespmem:s29+$0x1400];
	_ =	sdelay $0x4  }
0x12a: {  	[tilespmem:$0x29F0] =	vst v1  }
0x12b: {  	_ =	swait.ge [sflag:s25], $0x4000  }
0x12c: {  	[sflag:s25] =	ssyncset.done $0x0  }
0x12d: {  	[sflag:s25] =	ssyncadd.s32 $0xFFFFC000  }
0x12e: {  	[spmem:s1] =	stream.indirect.scatter.add.f32 [tilespmem:s22], [sflag:$0x3], $0x80, s26, s19, $0xb8;
	[tilespmem:$0x1E600] =	vst v63  }
0x12f: {  	_ =	swait.ge [sflag:s17], $0x4000  }
0x130: {  	[sflag:s17] =	ssyncset.done $0x0  }
0x131: {  	[sflag:s17] =	ssyncadd.s32 $0xFFFFC000  }
0x132: {  	[tilespmem:s3], [sflag:$0x3] =	stream.linear.gather [hbm4b:s12+s3], $0x1400, $0x38;
	[tilespmem:$0x1E600] =	vst v63  }
0x133: {  	_ =	swait.ge [sflag:s17], $0x1400  }
0x134: {  	[sflag:s17] =	ssyncset.done $0x0  }
0x135: {  	[sflag:s17] =	ssyncadd.s32 $0xFFFFEC00  }
0x136: {  	[tilespmem:s18], [sflag:$0x3] =	stream.linear.gather [hbm4b:s13+s3], $0x1400, $0x38;
	[tilespmem:$0x1E600] =	vst v63  }
0x137: {  	_ =	swait.ge [sflag:s17], $0x1400  }
0x138: {  	[sflag:s17] =	ssyncset.done $0x0  }
0x139: {  	s29 =	simm.s32 $0xF0;
	[sflag:s17] =	ssyncadd.s32 $0xFFFFEC00  }
0x13a: {  	v1 =	vld [tilespmem:s29+$0xFFFFFF10];
	_ =	sdelay $0x4  }
0x13b: {  	[tilespmem:$0x2800] =	vst v1  }
0x13c: {  	v1 =	vld [tilespmem:s29+$0xFFFFFF20];
	_ =	sdelay $0x4  }
0x13d: {  	[tilespmem:$0x2810] =	vst v1  }
0x13e: {  	v1 =	vld [tilespmem:s29+$0xFFFFFF30];
	_ =	sdelay $0x4  }
0x13f: {  	[tilespmem:$0x2820] =	vst v1  }
0x140: {  	v1 =	vld [tilespmem:s29+$0xFFFFFF40];
	_ =	sdelay $0x4  }
0x141: {  	[tilespmem:$0x2830] =	vst v1  }
0x142: {  	v1 =	vld [tilespmem:s29+$0xFFFFFF50];
	_ =	sdelay $0x4  }
0x143: {  	[tilespmem:$0x2840] =	vst v1  }
0x144: {  	v1 =	vld [tilespmem:s29+$0xFFFFFF60];
	_ =	sdelay $0x4  }
0x145: {  	[tilespmem:$0x2850] =	vst v1  }
0x146: {  	v1 =	vld [tilespmem:s29+$0xFFFFFF70];
	_ =	sdelay $0x4  }
0x147: {  	[tilespmem:$0x2860] =	vst v1  }
0x148: {  	v1 =	vld [tilespmem:s29+$0xFFFFFF80];
	_ =	sdelay $0x4  }
0x149: {  	[tilespmem:$0x2870] =	vst v1  }
0x14a: {  	[tilespmem:s16], [sflag:$0x1] =	stream.indirect.gather [hbm4b:s4+s19], $0x80, s20, s19, $0xb8;
	[tilespmem:$0x1E600] =	vst v63  }
0x14b: {  	v1 =	vld [tilespmem:s29+$0xFFFFFF90];
	_ =	sdelay $0x4  }
0x14c: {  	[tilespmem:$0x2880] =	vst v1  }
0x14d: {  	v1 =	vld [tilespmem:s29+$0xFFFFFFA0];
	_ =	sdelay $0x4  }
0x14e: {  	[tilespmem:$0x2890] =	vst v1  }
0x14f: {  	v1 =	vld [tilespmem:s29+$0xFFFFFFB0];
	_ =	sdelay $0x4  }
0x150: {  	[tilespmem:$0x28A0] =	vst v1  }
0x151: {  	v1 =	vld [tilespmem:s29+$0xFFFFFFC0];
	_ =	sdelay $0x4  }
0x152: {  	[tilespmem:$0x28B0] =	vst v1  }
0x153: {  	v1 =	vld [tilespmem:s29+$0xFFFFFFD0];
	_ =	sdelay $0x4  }
0x154: {  	[tilespmem:$0x28C0] =	vst v1  }
0x155: {  	v1 =	vld [tilespmem:s29+$0xFFFFFFE0];
	_ =	sdelay $0x4  }
0x156: {  	[tilespmem:$0x28D0] =	vst v1  }
0x157: {  	v1 =	vld [tilespmem:s29+$0xFFFFFFF0];
	_ =	sdelay $0x4  }
0x158: {  	[tilespmem:$0x28E0] =	vst v1  }
0x159: {  	v1 =	vld [tilespmem:s29+$0x0];
	_ =	sdelay $0x4  }
0x15a: {  	[tilespmem:$0x28F0] =	vst v1  }
0x15b: {  	[tilespmem:s22], [sflag:$0x2] =	stream.indirect.gather [hbm4b:s4+s19], $0x80, s21, s19, $0xb8;
	[tilespmem:$0x1E600] =	vst v63  }
0x15c: {  	v1 =	vld [tilespmem:s29+$0x1310];
	_ =	sdelay $0x4  }
0x15d: {  	[tilespmem:$0x2900] =	vst v1  }
0x15e: {  	v1 =	vld [tilespmem:s29+$0x1320];
	_ =	sdelay $0x4  }
0x15f: {  	[tilespmem:$0x2910] =	vst v1  }
0x160: {  	v1 =	vld [tilespmem:s29+$0x1330];
	_ =	sdelay $0x4  }
0x161: {  	[tilespmem:$0x2920] =	vst v1  }
0x162: {  	v1 =	vld [tilespmem:s29+$0x1340];
	_ =	sdelay $0x4  }
0x163: {  	[tilespmem:$0x2930] =	vst v1  }
0x164: {  	v1 =	vld [tilespmem:s29+$0x1350];
	_ =	sdelay $0x4  }
0x165: {  	[tilespmem:$0x2940] =	vst v1  }
0x166: {  	v1 =	vld [tilespmem:s29+$0x1360];
	_ =	sdelay $0x4  }
0x167: {  	[tilespmem:$0x2950] =	vst v1  }
0x168: {  	v1 =	vld [tilespmem:s29+$0x1370];
	_ =	sdelay $0x4  }
0x169: {  	[tilespmem:$0x2960] =	vst v1  }
0x16a: {  	v1 =	vld [tilespmem:s29+$0x1380];
	_ =	sdelay $0x4  }
0x16b: {  	[tilespmem:$0x2970] =	vst v1  }
0x16c: {  	_ =	swait.ge [sflag:s23], $0x4000  }
0x16d: {  	[sflag:s23] =	ssyncset.done $0x0  }
0x16e: {  	[sflag:s23] =	ssyncadd.s32 $0xFFFFC000  }
0x16f: {  	[spmem:s1] =	stream.indirect.scatter.add.f32 [tilespmem:s16], [sflag:$0x3], $0x80, s24, s19, $0xb8;
	[tilespmem:$0x1E600] =	vst v63  }
0x170: {  	_ =	swait.ge [sflag:s17], $0x4000  }
0x171: {  	[sflag:s17] =	ssyncset.done $0x0  }
0x172: {  	[sflag:s17] =	ssyncadd.s32 $0xFFFFC000  }
0x173: {  	v1 =	vld [tilespmem:s29+$0x1390];
	_ =	sdelay $0x4  }
0x174: {  	[tilespmem:$0x2980] =	vst v1  }
0x175: {  	v1 =	vld [tilespmem:s29+$0x13A0];
	_ =	sdelay $0x4  }
0x176: {  	[tilespmem:$0x2990] =	vst v1  }
0x177: {  	v1 =	vld [tilespmem:s29+$0x13B0];
	_ =	sdelay $0x4  }
0x178: {  	[tilespmem:$0x29A0] =	vst v1  }
0x179: {  	v1 =	vld [tilespmem:s29+$0x13C0];
	_ =	sdelay $0x4  }
0x17a: {  	[tilespmem:$0x29B0] =	vst v1  }
0x17b: {  	v1 =	vld [tilespmem:s29+$0x13D0];
	_ =	sdelay $0x4  }
0x17c: {  	[tilespmem:$0x29C0] =	vst v1  }
0x17d: {  	v1 =	vld [tilespmem:s29+$0x13E0];
	_ =	sdelay $0x4  }
0x17e: {  	[tilespmem:$0x29D0] =	vst v1  }
0x17f: {  	v1 =	vld [tilespmem:s29+$0x13F0];
	_ =	sdelay $0x4  }
0x180: {  	[tilespmem:$0x29E0] =	vst v1  }
0x181: {  	v1 =	vld [tilespmem:s29+$0x1400];
	_ =	sdelay $0x4  }
0x182: {  	[tilespmem:$0x29F0] =	vst v1  }
0x183: {  	_ =	swait.ge [sflag:s25], $0x4000  }
0x184: {  	[sflag:s25] =	ssyncset.done $0x0  }
0x185: {  	[sflag:s25] =	ssyncadd.s32 $0xFFFFC000  }
0x186: {  	[spmem:s1] =	stream.indirect.scatter.add.f32 [tilespmem:s22], [sflag:$0x3], $0x80, s26, s19, $0xb8;
	[tilespmem:$0x1E600] =	vst v63  }
0x187: {  	_ =	swait.ge [sflag:s17], $0x4000  }
0x188: {  	s0 =	simm.s32 $0xBC0;
	s29 =	simm.s32 $0x7C0;
	[sflag:s17] =	ssyncset.done $0x0  }
.LBB2_6:
0x189: {  	s31 =	sshra.s32 s29, $0x2  }
0x18a: {  	[sflag:s17] =	ssyncadd.s32 $0xFFFFC000;
	s29 =	smov.u32 s0;
	s30 =	sadd.s32 $0x400, s0  }
0x18b: {  	p0 =	sne.s32 s0, $0x4FC0;
	v1 =	vld [tilespmem:s31+$0xFFFFFF10];
	_ =	sdelay $0x4  }
0x18c: {  	[tilespmem:$0x2800] =	vst v1  }
0x18d: {  	v1 =	vld [tilespmem:s31+$0xFFFFFF20];
	_ =	sdelay $0x4  }
0x18e: {  	[tilespmem:$0x2810] =	vst v1  }
0x18f: {  	v1 =	vld [tilespmem:s31+$0xFFFFFF30];
	_ =	sdelay $0x4  }
0x190: {  	[tilespmem:$0x2820] =	vst v1  }
0x191: {  	v1 =	vld [tilespmem:s31+$0xFFFFFF40];
	_ =	sdelay $0x4  }
0x192: {  	[tilespmem:$0x2830] =	vst v1  }
0x193: {  	v1 =	vld [tilespmem:s31+$0xFFFFFF50];
	_ =	sdelay $0x4  }
0x194: {  	[tilespmem:$0x2840] =	vst v1  }
0x195: {  	v1 =	vld [tilespmem:s31+$0xFFFFFF60];
	_ =	sdelay $0x4  }
0x196: {  	[tilespmem:$0x2850] =	vst v1  }
0x197: {  	v1 =	vld [tilespmem:s31+$0xFFFFFF70];
	_ =	sdelay $0x4  }
0x198: {  	[tilespmem:$0x2860] =	vst v1  }
0x199: {  	v1 =	vld [tilespmem:s31+$0xFFFFFF80];
	_ =	sdelay $0x4  }
0x19a: {  	[tilespmem:$0x2870] =	vst v1  }
0x19b: {  	[tilespmem:s16], [sflag:$0x1] =	stream.indirect.gather [hbm4b:s4+s19], $0x80, s20, s19, $0xb8;
	[tilespmem:$0x1E600] =	vst v63  }
0x19c: {  	v1 =	vld [tilespmem:s31+$0xFFFFFF90];
	_ =	sdelay $0x4  }
0x19d: {  	[tilespmem:$0x2880] =	vst v1  }
0x19e: {  	v1 =	vld [tilespmem:s31+$0xFFFFFFA0];
	_ =	sdelay $0x4  }
0x19f: {  	[tilespmem:$0x2890] =	vst v1  }
0x1a0: {  	v1 =	vld [tilespmem:s31+$0xFFFFFFB0];
	_ =	sdelay $0x4  }
0x1a1: {  	[tilespmem:$0x28A0] =	vst v1  }
0x1a2: {  	v1 =	vld [tilespmem:s31+$0xFFFFFFC0];
	_ =	sdelay $0x4  }
0x1a3: {  	[tilespmem:$0x28B0] =	vst v1  }
0x1a4: {  	v1 =	vld [tilespmem:s31+$0xFFFFFFD0];
	_ =	sdelay $0x4  }
0x1a5: {  	[tilespmem:$0x28C0] =	vst v1  }
0x1a6: {  	v1 =	vld [tilespmem:s31+$0xFFFFFFE0];
	_ =	sdelay $0x4  }
0x1a7: {  	[tilespmem:$0x28D0] =	vst v1  }
0x1a8: {  	v1 =	vld [tilespmem:s31+$0xFFFFFFF0];
	_ =	sdelay $0x4  }
0x1a9: {  	[tilespmem:$0x28E0] =	vst v1  }
0x1aa: {  	v1 =	vld [tilespmem:s31+$0x0];
	_ =	sdelay $0x4  }
0x1ab: {  	[tilespmem:$0x28F0] =	vst v1  }
0x1ac: {  	[tilespmem:s22], [sflag:$0x2] =	stream.indirect.gather [hbm4b:s4+s19], $0x80, s21, s19, $0xb8;
	[tilespmem:$0x1E600] =	vst v63  }
0x1ad: {  	v1 =	vld [tilespmem:s31+$0x1310];
	_ =	sdelay $0x4  }
0x1ae: {  	[tilespmem:$0x2900] =	vst v1  }
0x1af: {  	v1 =	vld [tilespmem:s31+$0x1320];
	_ =	sdelay $0x4  }
0x1b0: {  	[tilespmem:$0x2910] =	vst v1  }
0x1b1: {  	v1 =	vld [tilespmem:s31+$0x1330];
	_ =	sdelay $0x4  }
0x1b2: {  	[tilespmem:$0x2920] =	vst v1  }
0x1b3: {  	v1 =	vld [tilespmem:s31+$0x1340];
	_ =	sdelay $0x4  }
0x1b4: {  	[tilespmem:$0x2930] =	vst v1  }
0x1b5: {  	v1 =	vld [tilespmem:s31+$0x1350];
	_ =	sdelay $0x4  }
0x1b6: {  	[tilespmem:$0x2940] =	vst v1  }
0x1b7: {  	v1 =	vld [tilespmem:s31+$0x1360];
	_ =	sdelay $0x4  }
0x1b8: {  	[tilespmem:$0x2950] =	vst v1  }
0x1b9: {  	v1 =	vld [tilespmem:s31+$0x1370];
	_ =	sdelay $0x4  }
0x1ba: {  	[tilespmem:$0x2960] =	vst v1  }
0x1bb: {  	v1 =	vld [tilespmem:s31+$0x1380];
	_ =	sdelay $0x4  }
0x1bc: {  	[tilespmem:$0x2970] =	vst v1  }
0x1bd: {  	_ =	swait.ge [sflag:s23], $0x4000  }
0x1be: {  	[sflag:s23] =	ssyncset.done $0x0  }
0x1bf: {  	[sflag:s23] =	ssyncadd.s32 $0xFFFFC000  }
0x1c0: {  	[spmem:s1] =	stream.indirect.scatter.add.f32 [tilespmem:s16], [sflag:$0x3], $0x80, s24, s19, $0xb8;
	[tilespmem:$0x1E600] =	vst v63  }
0x1c1: {  	_ =	swait.ge [sflag:s17], $0x4000  }
0x1c2: {  	[sflag:s17] =	ssyncset.done $0x0  }
0x1c3: {  	[sflag:s17] =	ssyncadd.s32 $0xFFFFC000  }
0x1c4: {  	v1 =	vld [tilespmem:s31+$0x1390];
	_ =	sdelay $0x4  }
0x1c5: {  	[tilespmem:$0x2980] =	vst v1  }
0x1c6: {  	v1 =	vld [tilespmem:s31+$0x13A0];
	_ =	sdelay $0x4  }
0x1c7: {  	[tilespmem:$0x2990] =	vst v1  }
0x1c8: {  	v1 =	vld [tilespmem:s31+$0x13B0];
	_ =	sdelay $0x4  }
0x1c9: {  	[tilespmem:$0x29A0] =	vst v1  }
0x1ca: {  	v1 =	vld [tilespmem:s31+$0x13C0];
	_ =	sdelay $0x4  }
0x1cb: {  	[tilespmem:$0x29B0] =	vst v1  }
0x1cc: {  	v1 =	vld [tilespmem:s31+$0x13D0];
	_ =	sdelay $0x4  }
0x1cd: {  	[tilespmem:$0x29C0] =	vst v1  }
0x1ce: {  	v1 =	vld [tilespmem:s31+$0x13E0];
	_ =	sdelay $0x4  }
0x1cf: {  	[tilespmem:$0x29D0] =	vst v1  }
0x1d0: {  	v1 =	vld [tilespmem:s31+$0x13F0];
	_ =	sdelay $0x4  }
0x1d1: {  	[tilespmem:$0x29E0] =	vst v1  }
0x1d2: {  	v1 =	vld [tilespmem:s31+$0x1400];
	_ =	sdelay $0x4  }
0x1d3: {  	[tilespmem:$0x29F0] =	vst v1  }
0x1d4: {  	_ =	swait.ge [sflag:s25], $0x4000  }
.Ltmp2:
0x1d5: {  	[sflag:s25] =	ssyncset.done $0x0;
	(pc) =	sbr.rel @p0 .LBB2_6-.Ltmp2, $4  }
0x1d6: {  	[sflag:s25] =	ssyncadd.s32 $0xFFFFC000  }
0x1d7: {  	[spmem:s1] =	stream.indirect.scatter.add.f32 [tilespmem:s22], [sflag:$0x3], $0x80, s26, s19, $0xb8;
	[tilespmem:$0x1E600] =	vst v63  }
0x1d8: {  	_ =	swait.ge [sflag:s17], $0x4000  }
0x1d9: {  	s0 =	smov.u32 s30;
	[sflag:s17] =	ssyncset.done $0x0  }
0x1da: {  	s29 =	sshra.s32 s29, $0x2;
	[sflag:s17] =	ssyncadd.s32 $0xFFFFC000  }
0x1db: {  	v1 =	vld [tilespmem:s29+$0xFFFFFF10];
	_ =	sdelay $0x4  }
0x1dc: {  	[tilespmem:$0x2800] =	vst v1  }
0x1dd: {  	v1 =	vld [tilespmem:s29+$0xFFFFFF20];
	_ =	sdelay $0x4  }
0x1de: {  	[tilespmem:$0x2810] =	vst v1  }
0x1df: {  	v1 =	vld [tilespmem:s29+$0xFFFFFF30];
	_ =	sdelay $0x4  }
0x1e0: {  	[tilespmem:$0x2820] =	vst v1  }
0x1e1: {  	v1 =	vld [tilespmem:s29+$0xFFFFFF40];
	_ =	sdelay $0x4  }
0x1e2: {  	[tilespmem:$0x2830] =	vst v1  }
0x1e3: {  	v1 =	vld [tilespmem:s29+$0xFFFFFF50];
	_ =	sdelay $0x4  }
0x1e4: {  	[tilespmem:$0x2840] =	vst v1  }
0x1e5: {  	v1 =	vld [tilespmem:s29+$0xFFFFFF60];
	_ =	sdelay $0x4  }
0x1e6: {  	[tilespmem:$0x2850] =	vst v1  }
0x1e7: {  	v1 =	vld [tilespmem:s29+$0xFFFFFF70];
	_ =	sdelay $0x4  }
0x1e8: {  	[tilespmem:$0x2860] =	vst v1  }
0x1e9: {  	v1 =	vld [tilespmem:s29+$0xFFFFFF80];
	_ =	sdelay $0x4  }
0x1ea: {  	[tilespmem:$0x2870] =	vst v1  }
0x1eb: {  	[tilespmem:s16], [sflag:$0x1] =	stream.indirect.gather [hbm4b:s4+s19], $0x80, s20, s19, $0xb8;
	[tilespmem:$0x1E600] =	vst v63  }
0x1ec: {  	v1 =	vld [tilespmem:s29+$0xFFFFFF90];
	_ =	sdelay $0x4  }
0x1ed: {  	[tilespmem:$0x2880] =	vst v1  }
0x1ee: {  	v1 =	vld [tilespmem:s29+$0xFFFFFFA0];
	_ =	sdelay $0x4  }
0x1ef: {  	[tilespmem:$0x2890] =	vst v1  }
0x1f0: {  	v1 =	vld [tilespmem:s29+$0xFFFFFFB0];
	_ =	sdelay $0x4  }
0x1f1: {  	[tilespmem:$0x28A0] =	vst v1  }
0x1f2: {  	v1 =	vld [tilespmem:s29+$0xFFFFFFC0];
	_ =	sdelay $0x4  }
0x1f3: {  	[tilespmem:$0x28B0] =	vst v1  }
0x1f4: {  	v1 =	vld [tilespmem:s29+$0xFFFFFFD0];
	_ =	sdelay $0x4  }
0x1f5: {  	[tilespmem:$0x28C0] =	vst v1  }
0x1f6: {  	v1 =	vld [tilespmem:s29+$0xFFFFFFE0];
	_ =	sdelay $0x4  }
0x1f7: {  	[tilespmem:$0x28D0] =	vst v1  }
0x1f8: {  	v1 =	vld [tilespmem:s29+$0xFFFFFFF0];
	_ =	sdelay $0x4  }
0x1f9: {  	[tilespmem:$0x28E0] =	vst v1  }
0x1fa: {  	v1 =	vld [tilespmem:s29+$0x0];
	_ =	sdelay $0x4  }
0x1fb: {  	[tilespmem:$0x28F0] =	vst v1  }
0x1fc: {  	[tilespmem:s22], [sflag:$0x2] =	stream.indirect.gather [hbm4b:s4+s19], $0x80, s21, s19, $0xb8;
	[tilespmem:$0x1E600] =	vst v63  }
0x1fd: {  	v1 =	vld [tilespmem:s29+$0x1310];
	_ =	sdelay $0x4  }
0x1fe: {  	[tilespmem:$0x2900] =	vst v1  }
0x1ff: {  	v1 =	vld [tilespmem:s29+$0x1320];
	_ =	sdelay $0x4  }
0x200: {  	[tilespmem:$0x2910] =	vst v1  }
0x201: {  	v1 =	vld [tilespmem:s29+$0x1330];
	_ =	sdelay $0x4  }
0x202: {  	[tilespmem:$0x2920] =	vst v1  }
0x203: {  	v1 =	vld [tilespmem:s29+$0x1340];
	_ =	sdelay $0x4  }
0x204: {  	[tilespmem:$0x2930] =	vst v1  }
0x205: {  	v1 =	vld [tilespmem:s29+$0x1350];
	_ =	sdelay $0x4  }
0x206: {  	[tilespmem:$0x2940] =	vst v1  }
0x207: {  	v1 =	vld [tilespmem:s29+$0x1360];
	_ =	sdelay $0x4  }
0x208: {  	[tilespmem:$0x2950] =	vst v1  }
0x209: {  	v1 =	vld [tilespmem:s29+$0x1370];
	_ =	sdelay $0x4  }
0x20a: {  	[tilespmem:$0x2960] =	vst v1  }
0x20b: {  	v1 =	vld [tilespmem:s29+$0x1380];
	_ =	sdelay $0x4  }
0x20c: {  	[tilespmem:$0x2970] =	vst v1  }
0x20d: {  	_ =	swait.ge [sflag:s23], $0x4000  }
0x20e: {  	[sflag:s23] =	ssyncset.done $0x0  }
0x20f: {  	[sflag:s23] =	ssyncadd.s32 $0xFFFFC000  }
0x210: {  	[spmem:s1] =	stream.indirect.scatter.add.f32 [tilespmem:s16], [sflag:$0x3], $0x80, s24, s19, $0xb8;
	[tilespmem:$0x1E600] =	vst v63  }
0x211: {  	_ =	swait.ge [sflag:s17], $0x4000  }
0x212: {  	[sflag:s17] =	ssyncset.done $0x0  }
0x213: {  	[sflag:s17] =	ssyncadd.s32 $0xFFFFC000  }
0x214: {  	v1 =	vld [tilespmem:s29+$0x1390];
	_ =	sdelay $0x4  }
0x215: {  	[tilespmem:$0x2980] =	vst v1  }
0x216: {  	v1 =	vld [tilespmem:s29+$0x13A0];
	_ =	sdelay $0x4  }
0x217: {  	[tilespmem:$0x2990] =	vst v1  }
0x218: {  	v1 =	vld [tilespmem:s29+$0x13B0];
	_ =	sdelay $0x4  }
0x219: {  	[tilespmem:$0x29A0] =	vst v1  }
0x21a: {  	v1 =	vld [tilespmem:s29+$0x13C0];
	_ =	sdelay $0x4  }
0x21b: {  	[tilespmem:$0x29B0] =	vst v1  }
0x21c: {  	v1 =	vld [tilespmem:s29+$0x13D0];
	_ =	sdelay $0x4  }
0x21d: {  	[tilespmem:$0x29C0] =	vst v1  }
0x21e: {  	v1 =	vld [tilespmem:s29+$0x13E0];
	_ =	sdelay $0x4  }
0x21f: {  	[tilespmem:$0x29D0] =	vst v1  }
0x220: {  	v1 =	vld [tilespmem:s29+$0x13F0];
	_ =	sdelay $0x4  }
0x221: {  	[tilespmem:$0x29E0] =	vst v1  }
0x222: {  	v1 =	vld [tilespmem:s29+$0x1400];
	_ =	sdelay $0x4  }
0x223: {  	[tilespmem:$0x29F0] =	vst v1  }
0x224: {  	_ =	swait.ge [sflag:s25], $0x4000  }
0x225: {  	[sflag:s25] =	ssyncset.done $0x0  }
0x226: {  	[sflag:s25] =	ssyncadd.s32 $0xFFFFC000  }
0x227: {  	[spmem:s1] =	stream.indirect.scatter.add.f32 [tilespmem:s22], [sflag:$0x3], $0x80, s26, s19, $0xb8;
	[tilespmem:$0x1E600] =	vst v63  }
0x228: {  	_ =	swait.ge [sflag:s17], $0x4000  }
0x229: {  	s0 =	sshll.u32 s2, $0x6;
	s28 =	sadd.s32 $0x1, s28;
	[sflag:s17] =	ssyncset.done $0x0  }
0x22a: {  	s31 =	sshrl.u32 s5, $0x3;
	p0 =	sne.s32 s28, s15;
	[sflag:s17] =	ssyncadd.s32 $0xFFFFC000  }
.Ltmp3:
0x22b: {  	s0 =	sor.u32 $0x1C03, s0;
	[bflag:$0x0] =	sbarrier.arrive $0xFFFF;
	(pc) =	sbr.rel @p0 .LBB2_1-.Ltmp3, $4  }
0x22c: {  	[hbm:s14], [sflag:s0] =	dma.local [spmem:s31], $0x2780  }
0x22d: {  	_ =	swait.ge [sflag:s17], $0x2780  }
0x22e: {  	[sflag:s17] =	ssyncset.done $0x0  }
0x22f: {  	[sflag:s17] =	ssyncadd.s32 $0xFFFFD880  }
0x230: {  	_ =	sfence.sel $0x180000  }
0x231: {  	[bflag:$0x0] =	sbarrier.arrive $0xFFFF  }
0x232: {  	_ =	strace $0x9000004A  }
0x233: {  	[bflag:$0x2] =	sbarrier.arrive $0xFFFF  }
0x234: {  	p0 =	sne.s32 s2, $0x0;
	s0 =	rddreg [dreg:$0x2]  }
0x235: {  	s0 =	sadd.s32 @!p0 $0x100000, s0  }
0x236: {  	[sflag:s0] =	ssyncadd.tile.s32 @!p0 $0x1;
	_ =	shalt  }
.Lfunc_end2:
_tile_overlayer_lowered:
.L_overlay_start_2:
0x237: {  	(tag) =	ssettag $0x2  }
0x238: {  	s0 =	rddreg [dreg:$0x0];
	s2 =	stileid.u32  }
0x239: {  	s1 =	rddreg [dreg:$0x1];
	p0 =	sne.s32 s2, $0x0  }
0x23a: {  	s3 =	rddreg [dreg:$0x2];
	[bflag:$0x3] =	sbarrier.arrive $0xFFFF;
	s2 =	simm.s32 @!p0 $0x1C03  }
0x23b: {  	[timem:s3], [sflag:s2] =	dma.local @!p0 [hbm:s0], s1  }
0x23c: {  	s0 =	simm.s32 @!p0 $0x3  }
0x23d: {  	_ =	swait.ge @!p0 [sflag:s0], s1  }
0x23e: {  	s1 =	ssub.s32 @!p0 $0x0, s1;
	[sflag:s0] =	ssyncset.done @!p0 $0x0  }
0x23f: {  	[sflag:s0] =	ssyncadd.s32 @!p0 s1  }
0x240: {  	[bflag:$0x3] =	sbarrier.arrive $0xFFFF  }
0x241: {  	_ =	shalt  }

// kernel: kernel.14.cloned.1.call-start
scs
__scs_entry_jumppad:
0x0: {  	(pc) =	sbr.rel $0x88, $3  }
0x1: {  	(tag) =	ssettag $0x0;
	lr =	simm.s32 $0x1  }
0x2: {  	[smem:$0x3F98] =	sst lr;
	_ =	strace $0xD0000000  }
0x3: {  	_ = 	snop  }
0x4: {  	_ = 	snop  }
0x5: {  	_ = 	snop  }
0x6: {  	_ = 	snop  }
0x7: {  	_ = 	snop  }
__scs_overlays_trampoline_lowered:
0x8: {  	[smem:$0x3FA7] =	sst s0  }
0x9: {  	[smem:$0x3FA8] =	sst s1  }
0xa: {  	[smem:$0x3FA9] =	sst s2  }
0xb: {  	[smem:$0x3FAA] =	sst s3  }
0xc: {  	[smem:$0x3FAB] =	sst s4  }
0xd: {  	[smem:$0x3FAC] =	sst s5  }
0xe: {  	[smem:$0x3FAD] =	sst s6  }
0xf: {  	[smem:$0x3FAE] =	sst s7  }
0x10: {  	[smem:$0x3FAF] =	sst s8  }
0x11: {  	[smem:$0x3FB0] =	sst s9;
	s0 =	simm.s32 @!p0 $0x0  }
0x12: {  	s1 =	sld [smem:$0x3F96];
	s0 =	simm.s32 @p0 $0x1  }
0x13: {  	[smem:$0x3FB1] =	sst s0;
	s0 =	simm.s32 @!p1 $0x0  }
0x14: {  	s2 =	sld [smem:$0x3F95];
	s0 =	simm.s32 @p1 $0x1  }
0x15: {  	[smem:$0x3FB2] =	sst s0;
	s0 =	simm.s32 @!p2 $0x0  }
0x16: {  	s3 =	sld [smem:$0x3FDB];
	s0 =	simm.s32 @p2 $0x1  }
0x17: {  	s4 =	simm.s32 $0x1BF5;
	[smem:$0x3FB4] =	sst s0  }
0x18: {  	s0 =	sld [smem:$0x3F97];
	_ =	swait.ge [sflag:s4], $0x0  }
0x19: {  	s7 =	sld [smem:$0x3F98]  }
0x1a: {  	s8 =	sadd.s32 $0xFFFFE003, lr  }
0x1b: {  	s9 =	sadd.s32 $0xFFFFFEF7, lr;
	s5 =	simm.s32 $0xFFFFFFFF;
	p2 =	slt.u32 s8, $0xFFFFF086  }
0x1c: {  	p1 =	slt.u32 s9, $0xF7A;
	s5 =	simm.s32 @!p2 $0x0  }
0x1d: {  	s5 =	simm.s32 @p1 $0x1;
	p0 =	seq.s32 s7, s2  }
0x1e: {  	s7 =	smul.u32 @!p0 $0xF7A, s2;
	p2 =	seq.s32 @!p0 s5, $0x0  }
0x1f: {  	s9 =	smul.u32 $0xF7A, s1;
	s8 =	simm.s32 @!p0 $0x1BF5;
	p2 =	por !p2, p0  }
0x20: {  	[sflag:s8] =	ssyncset.s32 @!p0 $0xFFFFF086;
	s6 =	sadd.s32 @!p0 s3, s7;
	s7 =	simm.s32 @!p0 $0x108  }
0x21: {  	s3 =	sadd.s32 s3, s9;
	s6 =	sadd.s32 @!p0 $0x88, s6;
	s7 =	simm.s32 @p2 $0x1082  }
0x22: {  	[simem:s7], [sflag:s8] =	dma.local @!p0 [hbm:s6], $0xF7A  }
0x23: {  	s9 =	sor.u32 $0xD0000000, s2;
	s6 =	simm.s32 $0x108;
	_ =	swait.ge @!p0 [sflag:s8], $0x0  }
0x24: {  	s3 =	sadd.s32 $0x88, s3;
	s6 =	simm.s32 @!p1 $0x1082;
	[sflag:s4] =	ssyncset.s32 $0xFFFFF086  }
0x25: {  	[simem:s6], [sflag:s4] =	dma.local [hbm:s3], $0xF7A  }
0x26: {  	[smem:$0x3F98] =	sst s1;
	(tag) =	ssettag s2;
	_ =	strace s9  }
0x27: {  	s1 =	sld [smem:$0x3FA8]  }
0x28: {  	s2 =	sld [smem:$0x3FA9]  }
0x29: {  	s4 =	sld [smem:$0x3FAB]  }
0x2a: {  	p0 =	seq.s32 s5, $0x0;
	s5 =	sld [smem:$0x3FAC]  }
0x2b: {  	s6 =	sld [smem:$0x3FAD]  }
0x2c: {  	s7 =	sld [smem:$0x3FAE]  }
0x2d: {  	s3 =	simm.s32 $0x108;
	s8 =	sld [smem:$0x3FAF]  }
0x2e: {  	s3 =	simm.s32 @!p0 $0x1082;
	s9 =	sld [smem:$0x3FB0]  }
0x2f: {  	lr =	sadd.s32 s0, s3;
	s0 =	sld [smem:$0x3FA7]  }
0x30: {  	s3 =	sld [smem:$0x3FAA]  }
0x31: {  	[smem:$0x3FB3] =	sst s10  }
0x32: {  	s10 =	sld [smem:$0x3FB1];
	_ =	sdelay $0x3  }
0x33: {  	p0 =	seq.s32 s10, $0x1;
	s10 =	sld [smem:$0x3FB3];
	_ =	sdelay $0x3  }
0x34: {  	[smem:$0x3FB3] =	sst s10  }
0x35: {  	s10 =	sld [smem:$0x3FB2];
	_ =	sdelay $0x3  }
0x36: {  	p1 =	seq.s32 s10, $0x1;
	s10 =	sld [smem:$0x3FB3];
	_ =	sdelay $0x3  }
0x37: {  	[smem:$0x3FB3] =	sst s10  }
0x38: {  	s10 =	sld [smem:$0x3FB4]  }
0x39: {  	_ = 	snop;
	(pc) =	sbr.ind lr, $3  }
0x3a: {  	_ = 	snop  }
0x3b: {  	_ = 	snop  }
0x3c: {  	p2 =	seq.s32 s10, $0x1;
	s10 =	sld [smem:$0x3FB3]  }
0x3d: {  	_ =	shalt  }
0x3e: {  	_ =	shalt  }
0x3f: {  	_ =	shalt  }
0x40: {  	_ =	shalt  }
0x41: {  	_ =	shalt  }
0x42: {  	_ =	shalt  }
0x43: {  	_ =	shalt  }
0x44: {  	_ =	shalt  }
0x45: {  	_ =	shalt  }
0x46: {  	_ =	shalt  }
0x47: {  	_ =	shalt  }
0x48: {  	_ =	shalt  }
0x49: {  	_ =	shalt  }
0x4a: {  	_ =	shalt  }
0x4b: {  	_ =	shalt  }
0x4c: {  	_ =	shalt  }
0x4d: {  	_ =	shalt  }
0x4e: {  	_ =	shalt  }
0x4f: {  	_ =	shalt  }
0x50: {  	_ =	shalt  }
0x51: {  	_ =	shalt  }
0x52: {  	_ =	shalt  }
0x53: {  	_ =	shalt  }
0x54: {  	_ =	shalt  }
0x55: {  	_ =	shalt  }
0x56: {  	_ =	shalt  }
0x57: {  	_ =	shalt  }
0x58: {  	_ =	shalt  }
0x59: {  	_ =	shalt  }
0x5a: {  	_ =	shalt  }
0x5b: {  	_ =	shalt  }
0x5c: {  	_ =	shalt  }
0x5d: {  	_ =	shalt  }
0x5e: {  	_ =	shalt  }
0x5f: {  	_ =	shalt  }
0x60: {  	_ =	shalt  }
0x61: {  	_ =	shalt  }
0x62: {  	_ =	shalt  }
0x63: {  	_ =	shalt  }
0x64: {  	_ =	shalt  }
0x65: {  	_ =	shalt  }
0x66: {  	_ =	shalt  }
0x67: {  	_ =	shalt  }
0x68: {  	_ =	shalt  }
0x69: {  	_ =	shalt  }
0x6a: {  	_ =	shalt  }
0x6b: {  	_ =	shalt  }
0x6c: {  	_ =	shalt  }
0x6d: {  	_ =	shalt  }
0x6e: {  	_ =	shalt  }
0x6f: {  	_ =	shalt  }
0x70: {  	_ =	shalt  }
0x71: {  	_ =	shalt  }
0x72: {  	_ =	shalt  }
0x73: {  	_ =	shalt  }
0x74: {  	_ =	shalt  }
0x75: {  	_ =	shalt  }
0x76: {  	_ =	shalt  }
0x77: {  	_ =	shalt  }
0x78: {  	_ =	shalt  }
0x79: {  	_ =	shalt  }
0x7a: {  	_ =	shalt  }
0x7b: {  	_ =	shalt  }
0x7c: {  	_ =	shalt  }
0x7d: {  	_ =	shalt  }
0x7e: {  	_ =	shalt  }
0x7f: {  	_ =	shalt  }
0x80: {  	_ =	shalt  }
0x81: {  	_ =	shalt  }
0x82: {  	_ =	shalt  }
0x83: {  	_ =	shalt  }
0x84: {  	_ =	shalt  }
0x85: {  	_ =	shalt  }
0x86: {  	_ =	shalt  }
0x87: {  	_ =	shalt  }
.Lfunc_end0:
.L_simem_size_0:
called_computation.2_lowered:
.L_overlay_start_0:
0x88: {  	s2 =	sld [smem:$0x3FD9]  }
0x89: {  	s3 =	sld [smem:$0x3FFE];
	_ =	sdelay $0x1  }
0x8a: {  	s1 =	srdreg.scid  }
0x8b: {  	s0 =	sand.u32 $0x1, s1  }
0x8c: {  	s16 =	sshll.u32 s0, $0xA;
	s2 =	sadd.s32 s3, s2  }
0x8d: {  	s2 =	sadd.s32 s2, s16  }
0x8e: {  	[smem:$0x3FBF] =	sst s2  }
0x8f: {  	_ = 	snop  }
0x90: {  	(tm) =	ssettm $0x1  }
0x91: {  	s17 =	sld [smem:$0x3FFB];
	_ =	sdelay $0x3  }
0x92: {  	_ =	strace s17  }
0x93: {  	s2 =	sld [smem:$0x3FFC];
	_ =	sdelay $0x3  }
0x94: {  	_ =	strace s2  }
0x95: {  	s2 =	sld [smem:$0x3FFD];
	_ =	sdelay $0x3  }
0x96: {  	_ =	strace s2  }
0x97: {  	_ =	strace $0x8FFFFFFF  }
0x98: {  	s18 =	sld [smem:$0x3FDB];
	_ =	sdelay $0x1  }
0x99: {  	s19 =	simm.s32 $_scs_section_size  }
0x9a: {  	s4 =	simm.s32 $_size__tile_overlayer_lowered;
	s5 =	simm.s32 $_tile_overlayer_lowered  }
0x9b: {  	s22 =	simm.s32 $0x1BFF;
	s21 =	sshll.u32 s5, $0x1;
	s2 =	sadd.s32 s19, s18  }
0x9c: {  	s6 =	simm.s32 $0x0;
	s20 =	sshll.u32 s4, $0x1;
	s4 =	sadd.s32 s21, s2  }
0x9d: {  	[timem:s6], [sflag:s22] =	dma.local [hbm:s4], s20  }
0x9e: {  	_ =	swait.ge [sflag:s22], s20  }
0x9f: {  	s3 =	ssub.s32 $0x0, s20;
	[sflag:s22] =	ssyncset.done $0x0  }
0xa0: {  	[sflag:s22] =	ssyncadd.s32 s3;
	_ =	sdelay $0x1  }
0xa1: {  	s23 =	simm.s32 $0x1B8B  }
0xa2: {  	_ =	swait.ge [sflag:s23], $0x1  }
0xa3: {  	[sflag:s23] =	ssyncset.done $0x0  }
0xa4: {  	s25 =	simm.s32 $0x1B8E;
	s24 =	sld [smem:$0x3FFE];
	[sflag:s23] =	ssyncadd.s32 $0xFFFFFFFF  }
0xa5: {  	s26 =	simm.s32 $execute0_lowered;
	[smem:$0x3FD2] =	sst s25  }
0xa6: {  	s4 =	sshll.u32 s26, $0x1;
	_ =	strace $0x8000004C;
	[dreg:$0x1] =	wrdreg $0xFFFFFFFF  }
0xa7: {  	s28 =	simm.s32 $_size_execute0_lowered;
	s2 =	sadd.s32 s2, s4;
	[dreg:$0x0] =	wrdreg $0x0  }
0xa8: {  	s4 =	sshll.u32 s28, $0x1;
	[dreg:$0x2] =	wrdreg s2  }
0xa9: {  	[dreg:$0x3] =	wrdreg s4  }
0xaa: {  	[dreg:$0x4] =	wrdreg $0xC0  }
0xab: {  	_ =	task [dreg:s6], $0x5FFFF  }
0xac: {  	[dreg:$0x1] =	wrdreg $0xFFFFFFFF  }
0xad: {  	[dreg:$0x0] =	wrdreg $0x60  }
0xae: {  	[dreg:$0x2] =	wrdreg s24  }
0xaf: {  	[dreg:$0x3] =	wrdreg $0xAA000  }
0xb0: {  	[dreg:$0x4] =	wrdreg $0x9  }
0xb1: {  	_ =	task.clear_ibuf [dreg:s6], $0x5FFFF;
	_ =	strace $0x9000004C  }
0xb2: {  	s29 =	simm.s32 $0x9;
	_ =	strace $0x8000004E  }
0xb3: {  	_ =	swait.ge [sflag:s29], $0x1  }
0xb4: {  	[sflag:s29] =	ssyncadd.s32 $0xFFFFFFFF  }
0xb5: {  	_ =	strace $0x9000004E  }
0xb6: {  	_ =	sfence  }
0xb7: {  	s30 =	sld [smem:$0x0];
	_ =	sdelay $0x2  }
0xb8: {  	s31 =	sshll.u32 s1, $0xD;
	s1 =	sshrl.u32 s1, $0x2  }
0xb9: {  	s3 =	sand.u32 $0x4000, s31;
	s1 =	sadd.s32 s1, s30  }
0xba: {  	s0 =	sor.u32 s3, s0;
	s1 =	sshll.u32 s1, $0x11  }
0xbb: {  	s0 =	sor.u32 s1, s0  }
0xbc: {  	s0 =	sadd.s32 $0x8F2B, s0  }
0xbd: {  	[sflag:s0] =	ssyncadd.remote.s32 $0x1  }
0xbe: {  	_ =	sfence.sel $0xFFFF  }
0xbf: {  	[dreg:$0x0] =	wrdreg $0xFFFFFFFF;
	(pc) =	sbr.abs _section_cstart, $3  }
0xc0: {  	[dreg:$0x1] =	wrdreg $0xFFFFFFFF  }
0xc1: {  	_ =	task.clear_ibuf [dreg:s6], $0x2FFFF;
	_ =	strace $0x9FFFFFFF  }
0xc2: {  	(tm) =	ssettm $0x7FFFFFFF  }
0xc3: {  	_ =	shalt  }
tec
execute0_lowered:
.L_overlay_start_1:
0x0: {  	(tag) =	ssettag $0x1  }
0x1: {  	s0 =	rddreg [dreg:$0x0]  }
0x2: {  	s1 =	rddreg [dreg:$0x1]  }
0x3: {  	s2 =	srdreg.scid;
	s3 =	simm.s32 $0x0;
	s16 =	simm.s32 $0x2A00  }
0x4: {  	s17 =	simm.s32 $0x3;
	s18 =	simm.s32 $0x1400;
	s19 =	simm.s32 $0x80  }
0x5: {  	s20 =	simm.s32 $0x2800;
	s21 =	simm.s32 $0x2880;
	s22 =	simm.s32 $0x6A00  }
0x6: {  	s23 =	simm.s32 $0x1;
	s24 =	simm.s32 $0x2900;
	s25 =	simm.s32 $0x2  }
0x7: {  	s26 =	simm.s32 $0x2980;
	s28 =	simm.s32 $0x0;
	s5 =	sand.u32 $0x1, s2  }
0x8: {  	s2 =	stileid.u32;
	[smem:$0x7FF] =	sst s3;
	s4 =	sadd.s32 $0x16E00, s0  }
0x9: {  	s12 =	sadd.s32 $0x2E00, s0;
	s13 =	sadd.s32 $0xCE00, s0;
	s6 =	smul.u32 $0x13C000, s5  }
0xa: {  	s7 =	smul.u32 $0x13C00, s2;
	_ =	strace $0x8000004D;
	s8 =	sshll.u32 s5, $0x4  }
0xb: {  	s29 =	smul.u32 $0x4F000, s2;
	s9 =	ssub.s32 $0x2, s5;
	s8 =	sor.u32 s2, s8  }
0xc: {  	s31 =	sshrl.u32 s9, $0x1;
	s6 =	sadd.s32 s7, s6;
	s10 =	smul.u32 $0x2800, s8  }
0xd: {  	s30 =	sshrl.u32 s29, $0x2;
	s15 =	ssub.s32 s9, s31;
	s11 =	smul.u32 $0x500, s8  }
0xe: {  	s6 =	sshrl.u32 s6, $0x3;
	s5 =	sadd.s32 s30, s1;
	s15 =	smax.u32 s15, $0x1  }
0xf: {  	s0 =	sadd.s32 s6, s0;
	s6 =	sadd.s32 $0x4000, s5;
	s7 =	sadd.s32 $0x8000, s5  }
0x10: {  	s10 =	sshrl.u32 s10, $0x3;
	s8 =	sadd.s32 $0xC000, s5;
	s9 =	sadd.s32 $0x10000, s5  }
0x11: {  	s14 =	sadd.s32 $0x280, s10;
	s10 =	sadd.s32 s12, s11;
	s11 =	sadd.s32 s13, s11  }
0x12: {  	v0 =	vimm.f32 $0.0e+00;
	s12 =	sadd.s32 s12, s14;
	s13 =	sadd.s32 s13, s14;
	s14 =	sadd.s32 $0x3E600, s0  }
.LBB2_1:
0x13: {  	s29 =	simm.s32 $0x0;
	s30 =	simm.s32 $0x200  }
.LBB2_2:
0x14: {  	p0 =	sne.s32 s30, $0xFE00;
	[tilespmem:s29+$0x2A70] =	vst v0  }
0x15: {  	[tilespmem:s29+$0x2A00] =	vst v0  }
0x16: {  	[tilespmem:s29+$0x2A10] =	vst v0  }
.Ltmp0:
0x17: {  	[tilespmem:s29+$0x2A20] =	vst v0;
	(pc) =	sbr.rel @p0 .LBB2_2-.Ltmp0, $4  }
0x18: {  	[tilespmem:s29+$0x2A30] =	vst v0  }
0x19: {  	[tilespmem:s29+$0x2A40] =	vst v0  }
0x1a: {  	[tilespmem:s29+$0x2A50] =	vst v0  }
0x1b: {  	[tilespmem:s29+$0x2A60] =	vst v0;
	s29 =	sshra.s32 s30, $0x2;
	s30 =	sadd.s32 $0x200, s30  }
0x1c: {  	[tilespmem:s29+$0x2A70] =	vst v0  }
0x1d: {  	[tilespmem:s29+$0x2A00] =	vst v0  }
0x1e: {  	[tilespmem:s29+$0x2A10] =	vst v0  }
0x1f: {  	[tilespmem:s29+$0x2A20] =	vst v0  }
0x20: {  	[tilespmem:s29+$0x2A30] =	vst v0  }
0x21: {  	[tilespmem:s29+$0x2A40] =	vst v0  }
0x22: {  	[tilespmem:s29+$0x2A50] =	vst v0  }
0x23: {  	[tilespmem:s29+$0x2A60] =	vst v0  }
0x24: {  	[spmem:s5] =	stream.linear.scatter [tilespmem:s16], [sflag:$0x3], $0x4000, $0x38;
	[tilespmem:$0x1E600] =	vst v63  }
0x25: {  	_ =	swait.ge [sflag:s17], $0x4000  }
0x26: {  	[sflag:s17] =	ssyncset.done $0x0  }
0x27: {  	[sflag:s17] =	ssyncadd.s32 $0xFFFFC000  }
0x28: {  	[spmem:s6] =	stream.linear.scatter [tilespmem:s16], [sflag:$0x3], $0x4000, $0x38;
	[tilespmem:$0x1E600] =	vst v63  }
0x29: {  	_ =	swait.ge [sflag:s17], $0x4000  }
0x2a: {  	[sflag:s17] =	ssyncset.done $0x0  }
0x2b: {  	[sflag:s17] =	ssyncadd.s32 $0xFFFFC000  }
0x2c: {  	[spmem:s7] =	stream.linear.scatter [tilespmem:s16], [sflag:$0x3], $0x4000, $0x38;
	[tilespmem:$0x1E600] =	vst v63  }
0x2d: {  	_ =	swait.ge [sflag:s17], $0x4000  }
0x2e: {  	[sflag:s17] =	ssyncset.done $0x0  }
0x2f: {  	[sflag:s17] =	ssyncadd.s32 $0xFFFFC000  }
0x30: {  	[spmem:s8] =	stream.linear.scatter [tilespmem:s16], [sflag:$0x3], $0x4000, $0x38;
	[tilespmem:$0x1E600] =	vst v63  }
0x31: {  	_ =	swait.ge [sflag:s17], $0x4000  }
0x32: {  	[sflag:s17] =	ssyncset.done $0x0  }
0x33: {  	[sflag:s17] =	ssyncadd.s32 $0xFFFFC000  }
0x34: {  	[spmem:s9] =	stream.linear.scatter [tilespmem:s16], [sflag:$0x3], $0x3C00, $0x38;
	[tilespmem:$0x1E600] =	vst v63  }
0x35: {  	_ =	swait.ge [sflag:s17], $0x3C00  }
0x36: {  	[sflag:s17] =	ssyncset.done $0x0  }
0x37: {  	[sflag:s17] =	ssyncadd.s32 $0xFFFFC400  }
0x38: {  	[bflag:$0x0] =	sbarrier.arrive $0xFFFF  }
0x39: {  	[tilespmem:s3], [sflag:$0x3] =	stream.linear.gather [hbm4b:s10+s3], $0x1400, $0x38;
	[tilespmem:$0x1E600] =	vst v63  }
0x3a: {  	_ =	swait.ge [sflag:s17], $0x1400  }
0x3b: {  	[sflag:s17] =	ssyncset.done $0x0  }
0x3c: {  	[sflag:s17] =	ssyncadd.s32 $0xFFFFEC00  }
0x3d: {  	[tilespmem:s18], [sflag:$0x3] =	stream.linear.gather [hbm4b:s11+s3], $0x1400, $0x38;
	[tilespmem:$0x1E600] =	vst v63  }
0x3e: {  	_ =	swait.ge [sflag:s17], $0x1400  }
0x3f: {  	[sflag:s17] =	ssyncset.done $0x0  }
0x40: {  	s29 =	simm.s32 $0xF0;
	[sflag:s17] =	ssyncadd.s32 $0xFFFFEC00  }
0x41: {  	v1 =	vld [tilespmem:s29+$0xFFFFFF10];
	_ =	sdelay $0x4  }
0x42: {  	[tilespmem:$0x2800] =	vst v1  }
0x43: {  	v1 =	vld [tilespmem:s29+$0xFFFFFF20];
	_ =	sdelay $0x4  }
0x44: {  	[tilespmem:$0x2810] =	vst v1  }
0x45: {  	v1 =	vld [tilespmem:s29+$0xFFFFFF30];
	_ =	sdelay $0x4  }
0x46: {  	[tilespmem:$0x2820] =	vst v1  }
0x47: {  	v1 =	vld [tilespmem:s29+$0xFFFFFF40];
	_ =	sdelay $0x4  }
0x48: {  	[tilespmem:$0x2830] =	vst v1  }
0x49: {  	v1 =	vld [tilespmem:s29+$0xFFFFFF50];
	_ =	sdelay $0x4  }
0x4a: {  	[tilespmem:$0x2840] =	vst v1  }
0x4b: {  	v1 =	vld [tilespmem:s29+$0xFFFFFF60];
	_ =	sdelay $0x4  }
0x4c: {  	[tilespmem:$0x2850] =	vst v1  }
0x4d: {  	v1 =	vld [tilespmem:s29+$0xFFFFFF70];
	_ =	sdelay $0x4  }
0x4e: {  	[tilespmem:$0x2860] =	vst v1  }
0x4f: {  	v1 =	vld [tilespmem:s29+$0xFFFFFF80];
	_ =	sdelay $0x4  }
0x50: {  	[tilespmem:$0x2870] =	vst v1  }
0x51: {  	[tilespmem:s16], [sflag:$0x1] =	stream.indirect.gather [hbm4b:s4+s19], $0x80, s20, s19, $0xb8;
	[tilespmem:$0x1E600] =	vst v63  }
0x52: {  	v1 =	vld [tilespmem:s29+$0xFFFFFF90];
	_ =	sdelay $0x4  }
0x53: {  	[tilespmem:$0x2880] =	vst v1  }
0x54: {  	v1 =	vld [tilespmem:s29+$0xFFFFFFA0];
	_ =	sdelay $0x4  }
0x55: {  	[tilespmem:$0x2890] =	vst v1  }
0x56: {  	v1 =	vld [tilespmem:s29+$0xFFFFFFB0];
	_ =	sdelay $0x4  }
0x57: {  	[tilespmem:$0x28A0] =	vst v1  }
0x58: {  	v1 =	vld [tilespmem:s29+$0xFFFFFFC0];
	_ =	sdelay $0x4  }
0x59: {  	[tilespmem:$0x28B0] =	vst v1  }
0x5a: {  	v1 =	vld [tilespmem:s29+$0xFFFFFFD0];
	_ =	sdelay $0x4  }
0x5b: {  	[tilespmem:$0x28C0] =	vst v1  }
0x5c: {  	v1 =	vld [tilespmem:s29+$0xFFFFFFE0];
	_ =	sdelay $0x4  }
0x5d: {  	[tilespmem:$0x28D0] =	vst v1  }
0x5e: {  	v1 =	vld [tilespmem:s29+$0xFFFFFFF0];
	_ =	sdelay $0x4  }
0x5f: {  	[tilespmem:$0x28E0] =	vst v1  }
0x60: {  	v1 =	vld [tilespmem:s29+$0x0];
	_ =	sdelay $0x4  }
0x61: {  	[tilespmem:$0x28F0] =	vst v1  }
0x62: {  	[tilespmem:s22], [sflag:$0x2] =	stream.indirect.gather [hbm4b:s4+s19], $0x80, s21, s19, $0xb8;
	[tilespmem:$0x1E600] =	vst v63  }
0x63: {  	v1 =	vld [tilespmem:s29+$0x1310];
	_ =	sdelay $0x4  }
0x64: {  	[tilespmem:$0x2900] =	vst v1  }
0x65: {  	v1 =	vld [tilespmem:s29+$0x1320];
	_ =	sdelay $0x4  }
0x66: {  	[tilespmem:$0x2910] =	vst v1  }
0x67: {  	v1 =	vld [tilespmem:s29+$0x1330];
	_ =	sdelay $0x4  }
0x68: {  	[tilespmem:$0x2920] =	vst v1  }
0x69: {  	v1 =	vld [tilespmem:s29+$0x1340];
	_ =	sdelay $0x4  }
0x6a: {  	[tilespmem:$0x2930] =	vst v1  }
0x6b: {  	v1 =	vld [tilespmem:s29+$0x1350];
	_ =	sdelay $0x4  }
0x6c: {  	[tilespmem:$0x2940] =	vst v1  }
0x6d: {  	v1 =	vld [tilespmem:s29+$0x1360];
	_ =	sdelay $0x4  }
0x6e: {  	[tilespmem:$0x2950] =	vst v1  }
0x6f: {  	v1 =	vld [tilespmem:s29+$0x1370];
	_ =	sdelay $0x4  }
0x70: {  	[tilespmem:$0x2960] =	vst v1  }
0x71: {  	v1 =	vld [tilespmem:s29+$0x1380];
	_ =	sdelay $0x4  }
0x72: {  	[tilespmem:$0x2970] =	vst v1  }
0x73: {  	_ =	swait.ge [sflag:s23], $0x4000  }
0x74: {  	[sflag:s23] =	ssyncset.done $0x0  }
0x75: {  	[sflag:s23] =	ssyncadd.s32 $0xFFFFC000  }
0x76: {  	[spmem:s1] =	stream.indirect.scatter.add.f32 [tilespmem:s16], [sflag:$0x3], $0x80, s24, s19, $0xb8;
	[tilespmem:$0x1E600] =	vst v63  }
0x77: {  	_ =	swait.ge [sflag:s17], $0x4000  }
0x78: {  	[sflag:s17] =	ssyncset.done $0x0  }
0x79: {  	[sflag:s17] =	ssyncadd.s32 $0xFFFFC000  }
0x7a: {  	v1 =	vld [tilespmem:s29+$0x1390];
	_ =	sdelay $0x4  }
0x7b: {  	[tilespmem:$0x2980] =	vst v1  }
0x7c: {  	v1 =	vld [tilespmem:s29+$0x13A0];
	_ =	sdelay $0x4  }
0x7d: {  	[tilespmem:$0x2990] =	vst v1  }
0x7e: {  	v1 =	vld [tilespmem:s29+$0x13B0];
	_ =	sdelay $0x4  }
0x7f: {  	[tilespmem:$0x29A0] =	vst v1  }
0x80: {  	v1 =	vld [tilespmem:s29+$0x13C0];
	_ =	sdelay $0x4  }
0x81: {  	[tilespmem:$0x29B0] =	vst v1  }
0x82: {  	v1 =	vld [tilespmem:s29+$0x13D0];
	_ =	sdelay $0x4  }
0x83: {  	[tilespmem:$0x29C0] =	vst v1  }
0x84: {  	v1 =	vld [tilespmem:s29+$0x13E0];
	_ =	sdelay $0x4  }
0x85: {  	[tilespmem:$0x29D0] =	vst v1  }
0x86: {  	v1 =	vld [tilespmem:s29+$0x13F0];
	_ =	sdelay $0x4  }
0x87: {  	[tilespmem:$0x29E0] =	vst v1  }
0x88: {  	v1 =	vld [tilespmem:s29+$0x1400];
	_ =	sdelay $0x4  }
0x89: {  	[tilespmem:$0x29F0] =	vst v1  }
0x8a: {  	_ =	swait.ge [sflag:s25], $0x4000  }
0x8b: {  	[sflag:s25] =	ssyncset.done $0x0  }
0x8c: {  	[sflag:s25] =	ssyncadd.s32 $0xFFFFC000  }
0x8d: {  	[spmem:s1] =	stream.indirect.scatter.add.f32 [tilespmem:s22], [sflag:$0x3], $0x80, s26, s19, $0xb8;
	[tilespmem:$0x1E600] =	vst v63  }
0x8e: {  	_ =	swait.ge [sflag:s17], $0x4000  }
0x8f: {  	s30 =	simm.s32 $0xBC0;
	s29 =	simm.s32 $0x7C0;
	[sflag:s17] =	ssyncset.done $0x0  }
.LBB2_4:
0x90: {  	s31 =	sshra.s32 s29, $0x2  }
0x91: {  	[sflag:s17] =	ssyncadd.s32 $0xFFFFC000;
	s29 =	smov.u32 s30;
	s0 =	sadd.s32 $0x400, s30  }
0x92: {  	p0 =	sne.s32 s30, $0x4FC0;
	v1 =	vld [tilespmem:s31+$0xFFFFFF10];
	_ =	sdelay $0x4  }
0x93: {  	[tilespmem:$0x2800] =	vst v1  }
0x94: {  	v1 =	vld [tilespmem:s31+$0xFFFFFF20];
	_ =	sdelay $0x4  }
0x95: {  	[tilespmem:$0x2810] =	vst v1  }
0x96: {  	v1 =	vld [tilespmem:s31+$0xFFFFFF30];
	_ =	sdelay $0x4  }
0x97: {  	[tilespmem:$0x2820] =	vst v1  }
0x98: {  	v1 =	vld [tilespmem:s31+$0xFFFFFF40];
	_ =	sdelay $0x4  }
0x99: {  	[tilespmem:$0x2830] =	vst v1  }
0x9a: {  	v1 =	vld [tilespmem:s31+$0xFFFFFF50];
	_ =	sdelay $0x4  }
0x9b: {  	[tilespmem:$0x2840] =	vst v1  }
0x9c: {  	v1 =	vld [tilespmem:s31+$0xFFFFFF60];
	_ =	sdelay $0x4  }
0x9d: {  	[tilespmem:$0x2850] =	vst v1  }
0x9e: {  	v1 =	vld [tilespmem:s31+$0xFFFFFF70];
	_ =	sdelay $0x4  }
0x9f: {  	[tilespmem:$0x2860] =	vst v1  }
0xa0: {  	v1 =	vld [tilespmem:s31+$0xFFFFFF80];
	_ =	sdelay $0x4  }
0xa1: {  	[tilespmem:$0x2870] =	vst v1  }
0xa2: {  	[tilespmem:s16], [sflag:$0x1] =	stream.indirect.gather [hbm4b:s4+s19], $0x80, s20, s19, $0xb8;
	[tilespmem:$0x1E600] =	vst v63  }
0xa3: {  	v1 =	vld [tilespmem:s31+$0xFFFFFF90];
	_ =	sdelay $0x4  }
0xa4: {  	[tilespmem:$0x2880] =	vst v1  }
0xa5: {  	v1 =	vld [tilespmem:s31+$0xFFFFFFA0];
	_ =	sdelay $0x4  }
0xa6: {  	[tilespmem:$0x2890] =	vst v1  }
0xa7: {  	v1 =	vld [tilespmem:s31+$0xFFFFFFB0];
	_ =	sdelay $0x4  }
0xa8: {  	[tilespmem:$0x28A0] =	vst v1  }
0xa9: {  	v1 =	vld [tilespmem:s31+$0xFFFFFFC0];
	_ =	sdelay $0x4  }
0xaa: {  	[tilespmem:$0x28B0] =	vst v1  }
0xab: {  	v1 =	vld [tilespmem:s31+$0xFFFFFFD0];
	_ =	sdelay $0x4  }
0xac: {  	[tilespmem:$0x28C0] =	vst v1  }
0xad: {  	v1 =	vld [tilespmem:s31+$0xFFFFFFE0];
	_ =	sdelay $0x4  }
0xae: {  	[tilespmem:$0x28D0] =	vst v1  }
0xaf: {  	v1 =	vld [tilespmem:s31+$0xFFFFFFF0];
	_ =	sdelay $0x4  }
0xb0: {  	[tilespmem:$0x28E0] =	vst v1  }
0xb1: {  	v1 =	vld [tilespmem:s31+$0x0];
	_ =	sdelay $0x4  }
0xb2: {  	[tilespmem:$0x28F0] =	vst v1  }
0xb3: {  	[tilespmem:s22], [sflag:$0x2] =	stream.indirect.gather [hbm4b:s4+s19], $0x80, s21, s19, $0xb8;
	[tilespmem:$0x1E600] =	vst v63  }
0xb4: {  	v1 =	vld [tilespmem:s31+$0x1310];
	_ =	sdelay $0x4  }
0xb5: {  	[tilespmem:$0x2900] =	vst v1  }
0xb6: {  	v1 =	vld [tilespmem:s31+$0x1320];
	_ =	sdelay $0x4  }
0xb7: {  	[tilespmem:$0x2910] =	vst v1  }
0xb8: {  	v1 =	vld [tilespmem:s31+$0x1330];
	_ =	sdelay $0x4  }
0xb9: {  	[tilespmem:$0x2920] =	vst v1  }
0xba: {  	v1 =	vld [tilespmem:s31+$0x1340];
	_ =	sdelay $0x4  }
0xbb: {  	[tilespmem:$0x2930] =	vst v1  }
0xbc: {  	v1 =	vld [tilespmem:s31+$0x1350];
	_ =	sdelay $0x4  }
0xbd: {  	[tilespmem:$0x2940] =	vst v1  }
0xbe: {  	v1 =	vld [tilespmem:s31+$0x1360];
	_ =	sdelay $0x4  }
0xbf: {  	[tilespmem:$0x2950] =	vst v1  }
0xc0: {  	v1 =	vld [tilespmem:s31+$0x1370];
	_ =	sdelay $0x4  }
0xc1: {  	[tilespmem:$0x2960] =	vst v1  }
0xc2: {  	v1 =	vld [tilespmem:s31+$0x1380];
	_ =	sdelay $0x4  }
0xc3: {  	[tilespmem:$0x2970] =	vst v1  }
0xc4: {  	_ =	swait.ge [sflag:s23], $0x4000  }
0xc5: {  	[sflag:s23] =	ssyncset.done $0x0  }
0xc6: {  	[sflag:s23] =	ssyncadd.s32 $0xFFFFC000  }
0xc7: {  	[spmem:s1] =	stream.indirect.scatter.add.f32 [tilespmem:s16], [sflag:$0x3], $0x80, s24, s19, $0xb8;
	[tilespmem:$0x1E600] =	vst v63  }
0xc8: {  	_ =	swait.ge [sflag:s17], $0x4000  }
0xc9: {  	[sflag:s17] =	ssyncset.done $0x0  }
0xca: {  	[sflag:s17] =	ssyncadd.s32 $0xFFFFC000  }
0xcb: {  	v1 =	vld [tilespmem:s31+$0x1390];
	_ =	sdelay $0x4  }
0xcc: {  	[tilespmem:$0x2980] =	vst v1  }
0xcd: {  	v1 =	vld [tilespmem:s31+$0x13A0];
	_ =	sdelay $0x4  }
0xce: {  	[tilespmem:$0x2990] =	vst v1  }
0xcf: {  	v1 =	vld [tilespmem:s31+$0x13B0];
	_ =	sdelay $0x4  }
0xd0: {  	[tilespmem:$0x29A0] =	vst v1  }
0xd1: {  	v1 =	vld [tilespmem:s31+$0x13C0];
	_ =	sdelay $0x4  }
0xd2: {  	[tilespmem:$0x29B0] =	vst v1  }
0xd3: {  	v1 =	vld [tilespmem:s31+$0x13D0];
	_ =	sdelay $0x4  }
0xd4: {  	[tilespmem:$0x29C0] =	vst v1  }
0xd5: {  	v1 =	vld [tilespmem:s31+$0x13E0];
	_ =	sdelay $0x4  }
0xd6: {  	[tilespmem:$0x29D0] =	vst v1  }
0xd7: {  	v1 =	vld [tilespmem:s31+$0x13F0];
	_ =	sdelay $0x4  }
0xd8: {  	[tilespmem:$0x29E0] =	vst v1  }
0xd9: {  	v1 =	vld [tilespmem:s31+$0x1400];
	_ =	sdelay $0x4  }
0xda: {  	[tilespmem:$0x29F0] =	vst v1  }
0xdb: {  	_ =	swait.ge [sflag:s25], $0x4000  }
.Ltmp1:
0xdc: {  	[sflag:s25] =	ssyncset.done $0x0;
	(pc) =	sbr.rel @p0 .LBB2_4-.Ltmp1, $4  }
0xdd: {  	[sflag:s25] =	ssyncadd.s32 $0xFFFFC000  }
0xde: {  	[spmem:s1] =	stream.indirect.scatter.add.f32 [tilespmem:s22], [sflag:$0x3], $0x80, s26, s19, $0xb8;
	[tilespmem:$0x1E600] =	vst v63  }
0xdf: {  	_ =	swait.ge [sflag:s17], $0x4000  }
0xe0: {  	s30 =	smov.u32 s0;
	[sflag:s17] =	ssyncset.done $0x0  }
0xe1: {  	s29 =	sshra.s32 s29, $0x2;
	[sflag:s17] =	ssyncadd.s32 $0xFFFFC000  }
0xe2: {  	v1 =	vld [tilespmem:s29+$0xFFFFFF10];
	_ =	sdelay $0x4  }
0xe3: {  	[tilespmem:$0x2800] =	vst v1  }
0xe4: {  	v1 =	vld [tilespmem:s29+$0xFFFFFF20];
	_ =	sdelay $0x4  }
0xe5: {  	[tilespmem:$0x2810] =	vst v1  }
0xe6: {  	v1 =	vld [tilespmem:s29+$0xFFFFFF30];
	_ =	sdelay $0x4  }
0xe7: {  	[tilespmem:$0x2820] =	vst v1  }
0xe8: {  	v1 =	vld [tilespmem:s29+$0xFFFFFF40];
	_ =	sdelay $0x4  }
0xe9: {  	[tilespmem:$0x2830] =	vst v1  }
0xea: {  	v1 =	vld [tilespmem:s29+$0xFFFFFF50];
	_ =	sdelay $0x4  }
0xeb: {  	[tilespmem:$0x2840] =	vst v1  }
0xec: {  	v1 =	vld [tilespmem:s29+$0xFFFFFF60];
	_ =	sdelay $0x4  }
0xed: {  	[tilespmem:$0x2850] =	vst v1  }
0xee: {  	v1 =	vld [tilespmem:s29+$0xFFFFFF70];
	_ =	sdelay $0x4  }
0xef: {  	[tilespmem:$0x2860] =	vst v1  }
0xf0: {  	v1 =	vld [tilespmem:s29+$0xFFFFFF80];
	_ =	sdelay $0x4  }
0xf1: {  	[tilespmem:$0x2870] =	vst v1  }
0xf2: {  	[tilespmem:s16], [sflag:$0x1] =	stream.indirect.gather [hbm4b:s4+s19], $0x80, s20, s19, $0xb8;
	[tilespmem:$0x1E600] =	vst v63  }
0xf3: {  	v1 =	vld [tilespmem:s29+$0xFFFFFF90];
	_ =	sdelay $0x4  }
0xf4: {  	[tilespmem:$0x2880] =	vst v1  }
0xf5: {  	v1 =	vld [tilespmem:s29+$0xFFFFFFA0];
	_ =	sdelay $0x4  }
0xf6: {  	[tilespmem:$0x2890] =	vst v1  }
0xf7: {  	v1 =	vld [tilespmem:s29+$0xFFFFFFB0];
	_ =	sdelay $0x4  }
0xf8: {  	[tilespmem:$0x28A0] =	vst v1  }
0xf9: {  	v1 =	vld [tilespmem:s29+$0xFFFFFFC0];
	_ =	sdelay $0x4  }
0xfa: {  	[tilespmem:$0x28B0] =	vst v1  }
0xfb: {  	v1 =	vld [tilespmem:s29+$0xFFFFFFD0];
	_ =	sdelay $0x4  }
0xfc: {  	[tilespmem:$0x28C0] =	vst v1  }
0xfd: {  	v1 =	vld [tilespmem:s29+$0xFFFFFFE0];
	_ =	sdelay $0x4  }
0xfe: {  	[tilespmem:$0x28D0] =	vst v1  }
0xff: {  	v1 =	vld [tilespmem:s29+$0xFFFFFFF0];
	_ =	sdelay $0x4  }
0x100: {  	[tilespmem:$0x28E0] =	vst v1  }
0x101: {  	v1 =	vld [tilespmem:s29+$0x0];
	_ =	sdelay $0x4  }
0x102: {  	[tilespmem:$0x28F0] =	vst v1  }
0x103: {  	[tilespmem:s22], [sflag:$0x2] =	stream.indirect.gather [hbm4b:s4+s19], $0x80, s21, s19, $0xb8;
	[tilespmem:$0x1E600] =	vst v63  }
0x104: {  	v1 =	vld [tilespmem:s29+$0x1310];
	_ =	sdelay $0x4  }
0x105: {  	[tilespmem:$0x2900] =	vst v1  }
0x106: {  	v1 =	vld [tilespmem:s29+$0x1320];
	_ =	sdelay $0x4  }
0x107: {  	[tilespmem:$0x2910] =	vst v1  }
0x108: {  	v1 =	vld [tilespmem:s29+$0x1330];
	_ =	sdelay $0x4  }
0x109: {  	[tilespmem:$0x2920] =	vst v1  }
0x10a: {  	v1 =	vld [tilespmem:s29+$0x1340];
	_ =	sdelay $0x4  }
0x10b: {  	[tilespmem:$0x2930] =	vst v1  }
0x10c: {  	v1 =	vld [tilespmem:s29+$0x1350];
	_ =	sdelay $0x4  }
0x10d: {  	[tilespmem:$0x2940] =	vst v1  }
0x10e: {  	v1 =	vld [tilespmem:s29+$0x1360];
	_ =	sdelay $0x4  }
0x10f: {  	[tilespmem:$0x2950] =	vst v1  }
0x110: {  	v1 =	vld [tilespmem:s29+$0x1370];
	_ =	sdelay $0x4  }
0x111: {  	[tilespmem:$0x2960] =	vst v1  }
0x112: {  	v1 =	vld [tilespmem:s29+$0x1380];
	_ =	sdelay $0x4  }
0x113: {  	[tilespmem:$0x2970] =	vst v1  }
0x114: {  	_ =	swait.ge [sflag:s23], $0x4000  }
0x115: {  	[sflag:s23] =	ssyncset.done $0x0  }
0x116: {  	[sflag:s23] =	ssyncadd.s32 $0xFFFFC000  }
0x117: {  	[spmem:s1] =	stream.indirect.scatter.add.f32 [tilespmem:s16], [sflag:$0x3], $0x80, s24, s19, $0xb8;
	[tilespmem:$0x1E600] =	vst v63  }
0x118: {  	_ =	swait.ge [sflag:s17], $0x4000  }
0x119: {  	[sflag:s17] =	ssyncset.done $0x0  }
0x11a: {  	[sflag:s17] =	ssyncadd.s32 $0xFFFFC000  }
0x11b: {  	v1 =	vld [tilespmem:s29+$0x1390];
	_ =	sdelay $0x4  }
0x11c: {  	[tilespmem:$0x2980] =	vst v1  }
0x11d: {  	v1 =	vld [tilespmem:s29+$0x13A0];
	_ =	sdelay $0x4  }
0x11e: {  	[tilespmem:$0x2990] =	vst v1  }
0x11f: {  	v1 =	vld [tilespmem:s29+$0x13B0];
	_ =	sdelay $0x4  }
0x120: {  	[tilespmem:$0x29A0] =	vst v1  }
0x121: {  	v1 =	vld [tilespmem:s29+$0x13C0];
	_ =	sdelay $0x4  }
0x122: {  	[tilespmem:$0x29B0] =	vst v1  }
0x123: {  	v1 =	vld [tilespmem:s29+$0x13D0];
	_ =	sdelay $0x4  }
0x124: {  	[tilespmem:$0x29C0] =	vst v1  }
0x125: {  	v1 =	vld [tilespmem:s29+$0x13E0];
	_ =	sdelay $0x4  }
0x126: {  	[tilespmem:$0x29D0] =	vst v1  }
0x127: {  	v1 =	vld [tilespmem:s29+$0x13F0];
	_ =	sdelay $0x4  }
0x128: {  	[tilespmem:$0x29E0] =	vst v1  }
0x129: {  	v1 =	vld [tilespmem:s29+$0x1400];
	_ =	sdelay $0x4  }
0x12a: {  	[tilespmem:$0x29F0] =	vst v1  }
0x12b: {  	_ =	swait.ge [sflag:s25], $0x4000  }
0x12c: {  	[sflag:s25] =	ssyncset.done $0x0  }
0x12d: {  	[sflag:s25] =	ssyncadd.s32 $0xFFFFC000  }
0x12e: {  	[spmem:s1] =	stream.indirect.scatter.add.f32 [tilespmem:s22], [sflag:$0x3], $0x80, s26, s19, $0xb8;
	[tilespmem:$0x1E600] =	vst v63  }
0x12f: {  	_ =	swait.ge [sflag:s17], $0x4000  }
0x130: {  	[sflag:s17] =	ssyncset.done $0x0  }
0x131: {  	[sflag:s17] =	ssyncadd.s32 $0xFFFFC000  }
0x132: {  	[tilespmem:s3], [sflag:$0x3] =	stream.linear.gather [hbm4b:s12+s3], $0x1400, $0x38;
	[tilespmem:$0x1E600] =	vst v63  }
0x133: {  	_ =	swait.ge [sflag:s17], $0x1400  }
0x134: {  	[sflag:s17] =	ssyncset.done $0x0  }
0x135: {  	[sflag:s17] =	ssyncadd.s32 $0xFFFFEC00  }
0x136: {  	[tilespmem:s18], [sflag:$0x3] =	stream.linear.gather [hbm4b:s13+s3], $0x1400, $0x38;
	[tilespmem:$0x1E600] =	vst v63  }
0x137: {  	_ =	swait.ge [sflag:s17], $0x1400  }
0x138: {  	[sflag:s17] =	ssyncset.done $0x0  }
0x139: {  	s29 =	simm.s32 $0xF0;
	[sflag:s17] =	ssyncadd.s32 $0xFFFFEC00  }
0x13a: {  	v1 =	vld [tilespmem:s29+$0xFFFFFF10];
	_ =	sdelay $0x4  }
0x13b: {  	[tilespmem:$0x2800] =	vst v1  }
0x13c: {  	v1 =	vld [tilespmem:s29+$0xFFFFFF20];
	_ =	sdelay $0x4  }
0x13d: {  	[tilespmem:$0x2810] =	vst v1  }
0x13e: {  	v1 =	vld [tilespmem:s29+$0xFFFFFF30];
	_ =	sdelay $0x4  }
0x13f: {  	[tilespmem:$0x2820] =	vst v1  }
0x140: {  	v1 =	vld [tilespmem:s29+$0xFFFFFF40];
	_ =	sdelay $0x4  }
0x141: {  	[tilespmem:$0x2830] =	vst v1  }
0x142: {  	v1 =	vld [tilespmem:s29+$0xFFFFFF50];
	_ =	sdelay $0x4  }
0x143: {  	[tilespmem:$0x2840] =	vst v1  }
0x144: {  	v1 =	vld [tilespmem:s29+$0xFFFFFF60];
	_ =	sdelay $0x4  }
0x145: {  	[tilespmem:$0x2850] =	vst v1  }
0x146: {  	v1 =	vld [tilespmem:s29+$0xFFFFFF70];
	_ =	sdelay $0x4  }
0x147: {  	[tilespmem:$0x2860] =	vst v1  }
0x148: {  	v1 =	vld [tilespmem:s29+$0xFFFFFF80];
	_ =	sdelay $0x4  }
0x149: {  	[tilespmem:$0x2870] =	vst v1  }
0x14a: {  	[tilespmem:s16], [sflag:$0x1] =	stream.indirect.gather [hbm4b:s4+s19], $0x80, s20, s19, $0xb8;
	[tilespmem:$0x1E600] =	vst v63  }
0x14b: {  	v1 =	vld [tilespmem:s29+$0xFFFFFF90];
	_ =	sdelay $0x4  }
0x14c: {  	[tilespmem:$0x2880] =	vst v1  }
0x14d: {  	v1 =	vld [tilespmem:s29+$0xFFFFFFA0];
	_ =	sdelay $0x4  }
0x14e: {  	[tilespmem:$0x2890] =	vst v1  }
0x14f: {  	v1 =	vld [tilespmem:s29+$0xFFFFFFB0];
	_ =	sdelay $0x4  }
0x150: {  	[tilespmem:$0x28A0] =	vst v1  }
0x151: {  	v1 =	vld [tilespmem:s29+$0xFFFFFFC0];
	_ =	sdelay $0x4  }
0x152: {  	[tilespmem:$0x28B0] =	vst v1  }
0x153: {  	v1 =	vld [tilespmem:s29+$0xFFFFFFD0];
	_ =	sdelay $0x4  }
0x154: {  	[tilespmem:$0x28C0] =	vst v1  }
0x155: {  	v1 =	vld [tilespmem:s29+$0xFFFFFFE0];
	_ =	sdelay $0x4  }
0x156: {  	[tilespmem:$0x28D0] =	vst v1  }
0x157: {  	v1 =	vld [tilespmem:s29+$0xFFFFFFF0];
	_ =	sdelay $0x4  }
0x158: {  	[tilespmem:$0x28E0] =	vst v1  }
0x159: {  	v1 =	vld [tilespmem:s29+$0x0];
	_ =	sdelay $0x4  }
0x15a: {  	[tilespmem:$0x28F0] =	vst v1  }
0x15b: {  	[tilespmem:s22], [sflag:$0x2] =	stream.indirect.gather [hbm4b:s4+s19], $0x80, s21, s19, $0xb8;
	[tilespmem:$0x1E600] =	vst v63  }
0x15c: {  	v1 =	vld [tilespmem:s29+$0x1310];
	_ =	sdelay $0x4  }
0x15d: {  	[tilespmem:$0x2900] =	vst v1  }
0x15e: {  	v1 =	vld [tilespmem:s29+$0x1320];
	_ =	sdelay $0x4  }
0x15f: {  	[tilespmem:$0x2910] =	vst v1  }
0x160: {  	v1 =	vld [tilespmem:s29+$0x1330];
	_ =	sdelay $0x4  }
0x161: {  	[tilespmem:$0x2920] =	vst v1  }
0x162: {  	v1 =	vld [tilespmem:s29+$0x1340];
	_ =	sdelay $0x4  }
0x163: {  	[tilespmem:$0x2930] =	vst v1  }
0x164: {  	v1 =	vld [tilespmem:s29+$0x1350];
	_ =	sdelay $0x4  }
0x165: {  	[tilespmem:$0x2940] =	vst v1  }
0x166: {  	v1 =	vld [tilespmem:s29+$0x1360];
	_ =	sdelay $0x4  }
0x167: {  	[tilespmem:$0x2950] =	vst v1  }
0x168: {  	v1 =	vld [tilespmem:s29+$0x1370];
	_ =	sdelay $0x4  }
0x169: {  	[tilespmem:$0x2960] =	vst v1  }
0x16a: {  	v1 =	vld [tilespmem:s29+$0x1380];
	_ =	sdelay $0x4  }
0x16b: {  	[tilespmem:$0x2970] =	vst v1  }
0x16c: {  	_ =	swait.ge [sflag:s23], $0x4000  }
0x16d: {  	[sflag:s23] =	ssyncset.done $0x0  }
0x16e: {  	[sflag:s23] =	ssyncadd.s32 $0xFFFFC000  }
0x16f: {  	[spmem:s1] =	stream.indirect.scatter.add.f32 [tilespmem:s16], [sflag:$0x3], $0x80, s24, s19, $0xb8;
	[tilespmem:$0x1E600] =	vst v63  }
0x170: {  	_ =	swait.ge [sflag:s17], $0x4000  }
0x171: {  	[sflag:s17] =	ssyncset.done $0x0  }
0x172: {  	[sflag:s17] =	ssyncadd.s32 $0xFFFFC000  }
0x173: {  	v1 =	vld [tilespmem:s29+$0x1390];
	_ =	sdelay $0x4  }
0x174: {  	[tilespmem:$0x2980] =	vst v1  }
0x175: {  	v1 =	vld [tilespmem:s29+$0x13A0];
	_ =	sdelay $0x4  }
0x176: {  	[tilespmem:$0x2990] =	vst v1  }
0x177: {  	v1 =	vld [tilespmem:s29+$0x13B0];
	_ =	sdelay $0x4  }
0x178: {  	[tilespmem:$0x29A0] =	vst v1  }
0x179: {  	v1 =	vld [tilespmem:s29+$0x13C0];
	_ =	sdelay $0x4  }
0x17a: {  	[tilespmem:$0x29B0] =	vst v1  }
0x17b: {  	v1 =	vld [tilespmem:s29+$0x13D0];
	_ =	sdelay $0x4  }
0x17c: {  	[tilespmem:$0x29C0] =	vst v1  }
0x17d: {  	v1 =	vld [tilespmem:s29+$0x13E0];
	_ =	sdelay $0x4  }
0x17e: {  	[tilespmem:$0x29D0] =	vst v1  }
0x17f: {  	v1 =	vld [tilespmem:s29+$0x13F0];
	_ =	sdelay $0x4  }
0x180: {  	[tilespmem:$0x29E0] =	vst v1  }
0x181: {  	v1 =	vld [tilespmem:s29+$0x1400];
	_ =	sdelay $0x4  }
0x182: {  	[tilespmem:$0x29F0] =	vst v1  }
0x183: {  	_ =	swait.ge [sflag:s25], $0x4000  }
0x184: {  	[sflag:s25] =	ssyncset.done $0x0  }
0x185: {  	[sflag:s25] =	ssyncadd.s32 $0xFFFFC000  }
0x186: {  	[spmem:s1] =	stream.indirect.scatter.add.f32 [tilespmem:s22], [sflag:$0x3], $0x80, s26, s19, $0xb8;
	[tilespmem:$0x1E600] =	vst v63  }
0x187: {  	_ =	swait.ge [sflag:s17], $0x4000  }
0x188: {  	s0 =	simm.s32 $0xBC0;
	s29 =	simm.s32 $0x7C0;
	[sflag:s17] =	ssyncset.done $0x0  }
.LBB2_6:
0x189: {  	s31 =	sshra.s32 s29, $0x2  }
0x18a: {  	[sflag:s17] =	ssyncadd.s32 $0xFFFFC000;
	s29 =	smov.u32 s0;
	s30 =	sadd.s32 $0x400, s0  }
0x18b: {  	p0 =	sne.s32 s0, $0x4FC0;
	v1 =	vld [tilespmem:s31+$0xFFFFFF10];
	_ =	sdelay $0x4  }
0x18c: {  	[tilespmem:$0x2800] =	vst v1  }
0x18d: {  	v1 =	vld [tilespmem:s31+$0xFFFFFF20];
	_ =	sdelay $0x4  }
0x18e: {  	[tilespmem:$0x2810] =	vst v1  }
0x18f: {  	v1 =	vld [tilespmem:s31+$0xFFFFFF30];
	_ =	sdelay $0x4  }
0x190: {  	[tilespmem:$0x2820] =	vst v1  }
0x191: {  	v1 =	vld [tilespmem:s31+$0xFFFFFF40];
	_ =	sdelay $0x4  }
0x192: {  	[tilespmem:$0x2830] =	vst v1  }
0x193: {  	v1 =	vld [tilespmem:s31+$0xFFFFFF50];
	_ =	sdelay $0x4  }
0x194: {  	[tilespmem:$0x2840] =	vst v1  }
0x195: {  	v1 =	vld [tilespmem:s31+$0xFFFFFF60];
	_ =	sdelay $0x4  }
0x196: {  	[tilespmem:$0x2850] =	vst v1  }
0x197: {  	v1 =	vld [tilespmem:s31+$0xFFFFFF70];
	_ =	sdelay $0x4  }
0x198: {  	[tilespmem:$0x2860] =	vst v1  }
0x199: {  	v1 =	vld [tilespmem:s31+$0xFFFFFF80];
	_ =	sdelay $0x4  }
0x19a: {  	[tilespmem:$0x2870] =	vst v1  }
0x19b: {  	[tilespmem:s16], [sflag:$0x1] =	stream.indirect.gather [hbm4b:s4+s19], $0x80, s20, s19, $0xb8;
	[tilespmem:$0x1E600] =	vst v63  }
0x19c: {  	v1 =	vld [tilespmem:s31+$0xFFFFFF90];
	_ =	sdelay $0x4  }
0x19d: {  	[tilespmem:$0x2880] =	vst v1  }
0x19e: {  	v1 =	vld [tilespmem:s31+$0xFFFFFFA0];
	_ =	sdelay $0x4  }
0x19f: {  	[tilespmem:$0x2890] =	vst v1  }
0x1a0: {  	v1 =	vld [tilespmem:s31+$0xFFFFFFB0];
	_ =	sdelay $0x4  }
0x1a1: {  	[tilespmem:$0x28A0] =	vst v1  }
0x1a2: {  	v1 =	vld [tilespmem:s31+$0xFFFFFFC0];
	_ =	sdelay $0x4  }
0x1a3: {  	[tilespmem:$0x28B0] =	vst v1  }
0x1a4: {  	v1 =	vld [tilespmem:s31+$0xFFFFFFD0];
	_ =	sdelay $0x4  }
0x1a5: {  	[tilespmem:$0x28C0] =	vst v1  }
0x1a6: {  	v1 =	vld [tilespmem:s31+$0xFFFFFFE0];
	_ =	sdelay $0x4  }
0x1a7: {  	[tilespmem:$0x28D0] =	vst v1  }
0x1a8: {  	v1 =	vld [tilespmem:s31+$0xFFFFFFF0];
	_ =	sdelay $0x4  }
0x1a9: {  	[tilespmem:$0x28E0] =	vst v1  }
0x1aa: {  	v1 =	vld [tilespmem:s31+$0x0];
	_ =	sdelay $0x4  }
0x1ab: {  	[tilespmem:$0x28F0] =	vst v1  }
0x1ac: {  	[tilespmem:s22], [sflag:$0x2] =	stream.indirect.gather [hbm4b:s4+s19], $0x80, s21, s19, $0xb8;
	[tilespmem:$0x1E600] =	vst v63  }
0x1ad: {  	v1 =	vld [tilespmem:s31+$0x1310];
	_ =	sdelay $0x4  }
0x1ae: {  	[tilespmem:$0x2900] =	vst v1  }
0x1af: {  	v1 =	vld [tilespmem:s31+$0x1320];
	_ =	sdelay $0x4  }
0x1b0: {  	[tilespmem:$0x2910] =	vst v1  }
0x1b1: {  	v1 =	vld [tilespmem:s31+$0x1330];
	_ =	sdelay $0x4  }
0x1b2: {  	[tilespmem:$0x2920] =	vst v1  }
0x1b3: {  	v1 =	vld [tilespmem:s31+$0x1340];
	_ =	sdelay $0x4  }
0x1b4: {  	[tilespmem:$0x2930] =	vst v1  }
0x1b5: {  	v1 =	vld [tilespmem:s31+$0x1350];
	_ =	sdelay $0x4  }
0x1b6: {  	[tilespmem:$0x2940] =	vst v1  }
0x1b7: {  	v1 =	vld [tilespmem:s31+$0x1360];
	_ =	sdelay $0x4  }
0x1b8: {  	[tilespmem:$0x2950] =	vst v1  }
0x1b9: {  	v1 =	vld [tilespmem:s31+$0x1370];
	_ =	sdelay $0x4  }
0x1ba: {  	[tilespmem:$0x2960] =	vst v1  }
0x1bb: {  	v1 =	vld [tilespmem:s31+$0x1380];
	_ =	sdelay $0x4  }
0x1bc: {  	[tilespmem:$0x2970] =	vst v1  }
0x1bd: {  	_ =	swait.ge [sflag:s23], $0x4000  }
0x1be: {  	[sflag:s23] =	ssyncset.done $0x0  }
0x1bf: {  	[sflag:s23] =	ssyncadd.s32 $0xFFFFC000  }
0x1c0: {  	[spmem:s1] =	stream.indirect.scatter.add.f32 [tilespmem:s16], [sflag:$0x3], $0x80, s24, s19, $0xb8;
	[tilespmem:$0x1E600] =	vst v63  }
0x1c1: {  	_ =	swait.ge [sflag:s17], $0x4000  }
0x1c2: {  	[sflag:s17] =	ssyncset.done $0x0  }
0x1c3: {  	[sflag:s17] =	ssyncadd.s32 $0xFFFFC000  }
0x1c4: {  	v1 =	vld [tilespmem:s31+$0x1390];
	_ =	sdelay $0x4  }
0x1c5: {  	[tilespmem:$0x2980] =	vst v1  }
0x1c6: {  	v1 =	vld [tilespmem:s31+$0x13A0];
	_ =	sdelay $0x4  }
0x1c7: {  	[tilespmem:$0x2990] =	vst v1  }
0x1c8: {  	v1 =	vld [tilespmem:s31+$0x13B0];
	_ =	sdelay $0x4  }
0x1c9: {  	[tilespmem:$0x29A0] =	vst v1  }
0x1ca: {  	v1 =	vld [tilespmem:s31+$0x13C0];
	_ =	sdelay $0x4  }
0x1cb: {  	[tilespmem:$0x29B0] =	vst v1  }
0x1cc: {  	v1 =	vld [tilespmem:s31+$0x13D0];
	_ =	sdelay $0x4  }
0x1cd: {  	[tilespmem:$0x29C0] =	vst v1  }
0x1ce: {  	v1 =	vld [tilespmem:s31+$0x13E0];
	_ =	sdelay $0x4  }
0x1cf: {  	[tilespmem:$0x29D0] =	vst v1  }
0x1d0: {  	v1 =	vld [tilespmem:s31+$0x13F0];
	_ =	sdelay $0x4  }
0x1d1: {  	[tilespmem:$0x29E0] =	vst v1  }
0x1d2: {  	v1 =	vld [tilespmem:s31+$0x1400];
	_ =	sdelay $0x4  }
0x1d3: {  	[tilespmem:$0x29F0] =	vst v1  }
0x1d4: {  	_ =	swait.ge [sflag:s25], $0x4000  }
.Ltmp2:
0x1d5: {  	[sflag:s25] =	ssyncset.done $0x0;
	(pc) =	sbr.rel @p0 .LBB2_6-.Ltmp2, $4  }
0x1d6: {  	[sflag:s25] =	ssyncadd.s32 $0xFFFFC000  }
0x1d7: {  	[spmem:s1] =	stream.indirect.scatter.add.f32 [tilespmem:s22], [sflag:$0x3], $0x80, s26, s19, $0xb8;
	[tilespmem:$0x1E600] =	vst v63  }
0x1d8: {  	_ =	swait.ge [sflag:s17], $0x4000  }
0x1d9: {  	s0 =	smov.u32 s30;
	[sflag:s17] =	ssyncset.done $0x0  }
0x1da: {  	s29 =	sshra.s32 s29, $0x2;
	[sflag:s17] =	ssyncadd.s32 $0xFFFFC000  }
0x1db: {  	v1 =	vld [tilespmem:s29+$0xFFFFFF10];
	_ =	sdelay $0x4  }
0x1dc: {  	[tilespmem:$0x2800] =	vst v1  }
0x1dd: {  	v1 =	vld [tilespmem:s29+$0xFFFFFF20];
	_ =	sdelay $0x4  }
0x1de: {  	[tilespmem:$0x2810] =	vst v1  }
0x1df: {  	v1 =	vld [tilespmem:s29+$0xFFFFFF30];
	_ =	sdelay $0x4  }
0x1e0: {  	[tilespmem:$0x2820] =	vst v1  }
0x1e1: {  	v1 =	vld [tilespmem:s29+$0xFFFFFF40];
	_ =	sdelay $0x4  }
0x1e2: {  	[tilespmem:$0x2830] =	vst v1  }
0x1e3: {  	v1 =	vld [tilespmem:s29+$0xFFFFFF50];
	_ =	sdelay $0x4  }
0x1e4: {  	[tilespmem:$0x2840] =	vst v1  }
0x1e5: {  	v1 =	vld [tilespmem:s29+$0xFFFFFF60];
	_ =	sdelay $0x4  }
0x1e6: {  	[tilespmem:$0x2850] =	vst v1  }
0x1e7: {  	v1 =	vld [tilespmem:s29+$0xFFFFFF70];
	_ =	sdelay $0x4  }
0x1e8: {  	[tilespmem:$0x2860] =	vst v1  }
0x1e9: {  	v1 =	vld [tilespmem:s29+$0xFFFFFF80];
	_ =	sdelay $0x4  }
0x1ea: {  	[tilespmem:$0x2870] =	vst v1  }
0x1eb: {  	[tilespmem:s16], [sflag:$0x1] =	stream.indirect.gather [hbm4b:s4+s19], $0x80, s20, s19, $0xb8;
	[tilespmem:$0x1E600] =	vst v63  }
0x1ec: {  	v1 =	vld [tilespmem:s29+$0xFFFFFF90];
	_ =	sdelay $0x4  }
0x1ed: {  	[tilespmem:$0x2880] =	vst v1  }
0x1ee: {  	v1 =	vld [tilespmem:s29+$0xFFFFFFA0];
	_ =	sdelay $0x4  }
0x1ef: {  	[tilespmem:$0x2890] =	vst v1  }
0x1f0: {  	v1 =	vld [tilespmem:s29+$0xFFFFFFB0];
	_ =	sdelay $0x4  }
0x1f1: {  	[tilespmem:$0x28A0] =	vst v1  }
0x1f2: {  	v1 =	vld [tilespmem:s29+$0xFFFFFFC0];
	_ =	sdelay $0x4  }
0x1f3: {  	[tilespmem:$0x28B0] =	vst v1  }
0x1f4: {  	v1 =	vld [tilespmem:s29+$0xFFFFFFD0];
	_ =	sdelay $0x4  }
0x1f5: {  	[tilespmem:$0x28C0] =	vst v1  }
0x1f6: {  	v1 =	vld [tilespmem:s29+$0xFFFFFFE0];
	_ =	sdelay $0x4  }
0x1f7: {  	[tilespmem:$0x28D0] =	vst v1  }
0x1f8: {  	v1 =	vld [tilespmem:s29+$0xFFFFFFF0];
	_ =	sdelay $0x4  }
0x1f9: {  	[tilespmem:$0x28E0] =	vst v1  }
0x1fa: {  	v1 =	vld [tilespmem:s29+$0x0];
	_ =	sdelay $0x4  }
0x1fb: {  	[tilespmem:$0x28F0] =	vst v1  }
0x1fc: {  	[tilespmem:s22], [sflag:$0x2] =	stream.indirect.gather [hbm4b:s4+s19], $0x80, s21, s19, $0xb8;
	[tilespmem:$0x1E600] =	vst v63  }
0x1fd: {  	v1 =	vld [tilespmem:s29+$0x1310];
	_ =	sdelay $0x4  }
0x1fe: {  	[tilespmem:$0x2900] =	vst v1  }
0x1ff: {  	v1 =	vld [tilespmem:s29+$0x1320];
	_ =	sdelay $0x4  }
0x200: {  	[tilespmem:$0x2910] =	vst v1  }
0x201: {  	v1 =	vld [tilespmem:s29+$0x1330];
	_ =	sdelay $0x4  }
0x202: {  	[tilespmem:$0x2920] =	vst v1  }
0x203: {  	v1 =	vld [tilespmem:s29+$0x1340];
	_ =	sdelay $0x4  }
0x204: {  	[tilespmem:$0x2930] =	vst v1  }
0x205: {  	v1 =	vld [tilespmem:s29+$0x1350];
	_ =	sdelay $0x4  }
0x206: {  	[tilespmem:$0x2940] =	vst v1  }
0x207: {  	v1 =	vld [tilespmem:s29+$0x1360];
	_ =	sdelay $0x4  }
0x208: {  	[tilespmem:$0x2950] =	vst v1  }
0x209: {  	v1 =	vld [tilespmem:s29+$0x1370];
	_ =	sdelay $0x4  }
0x20a: {  	[tilespmem:$0x2960] =	vst v1  }
0x20b: {  	v1 =	vld [tilespmem:s29+$0x1380];
	_ =	sdelay $0x4  }
0x20c: {  	[tilespmem:$0x2970] =	vst v1  }
0x20d: {  	_ =	swait.ge [sflag:s23], $0x4000  }
0x20e: {  	[sflag:s23] =	ssyncset.done $0x0  }
0x20f: {  	[sflag:s23] =	ssyncadd.s32 $0xFFFFC000  }
0x210: {  	[spmem:s1] =	stream.indirect.scatter.add.f32 [tilespmem:s16], [sflag:$0x3], $0x80, s24, s19, $0xb8;
	[tilespmem:$0x1E600] =	vst v63  }
0x211: {  	_ =	swait.ge [sflag:s17], $0x4000  }
0x212: {  	[sflag:s17] =	ssyncset.done $0x0  }
0x213: {  	[sflag:s17] =	ssyncadd.s32 $0xFFFFC000  }
0x214: {  	v1 =	vld [tilespmem:s29+$0x1390];
	_ =	sdelay $0x4  }
0x215: {  	[tilespmem:$0x2980] =	vst v1  }
0x216: {  	v1 =	vld [tilespmem:s29+$0x13A0];
	_ =	sdelay $0x4  }
0x217: {  	[tilespmem:$0x2990] =	vst v1  }
0x218: {  	v1 =	vld [tilespmem:s29+$0x13B0];
	_ =	sdelay $0x4  }
0x219: {  	[tilespmem:$0x29A0] =	vst v1  }
0x21a: {  	v1 =	vld [tilespmem:s29+$0x13C0];
	_ =	sdelay $0x4  }
0x21b: {  	[tilespmem:$0x29B0] =	vst v1  }
0x21c: {  	v1 =	vld [tilespmem:s29+$0x13D0];
	_ =	sdelay $0x4  }
0x21d: {  	[tilespmem:$0x29C0] =	vst v1  }
0x21e: {  	v1 =	vld [tilespmem:s29+$0x13E0];
	_ =	sdelay $0x4  }
0x21f: {  	[tilespmem:$0x29D0] =	vst v1  }
0x220: {  	v1 =	vld [tilespmem:s29+$0x13F0];
	_ =	sdelay $0x4  }
0x221: {  	[tilespmem:$0x29E0] =	vst v1  }
0x222: {  	v1 =	vld [tilespmem:s29+$0x1400];
	_ =	sdelay $0x4  }
0x223: {  	[tilespmem:$0x29F0] =	vst v1  }
0x224: {  	_ =	swait.ge [sflag:s25], $0x4000  }
0x225: {  	[sflag:s25] =	ssyncset.done $0x0  }
0x226: {  	[sflag:s25] =	ssyncadd.s32 $0xFFFFC000  }
0x227: {  	[spmem:s1] =	stream.indirect.scatter.add.f32 [tilespmem:s22], [sflag:$0x3], $0x80, s26, s19, $0xb8;
	[tilespmem:$0x1E600] =	vst v63  }
0x228: {  	_ =	swait.ge [sflag:s17], $0x4000  }
0x229: {  	s0 =	sshll.u32 s2, $0x6;
	s28 =	sadd.s32 $0x1, s28;
	[sflag:s17] =	ssyncset.done $0x0  }
0x22a: {  	s31 =	sshrl.u32 s5, $0x3;
	p0 =	sne.s32 s28, s15;
	[sflag:s17] =	ssyncadd.s32 $0xFFFFC000  }
.Ltmp3:
0x22b: {  	s0 =	sor.u32 $0x1C03, s0;
	[bflag:$0x0] =	sbarrier.arrive $0xFFFF;
	(pc) =	sbr.rel @p0 .LBB2_1-.Ltmp3, $4  }
0x22c: {  	[hbm:s14], [sflag:s0] =	dma.local [spmem:s31], $0x2780  }
0x22d: {  	_ =	swait.ge [sflag:s17], $0x2780  }
0x22e: {  	[sflag:s17] =	ssyncset.done $0x0  }
0x22f: {  	[sflag:s17] =	ssyncadd.s32 $0xFFFFD880  }
0x230: {  	_ =	sfence.sel $0x180000  }
0x231: {  	[bflag:$0x0] =	sbarrier.arrive $0xFFFF  }
0x232: {  	_ =	strace $0x9000004D  }
0x233: {  	[bflag:$0x2] =	sbarrier.arrive $0xFFFF  }
0x234: {  	p0 =	sne.s32 s2, $0x0;
	s0 =	rddreg [dreg:$0x2]  }
0x235: {  	s0 =	sadd.s32 @!p0 $0x100000, s0  }
0x236: {  	[sflag:s0] =	ssyncadd.tile.s32 @!p0 $0x1;
	_ =	shalt  }
.Lfunc_end2:
_tile_overlayer_lowered:
.L_overlay_start_2:
0x237: {  	(tag) =	ssettag $0x2  }
0x238: {  	s0 =	rddreg [dreg:$0x0];
	s2 =	stileid.u32  }
0x239: {  	s1 =	rddreg [dreg:$0x1];
	p0 =	sne.s32 s2, $0x0  }
0x23a: {  	s3 =	rddreg [dreg:$0x2];
	[bflag:$0x3] =	sbarrier.arrive $0xFFFF;
	s2 =	simm.s32 @!p0 $0x1C03  }
0x23b: {  	[timem:s3], [sflag:s2] =	dma.local @!p0 [hbm:s0], s1  }
0x23c: {  	s0 =	simm.s32 @!p0 $0x3  }
0x23d: {  	_ =	swait.ge @!p0 [sflag:s0], s1  }
0x23e: {  	s1 =	ssub.s32 @!p0 $0x0, s1;
	[sflag:s0] =	ssyncset.done @!p0 $0x0  }
0x23f: {  	[sflag:s0] =	ssyncadd.s32 @!p0 s1  }
0x240: {  	[bflag:$0x3] =	sbarrier.arrive $0xFFFF  }
0x241: {  	_ =	shalt  }

// kernel: kernel.8.cloned.1.call-start
scs
__scs_entry_jumppad:
0x0: {  	(pc) =	sbr.rel $0x88, $3  }
0x1: {  	(tag) =	ssettag $0x0;
	lr =	simm.s32 $0x1  }
0x2: {  	[smem:$0x3F98] =	sst lr;
	_ =	strace $0xD0000000  }
0x3: {  	_ = 	snop  }
0x4: {  	_ = 	snop  }
0x5: {  	_ = 	snop  }
0x6: {  	_ = 	snop  }
0x7: {  	_ = 	snop  }
__scs_overlays_trampoline_lowered:
0x8: {  	[smem:$0x3FA7] =	sst s0  }
0x9: {  	[smem:$0x3FA8] =	sst s1  }
0xa: {  	[smem:$0x3FA9] =	sst s2  }
0xb: {  	[smem:$0x3FAA] =	sst s3  }
0xc: {  	[smem:$0x3FAB] =	sst s4  }
0xd: {  	[smem:$0x3FAC] =	sst s5  }
0xe: {  	[smem:$0x3FAD] =	sst s6  }
0xf: {  	[smem:$0x3FAE] =	sst s7  }
0x10: {  	[smem:$0x3FAF] =	sst s8  }
0x11: {  	[smem:$0x3FB0] =	sst s9;
	s0 =	simm.s32 @!p0 $0x0  }
0x12: {  	s1 =	sld [smem:$0x3F96];
	s0 =	simm.s32 @p0 $0x1  }
0x13: {  	[smem:$0x3FB1] =	sst s0;
	s0 =	simm.s32 @!p1 $0x0  }
0x14: {  	s2 =	sld [smem:$0x3F95];
	s0 =	simm.s32 @p1 $0x1  }
0x15: {  	[smem:$0x3FB2] =	sst s0;
	s0 =	simm.s32 @!p2 $0x0  }
0x16: {  	s3 =	sld [smem:$0x3FDB];
	s0 =	simm.s32 @p2 $0x1  }
0x17: {  	s4 =	simm.s32 $0x1BF5;
	[smem:$0x3FB4] =	sst s0  }
0x18: {  	s0 =	sld [smem:$0x3F97];
	_ =	swait.ge [sflag:s4], $0x0  }
0x19: {  	s7 =	sld [smem:$0x3F98]  }
0x1a: {  	s8 =	sadd.s32 $0xFFFFE003, lr  }
0x1b: {  	s9 =	sadd.s32 $0xFFFFFEF7, lr;
	s5 =	simm.s32 $0xFFFFFFFF;
	p2 =	slt.u32 s8, $0xFFFFF086  }
0x1c: {  	p1 =	slt.u32 s9, $0xF7A;
	s5 =	simm.s32 @!p2 $0x0  }
0x1d: {  	s5 =	simm.s32 @p1 $0x1;
	p0 =	seq.s32 s7, s2  }
0x1e: {  	s7 =	smul.u32 @!p0 $0xF7A, s2;
	p2 =	seq.s32 @!p0 s5, $0x0  }
0x1f: {  	s9 =	smul.u32 $0xF7A, s1;
	s8 =	simm.s32 @!p0 $0x1BF5;
	p2 =	por !p2, p0  }
0x20: {  	[sflag:s8] =	ssyncset.s32 @!p0 $0xFFFFF086;
	s6 =	sadd.s32 @!p0 s3, s7;
	s7 =	simm.s32 @!p0 $0x108  }
0x21: {  	s3 =	sadd.s32 s3, s9;
	s6 =	sadd.s32 @!p0 $0x88, s6;
	s7 =	simm.s32 @p2 $0x1082  }
0x22: {  	[simem:s7], [sflag:s8] =	dma.local @!p0 [hbm:s6], $0xF7A  }
0x23: {  	s9 =	sor.u32 $0xD0000000, s2;
	s6 =	simm.s32 $0x108;
	_ =	swait.ge @!p0 [sflag:s8], $0x0  }
0x24: {  	s3 =	sadd.s32 $0x88, s3;
	s6 =	simm.s32 @!p1 $0x1082;
	[sflag:s4] =	ssyncset.s32 $0xFFFFF086  }
0x25: {  	[simem:s6], [sflag:s4] =	dma.local [hbm:s3], $0xF7A  }
0x26: {  	[smem:$0x3F98] =	sst s1;
	(tag) =	ssettag s2;
	_ =	strace s9  }
0x27: {  	s1 =	sld [smem:$0x3FA8]  }
0x28: {  	s2 =	sld [smem:$0x3FA9]  }
0x29: {  	s4 =	sld [smem:$0x3FAB]  }
0x2a: {  	p0 =	seq.s32 s5, $0x0;
	s5 =	sld [smem:$0x3FAC]  }
0x2b: {  	s6 =	sld [smem:$0x3FAD]  }
0x2c: {  	s7 =	sld [smem:$0x3FAE]  }
0x2d: {  	s3 =	simm.s32 $0x108;
	s8 =	sld [smem:$0x3FAF]  }
0x2e: {  	s3 =	simm.s32 @!p0 $0x1082;
	s9 =	sld [smem:$0x3FB0]  }
0x2f: {  	lr =	sadd.s32 s0, s3;
	s0 =	sld [smem:$0x3FA7]  }
0x30: {  	s3 =	sld [smem:$0x3FAA]  }
0x31: {  	[smem:$0x3FB3] =	sst s10  }
0x32: {  	s10 =	sld [smem:$0x3FB1];
	_ =	sdelay $0x3  }
0x33: {  	p0 =	seq.s32 s10, $0x1;
	s10 =	sld [smem:$0x3FB3];
	_ =	sdelay $0x3  }
0x34: {  	[smem:$0x3FB3] =	sst s10  }
0x35: {  	s10 =	sld [smem:$0x3FB2];
	_ =	sdelay $0x3  }
0x36: {  	p1 =	seq.s32 s10, $0x1;
	s10 =	sld [smem:$0x3FB3];
	_ =	sdelay $0x3  }
0x37: {  	[smem:$0x3FB3] =	sst s10  }
0x38: {  	s10 =	sld [smem:$0x3FB4]  }
0x39: {  	_ = 	snop;
	(pc) =	sbr.ind lr, $3  }
0x3a: {  	_ = 	snop  }
0x3b: {  	_ = 	snop  }
0x3c: {  	p2 =	seq.s32 s10, $0x1;
	s10 =	sld [smem:$0x3FB3]  }
0x3d: {  	_ =	shalt  }
0x3e: {  	_ =	shalt  }
0x3f: {  	_ =	shalt  }
0x40: {  	_ =	shalt  }
0x41: {  	_ =	shalt  }
0x42: {  	_ =	shalt  }
0x43: {  	_ =	shalt  }
0x44: {  	_ =	shalt  }
0x45: {  	_ =	shalt  }
0x46: {  	_ =	shalt  }
0x47: {  	_ =	shalt  }
0x48: {  	_ =	shalt  }
0x49: {  	_ =	shalt  }
0x4a: {  	_ =	shalt  }
0x4b: {  	_ =	shalt  }
0x4c: {  	_ =	shalt  }
0x4d: {  	_ =	shalt  }
0x4e: {  	_ =	shalt  }
0x4f: {  	_ =	shalt  }
0x50: {  	_ =	shalt  }
0x51: {  	_ =	shalt  }
0x52: {  	_ =	shalt  }
0x53: {  	_ =	shalt  }
0x54: {  	_ =	shalt  }
0x55: {  	_ =	shalt  }
0x56: {  	_ =	shalt  }
0x57: {  	_ =	shalt  }
0x58: {  	_ =	shalt  }
0x59: {  	_ =	shalt  }
0x5a: {  	_ =	shalt  }
0x5b: {  	_ =	shalt  }
0x5c: {  	_ =	shalt  }
0x5d: {  	_ =	shalt  }
0x5e: {  	_ =	shalt  }
0x5f: {  	_ =	shalt  }
0x60: {  	_ =	shalt  }
0x61: {  	_ =	shalt  }
0x62: {  	_ =	shalt  }
0x63: {  	_ =	shalt  }
0x64: {  	_ =	shalt  }
0x65: {  	_ =	shalt  }
0x66: {  	_ =	shalt  }
0x67: {  	_ =	shalt  }
0x68: {  	_ =	shalt  }
0x69: {  	_ =	shalt  }
0x6a: {  	_ =	shalt  }
0x6b: {  	_ =	shalt  }
0x6c: {  	_ =	shalt  }
0x6d: {  	_ =	shalt  }
0x6e: {  	_ =	shalt  }
0x6f: {  	_ =	shalt  }
0x70: {  	_ =	shalt  }
0x71: {  	_ =	shalt  }
0x72: {  	_ =	shalt  }
0x73: {  	_ =	shalt  }
0x74: {  	_ =	shalt  }
0x75: {  	_ =	shalt  }
0x76: {  	_ =	shalt  }
0x77: {  	_ =	shalt  }
0x78: {  	_ =	shalt  }
0x79: {  	_ =	shalt  }
0x7a: {  	_ =	shalt  }
0x7b: {  	_ =	shalt  }
0x7c: {  	_ =	shalt  }
0x7d: {  	_ =	shalt  }
0x7e: {  	_ =	shalt  }
0x7f: {  	_ =	shalt  }
0x80: {  	_ =	shalt  }
0x81: {  	_ =	shalt  }
0x82: {  	_ =	shalt  }
0x83: {  	_ =	shalt  }
0x84: {  	_ =	shalt  }
0x85: {  	_ =	shalt  }
0x86: {  	_ =	shalt  }
0x87: {  	_ =	shalt  }
.Lfunc_end0:
.L_simem_size_0:
called_computation_lowered:
.L_overlay_start_0:
0x88: {  	s2 =	sld [smem:$0x3FD9]  }
0x89: {  	s3 =	sld [smem:$0x3FFE];
	_ =	sdelay $0x1  }
0x8a: {  	s1 =	srdreg.scid  }
0x8b: {  	s0 =	sand.u32 $0x1, s1  }
0x8c: {  	s16 =	sshll.u32 s0, $0xA;
	s2 =	sadd.s32 s3, s2  }
0x8d: {  	s2 =	sadd.s32 s2, s16  }
0x8e: {  	[smem:$0x3FBF] =	sst s2  }
0x8f: {  	_ = 	snop  }
0x90: {  	(tm) =	ssettm $0x1  }
0x91: {  	s17 =	sld [smem:$0x3FFB];
	_ =	sdelay $0x3  }
0x92: {  	_ =	strace s17  }
0x93: {  	s2 =	sld [smem:$0x3FFC];
	_ =	sdelay $0x3  }
0x94: {  	_ =	strace s2  }
0x95: {  	s2 =	sld [smem:$0x3FFD];
	_ =	sdelay $0x3  }
0x96: {  	_ =	strace s2  }
0x97: {  	_ =	strace $0x8FFFFFFF  }
0x98: {  	s18 =	sld [smem:$0x3FDB];
	_ =	sdelay $0x1  }
0x99: {  	s19 =	simm.s32 $_scs_section_size  }
0x9a: {  	s4 =	simm.s32 $_size__tile_overlayer_lowered;
	s5 =	simm.s32 $_tile_overlayer_lowered  }
0x9b: {  	s22 =	simm.s32 $0x1BFF;
	s21 =	sshll.u32 s5, $0x1;
	s2 =	sadd.s32 s19, s18  }
0x9c: {  	s6 =	simm.s32 $0x0;
	s20 =	sshll.u32 s4, $0x1;
	s4 =	sadd.s32 s21, s2  }
0x9d: {  	[timem:s6], [sflag:s22] =	dma.local [hbm:s4], s20  }
0x9e: {  	_ =	swait.ge [sflag:s22], s20  }
0x9f: {  	s3 =	ssub.s32 $0x0, s20;
	[sflag:s22] =	ssyncset.done $0x0  }
0xa0: {  	[sflag:s22] =	ssyncadd.s32 s3;
	_ =	sdelay $0x1  }
0xa1: {  	s23 =	simm.s32 $0x1B8B  }
0xa2: {  	_ =	swait.ge [sflag:s23], $0x1  }
0xa3: {  	[sflag:s23] =	ssyncset.done $0x0  }
0xa4: {  	s25 =	simm.s32 $0x1B8E;
	s24 =	sld [smem:$0x3FFE];
	[sflag:s23] =	ssyncadd.s32 $0xFFFFFFFF  }
0xa5: {  	s26 =	simm.s32 $execute0_lowered;
	[smem:$0x3FD2] =	sst s25  }
0xa6: {  	s4 =	sshll.u32 s26, $0x1;
	_ =	strace $0x80000046;
	[dreg:$0x1] =	wrdreg $0xFFFFFFFF  }
0xa7: {  	s28 =	simm.s32 $_size_execute0_lowered;
	s2 =	sadd.s32 s2, s4;
	[dreg:$0x0] =	wrdreg $0x0  }
0xa8: {  	s4 =	sshll.u32 s28, $0x1;
	[dreg:$0x2] =	wrdreg s2  }
0xa9: {  	[dreg:$0x3] =	wrdreg s4  }
0xaa: {  	[dreg:$0x4] =	wrdreg $0xC0  }
0xab: {  	_ =	task [dreg:s6], $0x5FFFF  }
0xac: {  	[dreg:$0x1] =	wrdreg $0xFFFFFFFF  }
0xad: {  	[dreg:$0x0] =	wrdreg $0x60  }
0xae: {  	[dreg:$0x2] =	wrdreg s24  }
0xaf: {  	[dreg:$0x3] =	wrdreg $0xA8800  }
0xb0: {  	[dreg:$0x4] =	wrdreg $0x9  }
0xb1: {  	_ =	task.clear_ibuf [dreg:s6], $0x5FFFF;
	_ =	strace $0x90000046  }
0xb2: {  	s29 =	simm.s32 $0x9;
	_ =	strace $0x80000048  }
0xb3: {  	_ =	swait.ge [sflag:s29], $0x1  }
0xb4: {  	[sflag:s29] =	ssyncadd.s32 $0xFFFFFFFF  }
0xb5: {  	_ =	strace $0x90000048  }
0xb6: {  	_ =	sfence  }
0xb7: {  	s30 =	sld [smem:$0x0];
	_ =	sdelay $0x2  }
0xb8: {  	s31 =	sshll.u32 s1, $0xD;
	s1 =	sshrl.u32 s1, $0x2  }
0xb9: {  	s3 =	sand.u32 $0x4000, s31;
	s1 =	sadd.s32 s1, s30  }
0xba: {  	s0 =	sor.u32 s3, s0;
	s1 =	sshll.u32 s1, $0x11  }
0xbb: {  	s0 =	sor.u32 s1, s0  }
0xbc: {  	s0 =	sadd.s32 $0x8F2B, s0  }
0xbd: {  	[sflag:s0] =	ssyncadd.remote.s32 $0x1  }
0xbe: {  	_ =	sfence.sel $0xFFFF  }
0xbf: {  	[dreg:$0x0] =	wrdreg $0xFFFFFFFF;
	(pc) =	sbr.abs _section_cstart, $3  }
0xc0: {  	[dreg:$0x1] =	wrdreg $0xFFFFFFFF  }
0xc1: {  	_ =	task.clear_ibuf [dreg:s6], $0x2FFFF;
	_ =	strace $0x9FFFFFFF  }
0xc2: {  	(tm) =	ssettm $0x7FFFFFFF  }
0xc3: {  	_ =	shalt  }
tec
execute0_lowered:
.L_overlay_start_1:
0x0: {  	(tag) =	ssettag $0x1  }
0x1: {  	s4 =	rddreg [dreg:$0x0]  }
0x2: {  	s2 =	rddreg [dreg:$0x1]  }
0x3: {  	s1 =	srdreg.scid;
	s0 =	rddreg [dreg:$0x2]  }
0x4: {  	s3 =	simm.s32 $0x0;
	s12 =	simm.s32 $0x1;
	s13 =	simm.s32 $0x2880  }
0x5: {  	s14 =	simm.s32 $0x80;
	s15 =	simm.s32 $0x2800;
	s5 =	sand.u32 $0x1, s1  }
0x6: {  	s16 =	simm.s32 $0x6880;
	s1 =	stileid.u32;
	s7 =	smul.u32 $0x13C000, s5  }
0x7: {  	s19 =	simm.s32 $0x0;
	[smem:$0x7FF] =	sst s3;
	s8 =	smul.u32 $0x13C00, s1  }
0x8: {  	s6 =	sshll.u32 s5, $0x4;
	_ =	strace $0x80000047;
	s29 =	smul.u32 $0x4F000, s1  }
0x9: {  	s5 =	ssub.s32 $0x2, s5;
	s17 =	sshll.u32 s1, $0x6;
	s6 =	sor.u32 s1, s6  }
0xa: {  	s30 =	sshrl.u32 s5, $0x1;
	s17 =	sor.u32 $0x1C01, s17;
	s6 =	smul.u32 $0x500, s6  }
0xb: {  	s7 =	sadd.s32 s8, s7;
	s31 =	sshrl.u32 s29, $0x2;
	s11 =	ssub.s32 s5, s30  }
0xc: {  	s7 =	sshrl.u32 s7, $0x3;
	s5 =	sadd.s32 s31, s2;
	s11 =	smax.u32 s11, $0x1  }
0xd: {  	s6 =	sadd.s32 s6, s4;
	s10 =	sadd.s32 s7, s4;
	s7 =	sadd.s32 $0x8000, s5  }
0xe: {  	s8 =	sadd.s32 $0xC000, s5;
	s9 =	sadd.s32 $0x10000, s5;
	s18 =	sshrl.u32 s5, $0x3  }
0xf: {  	v0 =	vimm.f32 $0.0e+00;
	v1 =	vimm.f32 $1.000000000e+00;
	s4 =	sadd.s32 $0xCE00, s6;
	s6 =	sadd.s32 $0x4000, s5;
	s10 =	sadd.s32 $0x16E00, s10  }
.LBB2_1:
0x10: {  	[tilespmem:s3], [sflag:$0x1] =	stream.linear.gather [hbm4b:s4+s3], $0x2800, $0x38;
	[tilespmem:$0x1E480] =	vst v63  }
0x11: {  	_ =	swait.ge [sflag:s12], $0x2800  }
0x12: {  	[sflag:s12] =	ssyncset.done $0x0  }
0x13: {  	s20 =	simm.s32 $0x0;
	s21 =	simm.s32 $0x200;
	[sflag:s12] =	ssyncadd.s32 $0xFFFFD800  }
.LBB2_2:
0x14: {  	p0 =	sne.s32 s21, $0xFE00;
	[tilespmem:s20+$0x68F0] =	vst v1  }
0x15: {  	[tilespmem:s20+$0x2880] =	vst v0  }
0x16: {  	[tilespmem:s20+$0x6880] =	vst v1  }
0x17: {  	[tilespmem:s20+$0x2890] =	vst v0  }
0x18: {  	[tilespmem:s20+$0x6890] =	vst v1  }
0x19: {  	[tilespmem:s20+$0x28A0] =	vst v0  }
0x1a: {  	[tilespmem:s20+$0x68A0] =	vst v1  }
0x1b: {  	[tilespmem:s20+$0x28B0] =	vst v0  }
0x1c: {  	[tilespmem:s20+$0x68B0] =	vst v1  }
0x1d: {  	[tilespmem:s20+$0x28C0] =	vst v0  }
0x1e: {  	[tilespmem:s20+$0x68C0] =	vst v1  }
.Ltmp0:
0x1f: {  	[tilespmem:s20+$0x28D0] =	vst v0;
	(pc) =	sbr.rel @p0 .LBB2_2-.Ltmp0, $4  }
0x20: {  	[tilespmem:s20+$0x68D0] =	vst v1  }
0x21: {  	[tilespmem:s20+$0x28E0] =	vst v0  }
0x22: {  	[tilespmem:s20+$0x68E0] =	vst v1  }
0x23: {  	[tilespmem:s20+$0x28F0] =	vst v0;
	s20 =	sshra.s32 s21, $0x2;
	s21 =	sadd.s32 $0x200, s21  }
0x24: {  	[tilespmem:s20+$0x68F0] =	vst v1  }
0x25: {  	[tilespmem:s20+$0x2880] =	vst v0  }
0x26: {  	[tilespmem:s20+$0x6880] =	vst v1  }
0x27: {  	[tilespmem:s20+$0x2890] =	vst v0  }
0x28: {  	[tilespmem:s20+$0x6890] =	vst v1  }
0x29: {  	[tilespmem:s20+$0x28A0] =	vst v0  }
0x2a: {  	[tilespmem:s20+$0x68A0] =	vst v1  }
0x2b: {  	[tilespmem:s20+$0x28B0] =	vst v0  }
0x2c: {  	[tilespmem:s20+$0x68B0] =	vst v1  }
0x2d: {  	[tilespmem:s20+$0x28C0] =	vst v0  }
0x2e: {  	[tilespmem:s20+$0x68C0] =	vst v1  }
0x2f: {  	[tilespmem:s20+$0x28D0] =	vst v0  }
0x30: {  	[tilespmem:s20+$0x68D0] =	vst v1  }
0x31: {  	[tilespmem:s20+$0x28E0] =	vst v0  }
0x32: {  	[tilespmem:s20+$0x68E0] =	vst v1  }
0x33: {  	[tilespmem:s20+$0x28F0] =	vst v0  }
0x34: {  	[spmem:s5] =	stream.linear.scatter [tilespmem:s13], [sflag:$0x1], $0x4000, $0x38;
	[tilespmem:$0x1E480] =	vst v63  }
0x35: {  	_ =	swait.ge [sflag:s12], $0x4000  }
0x36: {  	[sflag:s12] =	ssyncset.done $0x0  }
0x37: {  	[sflag:s12] =	ssyncadd.s32 $0xFFFFC000  }
0x38: {  	[spmem:s6] =	stream.linear.scatter [tilespmem:s13], [sflag:$0x1], $0x4000, $0x38;
	[tilespmem:$0x1E480] =	vst v63  }
0x39: {  	_ =	swait.ge [sflag:s12], $0x4000  }
0x3a: {  	[sflag:s12] =	ssyncset.done $0x0  }
0x3b: {  	[sflag:s12] =	ssyncadd.s32 $0xFFFFC000  }
0x3c: {  	[spmem:s7] =	stream.linear.scatter [tilespmem:s13], [sflag:$0x1], $0x4000, $0x38;
	[tilespmem:$0x1E480] =	vst v63  }
0x3d: {  	_ =	swait.ge [sflag:s12], $0x4000  }
0x3e: {  	[sflag:s12] =	ssyncset.done $0x0  }
0x3f: {  	[sflag:s12] =	ssyncadd.s32 $0xFFFFC000  }
0x40: {  	[spmem:s8] =	stream.linear.scatter [tilespmem:s13], [sflag:$0x1], $0x4000, $0x38;
	[tilespmem:$0x1E480] =	vst v63  }
0x41: {  	_ =	swait.ge [sflag:s12], $0x4000  }
0x42: {  	[sflag:s12] =	ssyncset.done $0x0  }
0x43: {  	[sflag:s12] =	ssyncadd.s32 $0xFFFFC000  }
0x44: {  	[spmem:s9] =	stream.linear.scatter [tilespmem:s13], [sflag:$0x1], $0x3C00, $0x38;
	[tilespmem:$0x1E480] =	vst v63  }
0x45: {  	_ =	swait.ge [sflag:s12], $0x3C00  }
0x46: {  	[sflag:s12] =	ssyncset.done $0x0  }
0x47: {  	[sflag:s12] =	ssyncadd.s32 $0xFFFFC400  }
0x48: {  	s31 =	simm.s32 $0x0;
	[bflag:$0x0] =	sbarrier.arrive $0xFFFF  }
0x49: {  	v2 =	vld [tilespmem:s31+$0x0];
	_ =	sdelay $0x4  }
0x4a: {  	[tilespmem:$0x2800] =	vst v2  }
0x4b: {  	v2 =	vld [tilespmem:s31+$0x10];
	_ =	sdelay $0x4  }
0x4c: {  	[tilespmem:$0x2810] =	vst v2  }
0x4d: {  	v2 =	vld [tilespmem:s31+$0x20];
	_ =	sdelay $0x4  }
0x4e: {  	[tilespmem:$0x2820] =	vst v2  }
0x4f: {  	v2 =	vld [tilespmem:s31+$0x30];
	_ =	sdelay $0x4  }
0x50: {  	[tilespmem:$0x2830] =	vst v2  }
0x51: {  	v2 =	vld [tilespmem:s31+$0x40];
	_ =	sdelay $0x4  }
0x52: {  	[tilespmem:$0x2840] =	vst v2  }
0x53: {  	v2 =	vld [tilespmem:s31+$0x50];
	_ =	sdelay $0x4  }
0x54: {  	[tilespmem:$0x2850] =	vst v2  }
0x55: {  	v2 =	vld [tilespmem:s31+$0x60];
	_ =	sdelay $0x4  }
0x56: {  	[tilespmem:$0x2860] =	vst v2  }
0x57: {  	v2 =	vld [tilespmem:s31+$0x70];
	_ =	sdelay $0x4  }
0x58: {  	[tilespmem:$0x2870] =	vst v2  }
0x59: {  	[spmem:s2] =	stream.indirect.scatter.add.f32 [tilespmem:s16], [sflag:$0x1], $0x80, s15, s14, $0xb8;
	[tilespmem:$0x1E480] =	vst v63  }
0x5a: {  	_ =	swait.ge [sflag:s12], $0x4000  }
0x5b: {  	s20 =	simm.s32 $0x200;
	s22 =	simm.s32 $0x400;
	[sflag:s12] =	ssyncset.done $0x0  }
.LBB2_4:
0x5c: {  	s23 =	sshra.s32 s20, $0x2  }
0x5d: {  	[sflag:s12] =	ssyncadd.s32 $0xFFFFC000;
	s20 =	smov.u32 s22;
	s21 =	sadd.s32 $0x200, s22  }
0x5e: {  	p0 =	sne.s32 s22, $0x9E00;
	v2 =	vld [tilespmem:s23+$0x0];
	_ =	sdelay $0x4  }
0x5f: {  	[tilespmem:$0x2800] =	vst v2  }
0x60: {  	v2 =	vld [tilespmem:s23+$0x10];
	_ =	sdelay $0x4  }
0x61: {  	[tilespmem:$0x2810] =	vst v2  }
0x62: {  	v2 =	vld [tilespmem:s23+$0x20];
	_ =	sdelay $0x4  }
0x63: {  	[tilespmem:$0x2820] =	vst v2  }
0x64: {  	v2 =	vld [tilespmem:s23+$0x30];
	_ =	sdelay $0x4  }
0x65: {  	[tilespmem:$0x2830] =	vst v2  }
0x66: {  	v2 =	vld [tilespmem:s23+$0x40];
	_ =	sdelay $0x4  }
0x67: {  	[tilespmem:$0x2840] =	vst v2  }
0x68: {  	v2 =	vld [tilespmem:s23+$0x50];
	_ =	sdelay $0x4  }
0x69: {  	[tilespmem:$0x2850] =	vst v2  }
0x6a: {  	v2 =	vld [tilespmem:s23+$0x60];
	_ =	sdelay $0x4  }
0x6b: {  	[tilespmem:$0x2860] =	vst v2  }
0x6c: {  	v2 =	vld [tilespmem:s23+$0x70];
	_ =	sdelay $0x3  }
.Ltmp1:
0x6d: {  	(pc) =	sbr.rel @p0 .LBB2_4-.Ltmp1, $4  }
0x6e: {  	[tilespmem:$0x2870] =	vst v2  }
0x6f: {  	[spmem:s2] =	stream.indirect.scatter.add.f32 [tilespmem:s16], [sflag:$0x1], $0x80, s15, s14, $0xb8;
	[tilespmem:$0x1E480] =	vst v63  }
0x70: {  	_ =	swait.ge [sflag:s12], $0x4000  }
0x71: {  	s22 =	smov.u32 s21;
	[sflag:s12] =	ssyncset.done $0x0  }
0x72: {  	s20 =	sshra.s32 s20, $0x2;
	[sflag:s12] =	ssyncadd.s32 $0xFFFFC000  }
0x73: {  	v2 =	vld [tilespmem:s20+$0x0];
	_ =	sdelay $0x4  }
0x74: {  	[tilespmem:$0x2800] =	vst v2  }
0x75: {  	v2 =	vld [tilespmem:s20+$0x10];
	_ =	sdelay $0x4  }
0x76: {  	[tilespmem:$0x2810] =	vst v2  }
0x77: {  	v2 =	vld [tilespmem:s20+$0x20];
	_ =	sdelay $0x4  }
0x78: {  	[tilespmem:$0x2820] =	vst v2  }
0x79: {  	v2 =	vld [tilespmem:s20+$0x30];
	_ =	sdelay $0x4  }
0x7a: {  	[tilespmem:$0x2830] =	vst v2  }
0x7b: {  	v2 =	vld [tilespmem:s20+$0x40];
	_ =	sdelay $0x4  }
0x7c: {  	[tilespmem:$0x2840] =	vst v2  }
0x7d: {  	v2 =	vld [tilespmem:s20+$0x50];
	_ =	sdelay $0x4  }
0x7e: {  	[tilespmem:$0x2850] =	vst v2  }
0x7f: {  	v2 =	vld [tilespmem:s20+$0x60];
	_ =	sdelay $0x4  }
0x80: {  	[tilespmem:$0x2860] =	vst v2  }
0x81: {  	v2 =	vld [tilespmem:s20+$0x70];
	_ =	sdelay $0x4  }
0x82: {  	[tilespmem:$0x2870] =	vst v2  }
0x83: {  	[spmem:s2] =	stream.indirect.scatter.add.f32 [tilespmem:s16], [sflag:$0x1], $0x80, s15, s14, $0xb8;
	[tilespmem:$0x1E480] =	vst v63  }
0x84: {  	_ =	swait.ge [sflag:s12], $0x4000  }
0x85: {  	s19 =	sadd.s32 $0x1, s19;
	[sflag:s12] =	ssyncset.done $0x0  }
0x86: {  	p0 =	sne.s32 s19, s11;
	[sflag:s12] =	ssyncadd.s32 $0xFFFFC000  }
.Ltmp2:
0x87: {  	[bflag:$0x0] =	sbarrier.arrive $0xFFFF;
	(pc) =	sbr.rel @p0 .LBB2_1-.Ltmp2, $4  }
0x88: {  	[hbm:s10], [sflag:s17] =	dma.local [spmem:s18], $0x2780  }
0x89: {  	_ =	swait.ge [sflag:s12], $0x2780  }
0x8a: {  	[sflag:s12] =	ssyncset.done $0x0  }
0x8b: {  	[sflag:s12] =	ssyncadd.s32 $0xFFFFD880  }
0x8c: {  	_ =	sfence.sel $0x180000  }
0x8d: {  	[bflag:$0x0] =	sbarrier.arrive $0xFFFF  }
0x8e: {  	p0 =	sne.s32 s1, $0x0;
	_ =	strace $0x90000047  }
0x8f: {  	s0 =	sadd.s32 @!p0 $0x100000, s0;
	[bflag:$0x2] =	sbarrier.arrive $0xFFFF  }
0x90: {  	[sflag:s0] =	ssyncadd.tile.s32 @!p0 $0x1;
	_ =	shalt  }
.Lfunc_end2:
_tile_overlayer_lowered:
.L_overlay_start_2:
0x91: {  	(tag) =	ssettag $0x2  }
0x92: {  	s0 =	rddreg [dreg:$0x0];
	s2 =	stileid.u32  }
0x93: {  	s1 =	rddreg [dreg:$0x1];
	p0 =	sne.s32 s2, $0x0  }
0x94: {  	s3 =	rddreg [dreg:$0x2];
	[bflag:$0x3] =	sbarrier.arrive $0xFFFF;
	s2 =	simm.s32 @!p0 $0x1C01  }
0x95: {  	[timem:s3], [sflag:s2] =	dma.local @!p0 [hbm:s0], s1  }
0x96: {  	s0 =	simm.s32 @!p0 $0x1  }
0x97: {  	_ =	swait.ge @!p0 [sflag:s0], s1  }
0x98: {  	s1 =	ssub.s32 @!p0 $0x0, s1;
	[sflag:s0] =	ssyncset.done @!p0 $0x0  }
0x99: {  	[sflag:s0] =	ssyncadd.s32 @!p0 s1  }
0x9a: {  	[bflag:$0x3] =	sbarrier.arrive $0xFFFF  }
0x9b: {  	_ =	shalt  }

</sc_bundles>
